<compile_context>
chip_gen: v7x
topology: tpu7x:2x2x1
jax: 0.10.2.dev20260603
libtpu: 0.0.44.dev20260713+nightly
codegen_flags: <defaults>
</compile_context>

<pallas_src>
import functools

import jax
import jax.numpy as jnp
from jax import lax
from jax.experimental import pallas as pl
from jax.experimental.pallas import tpu as pltpu
from jax.experimental.pallas import tpu_sc as plsc

NC = 2
NS = 16
NW = NC * NS
CHUNK = 80
SB = 32



def _split_chunks(total, workers, align=8):
    big = (-(-total // workers) + align - 1) // align * align
    for nbig in range(workers - 1, -1, -1):
        rem = total - big * nbig
        if rem < 0 or workers == nbig:
            continue
        sml, r = divmod(rem, workers - nbig)
        if r == 0 and sml % align == 0 and 0 < sml <= big:
            return big, sml, nbig
    raise ValueError((total, workers, align))


def _make_deg(n, e, chunk=100):
    total = e // chunk
    big, sml, nbig = _split_chunks(total, NW)
    stri = -(-(n // NS) // 8) * 8
    last = n - (NS - 1) * stri
    mesh = plsc.VectorSubcoreMesh(core_axis_name="c", subcore_axis_name="s",
                                  num_cores=NC, num_subcores=NS)
    out_sds = jax.ShapeDtypeStruct((n, 128), jnp.float32)

    @functools.partial(
        pl.kernel,
        out_type=(out_sds, out_sds),
        mesh=mesh,
        scratch_types=[
            pltpu.VMEM((big, chunk), jnp.int32),
            pltpu.VMEM((chunk, 128), jnp.float32),
            pltpu.VMEM_SHARED((n, 128), jnp.float32),
            pltpu.SemaphoreType.DMA,
            pltpu.SemaphoreType.DMA,
        ],
    )
    def deg_kernel(dst2_hbm, zeros_hbm, ones_hbm, d0_hbm, d1_hbm,
                   di_v, ones_v, acc_sh, ss0, ss1):
        c = lax.axis_index("c")
        s = lax.axis_index("s")
        w = s * NC + c
        base = s * stri
        ss = (ss0, ss1)

        @pl.when(s < NS - 1)
        def _():
            pltpu.sync_copy(zeros_hbm, acc_sh.at[pl.ds(base, stri)])

        @pl.when(s == NS - 1)
        def _():
            pltpu.sync_copy(zeros_hbm.at[pl.ds(0, last)],
                            acc_sh.at[pl.ds(base, last)])

        pltpu.sync_copy(ones_hbm, ones_v)

        @pl.when(w < nbig)
        def _():
            pltpu.sync_copy(dst2_hbm.at[pl.ds(w * big, big)], di_v)

        @pl.when(w >= nbig)
        def _():
            pltpu.sync_copy(
                dst2_hbm.at[pl.ds(nbig * big + (w - nbig) * sml, sml)],
                di_v.at[pl.ds(0, sml)])

        plsc.subcore_barrier()
        nch = jnp.where(w < nbig, big, sml)

        def body(t, carry):
            for b in (0, 1):
                j = 2 * t + b

                @pl.when(j >= 2)
                def _(b=b):
                    pltpu.make_async_copy(ones_hbm, ones_v, ss[b]).wait()

                pltpu.async_copy(ones_v, acc_sh.at[di_v.at[j]], ss[b],
                                 add=True)
            return carry

        lax.fori_loop(0, nch // 2, body, 0)
        pltpu.make_async_copy(ones_hbm, ones_v, ss0).wait()
        pltpu.make_async_copy(ones_hbm, ones_v, ss1).wait()
        plsc.subcore_barrier()
        for cc, o_hbm in ((0, d0_hbm), (1, d1_hbm)):
            for sz, cond in ((stri, (c == cc) & (s < NS - 1)),
                             (last, (c == cc) & (s == NS - 1))):
                @pl.when(cond)
                def _(sz=sz, o_hbm=o_hbm):
                    pltpu.sync_copy(acc_sh.at[pl.ds(base, sz)],
                                    o_hbm.at[pl.ds(base, sz)])

    return deg_kernel


def _make_spmm(n, e, split_edges_by_core, chunk=CHUNK, sb=SB):
    total = e // chunk
    big, sml, nbig = _split_chunks(total, NW if split_edges_by_core else NS,
                                   align=sb)
    stri = -(-(n // NS) // 8) * 8
    last = n - (NS - 1) * stri
    mesh = plsc.VectorSubcoreMesh(core_axis_name="c", subcore_axis_name="s",
                                  num_cores=NC, num_subcores=NS)
    out_sds = jax.ShapeDtypeStruct((n, 128), jnp.float32)

    @functools.partial(
        pl.kernel,
        out_type=(out_sds, out_sds),
        mesh=mesh,
        scratch_types=[
            pltpu.VMEM((sb, chunk), jnp.int32),
            pltpu.VMEM((sb, chunk), jnp.int32),
            pltpu.VMEM((chunk, 128), jnp.float32),
            pltpu.VMEM((chunk, 128), jnp.float32),
            pltpu.VMEM_SHARED((n, 128), jnp.float32),
            pltpu.SemaphoreType.DMA,
            pltpu.SemaphoreType.DMA,
            pltpu.SemaphoreType.DMA,
            pltpu.SemaphoreType.DMA,
        ],
    )
    def spmm_kernel(ha_hbm, hb_hbm, src2_hbm, dst2_hbm, zeros_hbm, dummy_hbm,
                    oa_hbm, ob_hbm, si_v, di_v, r0, r1, acc_sh,
                    sg0, sg1, ss0, ss1):
        c = lax.axis_index("c")
        s = lax.axis_index("s")
        w = s * NC + c if split_edges_by_core else s
        base = s * stri
        rows = (r0, r1)
        sg = (sg0, sg1)
        ss = (ss0, ss1)

        @pl.when(s < NS - 1)
        def _():
            pltpu.sync_copy(zeros_hbm, acc_sh.at[pl.ds(base, stri)])

        @pl.when(s == NS - 1)
        def _():
            pltpu.sync_copy(zeros_hbm.at[pl.ds(0, last)],
                            acc_sh.at[pl.ds(base, last)])

        plsc.subcore_barrier()
        nch = jnp.where(w < nbig, big, sml)
        rowbase = jnp.where(w < nbig, w * big,
                            nbig * big + (w - nbig) * sml)

        def edge_loop(h_hbm):
            def gather(j, b):
                pltpu.async_copy(h_hbm.at[si_v.at[j]], rows[b], sg[b])

            def gather_wait(b):
                pltpu.make_async_copy(dummy_hbm, rows[b], sg[b]).wait()

            def scatter(j, b):
                pltpu.async_copy(rows[b], acc_sh.at[di_v.at[j]], ss[b],
                                 add=True)

            def scatter_wait(b):
                pltpu.make_async_copy(dummy_hbm, rows[b], ss[b]).wait()

            def super_body(u, carry):
                rb = rowbase + u * sb
                pltpu.async_copy(src2_hbm.at[pl.ds(rb, sb)], si_v, sg[0])
                pltpu.async_copy(dst2_hbm.at[pl.ds(rb, sb)], di_v, sg[0])
                pltpu.make_async_copy(src2_hbm.at[pl.ds(rb, sb)], si_v,
                                      sg[0]).wait()
                pltpu.make_async_copy(dst2_hbm.at[pl.ds(rb, sb)], di_v,
                                      sg[0]).wait()
                gather(0, 0)

                def body(t, carry2):
                    for b in (0, 1):
                        j = 2 * t + b

                        @pl.when(j >= 1)
                        def _(b=b):
                            scatter_wait(b ^ 1)

                        @pl.when(j + 1 < sb)
                        def _(j=j, b=b):
                            gather(j + 1, b ^ 1)

                        gather_wait(b)
                        scatter(j, b)
                    return carry2

                lax.fori_loop(0, sb // 2, body, 0)
                scatter_wait(1)
                return carry

            lax.fori_loop(0, nch // sb, super_body, 0)

        @pl.when(c == 0)
        def _():
            edge_loop(ha_hbm)

        @pl.when(c == 1)
        def _():
            edge_loop(hb_hbm)

        plsc.subcore_barrier()
        for cc, o_hbm in ((0, oa_hbm), (1, ob_hbm)):
            for sz, cond in ((stri, (c == cc) & (s < NS - 1)),
                             (last, (c == cc) & (s == NS - 1))):
                @pl.when(cond)
                def _(sz=sz, o_hbm=o_hbm):
                    pltpu.sync_copy(acc_sh.at[pl.ds(base, sz)],
                                    o_hbm.at[pl.ds(base, sz)])

    return spmm_kernel



_R = 2000


def _mm(a, b):
    return lax.dot_general(a.astype(jnp.bfloat16), b.astype(jnp.bfloat16),
                           (((1,), (0,)), ((), ())),
                           preferred_element_type=jnp.float32)


def _scale0_body(d0, d1, x, xs_o, dis_o):
    deg = d0[:, :1] + d1[:, :1] + 1.0
    dis = lax.rsqrt(deg)
    dis_o[...] = dis
    xs_o[...] = x[...] * dis


def _tc_scale0(n, d_in):
    grid = n // _R
    return pl.pallas_call(
        _scale0_body,
        grid=(grid,),
        in_specs=[
            pl.BlockSpec((_R, 128), lambda i: (i, 0)),
            pl.BlockSpec((_R, 128), lambda i: (i, 0)),
            pl.BlockSpec((_R, d_in), lambda i: (i, 0)),
        ],
        out_specs=[
            pl.BlockSpec((_R, d_in), lambda i: (i, 0)),
            pl.BlockSpec((_R, 1), lambda i: (i, 0)),
        ],
        out_shape=[
            jax.ShapeDtypeStruct((n, d_in), jnp.float32),
            jax.ShapeDtypeStruct((n, 1), jnp.float32),
        ],
    )


def _l1_body(sa, sb, x, dis, w1, b1, w2, hw2_o, ha_o, hb_o):
    d = dis[...]
    q = d * (sa[...] + sb[...]) + (d * d) * x[...]
    h1 = jnp.maximum(
        _mm(q, w1[...]) + b1[...], 0.0)
    hw2 = _mm(h1, w2[...])
    hw2_o[...] = hw2
    sc = d * hw2
    ha_o[...] = sc[:, :128]
    hb_o[...] = sc[:, 128:]


def _tc_l1(n, d_in, h):
    grid = n // _R
    return pl.pallas_call(
        _l1_body,
        grid=(grid,),
        in_specs=[
            pl.BlockSpec((_R, d_in), lambda i: (i, 0)),
            pl.BlockSpec((_R, d_in), lambda i: (i, 0)),
            pl.BlockSpec((_R, d_in), lambda i: (i, 0)),
            pl.BlockSpec((_R, 1), lambda i: (i, 0)),
            pl.BlockSpec((d_in, h), lambda i: (0, 0)),
            pl.BlockSpec((1, h), lambda i: (0, 0)),
            pl.BlockSpec((h, h), lambda i: (0, 0)),
        ],
        out_specs=[
            pl.BlockSpec((_R, h), lambda i: (i, 0)),
            pl.BlockSpec((_R, 128), lambda i: (i, 0)),
            pl.BlockSpec((_R, 128), lambda i: (i, 0)),
        ],
        out_shape=[
            jax.ShapeDtypeStruct((n, h), jnp.float32),
            jax.ShapeDtypeStruct((n, 128), jnp.float32),
            jax.ShapeDtypeStruct((n, 128), jnp.float32),
        ],
    )


def _mid_body(sa, sb, hw, dis, b, wn, hwn_o, ha_o, hb_o):
    d = dis[...]
    s = jnp.concatenate([sa[...], sb[...]], axis=1)
    h = jnp.maximum(d * s + (d * d) * hw[...] + b[...], 0.0)
    hwn = _mm(h, wn[...])
    hwn_o[...] = hwn
    sc = d * hwn
    ha_o[...] = sc[:, :128]
    hb_o[...] = sc[:, 128:]


def _tc_mid(n, h):
    grid = n // _R
    return pl.pallas_call(
        _mid_body,
        grid=(grid,),
        in_specs=[
            pl.BlockSpec((_R, 128), lambda i: (i, 0)),
            pl.BlockSpec((_R, 128), lambda i: (i, 0)),
            pl.BlockSpec((_R, h), lambda i: (i, 0)),
            pl.BlockSpec((_R, 1), lambda i: (i, 0)),
            pl.BlockSpec((1, h), lambda i: (0, 0)),
            pl.BlockSpec((h, h), lambda i: (0, 0)),
        ],
        out_specs=[
            pl.BlockSpec((_R, h), lambda i: (i, 0)),
            pl.BlockSpec((_R, 128), lambda i: (i, 0)),
            pl.BlockSpec((_R, 128), lambda i: (i, 0)),
        ],
        out_shape=[
            jax.ShapeDtypeStruct((n, h), jnp.float32),
            jax.ShapeDtypeStruct((n, 128), jnp.float32),
            jax.ShapeDtypeStruct((n, 128), jnp.float32),
        ],
    )


def _final_body(sa, sb, hw, dis, b, batch, fw1, fb1, fw2, fb2, fw3, fb3,
                out_o, g_acc):
    d = dis[...]
    s = jnp.concatenate([sa[...], sb[...]], axis=1)
    h3 = jnp.maximum(d * s + (d * d) * hw[...] + b[...], 0.0)
    gidx = lax.broadcasted_iota(jnp.int32, (_R, 16), 1)
    onehot = (batch[...] == gidx).astype(jnp.float32)
    part = lax.dot_general(onehot.astype(jnp.bfloat16),
                           h3.astype(jnp.bfloat16), (((0,), (0,)), ((), ())),
                           preferred_element_type=jnp.float32)
    i = pl.program_id(0)

    @pl.when(i == 0)
    def _():
        g_acc[...] = jnp.zeros_like(g_acc)

    g_acc[...] += part

    @pl.when(i == pl.num_programs(0) - 1)
    def _():
        g = g_acc[...]
        z = jnp.maximum(
            _mm(g, fw1[...]) + fb1[...], 0.0)
        z = jnp.maximum(
            _mm(z, fw2[...]) + fb2[...], 0.0)
        z = _mm(z, fw3[...]) + fb3[...]
        m = jnp.max(z, axis=-1, keepdims=True)
        lse = jnp.log(jnp.sum(jnp.exp(z - m), axis=-1, keepdims=True)) + m
        out_o[...] = z - lse


def _tc_final(n, h, c, g):
    grid = n // _R
    return pl.pallas_call(
        _final_body,
        grid=(grid,),
        in_specs=[
            pl.BlockSpec((_R, 128), lambda i: (i, 0)),
            pl.BlockSpec((_R, 128), lambda i: (i, 0)),
            pl.BlockSpec((_R, h), lambda i: (i, 0)),
            pl.BlockSpec((_R, 1), lambda i: (i, 0)),
            pl.BlockSpec((1, h), lambda i: (0, 0)),
            pl.BlockSpec((_R, 1), lambda i: (i, 0)),
            pl.BlockSpec((h, h), lambda i: (0, 0)),
            pl.BlockSpec((1, h), lambda i: (0, 0)),
            pl.BlockSpec((h, h // 2), lambda i: (0, 0)),
            pl.BlockSpec((1, h // 2), lambda i: (0, 0)),
            pl.BlockSpec((h // 2, c), lambda i: (0, 0)),
            pl.BlockSpec((1, c), lambda i: (0, 0)),
        ],
        out_specs=pl.BlockSpec((g, c), lambda i: (0, 0)),
        out_shape=jax.ShapeDtypeStruct((g, c), jnp.float32),
        scratch_shapes=[pltpu.VMEM((g, h), jnp.float32)],
    )



def kernel(x, edge_index, batch, W1, b1, W2, b2, W3, b3,
           fW1, fb1, fW2, fb2, fW3, fb3):
    n, d_in = x.shape
    e = edge_index.shape[1]
    h = W1.shape[1]
    c = fW3.shape[1]
    g = 16
    stri = -(-(n // NS) // 8) * 8

    src2 = edge_index[0].reshape(e // CHUNK, CHUNK)
    dst2 = edge_index[1].reshape(e // CHUNK, CHUNK)
    srcm = edge_index[0].reshape(e // 100, 100)
    dstm = edge_index[1].reshape(e // 100, 100)
    ones100 = jnp.ones((100, 128), jnp.float32)
    zeros128 = jnp.zeros((stri, 128), jnp.float32)
    batch2 = batch.reshape(n, 1)

    d0, d1 = _make_deg(n, e)(dstm, zeros128, ones100)
    xs, dis = _tc_scale0(n, d_in)(d0, d1, x)

    dummy80 = jnp.zeros((CHUNK, 128), jnp.float32)
    dummy100 = jnp.zeros((100, 128), jnp.float32)
    s0a, s0b = _make_spmm(n, e, True)(xs, xs, src2, dst2, zeros128, dummy80)
    hw2, h2a, h2b = _tc_l1(n, d_in, h)(s0a, s0b, x, dis, W1,
                                       b1.reshape(1, h), W2)

    s2a, s2b = _make_spmm(n, e, False, chunk=100, sb=40)(
        h2a, h2b, srcm, dstm, zeros128, dummy100)
    hw3, h3a, h3b = _tc_mid(n, h)(s2a, s2b, hw2, dis, b2.reshape(1, h), W3)

    s3a, s3b = _make_spmm(n, e, False, chunk=100, sb=40)(
        h3a, h3b, srcm, dstm, zeros128, dummy100)
    out = _tc_final(n, h, c, g)(s3a, s3b, hw3, dis, b3.reshape(1, h), batch2,
                                fW1, fb1.reshape(1, h), fW2,
                                fb2.reshape(1, h // 2), fW3,
                                fb3.reshape(1, c))
    return out

# --- scband reference (transcript-rebuilt; emitter-appended) ---
"""Pipeline reference for scband-gcn-18657337933830 (READ-ONLY COPY).

The authoritative reference and input builder live on the scoring server;
editing this copy changes nothing except your own understanding.
"""

import jax, jax.numpy as jnp
import numpy as np

N = 10000
E = 320000
D_IN = 128
H = 256
C = 10
G = 16


def setup_inputs(seed: int = 0) -> dict:
    key = jax.random.key(seed)
    ks = jax.random.split(key, 16)
    x = jax.random.normal(ks[0], (N, D_IN), dtype=jnp.float32)
    edge_index = jax.random.randint(ks[1], (2, E), 0, N, dtype=jnp.int32)
    batch = jnp.sort(jax.random.randint(ks[2], (N,), 0, G, dtype=jnp.int32))
    def lin(k, fan_in, fan_out):
        s = 1.0 / np.sqrt(fan_in)
        kw, kb = jax.random.split(k)
        W = jax.random.uniform(kw, (fan_in, fan_out), jnp.float32, -s, s)
        b = jax.random.uniform(kb, (fan_out,), jnp.float32, -s, s)
        return W, b
    W1, b1 = lin(ks[3], D_IN, H)
    W2, b2 = lin(ks[4], H, H)
    W3, b3 = lin(ks[5], H, H)
    fW1, fb1 = lin(ks[6], H, H)
    fW2, fb2 = lin(ks[7], H, H // 2)
    fW3, fb3 = lin(ks[8], H // 2, C)
    return {"x": x, "edge_index": edge_index, "batch": batch,
            "W1": W1, "b1": b1, "W2": W2, "b2": b2, "W3": W3, "b3": b3,
            "fW1": fW1, "fb1": fb1, "fW2": fW2, "fb2": fb2, "fW3": fW3, "fb3": fb3}


def gcn_conv(x, src, dst, W, b):
    n = x.shape[0]
    h = x @ W
    loop = jnp.arange(n, dtype=src.dtype)
    src2 = jnp.concatenate([src, loop])
    dst2 = jnp.concatenate([dst, loop])
    deg = jax.ops.segment_sum(jnp.ones(src2.shape[0], jnp.float32), dst2, num_segments=n)
    dis = jnp.where(deg > 0, 1.0 / jnp.sqrt(jnp.maximum(deg, 1.0)), 0.0)
    norm = dis[src2] * dis[dst2]
    msg = h[src2] * norm[:, None]
    out = jax.ops.segment_sum(msg, dst2, num_segments=n)
    return out + b


def reference(x, edge_index, batch, W1, b1, W2, b2, W3, b3, fW1, fb1, fW2, fb2, fW3, fb3):
    src, dst = edge_index[0], edge_index[1]
    h = jax.nn.relu(gcn_conv(x, src, dst, W1, b1))
    h = jax.nn.relu(gcn_conv(h, src, dst, W2, b2))
    h = jax.nn.relu(gcn_conv(h, src, dst, W3, b3))
    g = jax.ops.segment_sum(h, batch, num_segments=G)
    # eval mode: dropout is identity
    g = jax.nn.relu(g @ fW1 + fb1)
    g = jax.nn.relu(g @ fW2 + fb2)
    return jax.nn.log_softmax(g @ fW3 + fb3, axis=-1)

if __name__ == "__main__":
    import jax
    _d = setup_inputs()
    print(jax.jit(kernel)(*tuple(_d.values())))

</pallas_src>

<mosaic_0001>
#map = affine_map<(d0, d1) -> (0, 0)>
module attributes {stable_mosaic.version = 14 : i64} {
  func.func @deg_kernel(%arg0: i32, %arg1: i32, %arg2: memref<3200x100xi32, #tpu.memory_space<hbm>>, %arg3: memref<632x128xf32, #tpu.memory_space<hbm>>, %arg4: memref<100x128xf32, #tpu.memory_space<hbm>>, %arg5: memref<10000x128xf32, #tpu.memory_space<hbm>>, %arg6: memref<10000x128xf32, #tpu.memory_space<hbm>>, %arg7: memref<104x100xi32, #tpu.memory_space<vmem>>, %arg8: memref<100x128xf32, #tpu.memory_space<vmem>>, %arg9: memref<10000x128xf32, #tpu.memory_space<vmem_shared>>, %arg10: memref<!tpu.dma_semaphore, #tpu.memory_space<semaphore_mem>>, %arg11: memref<!tpu.dma_semaphore, #tpu.memory_space<semaphore_mem>>) attributes {dimension_semantics = [#tpu.dimension_semantics<core_parallel>, #tpu.dimension_semantics<subcore_parallel>], iteration_bounds = array<i64: 2, 16>, scalar_prefetch = 0 : i64, scratch_operands = 5 : i64, tpu.core_type = #tpu.core_type<sc_vector_subcore>, window_params = [{transform_indices = #map}, {transform_indices = #map}, {transform_indices = #map}, {transform_indices = #map}, {transform_indices = #map}]} {
    %mul3A = arith.constant 2 : i32
    %mul3A_0 = arith.muli %arg1, %mul3A : i32
    %add3A = arith.addi %mul3A_0, %arg0 : i32
    %mul3A_1 = arith.constant 632 : i32
    %mul3A_2 = arith.muli %arg1, %mul3A_1 : i32
    %lt3A = arith.constant 15 : i32
    %lt3A_3 = arith.cmpi slt, %arg1, %lt3A : i32
    %convert_element_type3A = arith.extui %lt3A_3 : i1 to i32
    %cond3A = arith.constant 0 : i32
    %cond3A_4 = arith.cmpi ne, %convert_element_type3A, %cond3A : i32
    scf.if %cond3A_4 {
      "tpu.region"() ({
        %run_scoped3A = tpu.sem_alloc : memref<!tpu.dma_semaphore, #tpu.memory_space<semaphore_mem>>
        %dma_start3A = arith.constant 0 : i32
        %dma_start3A_81 = tpu.memref_slice %arg9[%mul3A_2, %dma_start3A] : memref<10000x128xf32, #tpu.memory_space<vmem_shared>> -> memref<632x128xf32, #tpu.memory_space<vmem_shared>>
        tpu.enqueue_dma source(%arg3 : memref<632x128xf32, #tpu.memory_space<hbm>>) target(%dma_start3A_81 : memref<632x128xf32, #tpu.memory_space<vmem_shared>>) target_semaphore(%run_scoped3A : memref<!tpu.dma_semaphore, #tpu.memory_space<semaphore_mem>>)
        %dma_wait3A = arith.constant 0 : i32
        %dma_wait3A_82 = tpu.memref_slice %arg9[%mul3A_2, %dma_wait3A] : memref<10000x128xf32, #tpu.memory_space<vmem_shared>> -> memref<632x128xf32, #tpu.memory_space<vmem_shared>>
        tpu.wait_dma2 semaphore(%run_scoped3A : memref<!tpu.dma_semaphore, #tpu.memory_space<semaphore_mem>>) src(%arg3 : memref<632x128xf32, #tpu.memory_space<hbm>>) dst(%dma_wait3A_82 : memref<632x128xf32, #tpu.memory_space<vmem_shared>>)
        tpu.yield
      }) : () -> ()
    } else {
    }
    %eq3A = arith.constant 15 : i32
    %eq3A_5 = arith.cmpi eq, %arg1, %eq3A : i32
    %convert_element_type3A_6 = arith.extui %eq3A_5 : i1 to i32
    %cond3A_7 = arith.constant 0 : i32
    %cond3A_8 = arith.cmpi ne, %convert_element_type3A_6, %cond3A_7 : i32
    scf.if %cond3A_8 {
      "tpu.region"() ({
        %run_scoped3A = tpu.sem_alloc : memref<!tpu.dma_semaphore, #tpu.memory_space<semaphore_mem>>
        %dma_start3A = arith.constant 0 : i32
        %dma_start3A_81 = tpu.memref_slice %arg9[%mul3A_2, %dma_start3A] : memref<10000x128xf32, #tpu.memory_space<vmem_shared>> -> memref<520x128xf32, #tpu.memory_space<vmem_shared>>
        %dma_start3A_82 = arith.constant 0 : i32
        %dma_start3A_83 = arith.constant 0 : i32
        %dma_start3A_84 = tpu.memref_slice %arg3[%dma_start3A_82, %dma_start3A_83] : memref<632x128xf32, #tpu.memory_space<hbm>> -> memref<520x128xf32, #tpu.memory_space<hbm>>
        tpu.enqueue_dma source(%dma_start3A_84 : memref<520x128xf32, #tpu.memory_space<hbm>>) target(%dma_start3A_81 : memref<520x128xf32, #tpu.memory_space<vmem_shared>>) target_semaphore(%run_scoped3A : memref<!tpu.dma_semaphore, #tpu.memory_space<semaphore_mem>>)
        %dma_wait3A = arith.constant 0 : i32
        %dma_wait3A_85 = tpu.memref_slice %arg9[%mul3A_2, %dma_wait3A] : memref<10000x128xf32, #tpu.memory_space<vmem_shared>> -> memref<520x128xf32, #tpu.memory_space<vmem_shared>>
        %dma_wait3A_86 = arith.constant 0 : i32
        %dma_wait3A_87 = arith.constant 0 : i32
        %dma_wait3A_88 = tpu.memref_slice %arg3[%dma_wait3A_86, %dma_wait3A_87] : memref<632x128xf32, #tpu.memory_space<hbm>> -> memref<520x128xf32, #tpu.memory_space<hbm>>
        tpu.wait_dma2 semaphore(%run_scoped3A : memref<!tpu.dma_semaphore, #tpu.memory_space<semaphore_mem>>) src(%dma_wait3A_88 : memref<520x128xf32, #tpu.memory_space<hbm>>) dst(%dma_wait3A_85 : memref<520x128xf32, #tpu.memory_space<vmem_shared>>)
        tpu.yield
      }) : () -> ()
    } else {
    }
    "tpu.region"() ({
      %run_scoped3A = tpu.sem_alloc : memref<!tpu.dma_semaphore, #tpu.memory_space<semaphore_mem>>
      tpu.enqueue_dma source(%arg4 : memref<100x128xf32, #tpu.memory_space<hbm>>) target(%arg8 : memref<100x128xf32, #tpu.memory_space<vmem>>) target_semaphore(%run_scoped3A : memref<!tpu.dma_semaphore, #tpu.memory_space<semaphore_mem>>)
      tpu.wait_dma2 semaphore(%run_scoped3A : memref<!tpu.dma_semaphore, #tpu.memory_space<semaphore_mem>>) src(%arg4 : memref<100x128xf32, #tpu.memory_space<hbm>>) dst(%arg8 : memref<100x128xf32, #tpu.memory_space<vmem>>)
      tpu.yield
    }) : () -> ()
    %lt3A_9 = arith.constant 30 : i32
    %lt3A_10 = arith.cmpi slt, %add3A, %lt3A_9 : i32
    %convert_element_type3A_11 = arith.extui %lt3A_10 : i1 to i32
    %cond3A_12 = arith.constant 0 : i32
    %cond3A_13 = arith.cmpi ne, %convert_element_type3A_11, %cond3A_12 : i32
    scf.if %cond3A_13 {
      %mul3A_81 = arith.constant 104 : i32
      %mul3A_82 = arith.muli %add3A, %mul3A_81 : i32
      "tpu.region"() ({
        %run_scoped3A = tpu.sem_alloc : memref<!tpu.dma_semaphore, #tpu.memory_space<semaphore_mem>>
        %dma_start3A = arith.constant 0 : i32
        %dma_start3A_83 = tpu.memref_slice %arg2[%mul3A_82, %dma_start3A] : memref<3200x100xi32, #tpu.memory_space<hbm>> -> memref<104x100xi32, #tpu.memory_space<hbm>>
        %dma_start3A_84 = arith.constant 0 : i32
        %dma_start3A_85 = tpu.memref_slice %arg2[%mul3A_82, %dma_start3A_84] : memref<3200x100xi32, #tpu.memory_space<hbm>> -> memref<104x100xi32, #tpu.memory_space<hbm>>
        tpu.enqueue_dma source(%dma_start3A_85 : memref<104x100xi32, #tpu.memory_space<hbm>>) target(%arg7 : memref<104x100xi32, #tpu.memory_space<vmem>>) target_semaphore(%run_scoped3A : memref<!tpu.dma_semaphore, #tpu.memory_space<semaphore_mem>>)
        %dma_wait3A = arith.constant 0 : i32
        %dma_wait3A_86 = tpu.memref_slice %arg2[%mul3A_82, %dma_wait3A] : memref<3200x100xi32, #tpu.memory_space<hbm>> -> memref<104x100xi32, #tpu.memory_space<hbm>>
        %dma_wait3A_87 = arith.constant 0 : i32
        %dma_wait3A_88 = tpu.memref_slice %arg2[%mul3A_82, %dma_wait3A_87] : memref<3200x100xi32, #tpu.memory_space<hbm>> -> memref<104x100xi32, #tpu.memory_space<hbm>>
        tpu.wait_dma2 semaphore(%run_scoped3A : memref<!tpu.dma_semaphore, #tpu.memory_space<semaphore_mem>>) src(%dma_wait3A_88 : memref<104x100xi32, #tpu.memory_space<hbm>>) dst(%arg7 : memref<104x100xi32, #tpu.memory_space<vmem>>)
        tpu.yield
      }) : () -> ()
    } else {
    }
    %ge3A = arith.constant 30 : i32
    %ge3A_14 = arith.cmpi sge, %add3A, %ge3A : i32
    %convert_element_type3A_15 = arith.extui %ge3A_14 : i1 to i32
    %cond3A_16 = arith.constant 0 : i32
    %cond3A_17 = arith.cmpi ne, %convert_element_type3A_15, %cond3A_16 : i32
    scf.if %cond3A_17 {
      %sub3A_81 = arith.constant 30 : i32
      %sub3A_82 = arith.subi %add3A, %sub3A_81 : i32
      %mul3A_83 = arith.constant 40 : i32
      %mul3A_84 = arith.muli %sub3A_82, %mul3A_83 : i32
      %add3A_85 = arith.constant 3120 : i32
      %add3A_86 = arith.addi %add3A_85, %mul3A_84 : i32
      "tpu.region"() ({
        %run_scoped3A = tpu.sem_alloc : memref<!tpu.dma_semaphore, #tpu.memory_space<semaphore_mem>>
        %dma_start3A = arith.constant 0 : i32
        %dma_start3A_87 = arith.constant 0 : i32
        %dma_start3A_88 = tpu.memref_slice %arg7[%dma_start3A, %dma_start3A_87] : memref<104x100xi32, #tpu.memory_space<vmem>> -> memref<40x100xi32, #tpu.memory_space<vmem>>
        %dma_start3A_89 = arith.constant 0 : i32
        %dma_start3A_90 = tpu.memref_slice %arg2[%add3A_86, %dma_start3A_89] : memref<3200x100xi32, #tpu.memory_space<hbm>> -> memref<40x100xi32, #tpu.memory_space<hbm>>
        %dma_start3A_91 = arith.constant 0 : i32
        %dma_start3A_92 = arith.constant 0 : i32
        %dma_start3A_93 = tpu.memref_slice %arg7[%dma_start3A_91, %dma_start3A_92] : memref<104x100xi32, #tpu.memory_space<vmem>> -> memref<40x100xi32, #tpu.memory_space<vmem>>
        %dma_start3A_94 = arith.constant 0 : i32
        %dma_start3A_95 = tpu.memref_slice %arg2[%add3A_86, %dma_start3A_94] : memref<3200x100xi32, #tpu.memory_space<hbm>> -> memref<40x100xi32, #tpu.memory_space<hbm>>
        tpu.enqueue_dma source(%dma_start3A_95 : memref<40x100xi32, #tpu.memory_space<hbm>>) target(%dma_start3A_93 : memref<40x100xi32, #tpu.memory_space<vmem>>) target_semaphore(%run_scoped3A : memref<!tpu.dma_semaphore, #tpu.memory_space<semaphore_mem>>)
        %dma_wait3A = arith.constant 0 : i32
        %dma_wait3A_96 = arith.constant 0 : i32
        %dma_wait3A_97 = tpu.memref_slice %arg7[%dma_wait3A, %dma_wait3A_96] : memref<104x100xi32, #tpu.memory_space<vmem>> -> memref<40x100xi32, #tpu.memory_space<vmem>>
        %dma_wait3A_98 = arith.constant 0 : i32
        %dma_wait3A_99 = tpu.memref_slice %arg2[%add3A_86, %dma_wait3A_98] : memref<3200x100xi32, #tpu.memory_space<hbm>> -> memref<40x100xi32, #tpu.memory_space<hbm>>
        %dma_wait3A_100 = arith.constant 0 : i32
        %dma_wait3A_101 = arith.constant 0 : i32
        %dma_wait3A_102 = tpu.memref_slice %arg7[%dma_wait3A_100, %dma_wait3A_101] : memref<104x100xi32, #tpu.memory_space<vmem>> -> memref<40x100xi32, #tpu.memory_space<vmem>>
        %dma_wait3A_103 = arith.constant 0 : i32
        %dma_wait3A_104 = tpu.memref_slice %arg2[%add3A_86, %dma_wait3A_103] : memref<3200x100xi32, #tpu.memory_space<hbm>> -> memref<40x100xi32, #tpu.memory_space<hbm>>
        tpu.wait_dma2 semaphore(%run_scoped3A : memref<!tpu.dma_semaphore, #tpu.memory_space<semaphore_mem>>) src(%dma_wait3A_104 : memref<40x100xi32, #tpu.memory_space<hbm>>) dst(%dma_wait3A_102 : memref<40x100xi32, #tpu.memory_space<vmem>>)
        tpu.yield
      }) : () -> ()
    } else {
    }
    %barrier3A = arith.constant 0 : index
    tpu.barrier barrier_id(%barrier3A)
    %lt3A_18 = arith.constant 30 : i32
    %lt3A_19 = arith.cmpi slt, %add3A, %lt3A_18 : i32
    %jit3A = arith.constant 104 : i32
    %jit3A_20 = arith.constant 40 : i32
    %select_n3A = arith.select %lt3A_19, %jit3A, %jit3A_20 : i32
    %jit3A_21 = arith.constant 2 : i32
    %div3A = arith.divsi %select_n3A, %jit3A_21 : i32
    %sign3A = arith.constant 0 : i32
    %sign3A_22 = arith.cmpi sgt, %select_n3A, %sign3A : i32
    %sign3A_23 = arith.extui %sign3A_22 : i1 to i32
    %sign3A_24 = arith.constant 0 : i32
    %sign3A_25 = arith.cmpi slt, %select_n3A, %sign3A_24 : i32
    %sign3A_26 = arith.extui %sign3A_25 : i1 to i32
    %sign3A_27 = arith.subi %sign3A_23, %sign3A_26 : i32
    %sign3A_28 = arith.constant 0 : i32
    %sign3A_29 = arith.cmpi sgt, %jit3A_21, %sign3A_28 : i32
    %sign3A_30 = arith.extui %sign3A_29 : i1 to i32
    %sign3A_31 = arith.constant 0 : i32
    %sign3A_32 = arith.cmpi slt, %jit3A_21, %sign3A_31 : i32
    %sign3A_33 = arith.extui %sign3A_32 : i1 to i32
    %sign3A_34 = arith.subi %sign3A_30, %sign3A_33 : i32
    %ne3A = arith.cmpi ne, %sign3A_27, %sign3A_34 : i32
    %rem3A = arith.remsi %select_n3A, %jit3A_21 : i32
    %ne3A_35 = arith.constant 0 : i32
    %ne3A_36 = arith.cmpi ne, %rem3A, %ne3A_35 : i32
    %and3A = arith.andi %ne3A, %ne3A_36 : i1
    %sub3A = arith.constant 1 : i32
    %sub3A_37 = arith.subi %div3A, %sub3A : i32
    %select_n3A_38 = arith.select %and3A, %sub3A_37, %div3A : i32
    %while3A = arith.constant 0 : i32
    %while3A_39 = arith.constant 0 : i32
    %while3A_40 = arith.subi %select_n3A_38, %while3A_39 : i32
    %while3A_41 = arith.addi %while3A_39, %while3A_40 : i32
    %while3A_42 = arith.constant 1 : i32
    %while3A_43 = arith.divsi %while3A_40, %while3A_42 : i32
    %while3A_44 = arith.muli %while3A_43, %while3A_42 : i32
    %while3A_45 = arith.addi %while3A_39, %while3A_44 : i32
    %while3A_46 = arith.constant 1 : i32
    scf.for %while3A_81 = %while3A_39 to %while3A_45 step %while3A_46  : i32 {
      %mul3A_82 = arith.constant 2 : i32
      %mul3A_83 = arith.muli %mul3A_82, %while3A_81 : i32
      %add3A_84 = arith.constant 0 : i32
      %add3A_85 = arith.addi %mul3A_83, %add3A_84 : i32
      %ge3A_86 = arith.constant 2 : i32
      %ge3A_87 = arith.cmpi sge, %add3A_85, %ge3A_86 : i32
      %convert_element_type3A_88 = arith.extui %ge3A_87 : i1 to i32
      %cond3A_89 = arith.constant 0 : i32
      %cond3A_90 = arith.cmpi ne, %convert_element_type3A_88, %cond3A_89 : i32
      scf.if %cond3A_90 {
        tpu.wait_dma2 semaphore(%arg10 : memref<!tpu.dma_semaphore, #tpu.memory_space<semaphore_mem>>) src(%arg4 : memref<100x128xf32, #tpu.memory_space<hbm>>) dst(%arg8 : memref<100x128xf32, #tpu.memory_space<vmem>>)
      } else {
      }
      %dma_start3A = arith.constant 0 : i32
      %dma_start3A_91 = tpu.memref_slice %arg7[%add3A_85, %dma_start3A] : memref<104x100xi32, #tpu.memory_space<vmem>> -> memref<1x100xi32, #tpu.memory_space<vmem>>
      %dma_start3A_92 = tpu.memref_squeeze %dma_start3A_91 : memref<1x100xi32, #tpu.memory_space<vmem>> -> memref<100xi32, #tpu.memory_space<vmem>>
      %dma_start3A_93 = arith.constant 0 : i32
      %dma_start3A_94 = arith.constant 0 : i32
      %dma_start3A_95 = tpu.memref_slice %arg9[%dma_start3A_93, %dma_start3A_94] : memref<10000x128xf32, #tpu.memory_space<vmem_shared>> -> memref<10000x128xf32, #tpu.memory_space<vmem_shared>>
      tpu.enqueue_indirect_dma source(%arg8 : memref<100x128xf32, #tpu.memory_space<vmem>>) target(%dma_start3A_95 : memref<10000x128xf32, #tpu.memory_space<vmem_shared>>) offsets(%dma_start3A_92 : memref<100xi32, #tpu.memory_space<vmem>>) semaphore(%arg10 : memref<!tpu.dma_semaphore, #tpu.memory_space<semaphore_mem>>) {add = true}
      %mul3A_96 = arith.constant 2 : i32
      %mul3A_97 = arith.muli %mul3A_96, %while3A_81 : i32
      %add3A_98 = arith.constant 1 : i32
      %add3A_99 = arith.addi %mul3A_97, %add3A_98 : i32
      %ge3A_100 = arith.constant 2 : i32
      %ge3A_101 = arith.cmpi sge, %add3A_99, %ge3A_100 : i32
      %convert_element_type3A_102 = arith.extui %ge3A_101 : i1 to i32
      %cond3A_103 = arith.constant 0 : i32
      %cond3A_104 = arith.cmpi ne, %convert_element_type3A_102, %cond3A_103 : i32
      scf.if %cond3A_104 {
        tpu.wait_dma2 semaphore(%arg11 : memref<!tpu.dma_semaphore, #tpu.memory_space<semaphore_mem>>) src(%arg4 : memref<100x128xf32, #tpu.memory_space<hbm>>) dst(%arg8 : memref<100x128xf32, #tpu.memory_space<vmem>>)
      } else {
      }
      %dma_start3A_105 = arith.constant 0 : i32
      %dma_start3A_106 = tpu.memref_slice %arg7[%add3A_99, %dma_start3A_105] : memref<104x100xi32, #tpu.memory_space<vmem>> -> memref<1x100xi32, #tpu.memory_space<vmem>>
      %dma_start3A_107 = tpu.memref_squeeze %dma_start3A_106 : memref<1x100xi32, #tpu.memory_space<vmem>> -> memref<100xi32, #tpu.memory_space<vmem>>
      %dma_start3A_108 = arith.constant 0 : i32
      %dma_start3A_109 = arith.constant 0 : i32
      %dma_start3A_110 = tpu.memref_slice %arg9[%dma_start3A_108, %dma_start3A_109] : memref<10000x128xf32, #tpu.memory_space<vmem_shared>> -> memref<10000x128xf32, #tpu.memory_space<vmem_shared>>
      tpu.enqueue_indirect_dma source(%arg8 : memref<100x128xf32, #tpu.memory_space<vmem>>) target(%dma_start3A_110 : memref<10000x128xf32, #tpu.memory_space<vmem_shared>>) offsets(%dma_start3A_107 : memref<100xi32, #tpu.memory_space<vmem>>) semaphore(%arg11 : memref<!tpu.dma_semaphore, #tpu.memory_space<semaphore_mem>>) {add = true}
    }
    %while3A_47 = arith.constant 1 : i32
    scf.for %while3A_81 = %while3A_45 to %while3A_41 step %while3A_47  : i32 {
      %mul3A_82 = arith.constant 2 : i32
      %mul3A_83 = arith.muli %mul3A_82, %while3A_81 : i32
      %add3A_84 = arith.constant 0 : i32
      %add3A_85 = arith.addi %mul3A_83, %add3A_84 : i32
      %ge3A_86 = arith.constant 2 : i32
      %ge3A_87 = arith.cmpi sge, %add3A_85, %ge3A_86 : i32
      %convert_element_type3A_88 = arith.extui %ge3A_87 : i1 to i32
      %cond3A_89 = arith.constant 0 : i32
      %cond3A_90 = arith.cmpi ne, %convert_element_type3A_88, %cond3A_89 : i32
      scf.if %cond3A_90 {
        tpu.wait_dma2 semaphore(%arg10 : memref<!tpu.dma_semaphore, #tpu.memory_space<semaphore_mem>>) src(%arg4 : memref<100x128xf32, #tpu.memory_space<hbm>>) dst(%arg8 : memref<100x128xf32, #tpu.memory_space<vmem>>)
      } else {
      }
      %dma_start3A = arith.constant 0 : i32
      %dma_start3A_91 = tpu.memref_slice %arg7[%add3A_85, %dma_start3A] : memref<104x100xi32, #tpu.memory_space<vmem>> -> memref<1x100xi32, #tpu.memory_space<vmem>>
      %dma_start3A_92 = tpu.memref_squeeze %dma_start3A_91 : memref<1x100xi32, #tpu.memory_space<vmem>> -> memref<100xi32, #tpu.memory_space<vmem>>
      %dma_start3A_93 = arith.constant 0 : i32
      %dma_start3A_94 = arith.constant 0 : i32
      %dma_start3A_95 = tpu.memref_slice %arg9[%dma_start3A_93, %dma_start3A_94] : memref<10000x128xf32, #tpu.memory_space<vmem_shared>> -> memref<10000x128xf32, #tpu.memory_space<vmem_shared>>
      tpu.enqueue_indirect_dma source(%arg8 : memref<100x128xf32, #tpu.memory_space<vmem>>) target(%dma_start3A_95 : memref<10000x128xf32, #tpu.memory_space<vmem_shared>>) offsets(%dma_start3A_92 : memref<100xi32, #tpu.memory_space<vmem>>) semaphore(%arg10 : memref<!tpu.dma_semaphore, #tpu.memory_space<semaphore_mem>>) {add = true}
      %mul3A_96 = arith.constant 2 : i32
      %mul3A_97 = arith.muli %mul3A_96, %while3A_81 : i32
      %add3A_98 = arith.constant 1 : i32
      %add3A_99 = arith.addi %mul3A_97, %add3A_98 : i32
      %ge3A_100 = arith.constant 2 : i32
      %ge3A_101 = arith.cmpi sge, %add3A_99, %ge3A_100 : i32
      %convert_element_type3A_102 = arith.extui %ge3A_101 : i1 to i32
      %cond3A_103 = arith.constant 0 : i32
      %cond3A_104 = arith.cmpi ne, %convert_element_type3A_102, %cond3A_103 : i32
      scf.if %cond3A_104 {
        tpu.wait_dma2 semaphore(%arg11 : memref<!tpu.dma_semaphore, #tpu.memory_space<semaphore_mem>>) src(%arg4 : memref<100x128xf32, #tpu.memory_space<hbm>>) dst(%arg8 : memref<100x128xf32, #tpu.memory_space<vmem>>)
      } else {
      }
      %dma_start3A_105 = arith.constant 0 : i32
      %dma_start3A_106 = tpu.memref_slice %arg7[%add3A_99, %dma_start3A_105] : memref<104x100xi32, #tpu.memory_space<vmem>> -> memref<1x100xi32, #tpu.memory_space<vmem>>
      %dma_start3A_107 = tpu.memref_squeeze %dma_start3A_106 : memref<1x100xi32, #tpu.memory_space<vmem>> -> memref<100xi32, #tpu.memory_space<vmem>>
      %dma_start3A_108 = arith.constant 0 : i32
      %dma_start3A_109 = arith.constant 0 : i32
      %dma_start3A_110 = tpu.memref_slice %arg9[%dma_start3A_108, %dma_start3A_109] : memref<10000x128xf32, #tpu.memory_space<vmem_shared>> -> memref<10000x128xf32, #tpu.memory_space<vmem_shared>>
      tpu.enqueue_indirect_dma source(%arg8 : memref<100x128xf32, #tpu.memory_space<vmem>>) target(%dma_start3A_110 : memref<10000x128xf32, #tpu.memory_space<vmem_shared>>) offsets(%dma_start3A_107 : memref<100xi32, #tpu.memory_space<vmem>>) semaphore(%arg11 : memref<!tpu.dma_semaphore, #tpu.memory_space<semaphore_mem>>) {add = true}
    }
    tpu.wait_dma2 semaphore(%arg10 : memref<!tpu.dma_semaphore, #tpu.memory_space<semaphore_mem>>) src(%arg4 : memref<100x128xf32, #tpu.memory_space<hbm>>) dst(%arg8 : memref<100x128xf32, #tpu.memory_space<vmem>>)
    tpu.wait_dma2 semaphore(%arg11 : memref<!tpu.dma_semaphore, #tpu.memory_space<semaphore_mem>>) src(%arg4 : memref<100x128xf32, #tpu.memory_space<hbm>>) dst(%arg8 : memref<100x128xf32, #tpu.memory_space<vmem>>)
    %barrier3A_48 = arith.constant 0 : index
    tpu.barrier barrier_id(%barrier3A_48)
    %eq3A_49 = arith.constant 0 : i32
    %eq3A_50 = arith.cmpi eq, %arg0, %eq3A_49 : i32
    %lt3A_51 = arith.constant 15 : i32
    %lt3A_52 = arith.cmpi slt, %arg1, %lt3A_51 : i32
    %and3A_53 = arith.andi %eq3A_50, %lt3A_52 : i1
    %eq3A_54 = arith.constant 0 : i32
    %eq3A_55 = arith.cmpi eq, %arg0, %eq3A_54 : i32
    %eq3A_56 = arith.constant 15 : i32
    %eq3A_57 = arith.cmpi eq, %arg1, %eq3A_56 : i32
    %and3A_58 = arith.andi %eq3A_55, %eq3A_57 : i1
    %convert_element_type3A_59 = arith.extui %and3A_53 : i1 to i32
    %cond3A_60 = arith.constant 0 : i32
    %cond3A_61 = arith.cmpi ne, %convert_element_type3A_59, %cond3A_60 : i32
    scf.if %cond3A_61 {
      "tpu.region"() ({
        %run_scoped3A = tpu.sem_alloc : memref<!tpu.dma_semaphore, #tpu.memory_space<semaphore_mem>>
        %dma_start3A = arith.constant 0 : i32
        %dma_start3A_81 = tpu.memref_slice %arg5[%mul3A_2, %dma_start3A] : memref<10000x128xf32, #tpu.memory_space<hbm>> -> memref<632x128xf32, #tpu.memory_space<hbm>>
        %dma_start3A_82 = arith.constant 0 : i32
        %dma_start3A_83 = tpu.memref_slice %arg9[%mul3A_2, %dma_start3A_82] : memref<10000x128xf32, #tpu.memory_space<vmem_shared>> -> memref<632x128xf32, #tpu.memory_space<vmem_shared>>
        tpu.enqueue_dma source(%dma_start3A_83 : memref<632x128xf32, #tpu.memory_space<vmem_shared>>) target(%dma_start3A_81 : memref<632x128xf32, #tpu.memory_space<hbm>>) target_semaphore(%run_scoped3A : memref<!tpu.dma_semaphore, #tpu.memory_space<semaphore_mem>>)
        %dma_wait3A = arith.constant 0 : i32
        %dma_wait3A_84 = tpu.memref_slice %arg5[%mul3A_2, %dma_wait3A] : memref<10000x128xf32, #tpu.memory_space<hbm>> -> memref<632x128xf32, #tpu.memory_space<hbm>>
        %dma_wait3A_85 = arith.constant 0 : i32
        %dma_wait3A_86 = tpu.memref_slice %arg9[%mul3A_2, %dma_wait3A_85] : memref<10000x128xf32, #tpu.memory_space<vmem_shared>> -> memref<632x128xf32, #tpu.memory_space<vmem_shared>>
        tpu.wait_dma2 semaphore(%run_scoped3A : memref<!tpu.dma_semaphore, #tpu.memory_space<semaphore_mem>>) src(%dma_wait3A_86 : memref<632x128xf32, #tpu.memory_space<vmem_shared>>) dst(%dma_wait3A_84 : memref<632x128xf32, #tpu.memory_space<hbm>>)
        tpu.yield
      }) : () -> ()
    } else {
    }
    %convert_element_type3A_62 = arith.extui %and3A_58 : i1 to i32
    %cond3A_63 = arith.constant 0 : i32
    %cond3A_64 = arith.cmpi ne, %convert_element_type3A_62, %cond3A_63 : i32
    scf.if %cond3A_64 {
      "tpu.region"() ({
        %run_scoped3A = tpu.sem_alloc : memref<!tpu.dma_semaphore, #tpu.memory_space<semaphore_mem>>
        %dma_start3A = arith.constant 0 : i32
        %dma_start3A_81 = tpu.memref_slice %arg5[%mul3A_2, %dma_start3A] : memref<10000x128xf32, #tpu.memory_space<hbm>> -> memref<520x128xf32, #tpu.memory_space<hbm>>
        %dma_start3A_82 = arith.constant 0 : i32
        %dma_start3A_83 = tpu.memref_slice %arg9[%mul3A_2, %dma_start3A_82] : memref<10000x128xf32, #tpu.memory_space<vmem_shared>> -> memref<520x128xf32, #tpu.memory_space<vmem_shared>>
        tpu.enqueue_dma source(%dma_start3A_83 : memref<520x128xf32, #tpu.memory_space<vmem_shared>>) target(%dma_start3A_81 : memref<520x128xf32, #tpu.memory_space<hbm>>) target_semaphore(%run_scoped3A : memref<!tpu.dma_semaphore, #tpu.memory_space<semaphore_mem>>)
        %dma_wait3A = arith.constant 0 : i32
        %dma_wait3A_84 = tpu.memref_slice %arg5[%mul3A_2, %dma_wait3A] : memref<10000x128xf32, #tpu.memory_space<hbm>> -> memref<520x128xf32, #tpu.memory_space<hbm>>
        %dma_wait3A_85 = arith.constant 0 : i32
        %dma_wait3A_86 = tpu.memref_slice %arg9[%mul3A_2, %dma_wait3A_85] : memref<10000x128xf32, #tpu.memory_space<vmem_shared>> -> memref<520x128xf32, #tpu.memory_space<vmem_shared>>
        tpu.wait_dma2 semaphore(%run_scoped3A : memref<!tpu.dma_semaphore, #tpu.memory_space<semaphore_mem>>) src(%dma_wait3A_86 : memref<520x128xf32, #tpu.memory_space<vmem_shared>>) dst(%dma_wait3A_84 : memref<520x128xf32, #tpu.memory_space<hbm>>)
        tpu.yield
      }) : () -> ()
    } else {
    }
    %eq3A_65 = arith.constant 1 : i32
    %eq3A_66 = arith.cmpi eq, %arg0, %eq3A_65 : i32
    %lt3A_67 = arith.constant 15 : i32
    %lt3A_68 = arith.cmpi slt, %arg1, %lt3A_67 : i32
    %and3A_69 = arith.andi %eq3A_66, %lt3A_68 : i1
    %eq3A_70 = arith.constant 1 : i32
    %eq3A_71 = arith.cmpi eq, %arg0, %eq3A_70 : i32
    %eq3A_72 = arith.constant 15 : i32
    %eq3A_73 = arith.cmpi eq, %arg1, %eq3A_72 : i32
    %and3A_74 = arith.andi %eq3A_71, %eq3A_73 : i1
    %convert_element_type3A_75 = arith.extui %and3A_69 : i1 to i32
    %cond3A_76 = arith.constant 0 : i32
    %cond3A_77 = arith.cmpi ne, %convert_element_type3A_75, %cond3A_76 : i32
    scf.if %cond3A_77 {
      "tpu.region"() ({
        %run_scoped3A = tpu.sem_alloc : memref<!tpu.dma_semaphore, #tpu.memory_space<semaphore_mem>>
        %dma_start3A = arith.constant 0 : i32
        %dma_start3A_81 = tpu.memref_slice %arg6[%mul3A_2, %dma_start3A] : memref<10000x128xf32, #tpu.memory_space<hbm>> -> memref<632x128xf32, #tpu.memory_space<hbm>>
        %dma_start3A_82 = arith.constant 0 : i32
        %dma_start3A_83 = tpu.memref_slice %arg9[%mul3A_2, %dma_start3A_82] : memref<10000x128xf32, #tpu.memory_space<vmem_shared>> -> memref<632x128xf32, #tpu.memory_space<vmem_shared>>
        tpu.enqueue_dma source(%dma_start3A_83 : memref<632x128xf32, #tpu.memory_space<vmem_shared>>) target(%dma_start3A_81 : memref<632x128xf32, #tpu.memory_space<hbm>>) target_semaphore(%run_scoped3A : memref<!tpu.dma_semaphore, #tpu.memory_space<semaphore_mem>>)
        %dma_wait3A = arith.constant 0 : i32
        %dma_wait3A_84 = tpu.memref_slice %arg6[%mul3A_2, %dma_wait3A] : memref<10000x128xf32, #tpu.memory_space<hbm>> -> memref<632x128xf32, #tpu.memory_space<hbm>>
        %dma_wait3A_85 = arith.constant 0 : i32
        %dma_wait3A_86 = tpu.memref_slice %arg9[%mul3A_2, %dma_wait3A_85] : memref<10000x128xf32, #tpu.memory_space<vmem_shared>> -> memref<632x128xf32, #tpu.memory_space<vmem_shared>>
        tpu.wait_dma2 semaphore(%run_scoped3A : memref<!tpu.dma_semaphore, #tpu.memory_space<semaphore_mem>>) src(%dma_wait3A_86 : memref<632x128xf32, #tpu.memory_space<vmem_shared>>) dst(%dma_wait3A_84 : memref<632x128xf32, #tpu.memory_space<hbm>>)
        tpu.yield
      }) : () -> ()
    } else {
    }
    %convert_element_type3A_78 = arith.extui %and3A_74 : i1 to i32
    %cond3A_79 = arith.constant 0 : i32
    %cond3A_80 = arith.cmpi ne, %convert_element_type3A_78, %cond3A_79 : i32
    scf.if %cond3A_80 {
      "tpu.region"() ({
        %run_scoped3A = tpu.sem_alloc : memref<!tpu.dma_semaphore, #tpu.memory_space<semaphore_mem>>
        %dma_start3A = arith.constant 0 : i32
        %dma_start3A_81 = tpu.memref_slice %arg6[%mul3A_2, %dma_start3A] : memref<10000x128xf32, #tpu.memory_space<hbm>> -> memref<520x128xf32, #tpu.memory_space<hbm>>
        %dma_start3A_82 = arith.constant 0 : i32
        %dma_start3A_83 = tpu.memref_slice %arg9[%mul3A_2, %dma_start3A_82] : memref<10000x128xf32, #tpu.memory_space<vmem_shared>> -> memref<520x128xf32, #tpu.memory_space<vmem_shared>>
        tpu.enqueue_dma source(%dma_start3A_83 : memref<520x128xf32, #tpu.memory_space<vmem_shared>>) target(%dma_start3A_81 : memref<520x128xf32, #tpu.memory_space<hbm>>) target_semaphore(%run_scoped3A : memref<!tpu.dma_semaphore, #tpu.memory_space<semaphore_mem>>)
        %dma_wait3A = arith.constant 0 : i32
        %dma_wait3A_84 = tpu.memref_slice %arg6[%mul3A_2, %dma_wait3A] : memref<10000x128xf32, #tpu.memory_space<hbm>> -> memref<520x128xf32, #tpu.memory_space<hbm>>
        %dma_wait3A_85 = arith.constant 0 : i32
        %dma_wait3A_86 = tpu.memref_slice %arg9[%mul3A_2, %dma_wait3A_85] : memref<10000x128xf32, #tpu.memory_space<vmem_shared>> -> memref<520x128xf32, #tpu.memory_space<vmem_shared>>
        tpu.wait_dma2 semaphore(%run_scoped3A : memref<!tpu.dma_semaphore, #tpu.memory_space<semaphore_mem>>) src(%dma_wait3A_86 : memref<520x128xf32, #tpu.memory_space<vmem_shared>>) dst(%dma_wait3A_84 : memref<520x128xf32, #tpu.memory_space<hbm>>)
        tpu.yield
      }) : () -> ()
    } else {
    }
    return
  }
}

#map = affine_map<(d0, d1) -> (0, 0)>
module attributes {stable_mosaic.version = 14 : i64} {
  func.func @spmm_kernel(%arg0: i32, %arg1: i32, %arg2: memref<10000x128xf32, #tpu.memory_space<hbm>>, %arg3: memref<10000x128xf32, #tpu.memory_space<hbm>>, %arg4: memref<3200x100xi32, #tpu.memory_space<hbm>>, %arg5: memref<3200x100xi32, #tpu.memory_space<hbm>>, %arg6: memref<632x128xf32, #tpu.memory_space<hbm>>, %arg7: memref<100x128xf32, #tpu.memory_space<hbm>>, %arg8: memref<10000x128xf32, #tpu.memory_space<hbm>>, %arg9: memref<10000x128xf32, #tpu.memory_space<hbm>>, %arg10: memref<40x100xi32, #tpu.memory_space<vmem>>, %arg11: memref<40x100xi32, #tpu.memory_space<vmem>>, %arg12: memref<100x128xf32, #tpu.memory_space<vmem>>, %arg13: memref<100x128xf32, #tpu.memory_space<vmem>>, %arg14: memref<10000x128xf32, #tpu.memory_space<vmem_shared>>, %arg15: memref<!tpu.dma_semaphore, #tpu.memory_space<semaphore_mem>>, %arg16: memref<!tpu.dma_semaphore, #tpu.memory_space<semaphore_mem>>, %arg17: memref<!tpu.dma_semaphore, #tpu.memory_space<semaphore_mem>>, %arg18: memref<!tpu.dma_semaphore, #tpu.memory_space<semaphore_mem>>) attributes {dimension_semantics = [#tpu.dimension_semantics<core_parallel>, #tpu.dimension_semantics<subcore_parallel>], iteration_bounds = array<i64: 2, 16>, scalar_prefetch = 0 : i64, scratch_operands = 9 : i64, tpu.core_type = #tpu.core_type<sc_vector_subcore>, window_params = [{transform_indices = #map}, {transform_indices = #map}, {transform_indices = #map}, {transform_indices = #map}, {transform_indices = #map}, {transform_indices = #map}, {transform_indices = #map}, {transform_indices = #map}]} {
    %mul3A = arith.constant 632 : i32
    %mul3A_0 = arith.muli %arg1, %mul3A : i32
    %lt3A = arith.constant 15 : i32
    %lt3A_1 = arith.cmpi slt, %arg1, %lt3A : i32
    %convert_element_type3A = arith.extui %lt3A_1 : i1 to i32
    %cond3A = arith.constant 0 : i32
    %cond3A_2 = arith.cmpi ne, %convert_element_type3A, %cond3A : i32
    scf.if %cond3A_2 {
      "tpu.region"() ({
        %run_scoped3A = tpu.sem_alloc : memref<!tpu.dma_semaphore, #tpu.memory_space<semaphore_mem>>
        %dma_start3A = arith.constant 0 : i32
        %dma_start3A_61 = tpu.memref_slice %arg14[%mul3A_0, %dma_start3A] : memref<10000x128xf32, #tpu.memory_space<vmem_shared>> -> memref<632x128xf32, #tpu.memory_space<vmem_shared>>
        tpu.enqueue_dma source(%arg6 : memref<632x128xf32, #tpu.memory_space<hbm>>) target(%dma_start3A_61 : memref<632x128xf32, #tpu.memory_space<vmem_shared>>) target_semaphore(%run_scoped3A : memref<!tpu.dma_semaphore, #tpu.memory_space<semaphore_mem>>)
        %dma_wait3A = arith.constant 0 : i32
        %dma_wait3A_62 = tpu.memref_slice %arg14[%mul3A_0, %dma_wait3A] : memref<10000x128xf32, #tpu.memory_space<vmem_shared>> -> memref<632x128xf32, #tpu.memory_space<vmem_shared>>
        tpu.wait_dma2 semaphore(%run_scoped3A : memref<!tpu.dma_semaphore, #tpu.memory_space<semaphore_mem>>) src(%arg6 : memref<632x128xf32, #tpu.memory_space<hbm>>) dst(%dma_wait3A_62 : memref<632x128xf32, #tpu.memory_space<vmem_shared>>)
        tpu.yield
      }) : () -> ()
    } else {
    }
    %eq3A = arith.constant 15 : i32
    %eq3A_3 = arith.cmpi eq, %arg1, %eq3A : i32
    %convert_element_type3A_4 = arith.extui %eq3A_3 : i1 to i32
    %cond3A_5 = arith.constant 0 : i32
    %cond3A_6 = arith.cmpi ne, %convert_element_type3A_4, %cond3A_5 : i32
    scf.if %cond3A_6 {
      "tpu.region"() ({
        %run_scoped3A = tpu.sem_alloc : memref<!tpu.dma_semaphore, #tpu.memory_space<semaphore_mem>>
        %dma_start3A = arith.constant 0 : i32
        %dma_start3A_61 = tpu.memref_slice %arg14[%mul3A_0, %dma_start3A] : memref<10000x128xf32, #tpu.memory_space<vmem_shared>> -> memref<520x128xf32, #tpu.memory_space<vmem_shared>>
        %dma_start3A_62 = arith.constant 0 : i32
        %dma_start3A_63 = arith.constant 0 : i32
        %dma_start3A_64 = tpu.memref_slice %arg6[%dma_start3A_62, %dma_start3A_63] : memref<632x128xf32, #tpu.memory_space<hbm>> -> memref<520x128xf32, #tpu.memory_space<hbm>>
        tpu.enqueue_dma source(%dma_start3A_64 : memref<520x128xf32, #tpu.memory_space<hbm>>) target(%dma_start3A_61 : memref<520x128xf32, #tpu.memory_space<vmem_shared>>) target_semaphore(%run_scoped3A : memref<!tpu.dma_semaphore, #tpu.memory_space<semaphore_mem>>)
        %dma_wait3A = arith.constant 0 : i32
        %dma_wait3A_65 = tpu.memref_slice %arg14[%mul3A_0, %dma_wait3A] : memref<10000x128xf32, #tpu.memory_space<vmem_shared>> -> memref<520x128xf32, #tpu.memory_space<vmem_shared>>
        %dma_wait3A_66 = arith.constant 0 : i32
        %dma_wait3A_67 = arith.constant 0 : i32
        %dma_wait3A_68 = tpu.memref_slice %arg6[%dma_wait3A_66, %dma_wait3A_67] : memref<632x128xf32, #tpu.memory_space<hbm>> -> memref<520x128xf32, #tpu.memory_space<hbm>>
        tpu.wait_dma2 semaphore(%run_scoped3A : memref<!tpu.dma_semaphore, #tpu.memory_space<semaphore_mem>>) src(%dma_wait3A_68 : memref<520x128xf32, #tpu.memory_space<hbm>>) dst(%dma_wait3A_65 : memref<520x128xf32, #tpu.memory_space<vmem_shared>>)
        tpu.yield
      }) : () -> ()
    } else {
    }
    %barrier3A = arith.constant 0 : index
    tpu.barrier barrier_id(%barrier3A)
    %lt3A_7 = arith.constant 15 : i32
    %lt3A_8 = arith.cmpi slt, %arg1, %lt3A_7 : i32
    %jit3A = arith.constant 200 : i32
    %jit3A_9 = arith.constant 200 : i32
    %select_n3A = arith.select %lt3A_8, %jit3A, %jit3A_9 : i32
    %lt3A_10 = arith.constant 15 : i32
    %lt3A_11 = arith.cmpi slt, %arg1, %lt3A_10 : i32
    %mul3A_12 = arith.constant 200 : i32
    %mul3A_13 = arith.muli %arg1, %mul3A_12 : i32
    %sub3A = arith.constant 15 : i32
    %sub3A_14 = arith.subi %arg1, %sub3A : i32
    %mul3A_15 = arith.constant 200 : i32
    %mul3A_16 = arith.muli %sub3A_14, %mul3A_15 : i32
    %add3A = arith.constant 3000 : i32
    %add3A_17 = arith.addi %add3A, %mul3A_16 : i32
    %select_n3A_18 = arith.select %lt3A_11, %mul3A_13, %add3A_17 : i32
    %eq3A_19 = arith.constant 0 : i32
    %eq3A_20 = arith.cmpi eq, %arg0, %eq3A_19 : i32
    %convert_element_type3A_21 = arith.extui %eq3A_20 : i1 to i32
    %cond3A_22 = arith.constant 0 : i32
    %cond3A_23 = arith.cmpi ne, %convert_element_type3A_21, %cond3A_22 : i32
    scf.if %cond3A_23 {
      %jit3A_61 = arith.constant 40 : i32
      %div3A = arith.divsi %select_n3A, %jit3A_61 : i32
      %sign3A = arith.constant 0 : i32
      %sign3A_62 = arith.cmpi sgt, %select_n3A, %sign3A : i32
      %sign3A_63 = arith.extui %sign3A_62 : i1 to i32
      %sign3A_64 = arith.constant 0 : i32
      %sign3A_65 = arith.cmpi slt, %select_n3A, %sign3A_64 : i32
      %sign3A_66 = arith.extui %sign3A_65 : i1 to i32
      %sign3A_67 = arith.subi %sign3A_63, %sign3A_66 : i32
      %sign3A_68 = arith.constant 0 : i32
      %sign3A_69 = arith.cmpi sgt, %jit3A_61, %sign3A_68 : i32
      %sign3A_70 = arith.extui %sign3A_69 : i1 to i32
      %sign3A_71 = arith.constant 0 : i32
      %sign3A_72 = arith.cmpi slt, %jit3A_61, %sign3A_71 : i32
      %sign3A_73 = arith.extui %sign3A_72 : i1 to i32
      %sign3A_74 = arith.subi %sign3A_70, %sign3A_73 : i32
      %ne3A = arith.cmpi ne, %sign3A_67, %sign3A_74 : i32
      %rem3A = arith.remsi %select_n3A, %jit3A_61 : i32
      %ne3A_75 = arith.constant 0 : i32
      %ne3A_76 = arith.cmpi ne, %rem3A, %ne3A_75 : i32
      %and3A_77 = arith.andi %ne3A, %ne3A_76 : i1
      %sub3A_78 = arith.constant 1 : i32
      %sub3A_79 = arith.subi %div3A, %sub3A_78 : i32
      %select_n3A_80 = arith.select %and3A_77, %sub3A_79, %div3A : i32
      %while3A = arith.constant 0 : i32
      %while3A_81 = arith.constant 0 : i32
      %while3A_82 = arith.subi %select_n3A_80, %while3A_81 : i32
      %while3A_83 = arith.addi %while3A_81, %while3A_82 : i32
      %while3A_84 = arith.constant 1 : i32
      %while3A_85 = arith.divsi %while3A_82, %while3A_84 : i32
      %while3A_86 = arith.muli %while3A_85, %while3A_84 : i32
      %while3A_87 = arith.addi %while3A_81, %while3A_86 : i32
      %while3A_88 = arith.constant 1 : i32
      scf.for %while3A_90 = %while3A_81 to %while3A_87 step %while3A_88  : i32 {
        %mul3A_91 = arith.constant 40 : i32
        %mul3A_92 = arith.muli %while3A_90, %mul3A_91 : i32
        %add3A_93 = arith.addi %select_n3A_18, %mul3A_92 : i32
        %dma_start3A = arith.constant 0 : i32
        %dma_start3A_94 = tpu.memref_slice %arg4[%add3A_93, %dma_start3A] : memref<3200x100xi32, #tpu.memory_space<hbm>> -> memref<40x100xi32, #tpu.memory_space<hbm>>
        %dma_start3A_95 = arith.constant 0 : i32
        %dma_start3A_96 = tpu.memref_slice %arg4[%add3A_93, %dma_start3A_95] : memref<3200x100xi32, #tpu.memory_space<hbm>> -> memref<40x100xi32, #tpu.memory_space<hbm>>
        tpu.enqueue_dma source(%dma_start3A_96 : memref<40x100xi32, #tpu.memory_space<hbm>>) target(%arg10 : memref<40x100xi32, #tpu.memory_space<vmem>>) target_semaphore(%arg15 : memref<!tpu.dma_semaphore, #tpu.memory_space<semaphore_mem>>)
        %dma_start3A_97 = arith.constant 0 : i32
        %dma_start3A_98 = tpu.memref_slice %arg5[%add3A_93, %dma_start3A_97] : memref<3200x100xi32, #tpu.memory_space<hbm>> -> memref<40x100xi32, #tpu.memory_space<hbm>>
        %dma_start3A_99 = arith.constant 0 : i32
        %dma_start3A_100 = tpu.memref_slice %arg5[%add3A_93, %dma_start3A_99] : memref<3200x100xi32, #tpu.memory_space<hbm>> -> memref<40x100xi32, #tpu.memory_space<hbm>>
        tpu.enqueue_dma source(%dma_start3A_100 : memref<40x100xi32, #tpu.memory_space<hbm>>) target(%arg11 : memref<40x100xi32, #tpu.memory_space<vmem>>) target_semaphore(%arg15 : memref<!tpu.dma_semaphore, #tpu.memory_space<semaphore_mem>>)
        %dma_wait3A = arith.constant 0 : i32
        %dma_wait3A_101 = tpu.memref_slice %arg4[%add3A_93, %dma_wait3A] : memref<3200x100xi32, #tpu.memory_space<hbm>> -> memref<40x100xi32, #tpu.memory_space<hbm>>
        %dma_wait3A_102 = arith.constant 0 : i32
        %dma_wait3A_103 = tpu.memref_slice %arg4[%add3A_93, %dma_wait3A_102] : memref<3200x100xi32, #tpu.memory_space<hbm>> -> memref<40x100xi32, #tpu.memory_space<hbm>>
        tpu.wait_dma2 semaphore(%arg15 : memref<!tpu.dma_semaphore, #tpu.memory_space<semaphore_mem>>) src(%dma_wait3A_103 : memref<40x100xi32, #tpu.memory_space<hbm>>) dst(%arg10 : memref<40x100xi32, #tpu.memory_space<vmem>>)
        %dma_wait3A_104 = arith.constant 0 : i32
        %dma_wait3A_105 = tpu.memref_slice %arg5[%add3A_93, %dma_wait3A_104] : memref<3200x100xi32, #tpu.memory_space<hbm>> -> memref<40x100xi32, #tpu.memory_space<hbm>>
        %dma_wait3A_106 = arith.constant 0 : i32
        %dma_wait3A_107 = tpu.memref_slice %arg5[%add3A_93, %dma_wait3A_106] : memref<3200x100xi32, #tpu.memory_space<hbm>> -> memref<40x100xi32, #tpu.memory_space<hbm>>
        tpu.wait_dma2 semaphore(%arg15 : memref<!tpu.dma_semaphore, #tpu.memory_space<semaphore_mem>>) src(%dma_wait3A_107 : memref<40x100xi32, #tpu.memory_space<hbm>>) dst(%arg11 : memref<40x100xi32, #tpu.memory_space<vmem>>)
        %dma_start3A_108 = arith.constant 0 : i32
        %dma_start3A_109 = arith.constant 0 : i32
        %dma_start3A_110 = tpu.memref_slice %arg10[%dma_start3A_108, %dma_start3A_109] : memref<40x100xi32, #tpu.memory_space<vmem>> -> memref<1x100xi32, #tpu.memory_space<vmem>>
        %dma_start3A_111 = tpu.memref_squeeze %dma_start3A_110 : memref<1x100xi32, #tpu.memory_space<vmem>> -> memref<100xi32, #tpu.memory_space<vmem>>
        %dma_start3A_112 = arith.constant 0 : i32
        %dma_start3A_113 = arith.constant 0 : i32
        %dma_start3A_114 = tpu.memref_slice %arg2[%dma_start3A_112, %dma_start3A_113] : memref<10000x128xf32, #tpu.memory_space<hbm>> -> memref<10000x128xf32, #tpu.memory_space<hbm>>
        tpu.enqueue_indirect_dma source(%dma_start3A_114 : memref<10000x128xf32, #tpu.memory_space<hbm>>) target(%arg12 : memref<100x128xf32, #tpu.memory_space<vmem>>) offsets(%dma_start3A_111 : memref<100xi32, #tpu.memory_space<vmem>>) semaphore(%arg15 : memref<!tpu.dma_semaphore, #tpu.memory_space<semaphore_mem>>)
        %scan3A = arith.constant 0 : i32
        %scan3A_115 = arith.constant 0 : i32
        %scan3A_116 = arith.constant 20 : i32
        %scan3A_117 = arith.addi %scan3A_115, %scan3A_116 : i32
        %scan3A_118 = arith.constant 1 : i32
        scf.for %scan3A_120 = %scan3A_115 to %scan3A_117 step %scan3A_118  : i32 {
          %mul3A_121 = arith.constant 2 : i32
          %mul3A_122 = arith.muli %mul3A_121, %scan3A_120 : i32
          %add3A_123 = arith.constant 0 : i32
          %add3A_124 = arith.addi %mul3A_122, %add3A_123 : i32
          %ge3A = arith.constant 1 : i32
          %ge3A_125 = arith.cmpi sge, %add3A_124, %ge3A : i32
          %convert_element_type3A_126 = arith.extui %ge3A_125 : i1 to i32
          %cond3A_127 = arith.constant 0 : i32
          %cond3A_128 = arith.cmpi ne, %convert_element_type3A_126, %cond3A_127 : i32
          scf.if %cond3A_128 {
            tpu.wait_dma2 semaphore(%arg18 : memref<!tpu.dma_semaphore, #tpu.memory_space<semaphore_mem>>) src(%arg7 : memref<100x128xf32, #tpu.memory_space<hbm>>) dst(%arg13 : memref<100x128xf32, #tpu.memory_space<vmem>>)
          } else {
          }
          %add3A_129 = arith.constant 1 : i32
          %add3A_130 = arith.addi %add3A_124, %add3A_129 : i32
          %lt3A_131 = arith.constant 40 : i32
          %lt3A_132 = arith.cmpi slt, %add3A_130, %lt3A_131 : i32
          %convert_element_type3A_133 = arith.extui %lt3A_132 : i1 to i32
          %cond3A_134 = arith.constant 0 : i32
          %cond3A_135 = arith.cmpi ne, %convert_element_type3A_133, %cond3A_134 : i32
          scf.if %cond3A_135 {
            %add3A_164 = arith.constant 1 : i32
            %add3A_165 = arith.addi %add3A_124, %add3A_164 : i32
            %dma_start3A_166 = arith.constant 0 : i32
            %dma_start3A_167 = tpu.memref_slice %arg10[%add3A_165, %dma_start3A_166] : memref<40x100xi32, #tpu.memory_space<vmem>> -> memref<1x100xi32, #tpu.memory_space<vmem>>
            %dma_start3A_168 = tpu.memref_squeeze %dma_start3A_167 : memref<1x100xi32, #tpu.memory_space<vmem>> -> memref<100xi32, #tpu.memory_space<vmem>>
            %dma_start3A_169 = arith.constant 0 : i32
            %dma_start3A_170 = arith.constant 0 : i32
            %dma_start3A_171 = tpu.memref_slice %arg2[%dma_start3A_169, %dma_start3A_170] : memref<10000x128xf32, #tpu.memory_space<hbm>> -> memref<10000x128xf32, #tpu.memory_space<hbm>>
            tpu.enqueue_indirect_dma source(%dma_start3A_171 : memref<10000x128xf32, #tpu.memory_space<hbm>>) target(%arg13 : memref<100x128xf32, #tpu.memory_space<vmem>>) offsets(%dma_start3A_168 : memref<100xi32, #tpu.memory_space<vmem>>) semaphore(%arg16 : memref<!tpu.dma_semaphore, #tpu.memory_space<semaphore_mem>>)
          } else {
          }
          tpu.wait_dma2 semaphore(%arg15 : memref<!tpu.dma_semaphore, #tpu.memory_space<semaphore_mem>>) src(%arg7 : memref<100x128xf32, #tpu.memory_space<hbm>>) dst(%arg12 : memref<100x128xf32, #tpu.memory_space<vmem>>)
          %dma_start3A_136 = arith.constant 0 : i32
          %dma_start3A_137 = tpu.memref_slice %arg11[%add3A_124, %dma_start3A_136] : memref<40x100xi32, #tpu.memory_space<vmem>> -> memref<1x100xi32, #tpu.memory_space<vmem>>
          %dma_start3A_138 = tpu.memref_squeeze %dma_start3A_137 : memref<1x100xi32, #tpu.memory_space<vmem>> -> memref<100xi32, #tpu.memory_space<vmem>>
          %dma_start3A_139 = arith.constant 0 : i32
          %dma_start3A_140 = arith.constant 0 : i32
          %dma_start3A_141 = tpu.memref_slice %arg14[%dma_start3A_139, %dma_start3A_140] : memref<10000x128xf32, #tpu.memory_space<vmem_shared>> -> memref<10000x128xf32, #tpu.memory_space<vmem_shared>>
          tpu.enqueue_indirect_dma source(%arg12 : memref<100x128xf32, #tpu.memory_space<vmem>>) target(%dma_start3A_141 : memref<10000x128xf32, #tpu.memory_space<vmem_shared>>) offsets(%dma_start3A_138 : memref<100xi32, #tpu.memory_space<vmem>>) semaphore(%arg17 : memref<!tpu.dma_semaphore, #tpu.memory_space<semaphore_mem>>) {add = true}
          %mul3A_142 = arith.constant 2 : i32
          %mul3A_143 = arith.muli %mul3A_142, %scan3A_120 : i32
          %add3A_144 = arith.constant 1 : i32
          %add3A_145 = arith.addi %mul3A_143, %add3A_144 : i32
          %ge3A_146 = arith.constant 1 : i32
          %ge3A_147 = arith.cmpi sge, %add3A_145, %ge3A_146 : i32
          %convert_element_type3A_148 = arith.extui %ge3A_147 : i1 to i32
          %cond3A_149 = arith.constant 0 : i32
          %cond3A_150 = arith.cmpi ne, %convert_element_type3A_148, %cond3A_149 : i32
          scf.if %cond3A_150 {
            tpu.wait_dma2 semaphore(%arg17 : memref<!tpu.dma_semaphore, #tpu.memory_space<semaphore_mem>>) src(%arg7 : memref<100x128xf32, #tpu.memory_space<hbm>>) dst(%arg12 : memref<100x128xf32, #tpu.memory_space<vmem>>)
          } else {
          }
          %add3A_151 = arith.constant 1 : i32
          %add3A_152 = arith.addi %add3A_145, %add3A_151 : i32
          %lt3A_153 = arith.constant 40 : i32
          %lt3A_154 = arith.cmpi slt, %add3A_152, %lt3A_153 : i32
          %convert_element_type3A_155 = arith.extui %lt3A_154 : i1 to i32
          %cond3A_156 = arith.constant 0 : i32
          %cond3A_157 = arith.cmpi ne, %convert_element_type3A_155, %cond3A_156 : i32
          scf.if %cond3A_157 {
            %add3A_164 = arith.constant 1 : i32
            %add3A_165 = arith.addi %add3A_145, %add3A_164 : i32
            %dma_start3A_166 = arith.constant 0 : i32
            %dma_start3A_167 = tpu.memref_slice %arg10[%add3A_165, %dma_start3A_166] : memref<40x100xi32, #tpu.memory_space<vmem>> -> memref<1x100xi32, #tpu.memory_space<vmem>>
            %dma_start3A_168 = tpu.memref_squeeze %dma_start3A_167 : memref<1x100xi32, #tpu.memory_space<vmem>> -> memref<100xi32, #tpu.memory_space<vmem>>
            %dma_start3A_169 = arith.constant 0 : i32
            %dma_start3A_170 = arith.constant 0 : i32
            %dma_start3A_171 = tpu.memref_slice %arg2[%dma_start3A_169, %dma_start3A_170] : memref<10000x128xf32, #tpu.memory_space<hbm>> -> memref<10000x128xf32, #tpu.memory_space<hbm>>
            tpu.enqueue_indirect_dma source(%dma_start3A_171 : memref<10000x128xf32, #tpu.memory_space<hbm>>) target(%arg12 : memref<100x128xf32, #tpu.memory_space<vmem>>) offsets(%dma_start3A_168 : memref<100xi32, #tpu.memory_space<vmem>>) semaphore(%arg15 : memref<!tpu.dma_semaphore, #tpu.memory_space<semaphore_mem>>)
          } else {
          }
          tpu.wait_dma2 semaphore(%arg16 : memref<!tpu.dma_semaphore, #tpu.memory_space<semaphore_mem>>) src(%arg7 : memref<100x128xf32, #tpu.memory_space<hbm>>) dst(%arg13 : memref<100x128xf32, #tpu.memory_space<vmem>>)
          %dma_start3A_158 = arith.constant 0 : i32
          %dma_start3A_159 = tpu.memref_slice %arg11[%add3A_145, %dma_start3A_158] : memref<40x100xi32, #tpu.memory_space<vmem>> -> memref<1x100xi32, #tpu.memory_space<vmem>>
          %dma_start3A_160 = tpu.memref_squeeze %dma_start3A_159 : memref<1x100xi32, #tpu.memory_space<vmem>> -> memref<100xi32, #tpu.memory_space<vmem>>
          %dma_start3A_161 = arith.constant 0 : i32
          %dma_start3A_162 = arith.constant 0 : i32
          %dma_start3A_163 = tpu.memref_slice %arg14[%dma_start3A_161, %dma_start3A_162] : memref<10000x128xf32, #tpu.memory_space<vmem_shared>> -> memref<10000x128xf32, #tpu.memory_space<vmem_shared>>
          tpu.enqueue_indirect_dma source(%arg13 : memref<100x128xf32, #tpu.memory_space<vmem>>) target(%dma_start3A_163 : memref<10000x128xf32, #tpu.memory_space<vmem_shared>>) offsets(%dma_start3A_160 : memref<100xi32, #tpu.memory_space<vmem>>) semaphore(%arg18 : memref<!tpu.dma_semaphore, #tpu.memory_space<semaphore_mem>>) {add = true}
        }
        %scan3A_119 = arith.constant 20 : i32
        tpu.wait_dma2 semaphore(%arg18 : memref<!tpu.dma_semaphore, #tpu.memory_space<semaphore_mem>>) src(%arg7 : memref<100x128xf32, #tpu.memory_space<hbm>>) dst(%arg13 : memref<100x128xf32, #tpu.memory_space<vmem>>)
      }
      %while3A_89 = arith.constant 1 : i32
      scf.for %while3A_90 = %while3A_87 to %while3A_83 step %while3A_89  : i32 {
        %mul3A_91 = arith.constant 40 : i32
        %mul3A_92 = arith.muli %while3A_90, %mul3A_91 : i32
        %add3A_93 = arith.addi %select_n3A_18, %mul3A_92 : i32
        %dma_start3A = arith.constant 0 : i32
        %dma_start3A_94 = tpu.memref_slice %arg4[%add3A_93, %dma_start3A] : memref<3200x100xi32, #tpu.memory_space<hbm>> -> memref<40x100xi32, #tpu.memory_space<hbm>>
        %dma_start3A_95 = arith.constant 0 : i32
        %dma_start3A_96 = tpu.memref_slice %arg4[%add3A_93, %dma_start3A_95] : memref<3200x100xi32, #tpu.memory_space<hbm>> -> memref<40x100xi32, #tpu.memory_space<hbm>>
        tpu.enqueue_dma source(%dma_start3A_96 : memref<40x100xi32, #tpu.memory_space<hbm>>) target(%arg10 : memref<40x100xi32, #tpu.memory_space<vmem>>) target_semaphore(%arg15 : memref<!tpu.dma_semaphore, #tpu.memory_space<semaphore_mem>>)
        %dma_start3A_97 = arith.constant 0 : i32
        %dma_start3A_98 = tpu.memref_slice %arg5[%add3A_93, %dma_start3A_97] : memref<3200x100xi32, #tpu.memory_space<hbm>> -> memref<40x100xi32, #tpu.memory_space<hbm>>
        %dma_start3A_99 = arith.constant 0 : i32
        %dma_start3A_100 = tpu.memref_slice %arg5[%add3A_93, %dma_start3A_99] : memref<3200x100xi32, #tpu.memory_space<hbm>> -> memref<40x100xi32, #tpu.memory_space<hbm>>
        tpu.enqueue_dma source(%dma_start3A_100 : memref<40x100xi32, #tpu.memory_space<hbm>>) target(%arg11 : memref<40x100xi32, #tpu.memory_space<vmem>>) target_semaphore(%arg15 : memref<!tpu.dma_semaphore, #tpu.memory_space<semaphore_mem>>)
        %dma_wait3A = arith.constant 0 : i32
        %dma_wait3A_101 = tpu.memref_slice %arg4[%add3A_93, %dma_wait3A] : memref<3200x100xi32, #tpu.memory_space<hbm>> -> memref<40x100xi32, #tpu.memory_space<hbm>>
        %dma_wait3A_102 = arith.constant 0 : i32
        %dma_wait3A_103 = tpu.memref_slice %arg4[%add3A_93, %dma_wait3A_102] : memref<3200x100xi32, #tpu.memory_space<hbm>> -> memref<40x100xi32, #tpu.memory_space<hbm>>
        tpu.wait_dma2 semaphore(%arg15 : memref<!tpu.dma_semaphore, #tpu.memory_space<semaphore_mem>>) src(%dma_wait3A_103 : memref<40x100xi32, #tpu.memory_space<hbm>>) dst(%arg10 : memref<40x100xi32, #tpu.memory_space<vmem>>)
        %dma_wait3A_104 = arith.constant 0 : i32
        %dma_wait3A_105 = tpu.memref_slice %arg5[%add3A_93, %dma_wait3A_104] : memref<3200x100xi32, #tpu.memory_space<hbm>> -> memref<40x100xi32, #tpu.memory_space<hbm>>
        %dma_wait3A_106 = arith.constant 0 : i32
        %dma_wait3A_107 = tpu.memref_slice %arg5[%add3A_93, %dma_wait3A_106] : memref<3200x100xi32, #tpu.memory_space<hbm>> -> memref<40x100xi32, #tpu.memory_space<hbm>>
        tpu.wait_dma2 semaphore(%arg15 : memref<!tpu.dma_semaphore, #tpu.memory_space<semaphore_mem>>) src(%dma_wait3A_107 : memref<40x100xi32, #tpu.memory_space<hbm>>) dst(%arg11 : memref<40x100xi32, #tpu.memory_space<vmem>>)
        %dma_start3A_108 = arith.constant 0 : i32
        %dma_start3A_109 = arith.constant 0 : i32
        %dma_start3A_110 = tpu.memref_slice %arg10[%dma_start3A_108, %dma_start3A_109] : memref<40x100xi32, #tpu.memory_space<vmem>> -> memref<1x100xi32, #tpu.memory_space<vmem>>
        %dma_start3A_111 = tpu.memref_squeeze %dma_start3A_110 : memref<1x100xi32, #tpu.memory_space<vmem>> -> memref<100xi32, #tpu.memory_space<vmem>>
        %dma_start3A_112 = arith.constant 0 : i32
        %dma_start3A_113 = arith.constant 0 : i32
        %dma_start3A_114 = tpu.memref_slice %arg2[%dma_start3A_112, %dma_start3A_113] : memref<10000x128xf32, #tpu.memory_space<hbm>> -> memref<10000x128xf32, #tpu.memory_space<hbm>>
        tpu.enqueue_indirect_dma source(%dma_start3A_114 : memref<10000x128xf32, #tpu.memory_space<hbm>>) target(%arg12 : memref<100x128xf32, #tpu.memory_space<vmem>>) offsets(%dma_start3A_111 : memref<100xi32, #tpu.memory_space<vmem>>) semaphore(%arg15 : memref<!tpu.dma_semaphore, #tpu.memory_space<semaphore_mem>>)
        %scan3A = arith.constant 0 : i32
        %scan3A_115 = arith.constant 0 : i32
        %scan3A_116 = arith.constant 20 : i32
        %scan3A_117 = arith.addi %scan3A_115, %scan3A_116 : i32
        %scan3A_118 = arith.constant 1 : i32
        scf.for %scan3A_120 = %scan3A_115 to %scan3A_117 step %scan3A_118  : i32 {
          %mul3A_121 = arith.constant 2 : i32
          %mul3A_122 = arith.muli %mul3A_121, %scan3A_120 : i32
          %add3A_123 = arith.constant 0 : i32
          %add3A_124 = arith.addi %mul3A_122, %add3A_123 : i32
          %ge3A = arith.constant 1 : i32
          %ge3A_125 = arith.cmpi sge, %add3A_124, %ge3A : i32
          %convert_element_type3A_126 = arith.extui %ge3A_125 : i1 to i32
          %cond3A_127 = arith.constant 0 : i32
          %cond3A_128 = arith.cmpi ne, %convert_element_type3A_126, %cond3A_127 : i32
          scf.if %cond3A_128 {
            tpu.wait_dma2 semaphore(%arg18 : memref<!tpu.dma_semaphore, #tpu.memory_space<semaphore_mem>>) src(%arg7 : memref<100x128xf32, #tpu.memory_space<hbm>>) dst(%arg13 : memref<100x128xf32, #tpu.memory_space<vmem>>)
          } else {
          }
          %add3A_129 = arith.constant 1 : i32
          %add3A_130 = arith.addi %add3A_124, %add3A_129 : i32
          %lt3A_131 = arith.constant 40 : i32
          %lt3A_132 = arith.cmpi slt, %add3A_130, %lt3A_131 : i32
          %convert_element_type3A_133 = arith.extui %lt3A_132 : i1 to i32
          %cond3A_134 = arith.constant 0 : i32
          %cond3A_135 = arith.cmpi ne, %convert_element_type3A_133, %cond3A_134 : i32
          scf.if %cond3A_135 {
            %add3A_164 = arith.constant 1 : i32
            %add3A_165 = arith.addi %add3A_124, %add3A_164 : i32
            %dma_start3A_166 = arith.constant 0 : i32
            %dma_start3A_167 = tpu.memref_slice %arg10[%add3A_165, %dma_start3A_166] : memref<40x100xi32, #tpu.memory_space<vmem>> -> memref<1x100xi32, #tpu.memory_space<vmem>>
            %dma_start3A_168 = tpu.memref_squeeze %dma_start3A_167 : memref<1x100xi32, #tpu.memory_space<vmem>> -> memref<100xi32, #tpu.memory_space<vmem>>
            %dma_start3A_169 = arith.constant 0 : i32
            %dma_start3A_170 = arith.constant 0 : i32
            %dma_start3A_171 = tpu.memref_slice %arg2[%dma_start3A_169, %dma_start3A_170] : memref<10000x128xf32, #tpu.memory_space<hbm>> -> memref<10000x128xf32, #tpu.memory_space<hbm>>
            tpu.enqueue_indirect_dma source(%dma_start3A_171 : memref<10000x128xf32, #tpu.memory_space<hbm>>) target(%arg13 : memref<100x128xf32, #tpu.memory_space<vmem>>) offsets(%dma_start3A_168 : memref<100xi32, #tpu.memory_space<vmem>>) semaphore(%arg16 : memref<!tpu.dma_semaphore, #tpu.memory_space<semaphore_mem>>)
          } else {
          }
          tpu.wait_dma2 semaphore(%arg15 : memref<!tpu.dma_semaphore, #tpu.memory_space<semaphore_mem>>) src(%arg7 : memref<100x128xf32, #tpu.memory_space<hbm>>) dst(%arg12 : memref<100x128xf32, #tpu.memory_space<vmem>>)
          %dma_start3A_136 = arith.constant 0 : i32
          %dma_start3A_137 = tpu.memref_slice %arg11[%add3A_124, %dma_start3A_136] : memref<40x100xi32, #tpu.memory_space<vmem>> -> memref<1x100xi32, #tpu.memory_space<vmem>>
          %dma_start3A_138 = tpu.memref_squeeze %dma_start3A_137 : memref<1x100xi32, #tpu.memory_space<vmem>> -> memref<100xi32, #tpu.memory_space<vmem>>
          %dma_start3A_139 = arith.constant 0 : i32
          %dma_start3A_140 = arith.constant 0 : i32
          %dma_start3A_141 = tpu.memref_slice %arg14[%dma_start3A_139, %dma_start3A_140] : memref<10000x128xf32, #tpu.memory_space<vmem_shared>> -> memref<10000x128xf32, #tpu.memory_space<vmem_shared>>
          tpu.enqueue_indirect_dma source(%arg12 : memref<100x128xf32, #tpu.memory_space<vmem>>) target(%dma_start3A_141 : memref<10000x128xf32, #tpu.memory_space<vmem_shared>>) offsets(%dma_start3A_138 : memref<100xi32, #tpu.memory_space<vmem>>) semaphore(%arg17 : memref<!tpu.dma_semaphore, #tpu.memory_space<semaphore_mem>>) {add = true}
          %mul3A_142 = arith.constant 2 : i32
          %mul3A_143 = arith.muli %mul3A_142, %scan3A_120 : i32
          %add3A_144 = arith.constant 1 : i32
          %add3A_145 = arith.addi %mul3A_143, %add3A_144 : i32
          %ge3A_146 = arith.constant 1 : i32
          %ge3A_147 = arith.cmpi sge, %add3A_145, %ge3A_146 : i32
          %convert_element_type3A_148 = arith.extui %ge3A_147 : i1 to i32
          %cond3A_149 = arith.constant 0 : i32
          %cond3A_150 = arith.cmpi ne, %convert_element_type3A_148, %cond3A_149 : i32
          scf.if %cond3A_150 {
            tpu.wait_dma2 semaphore(%arg17 : memref<!tpu.dma_semaphore, #tpu.memory_space<semaphore_mem>>) src(%arg7 : memref<100x128xf32, #tpu.memory_space<hbm>>) dst(%arg12 : memref<100x128xf32, #tpu.memory_space<vmem>>)
          } else {
          }
          %add3A_151 = arith.constant 1 : i32
          %add3A_152 = arith.addi %add3A_145, %add3A_151 : i32
          %lt3A_153 = arith.constant 40 : i32
          %lt3A_154 = arith.cmpi slt, %add3A_152, %lt3A_153 : i32
          %convert_element_type3A_155 = arith.extui %lt3A_154 : i1 to i32
          %cond3A_156 = arith.constant 0 : i32
          %cond3A_157 = arith.cmpi ne, %convert_element_type3A_155, %cond3A_156 : i32
          scf.if %cond3A_157 {
            %add3A_164 = arith.constant 1 : i32
            %add3A_165 = arith.addi %add3A_145, %add3A_164 : i32
            %dma_start3A_166 = arith.constant 0 : i32
            %dma_start3A_167 = tpu.memref_slice %arg10[%add3A_165, %dma_start3A_166] : memref<40x100xi32, #tpu.memory_space<vmem>> -> memref<1x100xi32, #tpu.memory_space<vmem>>
            %dma_start3A_168 = tpu.memref_squeeze %dma_start3A_167 : memref<1x100xi32, #tpu.memory_space<vmem>> -> memref<100xi32, #tpu.memory_space<vmem>>
            %dma_start3A_169 = arith.constant 0 : i32
            %dma_start3A_170 = arith.constant 0 : i32
            %dma_start3A_171 = tpu.memref_slice %arg2[%dma_start3A_169, %dma_start3A_170] : memref<10000x128xf32, #tpu.memory_space<hbm>> -> memref<10000x128xf32, #tpu.memory_space<hbm>>
            tpu.enqueue_indirect_dma source(%dma_start3A_171 : memref<10000x128xf32, #tpu.memory_space<hbm>>) target(%arg12 : memref<100x128xf32, #tpu.memory_space<vmem>>) offsets(%dma_start3A_168 : memref<100xi32, #tpu.memory_space<vmem>>) semaphore(%arg15 : memref<!tpu.dma_semaphore, #tpu.memory_space<semaphore_mem>>)
          } else {
          }
          tpu.wait_dma2 semaphore(%arg16 : memref<!tpu.dma_semaphore, #tpu.memory_space<semaphore_mem>>) src(%arg7 : memref<100x128xf32, #tpu.memory_space<hbm>>) dst(%arg13 : memref<100x128xf32, #tpu.memory_space<vmem>>)
          %dma_start3A_158 = arith.constant 0 : i32
          %dma_start3A_159 = tpu.memref_slice %arg11[%add3A_145, %dma_start3A_158] : memref<40x100xi32, #tpu.memory_space<vmem>> -> memref<1x100xi32, #tpu.memory_space<vmem>>
          %dma_start3A_160 = tpu.memref_squeeze %dma_start3A_159 : memref<1x100xi32, #tpu.memory_space<vmem>> -> memref<100xi32, #tpu.memory_space<vmem>>
          %dma_start3A_161 = arith.constant 0 : i32
          %dma_start3A_162 = arith.constant 0 : i32
          %dma_start3A_163 = tpu.memref_slice %arg14[%dma_start3A_161, %dma_start3A_162] : memref<10000x128xf32, #tpu.memory_space<vmem_shared>> -> memref<10000x128xf32, #tpu.memory_space<vmem_shared>>
          tpu.enqueue_indirect_dma source(%arg13 : memref<100x128xf32, #tpu.memory_space<vmem>>) target(%dma_start3A_163 : memref<10000x128xf32, #tpu.memory_space<vmem_shared>>) offsets(%dma_start3A_160 : memref<100xi32, #tpu.memory_space<vmem>>) semaphore(%arg18 : memref<!tpu.dma_semaphore, #tpu.memory_space<semaphore_mem>>) {add = true}
        }
        %scan3A_119 = arith.constant 20 : i32
        tpu.wait_dma2 semaphore(%arg18 : memref<!tpu.dma_semaphore, #tpu.memory_space<semaphore_mem>>) src(%arg7 : memref<100x128xf32, #tpu.memory_space<hbm>>) dst(%arg13 : memref<100x128xf32, #tpu.memory_space<vmem>>)
      }
    } else {
    }
    %eq3A_24 = arith.constant 1 : i32
    %eq3A_25 = arith.cmpi eq, %arg0, %eq3A_24 : i32
    %convert_element_type3A_26 = arith.extui %eq3A_25 : i1 to i32
    %cond3A_27 = arith.constant 0 : i32
    %cond3A_28 = arith.cmpi ne, %convert_element_type3A_26, %cond3A_27 : i32
    scf.if %cond3A_28 {
      %jit3A_61 = arith.constant 40 : i32
      %div3A = arith.divsi %select_n3A, %jit3A_61 : i32
      %sign3A = arith.constant 0 : i32
      %sign3A_62 = arith.cmpi sgt, %select_n3A, %sign3A : i32
      %sign3A_63 = arith.extui %sign3A_62 : i1 to i32
      %sign3A_64 = arith.constant 0 : i32
      %sign3A_65 = arith.cmpi slt, %select_n3A, %sign3A_64 : i32
      %sign3A_66 = arith.extui %sign3A_65 : i1 to i32
      %sign3A_67 = arith.subi %sign3A_63, %sign3A_66 : i32
      %sign3A_68 = arith.constant 0 : i32
      %sign3A_69 = arith.cmpi sgt, %jit3A_61, %sign3A_68 : i32
      %sign3A_70 = arith.extui %sign3A_69 : i1 to i32
      %sign3A_71 = arith.constant 0 : i32
      %sign3A_72 = arith.cmpi slt, %jit3A_61, %sign3A_71 : i32
      %sign3A_73 = arith.extui %sign3A_72 : i1 to i32
      %sign3A_74 = arith.subi %sign3A_70, %sign3A_73 : i32
      %ne3A = arith.cmpi ne, %sign3A_67, %sign3A_74 : i32
      %rem3A = arith.remsi %select_n3A, %jit3A_61 : i32
      %ne3A_75 = arith.constant 0 : i32
      %ne3A_76 = arith.cmpi ne, %rem3A, %ne3A_75 : i32
      %and3A_77 = arith.andi %ne3A, %ne3A_76 : i1
      %sub3A_78 = arith.constant 1 : i32
      %sub3A_79 = arith.subi %div3A, %sub3A_78 : i32
      %select_n3A_80 = arith.select %and3A_77, %sub3A_79, %div3A : i32
      %while3A = arith.constant 0 : i32
      %while3A_81 = arith.constant 0 : i32
      %while3A_82 = arith.subi %select_n3A_80, %while3A_81 : i32
      %while3A_83 = arith.addi %while3A_81, %while3A_82 : i32
      %while3A_84 = arith.constant 1 : i32
      %while3A_85 = arith.divsi %while3A_82, %while3A_84 : i32
      %while3A_86 = arith.muli %while3A_85, %while3A_84 : i32
      %while3A_87 = arith.addi %while3A_81, %while3A_86 : i32
      %while3A_88 = arith.constant 1 : i32
      scf.for %while3A_90 = %while3A_81 to %while3A_87 step %while3A_88  : i32 {
        %mul3A_91 = arith.constant 40 : i32
        %mul3A_92 = arith.muli %while3A_90, %mul3A_91 : i32
        %add3A_93 = arith.addi %select_n3A_18, %mul3A_92 : i32
        %dma_start3A = arith.constant 0 : i32
        %dma_start3A_94 = tpu.memref_slice %arg4[%add3A_93, %dma_start3A] : memref<3200x100xi32, #tpu.memory_space<hbm>> -> memref<40x100xi32, #tpu.memory_space<hbm>>
        %dma_start3A_95 = arith.constant 0 : i32
        %dma_start3A_96 = tpu.memref_slice %arg4[%add3A_93, %dma_start3A_95] : memref<3200x100xi32, #tpu.memory_space<hbm>> -> memref<40x100xi32, #tpu.memory_space<hbm>>
        tpu.enqueue_dma source(%dma_start3A_96 : memref<40x100xi32, #tpu.memory_space<hbm>>) target(%arg10 : memref<40x100xi32, #tpu.memory_space<vmem>>) target_semaphore(%arg15 : memref<!tpu.dma_semaphore, #tpu.memory_space<semaphore_mem>>)
        %dma_start3A_97 = arith.constant 0 : i32
        %dma_start3A_98 = tpu.memref_slice %arg5[%add3A_93, %dma_start3A_97] : memref<3200x100xi32, #tpu.memory_space<hbm>> -> memref<40x100xi32, #tpu.memory_space<hbm>>
        %dma_start3A_99 = arith.constant 0 : i32
        %dma_start3A_100 = tpu.memref_slice %arg5[%add3A_93, %dma_start3A_99] : memref<3200x100xi32, #tpu.memory_space<hbm>> -> memref<40x100xi32, #tpu.memory_space<hbm>>
        tpu.enqueue_dma source(%dma_start3A_100 : memref<40x100xi32, #tpu.memory_space<hbm>>) target(%arg11 : memref<40x100xi32, #tpu.memory_space<vmem>>) target_semaphore(%arg15 : memref<!tpu.dma_semaphore, #tpu.memory_space<semaphore_mem>>)
        %dma_wait3A = arith.constant 0 : i32
        %dma_wait3A_101 = tpu.memref_slice %arg4[%add3A_93, %dma_wait3A] : memref<3200x100xi32, #tpu.memory_space<hbm>> -> memref<40x100xi32, #tpu.memory_space<hbm>>
        %dma_wait3A_102 = arith.constant 0 : i32
        %dma_wait3A_103 = tpu.memref_slice %arg4[%add3A_93, %dma_wait3A_102] : memref<3200x100xi32, #tpu.memory_space<hbm>> -> memref<40x100xi32, #tpu.memory_space<hbm>>
        tpu.wait_dma2 semaphore(%arg15 : memref<!tpu.dma_semaphore, #tpu.memory_space<semaphore_mem>>) src(%dma_wait3A_103 : memref<40x100xi32, #tpu.memory_space<hbm>>) dst(%arg10 : memref<40x100xi32, #tpu.memory_space<vmem>>)
        %dma_wait3A_104 = arith.constant 0 : i32
        %dma_wait3A_105 = tpu.memref_slice %arg5[%add3A_93, %dma_wait3A_104] : memref<3200x100xi32, #tpu.memory_space<hbm>> -> memref<40x100xi32, #tpu.memory_space<hbm>>
        %dma_wait3A_106 = arith.constant 0 : i32
        %dma_wait3A_107 = tpu.memref_slice %arg5[%add3A_93, %dma_wait3A_106] : memref<3200x100xi32, #tpu.memory_space<hbm>> -> memref<40x100xi32, #tpu.memory_space<hbm>>
        tpu.wait_dma2 semaphore(%arg15 : memref<!tpu.dma_semaphore, #tpu.memory_space<semaphore_mem>>) src(%dma_wait3A_107 : memref<40x100xi32, #tpu.memory_space<hbm>>) dst(%arg11 : memref<40x100xi32, #tpu.memory_space<vmem>>)
        %dma_start3A_108 = arith.constant 0 : i32
        %dma_start3A_109 = arith.constant 0 : i32
        %dma_start3A_110 = tpu.memref_slice %arg10[%dma_start3A_108, %dma_start3A_109] : memref<40x100xi32, #tpu.memory_space<vmem>> -> memref<1x100xi32, #tpu.memory_space<vmem>>
        %dma_start3A_111 = tpu.memref_squeeze %dma_start3A_110 : memref<1x100xi32, #tpu.memory_space<vmem>> -> memref<100xi32, #tpu.memory_space<vmem>>
        %dma_start3A_112 = arith.constant 0 : i32
        %dma_start3A_113 = arith.constant 0 : i32
        %dma_start3A_114 = tpu.memref_slice %arg3[%dma_start3A_112, %dma_start3A_113] : memref<10000x128xf32, #tpu.memory_space<hbm>> -> memref<10000x128xf32, #tpu.memory_space<hbm>>
        tpu.enqueue_indirect_dma source(%dma_start3A_114 : memref<10000x128xf32, #tpu.memory_space<hbm>>) target(%arg12 : memref<100x128xf32, #tpu.memory_space<vmem>>) offsets(%dma_start3A_111 : memref<100xi32, #tpu.memory_space<vmem>>) semaphore(%arg15 : memref<!tpu.dma_semaphore, #tpu.memory_space<semaphore_mem>>)
        %scan3A = arith.constant 0 : i32
        %scan3A_115 = arith.constant 0 : i32
        %scan3A_116 = arith.constant 20 : i32
        %scan3A_117 = arith.addi %scan3A_115, %scan3A_116 : i32
        %scan3A_118 = arith.constant 1 : i32
        scf.for %scan3A_120 = %scan3A_115 to %scan3A_117 step %scan3A_118  : i32 {
          %mul3A_121 = arith.constant 2 : i32
          %mul3A_122 = arith.muli %mul3A_121, %scan3A_120 : i32
          %add3A_123 = arith.constant 0 : i32
          %add3A_124 = arith.addi %mul3A_122, %add3A_123 : i32
          %ge3A = arith.constant 1 : i32
          %ge3A_125 = arith.cmpi sge, %add3A_124, %ge3A : i32
          %convert_element_type3A_126 = arith.extui %ge3A_125 : i1 to i32
          %cond3A_127 = arith.constant 0 : i32
          %cond3A_128 = arith.cmpi ne, %convert_element_type3A_126, %cond3A_127 : i32
          scf.if %cond3A_128 {
            tpu.wait_dma2 semaphore(%arg18 : memref<!tpu.dma_semaphore, #tpu.memory_space<semaphore_mem>>) src(%arg7 : memref<100x128xf32, #tpu.memory_space<hbm>>) dst(%arg13 : memref<100x128xf32, #tpu.memory_space<vmem>>)
          } else {
          }
          %add3A_129 = arith.constant 1 : i32
          %add3A_130 = arith.addi %add3A_124, %add3A_129 : i32
          %lt3A_131 = arith.constant 40 : i32
          %lt3A_132 = arith.cmpi slt, %add3A_130, %lt3A_131 : i32
          %convert_element_type3A_133 = arith.extui %lt3A_132 : i1 to i32
          %cond3A_134 = arith.constant 0 : i32
          %cond3A_135 = arith.cmpi ne, %convert_element_type3A_133, %cond3A_134 : i32
          scf.if %cond3A_135 {
            %add3A_164 = arith.constant 1 : i32
            %add3A_165 = arith.addi %add3A_124, %add3A_164 : i32
            %dma_start3A_166 = arith.constant 0 : i32
            %dma_start3A_167 = tpu.memref_slice %arg10[%add3A_165, %dma_start3A_166] : memref<40x100xi32, #tpu.memory_space<vmem>> -> memref<1x100xi32, #tpu.memory_space<vmem>>
            %dma_start3A_168 = tpu.memref_squeeze %dma_start3A_167 : memref<1x100xi32, #tpu.memory_space<vmem>> -> memref<100xi32, #tpu.memory_space<vmem>>
            %dma_start3A_169 = arith.constant 0 : i32
            %dma_start3A_170 = arith.constant 0 : i32
            %dma_start3A_171 = tpu.memref_slice %arg3[%dma_start3A_169, %dma_start3A_170] : memref<10000x128xf32, #tpu.memory_space<hbm>> -> memref<10000x128xf32, #tpu.memory_space<hbm>>
            tpu.enqueue_indirect_dma source(%dma_start3A_171 : memref<10000x128xf32, #tpu.memory_space<hbm>>) target(%arg13 : memref<100x128xf32, #tpu.memory_space<vmem>>) offsets(%dma_start3A_168 : memref<100xi32, #tpu.memory_space<vmem>>) semaphore(%arg16 : memref<!tpu.dma_semaphore, #tpu.memory_space<semaphore_mem>>)
          } else {
          }
          tpu.wait_dma2 semaphore(%arg15 : memref<!tpu.dma_semaphore, #tpu.memory_space<semaphore_mem>>) src(%arg7 : memref<100x128xf32, #tpu.memory_space<hbm>>) dst(%arg12 : memref<100x128xf32, #tpu.memory_space<vmem>>)
          %dma_start3A_136 = arith.constant 0 : i32
          %dma_start3A_137 = tpu.memref_slice %arg11[%add3A_124, %dma_start3A_136] : memref<40x100xi32, #tpu.memory_space<vmem>> -> memref<1x100xi32, #tpu.memory_space<vmem>>
          %dma_start3A_138 = tpu.memref_squeeze %dma_start3A_137 : memref<1x100xi32, #tpu.memory_space<vmem>> -> memref<100xi32, #tpu.memory_space<vmem>>
          %dma_start3A_139 = arith.constant 0 : i32
          %dma_start3A_140 = arith.constant 0 : i32
          %dma_start3A_141 = tpu.memref_slice %arg14[%dma_start3A_139, %dma_start3A_140] : memref<10000x128xf32, #tpu.memory_space<vmem_shared>> -> memref<10000x128xf32, #tpu.memory_space<vmem_shared>>
          tpu.enqueue_indirect_dma source(%arg12 : memref<100x128xf32, #tpu.memory_space<vmem>>) target(%dma_start3A_141 : memref<10000x128xf32, #tpu.memory_space<vmem_shared>>) offsets(%dma_start3A_138 : memref<100xi32, #tpu.memory_space<vmem>>) semaphore(%arg17 : memref<!tpu.dma_semaphore, #tpu.memory_space<semaphore_mem>>) {add = true}
          %mul3A_142 = arith.constant 2 : i32
          %mul3A_143 = arith.muli %mul3A_142, %scan3A_120 : i32
          %add3A_144 = arith.constant 1 : i32
          %add3A_145 = arith.addi %mul3A_143, %add3A_144 : i32
          %ge3A_146 = arith.constant 1 : i32
          %ge3A_147 = arith.cmpi sge, %add3A_145, %ge3A_146 : i32
          %convert_element_type3A_148 = arith.extui %ge3A_147 : i1 to i32
          %cond3A_149 = arith.constant 0 : i32
          %cond3A_150 = arith.cmpi ne, %convert_element_type3A_148, %cond3A_149 : i32
          scf.if %cond3A_150 {
            tpu.wait_dma2 semaphore(%arg17 : memref<!tpu.dma_semaphore, #tpu.memory_space<semaphore_mem>>) src(%arg7 : memref<100x128xf32, #tpu.memory_space<hbm>>) dst(%arg12 : memref<100x128xf32, #tpu.memory_space<vmem>>)
          } else {
          }
          %add3A_151 = arith.constant 1 : i32
          %add3A_152 = arith.addi %add3A_145, %add3A_151 : i32
          %lt3A_153 = arith.constant 40 : i32
          %lt3A_154 = arith.cmpi slt, %add3A_152, %lt3A_153 : i32
          %convert_element_type3A_155 = arith.extui %lt3A_154 : i1 to i32
          %cond3A_156 = arith.constant 0 : i32
          %cond3A_157 = arith.cmpi ne, %convert_element_type3A_155, %cond3A_156 : i32
          scf.if %cond3A_157 {
            %add3A_164 = arith.constant 1 : i32
            %add3A_165 = arith.addi %add3A_145, %add3A_164 : i32
            %dma_start3A_166 = arith.constant 0 : i32
            %dma_start3A_167 = tpu.memref_slice %arg10[%add3A_165, %dma_start3A_166] : memref<40x100xi32, #tpu.memory_space<vmem>> -> memref<1x100xi32, #tpu.memory_space<vmem>>
            %dma_start3A_168 = tpu.memref_squeeze %dma_start3A_167 : memref<1x100xi32, #tpu.memory_space<vmem>> -> memref<100xi32, #tpu.memory_space<vmem>>
            %dma_start3A_169 = arith.constant 0 : i32
            %dma_start3A_170 = arith.constant 0 : i32
            %dma_start3A_171 = tpu.memref_slice %arg3[%dma_start3A_169, %dma_start3A_170] : memref<10000x128xf32, #tpu.memory_space<hbm>> -> memref<10000x128xf32, #tpu.memory_space<hbm>>
            tpu.enqueue_indirect_dma source(%dma_start3A_171 : memref<10000x128xf32, #tpu.memory_space<hbm>>) target(%arg12 : memref<100x128xf32, #tpu.memory_space<vmem>>) offsets(%dma_start3A_168 : memref<100xi32, #tpu.memory_space<vmem>>) semaphore(%arg15 : memref<!tpu.dma_semaphore, #tpu.memory_space<semaphore_mem>>)
          } else {
          }
          tpu.wait_dma2 semaphore(%arg16 : memref<!tpu.dma_semaphore, #tpu.memory_space<semaphore_mem>>) src(%arg7 : memref<100x128xf32, #tpu.memory_space<hbm>>) dst(%arg13 : memref<100x128xf32, #tpu.memory_space<vmem>>)
          %dma_start3A_158 = arith.constant 0 : i32
          %dma_start3A_159 = tpu.memref_slice %arg11[%add3A_145, %dma_start3A_158] : memref<40x100xi32, #tpu.memory_space<vmem>> -> memref<1x100xi32, #tpu.memory_space<vmem>>
          %dma_start3A_160 = tpu.memref_squeeze %dma_start3A_159 : memref<1x100xi32, #tpu.memory_space<vmem>> -> memref<100xi32, #tpu.memory_space<vmem>>
          %dma_start3A_161 = arith.constant 0 : i32
          %dma_start3A_162 = arith.constant 0 : i32
          %dma_start3A_163 = tpu.memref_slice %arg14[%dma_start3A_161, %dma_start3A_162] : memref<10000x128xf32, #tpu.memory_space<vmem_shared>> -> memref<10000x128xf32, #tpu.memory_space<vmem_shared>>
          tpu.enqueue_indirect_dma source(%arg13 : memref<100x128xf32, #tpu.memory_space<vmem>>) target(%dma_start3A_163 : memref<10000x128xf32, #tpu.memory_space<vmem_shared>>) offsets(%dma_start3A_160 : memref<100xi32, #tpu.memory_space<vmem>>) semaphore(%arg18 : memref<!tpu.dma_semaphore, #tpu.memory_space<semaphore_mem>>) {add = true}
        }
        %scan3A_119 = arith.constant 20 : i32
        tpu.wait_dma2 semaphore(%arg18 : memref<!tpu.dma_semaphore, #tpu.memory_space<semaphore_mem>>) src(%arg7 : memref<100x128xf32, #tpu.memory_space<hbm>>) dst(%arg13 : memref<100x128xf32, #tpu.memory_space<vmem>>)
      }
      %while3A_89 = arith.constant 1 : i32
      scf.for %while3A_90 = %while3A_87 to %while3A_83 step %while3A_89  : i32 {
        %mul3A_91 = arith.constant 40 : i32
        %mul3A_92 = arith.muli %while3A_90, %mul3A_91 : i32
        %add3A_93 = arith.addi %select_n3A_18, %mul3A_92 : i32
        %dma_start3A = arith.constant 0 : i32
        %dma_start3A_94 = tpu.memref_slice %arg4[%add3A_93, %dma_start3A] : memref<3200x100xi32, #tpu.memory_space<hbm>> -> memref<40x100xi32, #tpu.memory_space<hbm>>
        %dma_start3A_95 = arith.constant 0 : i32
        %dma_start3A_96 = tpu.memref_slice %arg4[%add3A_93, %dma_start3A_95] : memref<3200x100xi32, #tpu.memory_space<hbm>> -> memref<40x100xi32, #tpu.memory_space<hbm>>
        tpu.enqueue_dma source(%dma_start3A_96 : memref<40x100xi32, #tpu.memory_space<hbm>>) target(%arg10 : memref<40x100xi32, #tpu.memory_space<vmem>>) target_semaphore(%arg15 : memref<!tpu.dma_semaphore, #tpu.memory_space<semaphore_mem>>)
        %dma_start3A_97 = arith.constant 0 : i32
        %dma_start3A_98 = tpu.memref_slice %arg5[%add3A_93, %dma_start3A_97] : memref<3200x100xi32, #tpu.memory_space<hbm>> -> memref<40x100xi32, #tpu.memory_space<hbm>>
        %dma_start3A_99 = arith.constant 0 : i32
        %dma_start3A_100 = tpu.memref_slice %arg5[%add3A_93, %dma_start3A_99] : memref<3200x100xi32, #tpu.memory_space<hbm>> -> memref<40x100xi32, #tpu.memory_space<hbm>>
        tpu.enqueue_dma source(%dma_start3A_100 : memref<40x100xi32, #tpu.memory_space<hbm>>) target(%arg11 : memref<40x100xi32, #tpu.memory_space<vmem>>) target_semaphore(%arg15 : memref<!tpu.dma_semaphore, #tpu.memory_space<semaphore_mem>>)
        %dma_wait3A = arith.constant 0 : i32
        %dma_wait3A_101 = tpu.memref_slice %arg4[%add3A_93, %dma_wait3A] : memref<3200x100xi32, #tpu.memory_space<hbm>> -> memref<40x100xi32, #tpu.memory_space<hbm>>
        %dma_wait3A_102 = arith.constant 0 : i32
        %dma_wait3A_103 = tpu.memref_slice %arg4[%add3A_93, %dma_wait3A_102] : memref<3200x100xi32, #tpu.memory_space<hbm>> -> memref<40x100xi32, #tpu.memory_space<hbm>>
        tpu.wait_dma2 semaphore(%arg15 : memref<!tpu.dma_semaphore, #tpu.memory_space<semaphore_mem>>) src(%dma_wait3A_103 : memref<40x100xi32, #tpu.memory_space<hbm>>) dst(%arg10 : memref<40x100xi32, #tpu.memory_space<vmem>>)
        %dma_wait3A_104 = arith.constant 0 : i32
        %dma_wait3A_105 = tpu.memref_slice %arg5[%add3A_93, %dma_wait3A_104] : memref<3200x100xi32, #tpu.memory_space<hbm>> -> memref<40x100xi32, #tpu.memory_space<hbm>>
        %dma_wait3A_106 = arith.constant 0 : i32
        %dma_wait3A_107 = tpu.memref_slice %arg5[%add3A_93, %dma_wait3A_106] : memref<3200x100xi32, #tpu.memory_space<hbm>> -> memref<40x100xi32, #tpu.memory_space<hbm>>
        tpu.wait_dma2 semaphore(%arg15 : memref<!tpu.dma_semaphore, #tpu.memory_space<semaphore_mem>>) src(%dma_wait3A_107 : memref<40x100xi32, #tpu.memory_space<hbm>>) dst(%arg11 : memref<40x100xi32, #tpu.memory_space<vmem>>)
        %dma_start3A_108 = arith.constant 0 : i32
        %dma_start3A_109 = arith.constant 0 : i32
        %dma_start3A_110 = tpu.memref_slice %arg10[%dma_start3A_108, %dma_start3A_109] : memref<40x100xi32, #tpu.memory_space<vmem>> -> memref<1x100xi32, #tpu.memory_space<vmem>>
        %dma_start3A_111 = tpu.memref_squeeze %dma_start3A_110 : memref<1x100xi32, #tpu.memory_space<vmem>> -> memref<100xi32, #tpu.memory_space<vmem>>
        %dma_start3A_112 = arith.constant 0 : i32
        %dma_start3A_113 = arith.constant 0 : i32
        %dma_start3A_114 = tpu.memref_slice %arg3[%dma_start3A_112, %dma_start3A_113] : memref<10000x128xf32, #tpu.memory_space<hbm>> -> memref<10000x128xf32, #tpu.memory_space<hbm>>
        tpu.enqueue_indirect_dma source(%dma_start3A_114 : memref<10000x128xf32, #tpu.memory_space<hbm>>) target(%arg12 : memref<100x128xf32, #tpu.memory_space<vmem>>) offsets(%dma_start3A_111 : memref<100xi32, #tpu.memory_space<vmem>>) semaphore(%arg15 : memref<!tpu.dma_semaphore, #tpu.memory_space<semaphore_mem>>)
        %scan3A = arith.constant 0 : i32
        %scan3A_115 = arith.constant 0 : i32
        %scan3A_116 = arith.constant 20 : i32
        %scan3A_117 = arith.addi %scan3A_115, %scan3A_116 : i32
        %scan3A_118 = arith.constant 1 : i32
        scf.for %scan3A_120 = %scan3A_115 to %scan3A_117 step %scan3A_118  : i32 {
          %mul3A_121 = arith.constant 2 : i32
          %mul3A_122 = arith.muli %mul3A_121, %scan3A_120 : i32
          %add3A_123 = arith.constant 0 : i32
          %add3A_124 = arith.addi %mul3A_122, %add3A_123 : i32
          %ge3A = arith.constant 1 : i32
          %ge3A_125 = arith.cmpi sge, %add3A_124, %ge3A : i32
          %convert_element_type3A_126 = arith.extui %ge3A_125 : i1 to i32
          %cond3A_127 = arith.constant 0 : i32
          %cond3A_128 = arith.cmpi ne, %convert_element_type3A_126, %cond3A_127 : i32
          scf.if %cond3A_128 {
            tpu.wait_dma2 semaphore(%arg18 : memref<!tpu.dma_semaphore, #tpu.memory_space<semaphore_mem>>) src(%arg7 : memref<100x128xf32, #tpu.memory_space<hbm>>) dst(%arg13 : memref<100x128xf32, #tpu.memory_space<vmem>>)
          } else {
          }
          %add3A_129 = arith.constant 1 : i32
          %add3A_130 = arith.addi %add3A_124, %add3A_129 : i32
          %lt3A_131 = arith.constant 40 : i32
          %lt3A_132 = arith.cmpi slt, %add3A_130, %lt3A_131 : i32
          %convert_element_type3A_133 = arith.extui %lt3A_132 : i1 to i32
          %cond3A_134 = arith.constant 0 : i32
          %cond3A_135 = arith.cmpi ne, %convert_element_type3A_133, %cond3A_134 : i32
          scf.if %cond3A_135 {
            %add3A_164 = arith.constant 1 : i32
            %add3A_165 = arith.addi %add3A_124, %add3A_164 : i32
            %dma_start3A_166 = arith.constant 0 : i32
            %dma_start3A_167 = tpu.memref_slice %arg10[%add3A_165, %dma_start3A_166] : memref<40x100xi32, #tpu.memory_space<vmem>> -> memref<1x100xi32, #tpu.memory_space<vmem>>
            %dma_start3A_168 = tpu.memref_squeeze %dma_start3A_167 : memref<1x100xi32, #tpu.memory_space<vmem>> -> memref<100xi32, #tpu.memory_space<vmem>>
            %dma_start3A_169 = arith.constant 0 : i32
            %dma_start3A_170 = arith.constant 0 : i32
            %dma_start3A_171 = tpu.memref_slice %arg3[%dma_start3A_169, %dma_start3A_170] : memref<10000x128xf32, #tpu.memory_space<hbm>> -> memref<10000x128xf32, #tpu.memory_space<hbm>>
            tpu.enqueue_indirect_dma source(%dma_start3A_171 : memref<10000x128xf32, #tpu.memory_space<hbm>>) target(%arg13 : memref<100x128xf32, #tpu.memory_space<vmem>>) offsets(%dma_start3A_168 : memref<100xi32, #tpu.memory_space<vmem>>) semaphore(%arg16 : memref<!tpu.dma_semaphore, #tpu.memory_space<semaphore_mem>>)
          } else {
          }
          tpu.wait_dma2 semaphore(%arg15 : memref<!tpu.dma_semaphore, #tpu.memory_space<semaphore_mem>>) src(%arg7 : memref<100x128xf32, #tpu.memory_space<hbm>>) dst(%arg12 : memref<100x128xf32, #tpu.memory_space<vmem>>)
          %dma_start3A_136 = arith.constant 0 : i32
          %dma_start3A_137 = tpu.memref_slice %arg11[%add3A_124, %dma_start3A_136] : memref<40x100xi32, #tpu.memory_space<vmem>> -> memref<1x100xi32, #tpu.memory_space<vmem>>
          %dma_start3A_138 = tpu.memref_squeeze %dma_start3A_137 : memref<1x100xi32, #tpu.memory_space<vmem>> -> memref<100xi32, #tpu.memory_space<vmem>>
          %dma_start3A_139 = arith.constant 0 : i32
          %dma_start3A_140 = arith.constant 0 : i32
          %dma_start3A_141 = tpu.memref_slice %arg14[%dma_start3A_139, %dma_start3A_140] : memref<10000x128xf32, #tpu.memory_space<vmem_shared>> -> memref<10000x128xf32, #tpu.memory_space<vmem_shared>>
          tpu.enqueue_indirect_dma source(%arg12 : memref<100x128xf32, #tpu.memory_space<vmem>>) target(%dma_start3A_141 : memref<10000x128xf32, #tpu.memory_space<vmem_shared>>) offsets(%dma_start3A_138 : memref<100xi32, #tpu.memory_space<vmem>>) semaphore(%arg17 : memref<!tpu.dma_semaphore, #tpu.memory_space<semaphore_mem>>) {add = true}
          %mul3A_142 = arith.constant 2 : i32
          %mul3A_143 = arith.muli %mul3A_142, %scan3A_120 : i32
          %add3A_144 = arith.constant 1 : i32
          %add3A_145 = arith.addi %mul3A_143, %add3A_144 : i32
          %ge3A_146 = arith.constant 1 : i32
          %ge3A_147 = arith.cmpi sge, %add3A_145, %ge3A_146 : i32
          %convert_element_type3A_148 = arith.extui %ge3A_147 : i1 to i32
          %cond3A_149 = arith.constant 0 : i32
          %cond3A_150 = arith.cmpi ne, %convert_element_type3A_148, %cond3A_149 : i32
          scf.if %cond3A_150 {
            tpu.wait_dma2 semaphore(%arg17 : memref<!tpu.dma_semaphore, #tpu.memory_space<semaphore_mem>>) src(%arg7 : memref<100x128xf32, #tpu.memory_space<hbm>>) dst(%arg12 : memref<100x128xf32, #tpu.memory_space<vmem>>)
          } else {
          }
          %add3A_151 = arith.constant 1 : i32
          %add3A_152 = arith.addi %add3A_145, %add3A_151 : i32
          %lt3A_153 = arith.constant 40 : i32
          %lt3A_154 = arith.cmpi slt, %add3A_152, %lt3A_153 : i32
          %convert_element_type3A_155 = arith.extui %lt3A_154 : i1 to i32
          %cond3A_156 = arith.constant 0 : i32
          %cond3A_157 = arith.cmpi ne, %convert_element_type3A_155, %cond3A_156 : i32
          scf.if %cond3A_157 {
            %add3A_164 = arith.constant 1 : i32
            %add3A_165 = arith.addi %add3A_145, %add3A_164 : i32
            %dma_start3A_166 = arith.constant 0 : i32
            %dma_start3A_167 = tpu.memref_slice %arg10[%add3A_165, %dma_start3A_166] : memref<40x100xi32, #tpu.memory_space<vmem>> -> memref<1x100xi32, #tpu.memory_space<vmem>>
            %dma_start3A_168 = tpu.memref_squeeze %dma_start3A_167 : memref<1x100xi32, #tpu.memory_space<vmem>> -> memref<100xi32, #tpu.memory_space<vmem>>
            %dma_start3A_169 = arith.constant 0 : i32
            %dma_start3A_170 = arith.constant 0 : i32
            %dma_start3A_171 = tpu.memref_slice %arg3[%dma_start3A_169, %dma_start3A_170] : memref<10000x128xf32, #tpu.memory_space<hbm>> -> memref<10000x128xf32, #tpu.memory_space<hbm>>
            tpu.enqueue_indirect_dma source(%dma_start3A_171 : memref<10000x128xf32, #tpu.memory_space<hbm>>) target(%arg12 : memref<100x128xf32, #tpu.memory_space<vmem>>) offsets(%dma_start3A_168 : memref<100xi32, #tpu.memory_space<vmem>>) semaphore(%arg15 : memref<!tpu.dma_semaphore, #tpu.memory_space<semaphore_mem>>)
          } else {
          }
          tpu.wait_dma2 semaphore(%arg16 : memref<!tpu.dma_semaphore, #tpu.memory_space<semaphore_mem>>) src(%arg7 : memref<100x128xf32, #tpu.memory_space<hbm>>) dst(%arg13 : memref<100x128xf32, #tpu.memory_space<vmem>>)
          %dma_start3A_158 = arith.constant 0 : i32
          %dma_start3A_159 = tpu.memref_slice %arg11[%add3A_145, %dma_start3A_158] : memref<40x100xi32, #tpu.memory_space<vmem>> -> memref<1x100xi32, #tpu.memory_space<vmem>>
          %dma_start3A_160 = tpu.memref_squeeze %dma_start3A_159 : memref<1x100xi32, #tpu.memory_space<vmem>> -> memref<100xi32, #tpu.memory_space<vmem>>
          %dma_start3A_161 = arith.constant 0 : i32
          %dma_start3A_162 = arith.constant 0 : i32
          %dma_start3A_163 = tpu.memref_slice %arg14[%dma_start3A_161, %dma_start3A_162] : memref<10000x128xf32, #tpu.memory_space<vmem_shared>> -> memref<10000x128xf32, #tpu.memory_space<vmem_shared>>
          tpu.enqueue_indirect_dma source(%arg13 : memref<100x128xf32, #tpu.memory_space<vmem>>) target(%dma_start3A_163 : memref<10000x128xf32, #tpu.memory_space<vmem_shared>>) offsets(%dma_start3A_160 : memref<100xi32, #tpu.memory_space<vmem>>) semaphore(%arg18 : memref<!tpu.dma_semaphore, #tpu.memory_space<semaphore_mem>>) {add = true}
        }
        %scan3A_119 = arith.constant 20 : i32
        tpu.wait_dma2 semaphore(%arg18 : memref<!tpu.dma_semaphore, #tpu.memory_space<semaphore_mem>>) src(%arg7 : memref<100x128xf32, #tpu.memory_space<hbm>>) dst(%arg13 : memref<100x128xf32, #tpu.memory_space<vmem>>)
      }
    } else {
    }
    %barrier3A_29 = arith.constant 0 : index
    tpu.barrier barrier_id(%barrier3A_29)
    %eq3A_30 = arith.constant 0 : i32
    %eq3A_31 = arith.cmpi eq, %arg0, %eq3A_30 : i32
    %lt3A_32 = arith.constant 15 : i32
    %lt3A_33 = arith.cmpi slt, %arg1, %lt3A_32 : i32
    %and3A = arith.andi %eq3A_31, %lt3A_33 : i1
    %eq3A_34 = arith.constant 0 : i32
    %eq3A_35 = arith.cmpi eq, %arg0, %eq3A_34 : i32
    %eq3A_36 = arith.constant 15 : i32
    %eq3A_37 = arith.cmpi eq, %arg1, %eq3A_36 : i32
    %and3A_38 = arith.andi %eq3A_35, %eq3A_37 : i1
    %convert_element_type3A_39 = arith.extui %and3A : i1 to i32
    %cond3A_40 = arith.constant 0 : i32
    %cond3A_41 = arith.cmpi ne, %convert_element_type3A_39, %cond3A_40 : i32
    scf.if %cond3A_41 {
      "tpu.region"() ({
        %run_scoped3A = tpu.sem_alloc : memref<!tpu.dma_semaphore, #tpu.memory_space<semaphore_mem>>
        %dma_start3A = arith.constant 0 : i32
        %dma_start3A_61 = tpu.memref_slice %arg8[%mul3A_0, %dma_start3A] : memref<10000x128xf32, #tpu.memory_space<hbm>> -> memref<632x128xf32, #tpu.memory_space<hbm>>
        %dma_start3A_62 = arith.constant 0 : i32
        %dma_start3A_63 = tpu.memref_slice %arg14[%mul3A_0, %dma_start3A_62] : memref<10000x128xf32, #tpu.memory_space<vmem_shared>> -> memref<632x128xf32, #tpu.memory_space<vmem_shared>>
        tpu.enqueue_dma source(%dma_start3A_63 : memref<632x128xf32, #tpu.memory_space<vmem_shared>>) target(%dma_start3A_61 : memref<632x128xf32, #tpu.memory_space<hbm>>) target_semaphore(%run_scoped3A : memref<!tpu.dma_semaphore, #tpu.memory_space<semaphore_mem>>)
        %dma_wait3A = arith.constant 0 : i32
        %dma_wait3A_64 = tpu.memref_slice %arg8[%mul3A_0, %dma_wait3A] : memref<10000x128xf32, #tpu.memory_space<hbm>> -> memref<632x128xf32, #tpu.memory_space<hbm>>
        %dma_wait3A_65 = arith.constant 0 : i32
        %dma_wait3A_66 = tpu.memref_slice %arg14[%mul3A_0, %dma_wait3A_65] : memref<10000x128xf32, #tpu.memory_space<vmem_shared>> -> memref<632x128xf32, #tpu.memory_space<vmem_shared>>
        tpu.wait_dma2 semaphore(%run_scoped3A : memref<!tpu.dma_semaphore, #tpu.memory_space<semaphore_mem>>) src(%dma_wait3A_66 : memref<632x128xf32, #tpu.memory_space<vmem_shared>>) dst(%dma_wait3A_64 : memref<632x128xf32, #tpu.memory_space<hbm>>)
        tpu.yield
      }) : () -> ()
    } else {
    }
    %convert_element_type3A_42 = arith.extui %and3A_38 : i1 to i32
    %cond3A_43 = arith.constant 0 : i32
    %cond3A_44 = arith.cmpi ne, %convert_element_type3A_42, %cond3A_43 : i32
    scf.if %cond3A_44 {
      "tpu.region"() ({
        %run_scoped3A = tpu.sem_alloc : memref<!tpu.dma_semaphore, #tpu.memory_space<semaphore_mem>>
        %dma_start3A = arith.constant 0 : i32
        %dma_start3A_61 = tpu.memref_slice %arg8[%mul3A_0, %dma_start3A] : memref<10000x128xf32, #tpu.memory_space<hbm>> -> memref<520x128xf32, #tpu.memory_space<hbm>>
        %dma_start3A_62 = arith.constant 0 : i32
        %dma_start3A_63 = tpu.memref_slice %arg14[%mul3A_0, %dma_start3A_62] : memref<10000x128xf32, #tpu.memory_space<vmem_shared>> -> memref<520x128xf32, #tpu.memory_space<vmem_shared>>
        tpu.enqueue_dma source(%dma_start3A_63 : memref<520x128xf32, #tpu.memory_space<vmem_shared>>) target(%dma_start3A_61 : memref<520x128xf32, #tpu.memory_space<hbm>>) target_semaphore(%run_scoped3A : memref<!tpu.dma_semaphore, #tpu.memory_space<semaphore_mem>>)
        %dma_wait3A = arith.constant 0 : i32
        %dma_wait3A_64 = tpu.memref_slice %arg8[%mul3A_0, %dma_wait3A] : memref<10000x128xf32, #tpu.memory_space<hbm>> -> memref<520x128xf32, #tpu.memory_space<hbm>>
        %dma_wait3A_65 = arith.constant 0 : i32
        %dma_wait3A_66 = tpu.memref_slice %arg14[%mul3A_0, %dma_wait3A_65] : memref<10000x128xf32, #tpu.memory_space<vmem_shared>> -> memref<520x128xf32, #tpu.memory_space<vmem_shared>>
        tpu.wait_dma2 semaphore(%run_scoped3A : memref<!tpu.dma_semaphore, #tpu.memory_space<semaphore_mem>>) src(%dma_wait3A_66 : memref<520x128xf32, #tpu.memory_space<vmem_shared>>) dst(%dma_wait3A_64 : memref<520x128xf32, #tpu.memory_space<hbm>>)
        tpu.yield
      }) : () -> ()
    } else {
    }
    %eq3A_45 = arith.constant 1 : i32
    %eq3A_46 = arith.cmpi eq, %arg0, %eq3A_45 : i32
    %lt3A_47 = arith.constant 15 : i32
    %lt3A_48 = arith.cmpi slt, %arg1, %lt3A_47 : i32
    %and3A_49 = arith.andi %eq3A_46, %lt3A_48 : i1
    %eq3A_50 = arith.constant 1 : i32
    %eq3A_51 = arith.cmpi eq, %arg0, %eq3A_50 : i32
    %eq3A_52 = arith.constant 15 : i32
    %eq3A_53 = arith.cmpi eq, %arg1, %eq3A_52 : i32
    %and3A_54 = arith.andi %eq3A_51, %eq3A_53 : i1
    %convert_element_type3A_55 = arith.extui %and3A_49 : i1 to i32
    %cond3A_56 = arith.constant 0 : i32
    %cond3A_57 = arith.cmpi ne, %convert_element_type3A_55, %cond3A_56 : i32
    scf.if %cond3A_57 {
      "tpu.region"() ({
        %run_scoped3A = tpu.sem_alloc : memref<!tpu.dma_semaphore, #tpu.memory_space<semaphore_mem>>
        %dma_start3A = arith.constant 0 : i32
        %dma_start3A_61 = tpu.memref_slice %arg9[%mul3A_0, %dma_start3A] : memref<10000x128xf32, #tpu.memory_space<hbm>> -> memref<632x128xf32, #tpu.memory_space<hbm>>
        %dma_start3A_62 = arith.constant 0 : i32
        %dma_start3A_63 = tpu.memref_slice %arg14[%mul3A_0, %dma_start3A_62] : memref<10000x128xf32, #tpu.memory_space<vmem_shared>> -> memref<632x128xf32, #tpu.memory_space<vmem_shared>>
        tpu.enqueue_dma source(%dma_start3A_63 : memref<632x128xf32, #tpu.memory_space<vmem_shared>>) target(%dma_start3A_61 : memref<632x128xf32, #tpu.memory_space<hbm>>) target_semaphore(%run_scoped3A : memref<!tpu.dma_semaphore, #tpu.memory_space<semaphore_mem>>)
        %dma_wait3A = arith.constant 0 : i32
        %dma_wait3A_64 = tpu.memref_slice %arg9[%mul3A_0, %dma_wait3A] : memref<10000x128xf32, #tpu.memory_space<hbm>> -> memref<632x128xf32, #tpu.memory_space<hbm>>
        %dma_wait3A_65 = arith.constant 0 : i32
        %dma_wait3A_66 = tpu.memref_slice %arg14[%mul3A_0, %dma_wait3A_65] : memref<10000x128xf32, #tpu.memory_space<vmem_shared>> -> memref<632x128xf32, #tpu.memory_space<vmem_shared>>
        tpu.wait_dma2 semaphore(%run_scoped3A : memref<!tpu.dma_semaphore, #tpu.memory_space<semaphore_mem>>) src(%dma_wait3A_66 : memref<632x128xf32, #tpu.memory_space<vmem_shared>>) dst(%dma_wait3A_64 : memref<632x128xf32, #tpu.memory_space<hbm>>)
        tpu.yield
      }) : () -> ()
    } else {
    }
    %convert_element_type3A_58 = arith.extui %and3A_54 : i1 to i32
    %cond3A_59 = arith.constant 0 : i32
    %cond3A_60 = arith.cmpi ne, %convert_element_type3A_58, %cond3A_59 : i32
    scf.if %cond3A_60 {
      "tpu.region"() ({
        %run_scoped3A = tpu.sem_alloc : memref<!tpu.dma_semaphore, #tpu.memory_space<semaphore_mem>>
        %dma_start3A = arith.constant 0 : i32
        %dma_start3A_61 = tpu.memref_slice %arg9[%mul3A_0, %dma_start3A] : memref<10000x128xf32, #tpu.memory_space<hbm>> -> memref<520x128xf32, #tpu.memory_space<hbm>>
        %dma_start3A_62 = arith.constant 0 : i32
        %dma_start3A_63 = tpu.memref_slice %arg14[%mul3A_0, %dma_start3A_62] : memref<10000x128xf32, #tpu.memory_space<vmem_shared>> -> memref<520x128xf32, #tpu.memory_space<vmem_shared>>
        tpu.enqueue_dma source(%dma_start3A_63 : memref<520x128xf32, #tpu.memory_space<vmem_shared>>) target(%dma_start3A_61 : memref<520x128xf32, #tpu.memory_space<hbm>>) target_semaphore(%run_scoped3A : memref<!tpu.dma_semaphore, #tpu.memory_space<semaphore_mem>>)
        %dma_wait3A = arith.constant 0 : i32
        %dma_wait3A_64 = tpu.memref_slice %arg9[%mul3A_0, %dma_wait3A] : memref<10000x128xf32, #tpu.memory_space<hbm>> -> memref<520x128xf32, #tpu.memory_space<hbm>>
        %dma_wait3A_65 = arith.constant 0 : i32
        %dma_wait3A_66 = tpu.memref_slice %arg14[%mul3A_0, %dma_wait3A_65] : memref<10000x128xf32, #tpu.memory_space<vmem_shared>> -> memref<520x128xf32, #tpu.memory_space<vmem_shared>>
        tpu.wait_dma2 semaphore(%run_scoped3A : memref<!tpu.dma_semaphore, #tpu.memory_space<semaphore_mem>>) src(%dma_wait3A_66 : memref<520x128xf32, #tpu.memory_space<vmem_shared>>) dst(%dma_wait3A_64 : memref<520x128xf32, #tpu.memory_space<hbm>>)
        tpu.yield
      }) : () -> ()
    } else {
    }
    return
  }
}

#map = affine_map<(d0, d1) -> (0, 0)>
module attributes {stable_mosaic.version = 14 : i64} {
  func.func @spmm_kernel(%arg0: i32, %arg1: i32, %arg2: memref<10000x128xf32, #tpu.memory_space<hbm>>, %arg3: memref<10000x128xf32, #tpu.memory_space<hbm>>, %arg4: memref<3200x100xi32, #tpu.memory_space<hbm>>, %arg5: memref<3200x100xi32, #tpu.memory_space<hbm>>, %arg6: memref<632x128xf32, #tpu.memory_space<hbm>>, %arg7: memref<100x128xf32, #tpu.memory_space<hbm>>, %arg8: memref<10000x128xf32, #tpu.memory_space<hbm>>, %arg9: memref<10000x128xf32, #tpu.memory_space<hbm>>, %arg10: memref<40x100xi32, #tpu.memory_space<vmem>>, %arg11: memref<40x100xi32, #tpu.memory_space<vmem>>, %arg12: memref<100x128xf32, #tpu.memory_space<vmem>>, %arg13: memref<100x128xf32, #tpu.memory_space<vmem>>, %arg14: memref<10000x128xf32, #tpu.memory_space<vmem_shared>>, %arg15: memref<!tpu.dma_semaphore, #tpu.memory_space<semaphore_mem>>, %arg16: memref<!tpu.dma_semaphore, #tpu.memory_space<semaphore_mem>>, %arg17: memref<!tpu.dma_semaphore, #tpu.memory_space<semaphore_mem>>, %arg18: memref<!tpu.dma_semaphore, #tpu.memory_space<semaphore_mem>>) attributes {dimension_semantics = [#tpu.dimension_semantics<core_parallel>, #tpu.dimension_semantics<subcore_parallel>], iteration_bounds = array<i64: 2, 16>, scalar_prefetch = 0 : i64, scratch_operands = 9 : i64, tpu.core_type = #tpu.core_type<sc_vector_subcore>, window_params = [{transform_indices = #map}, {transform_indices = #map}, {transform_indices = #map}, {transform_indices = #map}, {transform_indices = #map}, {transform_indices = #map}, {transform_indices = #map}, {transform_indices = #map}]} {
    %mul3A = arith.constant 632 : i32
    %mul3A_0 = arith.muli %arg1, %mul3A : i32
    %lt3A = arith.constant 15 : i32
    %lt3A_1 = arith.cmpi slt, %arg1, %lt3A : i32
    %convert_element_type3A = arith.extui %lt3A_1 : i1 to i32
    %cond3A = arith.constant 0 : i32
    %cond3A_2 = arith.cmpi ne, %convert_element_type3A, %cond3A : i32
    scf.if %cond3A_2 {
      "tpu.region"() ({
        %run_scoped3A = tpu.sem_alloc : memref<!tpu.dma_semaphore, #tpu.memory_space<semaphore_mem>>
        %dma_start3A = arith.constant 0 : i32
        %dma_start3A_61 = tpu.memref_slice %arg14[%mul3A_0, %dma_start3A] : memref<10000x128xf32, #tpu.memory_space<vmem_shared>> -> memref<632x128xf32, #tpu.memory_space<vmem_shared>>
        tpu.enqueue_dma source(%arg6 : memref<632x128xf32, #tpu.memory_space<hbm>>) target(%dma_start3A_61 : memref<632x128xf32, #tpu.memory_space<vmem_shared>>) target_semaphore(%run_scoped3A : memref<!tpu.dma_semaphore, #tpu.memory_space<semaphore_mem>>)
        %dma_wait3A = arith.constant 0 : i32
        %dma_wait3A_62 = tpu.memref_slice %arg14[%mul3A_0, %dma_wait3A] : memref<10000x128xf32, #tpu.memory_space<vmem_shared>> -> memref<632x128xf32, #tpu.memory_space<vmem_shared>>
        tpu.wait_dma2 semaphore(%run_scoped3A : memref<!tpu.dma_semaphore, #tpu.memory_space<semaphore_mem>>) src(%arg6 : memref<632x128xf32, #tpu.memory_space<hbm>>) dst(%dma_wait3A_62 : memref<632x128xf32, #tpu.memory_space<vmem_shared>>)
        tpu.yield
      }) : () -> ()
    } else {
    }
    %eq3A = arith.constant 15 : i32
    %eq3A_3 = arith.cmpi eq, %arg1, %eq3A : i32
    %convert_element_type3A_4 = arith.extui %eq3A_3 : i1 to i32
    %cond3A_5 = arith.constant 0 : i32
    %cond3A_6 = arith.cmpi ne, %convert_element_type3A_4, %cond3A_5 : i32
    scf.if %cond3A_6 {
      "tpu.region"() ({
        %run_scoped3A = tpu.sem_alloc : memref<!tpu.dma_semaphore, #tpu.memory_space<semaphore_mem>>
        %dma_start3A = arith.constant 0 : i32
        %dma_start3A_61 = tpu.memref_slice %arg14[%mul3A_0, %dma_start3A] : memref<10000x128xf32, #tpu.memory_space<vmem_shared>> -> memref<520x128xf32, #tpu.memory_space<vmem_shared>>
        %dma_start3A_62 = arith.constant 0 : i32
        %dma_start3A_63 = arith.constant 0 : i32
        %dma_start3A_64 = tpu.memref_slice %arg6[%dma_start3A_62, %dma_start3A_63] : memref<632x128xf32, #tpu.memory_space<hbm>> -> memref<520x128xf32, #tpu.memory_space<hbm>>
        tpu.enqueue_dma source(%dma_start3A_64 : memref<520x128xf32, #tpu.memory_space<hbm>>) target(%dma_start3A_61 : memref<520x128xf32, #tpu.memory_space<vmem_shared>>) target_semaphore(%run_scoped3A : memref<!tpu.dma_semaphore, #tpu.memory_space<semaphore_mem>>)
        %dma_wait3A = arith.constant 0 : i32
        %dma_wait3A_65 = tpu.memref_slice %arg14[%mul3A_0, %dma_wait3A] : memref<10000x128xf32, #tpu.memory_space<vmem_shared>> -> memref<520x128xf32, #tpu.memory_space<vmem_shared>>
        %dma_wait3A_66 = arith.constant 0 : i32
        %dma_wait3A_67 = arith.constant 0 : i32
        %dma_wait3A_68 = tpu.memref_slice %arg6[%dma_wait3A_66, %dma_wait3A_67] : memref<632x128xf32, #tpu.memory_space<hbm>> -> memref<520x128xf32, #tpu.memory_space<hbm>>
        tpu.wait_dma2 semaphore(%run_scoped3A : memref<!tpu.dma_semaphore, #tpu.memory_space<semaphore_mem>>) src(%dma_wait3A_68 : memref<520x128xf32, #tpu.memory_space<hbm>>) dst(%dma_wait3A_65 : memref<520x128xf32, #tpu.memory_space<vmem_shared>>)
        tpu.yield
      }) : () -> ()
    } else {
    }
    %barrier3A = arith.constant 0 : index
    tpu.barrier barrier_id(%barrier3A)
    %lt3A_7 = arith.constant 15 : i32
    %lt3A_8 = arith.cmpi slt, %arg1, %lt3A_7 : i32
    %jit3A = arith.constant 200 : i32
    %jit3A_9 = arith.constant 200 : i32
    %select_n3A = arith.select %lt3A_8, %jit3A, %jit3A_9 : i32
    %lt3A_10 = arith.constant 15 : i32
    %lt3A_11 = arith.cmpi slt, %arg1, %lt3A_10 : i32
    %mul3A_12 = arith.constant 200 : i32
    %mul3A_13 = arith.muli %arg1, %mul3A_12 : i32
    %sub3A = arith.constant 15 : i32
    %sub3A_14 = arith.subi %arg1, %sub3A : i32
    %mul3A_15 = arith.constant 200 : i32
    %mul3A_16 = arith.muli %sub3A_14, %mul3A_15 : i32
    %add3A = arith.constant 3000 : i32
    %add3A_17 = arith.addi %add3A, %mul3A_16 : i32
    %select_n3A_18 = arith.select %lt3A_11, %mul3A_13, %add3A_17 : i32
    %eq3A_19 = arith.constant 0 : i32
    %eq3A_20 = arith.cmpi eq, %arg0, %eq3A_19 : i32
    %convert_element_type3A_21 = arith.extui %eq3A_20 : i1 to i32
    %cond3A_22 = arith.constant 0 : i32
    %cond3A_23 = arith.cmpi ne, %convert_element_type3A_21, %cond3A_22 : i32
    scf.if %cond3A_23 {
      %jit3A_61 = arith.constant 40 : i32
      %div3A = arith.divsi %select_n3A, %jit3A_61 : i32
      %sign3A = arith.constant 0 : i32
      %sign3A_62 = arith.cmpi sgt, %select_n3A, %sign3A : i32
      %sign3A_63 = arith.extui %sign3A_62 : i1 to i32
      %sign3A_64 = arith.constant 0 : i32
      %sign3A_65 = arith.cmpi slt, %select_n3A, %sign3A_64 : i32
      %sign3A_66 = arith.extui %sign3A_65 : i1 to i32
      %sign3A_67 = arith.subi %sign3A_63, %sign3A_66 : i32
      %sign3A_68 = arith.constant 0 : i32
      %sign3A_69 = arith.cmpi sgt, %jit3A_61, %sign3A_68 : i32
      %sign3A_70 = arith.extui %sign3A_69 : i1 to i32
      %sign3A_71 = arith.constant 0 : i32
      %sign3A_72 = arith.cmpi slt, %jit3A_61, %sign3A_71 : i32
      %sign3A_73 = arith.extui %sign3A_72 : i1 to i32
      %sign3A_74 = arith.subi %sign3A_70, %sign3A_73 : i32
      %ne3A = arith.cmpi ne, %sign3A_67, %sign3A_74 : i32
      %rem3A = arith.remsi %select_n3A, %jit3A_61 : i32
      %ne3A_75 = arith.constant 0 : i32
      %ne3A_76 = arith.cmpi ne, %rem3A, %ne3A_75 : i32
      %and3A_77 = arith.andi %ne3A, %ne3A_76 : i1
      %sub3A_78 = arith.constant 1 : i32
      %sub3A_79 = arith.subi %div3A, %sub3A_78 : i32
      %select_n3A_80 = arith.select %and3A_77, %sub3A_79, %div3A : i32
      %while3A = arith.constant 0 : i32
      %while3A_81 = arith.constant 0 : i32
      %while3A_82 = arith.subi %select_n3A_80, %while3A_81 : i32
      %while3A_83 = arith.addi %while3A_81, %while3A_82 : i32
      %while3A_84 = arith.constant 1 : i32
      %while3A_85 = arith.divsi %while3A_82, %while3A_84 : i32
      %while3A_86 = arith.muli %while3A_85, %while3A_84 : i32
      %while3A_87 = arith.addi %while3A_81, %while3A_86 : i32
      %while3A_88 = arith.constant 1 : i32
      scf.for %while3A_90 = %while3A_81 to %while3A_87 step %while3A_88  : i32 {
        %mul3A_91 = arith.constant 40 : i32
        %mul3A_92 = arith.muli %while3A_90, %mul3A_91 : i32
        %add3A_93 = arith.addi %select_n3A_18, %mul3A_92 : i32
        %dma_start3A = arith.constant 0 : i32
        %dma_start3A_94 = tpu.memref_slice %arg4[%add3A_93, %dma_start3A] : memref<3200x100xi32, #tpu.memory_space<hbm>> -> memref<40x100xi32, #tpu.memory_space<hbm>>
        %dma_start3A_95 = arith.constant 0 : i32
        %dma_start3A_96 = tpu.memref_slice %arg4[%add3A_93, %dma_start3A_95] : memref<3200x100xi32, #tpu.memory_space<hbm>> -> memref<40x100xi32, #tpu.memory_space<hbm>>
        tpu.enqueue_dma source(%dma_start3A_96 : memref<40x100xi32, #tpu.memory_space<hbm>>) target(%arg10 : memref<40x100xi32, #tpu.memory_space<vmem>>) target_semaphore(%arg15 : memref<!tpu.dma_semaphore, #tpu.memory_space<semaphore_mem>>)
        %dma_start3A_97 = arith.constant 0 : i32
        %dma_start3A_98 = tpu.memref_slice %arg5[%add3A_93, %dma_start3A_97] : memref<3200x100xi32, #tpu.memory_space<hbm>> -> memref<40x100xi32, #tpu.memory_space<hbm>>
        %dma_start3A_99 = arith.constant 0 : i32
        %dma_start3A_100 = tpu.memref_slice %arg5[%add3A_93, %dma_start3A_99] : memref<3200x100xi32, #tpu.memory_space<hbm>> -> memref<40x100xi32, #tpu.memory_space<hbm>>
        tpu.enqueue_dma source(%dma_start3A_100 : memref<40x100xi32, #tpu.memory_space<hbm>>) target(%arg11 : memref<40x100xi32, #tpu.memory_space<vmem>>) target_semaphore(%arg15 : memref<!tpu.dma_semaphore, #tpu.memory_space<semaphore_mem>>)
        %dma_wait3A = arith.constant 0 : i32
        %dma_wait3A_101 = tpu.memref_slice %arg4[%add3A_93, %dma_wait3A] : memref<3200x100xi32, #tpu.memory_space<hbm>> -> memref<40x100xi32, #tpu.memory_space<hbm>>
        %dma_wait3A_102 = arith.constant 0 : i32
        %dma_wait3A_103 = tpu.memref_slice %arg4[%add3A_93, %dma_wait3A_102] : memref<3200x100xi32, #tpu.memory_space<hbm>> -> memref<40x100xi32, #tpu.memory_space<hbm>>
        tpu.wait_dma2 semaphore(%arg15 : memref<!tpu.dma_semaphore, #tpu.memory_space<semaphore_mem>>) src(%dma_wait3A_103 : memref<40x100xi32, #tpu.memory_space<hbm>>) dst(%arg10 : memref<40x100xi32, #tpu.memory_space<vmem>>)
        %dma_wait3A_104 = arith.constant 0 : i32
        %dma_wait3A_105 = tpu.memref_slice %arg5[%add3A_93, %dma_wait3A_104] : memref<3200x100xi32, #tpu.memory_space<hbm>> -> memref<40x100xi32, #tpu.memory_space<hbm>>
        %dma_wait3A_106 = arith.constant 0 : i32
        %dma_wait3A_107 = tpu.memref_slice %arg5[%add3A_93, %dma_wait3A_106] : memref<3200x100xi32, #tpu.memory_space<hbm>> -> memref<40x100xi32, #tpu.memory_space<hbm>>
        tpu.wait_dma2 semaphore(%arg15 : memref<!tpu.dma_semaphore, #tpu.memory_space<semaphore_mem>>) src(%dma_wait3A_107 : memref<40x100xi32, #tpu.memory_space<hbm>>) dst(%arg11 : memref<40x100xi32, #tpu.memory_space<vmem>>)
        %dma_start3A_108 = arith.constant 0 : i32
        %dma_start3A_109 = arith.constant 0 : i32
        %dma_start3A_110 = tpu.memref_slice %arg10[%dma_start3A_108, %dma_start3A_109] : memref<40x100xi32, #tpu.memory_space<vmem>> -> memref<1x100xi32, #tpu.memory_space<vmem>>
        %dma_start3A_111 = tpu.memref_squeeze %dma_start3A_110 : memref<1x100xi32, #tpu.memory_space<vmem>> -> memref<100xi32, #tpu.memory_space<vmem>>
        %dma_start3A_112 = arith.constant 0 : i32
        %dma_start3A_113 = arith.constant 0 : i32
        %dma_start3A_114 = tpu.memref_slice %arg2[%dma_start3A_112, %dma_start3A_113] : memref<10000x128xf32, #tpu.memory_space<hbm>> -> memref<10000x128xf32, #tpu.memory_space<hbm>>
        tpu.enqueue_indirect_dma source(%dma_start3A_114 : memref<10000x128xf32, #tpu.memory_space<hbm>>) target(%arg12 : memref<100x128xf32, #tpu.memory_space<vmem>>) offsets(%dma_start3A_111 : memref<100xi32, #tpu.memory_space<vmem>>) semaphore(%arg15 : memref<!tpu.dma_semaphore, #tpu.memory_space<semaphore_mem>>)
        %scan3A = arith.constant 0 : i32
        %scan3A_115 = arith.constant 0 : i32
        %scan3A_116 = arith.constant 20 : i32
        %scan3A_117 = arith.addi %scan3A_115, %scan3A_116 : i32
        %scan3A_118 = arith.constant 1 : i32
        scf.for %scan3A_120 = %scan3A_115 to %scan3A_117 step %scan3A_118  : i32 {
          %mul3A_121 = arith.constant 2 : i32
          %mul3A_122 = arith.muli %mul3A_121, %scan3A_120 : i32
          %add3A_123 = arith.constant 0 : i32
          %add3A_124 = arith.addi %mul3A_122, %add3A_123 : i32
          %ge3A = arith.constant 1 : i32
          %ge3A_125 = arith.cmpi sge, %add3A_124, %ge3A : i32
          %convert_element_type3A_126 = arith.extui %ge3A_125 : i1 to i32
          %cond3A_127 = arith.constant 0 : i32
          %cond3A_128 = arith.cmpi ne, %convert_element_type3A_126, %cond3A_127 : i32
          scf.if %cond3A_128 {
            tpu.wait_dma2 semaphore(%arg18 : memref<!tpu.dma_semaphore, #tpu.memory_space<semaphore_mem>>) src(%arg7 : memref<100x128xf32, #tpu.memory_space<hbm>>) dst(%arg13 : memref<100x128xf32, #tpu.memory_space<vmem>>)
          } else {
          }
          %add3A_129 = arith.constant 1 : i32
          %add3A_130 = arith.addi %add3A_124, %add3A_129 : i32
          %lt3A_131 = arith.constant 40 : i32
          %lt3A_132 = arith.cmpi slt, %add3A_130, %lt3A_131 : i32
          %convert_element_type3A_133 = arith.extui %lt3A_132 : i1 to i32
          %cond3A_134 = arith.constant 0 : i32
          %cond3A_135 = arith.cmpi ne, %convert_element_type3A_133, %cond3A_134 : i32
          scf.if %cond3A_135 {
            %add3A_164 = arith.constant 1 : i32
            %add3A_165 = arith.addi %add3A_124, %add3A_164 : i32
            %dma_start3A_166 = arith.constant 0 : i32
            %dma_start3A_167 = tpu.memref_slice %arg10[%add3A_165, %dma_start3A_166] : memref<40x100xi32, #tpu.memory_space<vmem>> -> memref<1x100xi32, #tpu.memory_space<vmem>>
            %dma_start3A_168 = tpu.memref_squeeze %dma_start3A_167 : memref<1x100xi32, #tpu.memory_space<vmem>> -> memref<100xi32, #tpu.memory_space<vmem>>
            %dma_start3A_169 = arith.constant 0 : i32
            %dma_start3A_170 = arith.constant 0 : i32
            %dma_start3A_171 = tpu.memref_slice %arg2[%dma_start3A_169, %dma_start3A_170] : memref<10000x128xf32, #tpu.memory_space<hbm>> -> memref<10000x128xf32, #tpu.memory_space<hbm>>
            tpu.enqueue_indirect_dma source(%dma_start3A_171 : memref<10000x128xf32, #tpu.memory_space<hbm>>) target(%arg13 : memref<100x128xf32, #tpu.memory_space<vmem>>) offsets(%dma_start3A_168 : memref<100xi32, #tpu.memory_space<vmem>>) semaphore(%arg16 : memref<!tpu.dma_semaphore, #tpu.memory_space<semaphore_mem>>)
          } else {
          }
          tpu.wait_dma2 semaphore(%arg15 : memref<!tpu.dma_semaphore, #tpu.memory_space<semaphore_mem>>) src(%arg7 : memref<100x128xf32, #tpu.memory_space<hbm>>) dst(%arg12 : memref<100x128xf32, #tpu.memory_space<vmem>>)
          %dma_start3A_136 = arith.constant 0 : i32
          %dma_start3A_137 = tpu.memref_slice %arg11[%add3A_124, %dma_start3A_136] : memref<40x100xi32, #tpu.memory_space<vmem>> -> memref<1x100xi32, #tpu.memory_space<vmem>>
          %dma_start3A_138 = tpu.memref_squeeze %dma_start3A_137 : memref<1x100xi32, #tpu.memory_space<vmem>> -> memref<100xi32, #tpu.memory_space<vmem>>
          %dma_start3A_139 = arith.constant 0 : i32
          %dma_start3A_140 = arith.constant 0 : i32
          %dma_start3A_141 = tpu.memref_slice %arg14[%dma_start3A_139, %dma_start3A_140] : memref<10000x128xf32, #tpu.memory_space<vmem_shared>> -> memref<10000x128xf32, #tpu.memory_space<vmem_shared>>
          tpu.enqueue_indirect_dma source(%arg12 : memref<100x128xf32, #tpu.memory_space<vmem>>) target(%dma_start3A_141 : memref<10000x128xf32, #tpu.memory_space<vmem_shared>>) offsets(%dma_start3A_138 : memref<100xi32, #tpu.memory_space<vmem>>) semaphore(%arg17 : memref<!tpu.dma_semaphore, #tpu.memory_space<semaphore_mem>>) {add = true}
          %mul3A_142 = arith.constant 2 : i32
          %mul3A_143 = arith.muli %mul3A_142, %scan3A_120 : i32
          %add3A_144 = arith.constant 1 : i32
          %add3A_145 = arith.addi %mul3A_143, %add3A_144 : i32
          %ge3A_146 = arith.constant 1 : i32
          %ge3A_147 = arith.cmpi sge, %add3A_145, %ge3A_146 : i32
          %convert_element_type3A_148 = arith.extui %ge3A_147 : i1 to i32
          %cond3A_149 = arith.constant 0 : i32
          %cond3A_150 = arith.cmpi ne, %convert_element_type3A_148, %cond3A_149 : i32
          scf.if %cond3A_150 {
            tpu.wait_dma2 semaphore(%arg17 : memref<!tpu.dma_semaphore, #tpu.memory_space<semaphore_mem>>) src(%arg7 : memref<100x128xf32, #tpu.memory_space<hbm>>) dst(%arg12 : memref<100x128xf32, #tpu.memory_space<vmem>>)
          } else {
          }
          %add3A_151 = arith.constant 1 : i32
          %add3A_152 = arith.addi %add3A_145, %add3A_151 : i32
          %lt3A_153 = arith.constant 40 : i32
          %lt3A_154 = arith.cmpi slt, %add3A_152, %lt3A_153 : i32
          %convert_element_type3A_155 = arith.extui %lt3A_154 : i1 to i32
          %cond3A_156 = arith.constant 0 : i32
          %cond3A_157 = arith.cmpi ne, %convert_element_type3A_155, %cond3A_156 : i32
          scf.if %cond3A_157 {
            %add3A_164 = arith.constant 1 : i32
            %add3A_165 = arith.addi %add3A_145, %add3A_164 : i32
            %dma_start3A_166 = arith.constant 0 : i32
            %dma_start3A_167 = tpu.memref_slice %arg10[%add3A_165, %dma_start3A_166] : memref<40x100xi32, #tpu.memory_space<vmem>> -> memref<1x100xi32, #tpu.memory_space<vmem>>
            %dma_start3A_168 = tpu.memref_squeeze %dma_start3A_167 : memref<1x100xi32, #tpu.memory_space<vmem>> -> memref<100xi32, #tpu.memory_space<vmem>>
            %dma_start3A_169 = arith.constant 0 : i32
            %dma_start3A_170 = arith.constant 0 : i32
            %dma_start3A_171 = tpu.memref_slice %arg2[%dma_start3A_169, %dma_start3A_170] : memref<10000x128xf32, #tpu.memory_space<hbm>> -> memref<10000x128xf32, #tpu.memory_space<hbm>>
            tpu.enqueue_indirect_dma source(%dma_start3A_171 : memref<10000x128xf32, #tpu.memory_space<hbm>>) target(%arg12 : memref<100x128xf32, #tpu.memory_space<vmem>>) offsets(%dma_start3A_168 : memref<100xi32, #tpu.memory_space<vmem>>) semaphore(%arg15 : memref<!tpu.dma_semaphore, #tpu.memory_space<semaphore_mem>>)
          } else {
          }
          tpu.wait_dma2 semaphore(%arg16 : memref<!tpu.dma_semaphore, #tpu.memory_space<semaphore_mem>>) src(%arg7 : memref<100x128xf32, #tpu.memory_space<hbm>>) dst(%arg13 : memref<100x128xf32, #tpu.memory_space<vmem>>)
          %dma_start3A_158 = arith.constant 0 : i32
          %dma_start3A_159 = tpu.memref_slice %arg11[%add3A_145, %dma_start3A_158] : memref<40x100xi32, #tpu.memory_space<vmem>> -> memref<1x100xi32, #tpu.memory_space<vmem>>
          %dma_start3A_160 = tpu.memref_squeeze %dma_start3A_159 : memref<1x100xi32, #tpu.memory_space<vmem>> -> memref<100xi32, #tpu.memory_space<vmem>>
          %dma_start3A_161 = arith.constant 0 : i32
          %dma_start3A_162 = arith.constant 0 : i32
          %dma_start3A_163 = tpu.memref_slice %arg14[%dma_start3A_161, %dma_start3A_162] : memref<10000x128xf32, #tpu.memory_space<vmem_shared>> -> memref<10000x128xf32, #tpu.memory_space<vmem_shared>>
          tpu.enqueue_indirect_dma source(%arg13 : memref<100x128xf32, #tpu.memory_space<vmem>>) target(%dma_start3A_163 : memref<10000x128xf32, #tpu.memory_space<vmem_shared>>) offsets(%dma_start3A_160 : memref<100xi32, #tpu.memory_space<vmem>>) semaphore(%arg18 : memref<!tpu.dma_semaphore, #tpu.memory_space<semaphore_mem>>) {add = true}
        }
        %scan3A_119 = arith.constant 20 : i32
        tpu.wait_dma2 semaphore(%arg18 : memref<!tpu.dma_semaphore, #tpu.memory_space<semaphore_mem>>) src(%arg7 : memref<100x128xf32, #tpu.memory_space<hbm>>) dst(%arg13 : memref<100x128xf32, #tpu.memory_space<vmem>>)
      }
      %while3A_89 = arith.constant 1 : i32
      scf.for %while3A_90 = %while3A_87 to %while3A_83 step %while3A_89  : i32 {
        %mul3A_91 = arith.constant 40 : i32
        %mul3A_92 = arith.muli %while3A_90, %mul3A_91 : i32
        %add3A_93 = arith.addi %select_n3A_18, %mul3A_92 : i32
        %dma_start3A = arith.constant 0 : i32
        %dma_start3A_94 = tpu.memref_slice %arg4[%add3A_93, %dma_start3A] : memref<3200x100xi32, #tpu.memory_space<hbm>> -> memref<40x100xi32, #tpu.memory_space<hbm>>
        %dma_start3A_95 = arith.constant 0 : i32
        %dma_start3A_96 = tpu.memref_slice %arg4[%add3A_93, %dma_start3A_95] : memref<3200x100xi32, #tpu.memory_space<hbm>> -> memref<40x100xi32, #tpu.memory_space<hbm>>
        tpu.enqueue_dma source(%dma_start3A_96 : memref<40x100xi32, #tpu.memory_space<hbm>>) target(%arg10 : memref<40x100xi32, #tpu.memory_space<vmem>>) target_semaphore(%arg15 : memref<!tpu.dma_semaphore, #tpu.memory_space<semaphore_mem>>)
        %dma_start3A_97 = arith.constant 0 : i32
        %dma_start3A_98 = tpu.memref_slice %arg5[%add3A_93, %dma_start3A_97] : memref<3200x100xi32, #tpu.memory_space<hbm>> -> memref<40x100xi32, #tpu.memory_space<hbm>>
        %dma_start3A_99 = arith.constant 0 : i32
        %dma_start3A_100 = tpu.memref_slice %arg5[%add3A_93, %dma_start3A_99] : memref<3200x100xi32, #tpu.memory_space<hbm>> -> memref<40x100xi32, #tpu.memory_space<hbm>>
        tpu.enqueue_dma source(%dma_start3A_100 : memref<40x100xi32, #tpu.memory_space<hbm>>) target(%arg11 : memref<40x100xi32, #tpu.memory_space<vmem>>) target_semaphore(%arg15 : memref<!tpu.dma_semaphore, #tpu.memory_space<semaphore_mem>>)
        %dma_wait3A = arith.constant 0 : i32
        %dma_wait3A_101 = tpu.memref_slice %arg4[%add3A_93, %dma_wait3A] : memref<3200x100xi32, #tpu.memory_space<hbm>> -> memref<40x100xi32, #tpu.memory_space<hbm>>
        %dma_wait3A_102 = arith.constant 0 : i32
        %dma_wait3A_103 = tpu.memref_slice %arg4[%add3A_93, %dma_wait3A_102] : memref<3200x100xi32, #tpu.memory_space<hbm>> -> memref<40x100xi32, #tpu.memory_space<hbm>>
        tpu.wait_dma2 semaphore(%arg15 : memref<!tpu.dma_semaphore, #tpu.memory_space<semaphore_mem>>) src(%dma_wait3A_103 : memref<40x100xi32, #tpu.memory_space<hbm>>) dst(%arg10 : memref<40x100xi32, #tpu.memory_space<vmem>>)
        %dma_wait3A_104 = arith.constant 0 : i32
        %dma_wait3A_105 = tpu.memref_slice %arg5[%add3A_93, %dma_wait3A_104] : memref<3200x100xi32, #tpu.memory_space<hbm>> -> memref<40x100xi32, #tpu.memory_space<hbm>>
        %dma_wait3A_106 = arith.constant 0 : i32
        %dma_wait3A_107 = tpu.memref_slice %arg5[%add3A_93, %dma_wait3A_106] : memref<3200x100xi32, #tpu.memory_space<hbm>> -> memref<40x100xi32, #tpu.memory_space<hbm>>
        tpu.wait_dma2 semaphore(%arg15 : memref<!tpu.dma_semaphore, #tpu.memory_space<semaphore_mem>>) src(%dma_wait3A_107 : memref<40x100xi32, #tpu.memory_space<hbm>>) dst(%arg11 : memref<40x100xi32, #tpu.memory_space<vmem>>)
        %dma_start3A_108 = arith.constant 0 : i32
        %dma_start3A_109 = arith.constant 0 : i32
        %dma_start3A_110 = tpu.memref_slice %arg10[%dma_start3A_108, %dma_start3A_109] : memref<40x100xi32, #tpu.memory_space<vmem>> -> memref<1x100xi32, #tpu.memory_space<vmem>>
        %dma_start3A_111 = tpu.memref_squeeze %dma_start3A_110 : memref<1x100xi32, #tpu.memory_space<vmem>> -> memref<100xi32, #tpu.memory_space<vmem>>
        %dma_start3A_112 = arith.constant 0 : i32
        %dma_start3A_113 = arith.constant 0 : i32
        %dma_start3A_114 = tpu.memref_slice %arg2[%dma_start3A_112, %dma_start3A_113] : memref<10000x128xf32, #tpu.memory_space<hbm>> -> memref<10000x128xf32, #tpu.memory_space<hbm>>
        tpu.enqueue_indirect_dma source(%dma_start3A_114 : memref<10000x128xf32, #tpu.memory_space<hbm>>) target(%arg12 : memref<100x128xf32, #tpu.memory_space<vmem>>) offsets(%dma_start3A_111 : memref<100xi32, #tpu.memory_space<vmem>>) semaphore(%arg15 : memref<!tpu.dma_semaphore, #tpu.memory_space<semaphore_mem>>)
        %scan3A = arith.constant 0 : i32
        %scan3A_115 = arith.constant 0 : i32
        %scan3A_116 = arith.constant 20 : i32
        %scan3A_117 = arith.addi %scan3A_115, %scan3A_116 : i32
        %scan3A_118 = arith.constant 1 : i32
        scf.for %scan3A_120 = %scan3A_115 to %scan3A_117 step %scan3A_118  : i32 {
          %mul3A_121 = arith.constant 2 : i32
          %mul3A_122 = arith.muli %mul3A_121, %scan3A_120 : i32
          %add3A_123 = arith.constant 0 : i32
          %add3A_124 = arith.addi %mul3A_122, %add3A_123 : i32
          %ge3A = arith.constant 1 : i32
          %ge3A_125 = arith.cmpi sge, %add3A_124, %ge3A : i32
          %convert_element_type3A_126 = arith.extui %ge3A_125 : i1 to i32
          %cond3A_127 = arith.constant 0 : i32
          %cond3A_128 = arith.cmpi ne, %convert_element_type3A_126, %cond3A_127 : i32
          scf.if %cond3A_128 {
            tpu.wait_dma2 semaphore(%arg18 : memref<!tpu.dma_semaphore, #tpu.memory_space<semaphore_mem>>) src(%arg7 : memref<100x128xf32, #tpu.memory_space<hbm>>) dst(%arg13 : memref<100x128xf32, #tpu.memory_space<vmem>>)
          } else {
          }
          %add3A_129 = arith.constant 1 : i32
          %add3A_130 = arith.addi %add3A_124, %add3A_129 : i32
          %lt3A_131 = arith.constant 40 : i32
          %lt3A_132 = arith.cmpi slt, %add3A_130, %lt3A_131 : i32
          %convert_element_type3A_133 = arith.extui %lt3A_132 : i1 to i32
          %cond3A_134 = arith.constant 0 : i32
          %cond3A_135 = arith.cmpi ne, %convert_element_type3A_133, %cond3A_134 : i32
          scf.if %cond3A_135 {
            %add3A_164 = arith.constant 1 : i32
            %add3A_165 = arith.addi %add3A_124, %add3A_164 : i32
            %dma_start3A_166 = arith.constant 0 : i32
            %dma_start3A_167 = tpu.memref_slice %arg10[%add3A_165, %dma_start3A_166] : memref<40x100xi32, #tpu.memory_space<vmem>> -> memref<1x100xi32, #tpu.memory_space<vmem>>
            %dma_start3A_168 = tpu.memref_squeeze %dma_start3A_167 : memref<1x100xi32, #tpu.memory_space<vmem>> -> memref<100xi32, #tpu.memory_space<vmem>>
            %dma_start3A_169 = arith.constant 0 : i32
            %dma_start3A_170 = arith.constant 0 : i32
            %dma_start3A_171 = tpu.memref_slice %arg2[%dma_start3A_169, %dma_start3A_170] : memref<10000x128xf32, #tpu.memory_space<hbm>> -> memref<10000x128xf32, #tpu.memory_space<hbm>>
            tpu.enqueue_indirect_dma source(%dma_start3A_171 : memref<10000x128xf32, #tpu.memory_space<hbm>>) target(%arg13 : memref<100x128xf32, #tpu.memory_space<vmem>>) offsets(%dma_start3A_168 : memref<100xi32, #tpu.memory_space<vmem>>) semaphore(%arg16 : memref<!tpu.dma_semaphore, #tpu.memory_space<semaphore_mem>>)
          } else {
          }
          tpu.wait_dma2 semaphore(%arg15 : memref<!tpu.dma_semaphore, #tpu.memory_space<semaphore_mem>>) src(%arg7 : memref<100x128xf32, #tpu.memory_space<hbm>>) dst(%arg12 : memref<100x128xf32, #tpu.memory_space<vmem>>)
          %dma_start3A_136 = arith.constant 0 : i32
          %dma_start3A_137 = tpu.memref_slice %arg11[%add3A_124, %dma_start3A_136] : memref<40x100xi32, #tpu.memory_space<vmem>> -> memref<1x100xi32, #tpu.memory_space<vmem>>
          %dma_start3A_138 = tpu.memref_squeeze %dma_start3A_137 : memref<1x100xi32, #tpu.memory_space<vmem>> -> memref<100xi32, #tpu.memory_space<vmem>>
          %dma_start3A_139 = arith.constant 0 : i32
          %dma_start3A_140 = arith.constant 0 : i32
          %dma_start3A_141 = tpu.memref_slice %arg14[%dma_start3A_139, %dma_start3A_140] : memref<10000x128xf32, #tpu.memory_space<vmem_shared>> -> memref<10000x128xf32, #tpu.memory_space<vmem_shared>>
          tpu.enqueue_indirect_dma source(%arg12 : memref<100x128xf32, #tpu.memory_space<vmem>>) target(%dma_start3A_141 : memref<10000x128xf32, #tpu.memory_space<vmem_shared>>) offsets(%dma_start3A_138 : memref<100xi32, #tpu.memory_space<vmem>>) semaphore(%arg17 : memref<!tpu.dma_semaphore, #tpu.memory_space<semaphore_mem>>) {add = true}
          %mul3A_142 = arith.constant 2 : i32
          %mul3A_143 = arith.muli %mul3A_142, %scan3A_120 : i32
          %add3A_144 = arith.constant 1 : i32
          %add3A_145 = arith.addi %mul3A_143, %add3A_144 : i32
          %ge3A_146 = arith.constant 1 : i32
          %ge3A_147 = arith.cmpi sge, %add3A_145, %ge3A_146 : i32
          %convert_element_type3A_148 = arith.extui %ge3A_147 : i1 to i32
          %cond3A_149 = arith.constant 0 : i32
          %cond3A_150 = arith.cmpi ne, %convert_element_type3A_148, %cond3A_149 : i32
          scf.if %cond3A_150 {
            tpu.wait_dma2 semaphore(%arg17 : memref<!tpu.dma_semaphore, #tpu.memory_space<semaphore_mem>>) src(%arg7 : memref<100x128xf32, #tpu.memory_space<hbm>>) dst(%arg12 : memref<100x128xf32, #tpu.memory_space<vmem>>)
          } else {
          }
          %add3A_151 = arith.constant 1 : i32
          %add3A_152 = arith.addi %add3A_145, %add3A_151 : i32
          %lt3A_153 = arith.constant 40 : i32
          %lt3A_154 = arith.cmpi slt, %add3A_152, %lt3A_153 : i32
          %convert_element_type3A_155 = arith.extui %lt3A_154 : i1 to i32
          %cond3A_156 = arith.constant 0 : i32
          %cond3A_157 = arith.cmpi ne, %convert_element_type3A_155, %cond3A_156 : i32
          scf.if %cond3A_157 {
            %add3A_164 = arith.constant 1 : i32
            %add3A_165 = arith.addi %add3A_145, %add3A_164 : i32
            %dma_start3A_166 = arith.constant 0 : i32
            %dma_start3A_167 = tpu.memref_slice %arg10[%add3A_165, %dma_start3A_166] : memref<40x100xi32, #tpu.memory_space<vmem>> -> memref<1x100xi32, #tpu.memory_space<vmem>>
            %dma_start3A_168 = tpu.memref_squeeze %dma_start3A_167 : memref<1x100xi32, #tpu.memory_space<vmem>> -> memref<100xi32, #tpu.memory_space<vmem>>
            %dma_start3A_169 = arith.constant 0 : i32
            %dma_start3A_170 = arith.constant 0 : i32
            %dma_start3A_171 = tpu.memref_slice %arg2[%dma_start3A_169, %dma_start3A_170] : memref<10000x128xf32, #tpu.memory_space<hbm>> -> memref<10000x128xf32, #tpu.memory_space<hbm>>
            tpu.enqueue_indirect_dma source(%dma_start3A_171 : memref<10000x128xf32, #tpu.memory_space<hbm>>) target(%arg12 : memref<100x128xf32, #tpu.memory_space<vmem>>) offsets(%dma_start3A_168 : memref<100xi32, #tpu.memory_space<vmem>>) semaphore(%arg15 : memref<!tpu.dma_semaphore, #tpu.memory_space<semaphore_mem>>)
          } else {
          }
          tpu.wait_dma2 semaphore(%arg16 : memref<!tpu.dma_semaphore, #tpu.memory_space<semaphore_mem>>) src(%arg7 : memref<100x128xf32, #tpu.memory_space<hbm>>) dst(%arg13 : memref<100x128xf32, #tpu.memory_space<vmem>>)
          %dma_start3A_158 = arith.constant 0 : i32
          %dma_start3A_159 = tpu.memref_slice %arg11[%add3A_145, %dma_start3A_158] : memref<40x100xi32, #tpu.memory_space<vmem>> -> memref<1x100xi32, #tpu.memory_space<vmem>>
          %dma_start3A_160 = tpu.memref_squeeze %dma_start3A_159 : memref<1x100xi32, #tpu.memory_space<vmem>> -> memref<100xi32, #tpu.memory_space<vmem>>
          %dma_start3A_161 = arith.constant 0 : i32
          %dma_start3A_162 = arith.constant 0 : i32
          %dma_start3A_163 = tpu.memref_slice %arg14[%dma_start3A_161, %dma_start3A_162] : memref<10000x128xf32, #tpu.memory_space<vmem_shared>> -> memref<10000x128xf32, #tpu.memory_space<vmem_shared>>
          tpu.enqueue_indirect_dma source(%arg13 : memref<100x128xf32, #tpu.memory_space<vmem>>) target(%dma_start3A_163 : memref<10000x128xf32, #tpu.memory_space<vmem_shared>>) offsets(%dma_start3A_160 : memref<100xi32, #tpu.memory_space<vmem>>) semaphore(%arg18 : memref<!tpu.dma_semaphore, #tpu.memory_space<semaphore_mem>>) {add = true}
        }
        %scan3A_119 = arith.constant 20 : i32
        tpu.wait_dma2 semaphore(%arg18 : memref<!tpu.dma_semaphore, #tpu.memory_space<semaphore_mem>>) src(%arg7 : memref<100x128xf32, #tpu.memory_space<hbm>>) dst(%arg13 : memref<100x128xf32, #tpu.memory_space<vmem>>)
      }
    } else {
    }
    %eq3A_24 = arith.constant 1 : i32
    %eq3A_25 = arith.cmpi eq, %arg0, %eq3A_24 : i32
    %convert_element_type3A_26 = arith.extui %eq3A_25 : i1 to i32
    %cond3A_27 = arith.constant 0 : i32
    %cond3A_28 = arith.cmpi ne, %convert_element_type3A_26, %cond3A_27 : i32
    scf.if %cond3A_28 {
      %jit3A_61 = arith.constant 40 : i32
      %div3A = arith.divsi %select_n3A, %jit3A_61 : i32
      %sign3A = arith.constant 0 : i32
      %sign3A_62 = arith.cmpi sgt, %select_n3A, %sign3A : i32
      %sign3A_63 = arith.extui %sign3A_62 : i1 to i32
      %sign3A_64 = arith.constant 0 : i32
      %sign3A_65 = arith.cmpi slt, %select_n3A, %sign3A_64 : i32
      %sign3A_66 = arith.extui %sign3A_65 : i1 to i32
      %sign3A_67 = arith.subi %sign3A_63, %sign3A_66 : i32
      %sign3A_68 = arith.constant 0 : i32
      %sign3A_69 = arith.cmpi sgt, %jit3A_61, %sign3A_68 : i32
      %sign3A_70 = arith.extui %sign3A_69 : i1 to i32
      %sign3A_71 = arith.constant 0 : i32
      %sign3A_72 = arith.cmpi slt, %jit3A_61, %sign3A_71 : i32
      %sign3A_73 = arith.extui %sign3A_72 : i1 to i32
      %sign3A_74 = arith.subi %sign3A_70, %sign3A_73 : i32
      %ne3A = arith.cmpi ne, %sign3A_67, %sign3A_74 : i32
      %rem3A = arith.remsi %select_n3A, %jit3A_61 : i32
      %ne3A_75 = arith.constant 0 : i32
      %ne3A_76 = arith.cmpi ne, %rem3A, %ne3A_75 : i32
      %and3A_77 = arith.andi %ne3A, %ne3A_76 : i1
      %sub3A_78 = arith.constant 1 : i32
      %sub3A_79 = arith.subi %div3A, %sub3A_78 : i32
      %select_n3A_80 = arith.select %and3A_77, %sub3A_79, %div3A : i32
      %while3A = arith.constant 0 : i32
      %while3A_81 = arith.constant 0 : i32
      %while3A_82 = arith.subi %select_n3A_80, %while3A_81 : i32
      %while3A_83 = arith.addi %while3A_81, %while3A_82 : i32
      %while3A_84 = arith.constant 1 : i32
      %while3A_85 = arith.divsi %while3A_82, %while3A_84 : i32
      %while3A_86 = arith.muli %while3A_85, %while3A_84 : i32
      %while3A_87 = arith.addi %while3A_81, %while3A_86 : i32
      %while3A_88 = arith.constant 1 : i32
      scf.for %while3A_90 = %while3A_81 to %while3A_87 step %while3A_88  : i32 {
        %mul3A_91 = arith.constant 40 : i32
        %mul3A_92 = arith.muli %while3A_90, %mul3A_91 : i32
        %add3A_93 = arith.addi %select_n3A_18, %mul3A_92 : i32
        %dma_start3A = arith.constant 0 : i32
        %dma_start3A_94 = tpu.memref_slice %arg4[%add3A_93, %dma_start3A] : memref<3200x100xi32, #tpu.memory_space<hbm>> -> memref<40x100xi32, #tpu.memory_space<hbm>>
        %dma_start3A_95 = arith.constant 0 : i32
        %dma_start3A_96 = tpu.memref_slice %arg4[%add3A_93, %dma_start3A_95] : memref<3200x100xi32, #tpu.memory_space<hbm>> -> memref<40x100xi32, #tpu.memory_space<hbm>>
        tpu.enqueue_dma source(%dma_start3A_96 : memref<40x100xi32, #tpu.memory_space<hbm>>) target(%arg10 : memref<40x100xi32, #tpu.memory_space<vmem>>) target_semaphore(%arg15 : memref<!tpu.dma_semaphore, #tpu.memory_space<semaphore_mem>>)
        %dma_start3A_97 = arith.constant 0 : i32
        %dma_start3A_98 = tpu.memref_slice %arg5[%add3A_93, %dma_start3A_97] : memref<3200x100xi32, #tpu.memory_space<hbm>> -> memref<40x100xi32, #tpu.memory_space<hbm>>
        %dma_start3A_99 = arith.constant 0 : i32
        %dma_start3A_100 = tpu.memref_slice %arg5[%add3A_93, %dma_start3A_99] : memref<3200x100xi32, #tpu.memory_space<hbm>> -> memref<40x100xi32, #tpu.memory_space<hbm>>
        tpu.enqueue_dma source(%dma_start3A_100 : memref<40x100xi32, #tpu.memory_space<hbm>>) target(%arg11 : memref<40x100xi32, #tpu.memory_space<vmem>>) target_semaphore(%arg15 : memref<!tpu.dma_semaphore, #tpu.memory_space<semaphore_mem>>)
        %dma_wait3A = arith.constant 0 : i32
        %dma_wait3A_101 = tpu.memref_slice %arg4[%add3A_93, %dma_wait3A] : memref<3200x100xi32, #tpu.memory_space<hbm>> -> memref<40x100xi32, #tpu.memory_space<hbm>>
        %dma_wait3A_102 = arith.constant 0 : i32
        %dma_wait3A_103 = tpu.memref_slice %arg4[%add3A_93, %dma_wait3A_102] : memref<3200x100xi32, #tpu.memory_space<hbm>> -> memref<40x100xi32, #tpu.memory_space<hbm>>
        tpu.wait_dma2 semaphore(%arg15 : memref<!tpu.dma_semaphore, #tpu.memory_space<semaphore_mem>>) src(%dma_wait3A_103 : memref<40x100xi32, #tpu.memory_space<hbm>>) dst(%arg10 : memref<40x100xi32, #tpu.memory_space<vmem>>)
        %dma_wait3A_104 = arith.constant 0 : i32
        %dma_wait3A_105 = tpu.memref_slice %arg5[%add3A_93, %dma_wait3A_104] : memref<3200x100xi32, #tpu.memory_space<hbm>> -> memref<40x100xi32, #tpu.memory_space<hbm>>
        %dma_wait3A_106 = arith.constant 0 : i32
        %dma_wait3A_107 = tpu.memref_slice %arg5[%add3A_93, %dma_wait3A_106] : memref<3200x100xi32, #tpu.memory_space<hbm>> -> memref<40x100xi32, #tpu.memory_space<hbm>>
        tpu.wait_dma2 semaphore(%arg15 : memref<!tpu.dma_semaphore, #tpu.memory_space<semaphore_mem>>) src(%dma_wait3A_107 : memref<40x100xi32, #tpu.memory_space<hbm>>) dst(%arg11 : memref<40x100xi32, #tpu.memory_space<vmem>>)
        %dma_start3A_108 = arith.constant 0 : i32
        %dma_start3A_109 = arith.constant 0 : i32
        %dma_start3A_110 = tpu.memref_slice %arg10[%dma_start3A_108, %dma_start3A_109] : memref<40x100xi32, #tpu.memory_space<vmem>> -> memref<1x100xi32, #tpu.memory_space<vmem>>
        %dma_start3A_111 = tpu.memref_squeeze %dma_start3A_110 : memref<1x100xi32, #tpu.memory_space<vmem>> -> memref<100xi32, #tpu.memory_space<vmem>>
        %dma_start3A_112 = arith.constant 0 : i32
        %dma_start3A_113 = arith.constant 0 : i32
        %dma_start3A_114 = tpu.memref_slice %arg3[%dma_start3A_112, %dma_start3A_113] : memref<10000x128xf32, #tpu.memory_space<hbm>> -> memref<10000x128xf32, #tpu.memory_space<hbm>>
        tpu.enqueue_indirect_dma source(%dma_start3A_114 : memref<10000x128xf32, #tpu.memory_space<hbm>>) target(%arg12 : memref<100x128xf32, #tpu.memory_space<vmem>>) offsets(%dma_start3A_111 : memref<100xi32, #tpu.memory_space<vmem>>) semaphore(%arg15 : memref<!tpu.dma_semaphore, #tpu.memory_space<semaphore_mem>>)
        %scan3A = arith.constant 0 : i32
        %scan3A_115 = arith.constant 0 : i32
        %scan3A_116 = arith.constant 20 : i32
        %scan3A_117 = arith.addi %scan3A_115, %scan3A_116 : i32
        %scan3A_118 = arith.constant 1 : i32
        scf.for %scan3A_120 = %scan3A_115 to %scan3A_117 step %scan3A_118  : i32 {
          %mul3A_121 = arith.constant 2 : i32
          %mul3A_122 = arith.muli %mul3A_121, %scan3A_120 : i32
          %add3A_123 = arith.constant 0 : i32
          %add3A_124 = arith.addi %mul3A_122, %add3A_123 : i32
          %ge3A = arith.constant 1 : i32
          %ge3A_125 = arith.cmpi sge, %add3A_124, %ge3A : i32
          %convert_element_type3A_126 = arith.extui %ge3A_125 : i1 to i32
          %cond3A_127 = arith.constant 0 : i32
          %cond3A_128 = arith.cmpi ne, %convert_element_type3A_126, %cond3A_127 : i32
          scf.if %cond3A_128 {
            tpu.wait_dma2 semaphore(%arg18 : memref<!tpu.dma_semaphore, #tpu.memory_space<semaphore_mem>>) src(%arg7 : memref<100x128xf32, #tpu.memory_space<hbm>>) dst(%arg13 : memref<100x128xf32, #tpu.memory_space<vmem>>)
          } else {
          }
          %add3A_129 = arith.constant 1 : i32
          %add3A_130 = arith.addi %add3A_124, %add3A_129 : i32
          %lt3A_131 = arith.constant 40 : i32
          %lt3A_132 = arith.cmpi slt, %add3A_130, %lt3A_131 : i32
          %convert_element_type3A_133 = arith.extui %lt3A_132 : i1 to i32
          %cond3A_134 = arith.constant 0 : i32
          %cond3A_135 = arith.cmpi ne, %convert_element_type3A_133, %cond3A_134 : i32
          scf.if %cond3A_135 {
            %add3A_164 = arith.constant 1 : i32
            %add3A_165 = arith.addi %add3A_124, %add3A_164 : i32
            %dma_start3A_166 = arith.constant 0 : i32
            %dma_start3A_167 = tpu.memref_slice %arg10[%add3A_165, %dma_start3A_166] : memref<40x100xi32, #tpu.memory_space<vmem>> -> memref<1x100xi32, #tpu.memory_space<vmem>>
            %dma_start3A_168 = tpu.memref_squeeze %dma_start3A_167 : memref<1x100xi32, #tpu.memory_space<vmem>> -> memref<100xi32, #tpu.memory_space<vmem>>
            %dma_start3A_169 = arith.constant 0 : i32
            %dma_start3A_170 = arith.constant 0 : i32
            %dma_start3A_171 = tpu.memref_slice %arg3[%dma_start3A_169, %dma_start3A_170] : memref<10000x128xf32, #tpu.memory_space<hbm>> -> memref<10000x128xf32, #tpu.memory_space<hbm>>
            tpu.enqueue_indirect_dma source(%dma_start3A_171 : memref<10000x128xf32, #tpu.memory_space<hbm>>) target(%arg13 : memref<100x128xf32, #tpu.memory_space<vmem>>) offsets(%dma_start3A_168 : memref<100xi32, #tpu.memory_space<vmem>>) semaphore(%arg16 : memref<!tpu.dma_semaphore, #tpu.memory_space<semaphore_mem>>)
          } else {
          }
          tpu.wait_dma2 semaphore(%arg15 : memref<!tpu.dma_semaphore, #tpu.memory_space<semaphore_mem>>) src(%arg7 : memref<100x128xf32, #tpu.memory_space<hbm>>) dst(%arg12 : memref<100x128xf32, #tpu.memory_space<vmem>>)
          %dma_start3A_136 = arith.constant 0 : i32
          %dma_start3A_137 = tpu.memref_slice %arg11[%add3A_124, %dma_start3A_136] : memref<40x100xi32, #tpu.memory_space<vmem>> -> memref<1x100xi32, #tpu.memory_space<vmem>>
          %dma_start3A_138 = tpu.memref_squeeze %dma_start3A_137 : memref<1x100xi32, #tpu.memory_space<vmem>> -> memref<100xi32, #tpu.memory_space<vmem>>
          %dma_start3A_139 = arith.constant 0 : i32
          %dma_start3A_140 = arith.constant 0 : i32
          %dma_start3A_141 = tpu.memref_slice %arg14[%dma_start3A_139, %dma_start3A_140] : memref<10000x128xf32, #tpu.memory_space<vmem_shared>> -> memref<10000x128xf32, #tpu.memory_space<vmem_shared>>
          tpu.enqueue_indirect_dma source(%arg12 : memref<100x128xf32, #tpu.memory_space<vmem>>) target(%dma_start3A_141 : memref<10000x128xf32, #tpu.memory_space<vmem_shared>>) offsets(%dma_start3A_138 : memref<100xi32, #tpu.memory_space<vmem>>) semaphore(%arg17 : memref<!tpu.dma_semaphore, #tpu.memory_space<semaphore_mem>>) {add = true}
          %mul3A_142 = arith.constant 2 : i32
          %mul3A_143 = arith.muli %mul3A_142, %scan3A_120 : i32
          %add3A_144 = arith.constant 1 : i32
          %add3A_145 = arith.addi %mul3A_143, %add3A_144 : i32
          %ge3A_146 = arith.constant 1 : i32
          %ge3A_147 = arith.cmpi sge, %add3A_145, %ge3A_146 : i32
          %convert_element_type3A_148 = arith.extui %ge3A_147 : i1 to i32
          %cond3A_149 = arith.constant 0 : i32
          %cond3A_150 = arith.cmpi ne, %convert_element_type3A_148, %cond3A_149 : i32
          scf.if %cond3A_150 {
            tpu.wait_dma2 semaphore(%arg17 : memref<!tpu.dma_semaphore, #tpu.memory_space<semaphore_mem>>) src(%arg7 : memref<100x128xf32, #tpu.memory_space<hbm>>) dst(%arg12 : memref<100x128xf32, #tpu.memory_space<vmem>>)
          } else {
          }
          %add3A_151 = arith.constant 1 : i32
          %add3A_152 = arith.addi %add3A_145, %add3A_151 : i32
          %lt3A_153 = arith.constant 40 : i32
          %lt3A_154 = arith.cmpi slt, %add3A_152, %lt3A_153 : i32
          %convert_element_type3A_155 = arith.extui %lt3A_154 : i1 to i32
          %cond3A_156 = arith.constant 0 : i32
          %cond3A_157 = arith.cmpi ne, %convert_element_type3A_155, %cond3A_156 : i32
          scf.if %cond3A_157 {
            %add3A_164 = arith.constant 1 : i32
            %add3A_165 = arith.addi %add3A_145, %add3A_164 : i32
            %dma_start3A_166 = arith.constant 0 : i32
            %dma_start3A_167 = tpu.memref_slice %arg10[%add3A_165, %dma_start3A_166] : memref<40x100xi32, #tpu.memory_space<vmem>> -> memref<1x100xi32, #tpu.memory_space<vmem>>
            %dma_start3A_168 = tpu.memref_squeeze %dma_start3A_167 : memref<1x100xi32, #tpu.memory_space<vmem>> -> memref<100xi32, #tpu.memory_space<vmem>>
            %dma_start3A_169 = arith.constant 0 : i32
            %dma_start3A_170 = arith.constant 0 : i32
            %dma_start3A_171 = tpu.memref_slice %arg3[%dma_start3A_169, %dma_start3A_170] : memref<10000x128xf32, #tpu.memory_space<hbm>> -> memref<10000x128xf32, #tpu.memory_space<hbm>>
            tpu.enqueue_indirect_dma source(%dma_start3A_171 : memref<10000x128xf32, #tpu.memory_space<hbm>>) target(%arg12 : memref<100x128xf32, #tpu.memory_space<vmem>>) offsets(%dma_start3A_168 : memref<100xi32, #tpu.memory_space<vmem>>) semaphore(%arg15 : memref<!tpu.dma_semaphore, #tpu.memory_space<semaphore_mem>>)
          } else {
          }
          tpu.wait_dma2 semaphore(%arg16 : memref<!tpu.dma_semaphore, #tpu.memory_space<semaphore_mem>>) src(%arg7 : memref<100x128xf32, #tpu.memory_space<hbm>>) dst(%arg13 : memref<100x128xf32, #tpu.memory_space<vmem>>)
          %dma_start3A_158 = arith.constant 0 : i32
          %dma_start3A_159 = tpu.memref_slice %arg11[%add3A_145, %dma_start3A_158] : memref<40x100xi32, #tpu.memory_space<vmem>> -> memref<1x100xi32, #tpu.memory_space<vmem>>
          %dma_start3A_160 = tpu.memref_squeeze %dma_start3A_159 : memref<1x100xi32, #tpu.memory_space<vmem>> -> memref<100xi32, #tpu.memory_space<vmem>>
          %dma_start3A_161 = arith.constant 0 : i32
          %dma_start3A_162 = arith.constant 0 : i32
          %dma_start3A_163 = tpu.memref_slice %arg14[%dma_start3A_161, %dma_start3A_162] : memref<10000x128xf32, #tpu.memory_space<vmem_shared>> -> memref<10000x128xf32, #tpu.memory_space<vmem_shared>>
          tpu.enqueue_indirect_dma source(%arg13 : memref<100x128xf32, #tpu.memory_space<vmem>>) target(%dma_start3A_163 : memref<10000x128xf32, #tpu.memory_space<vmem_shared>>) offsets(%dma_start3A_160 : memref<100xi32, #tpu.memory_space<vmem>>) semaphore(%arg18 : memref<!tpu.dma_semaphore, #tpu.memory_space<semaphore_mem>>) {add = true}
        }
        %scan3A_119 = arith.constant 20 : i32
        tpu.wait_dma2 semaphore(%arg18 : memref<!tpu.dma_semaphore, #tpu.memory_space<semaphore_mem>>) src(%arg7 : memref<100x128xf32, #tpu.memory_space<hbm>>) dst(%arg13 : memref<100x128xf32, #tpu.memory_space<vmem>>)
      }
      %while3A_89 = arith.constant 1 : i32
      scf.for %while3A_90 = %while3A_87 to %while3A_83 step %while3A_89  : i32 {
        %mul3A_91 = arith.constant 40 : i32
        %mul3A_92 = arith.muli %while3A_90, %mul3A_91 : i32
        %add3A_93 = arith.addi %select_n3A_18, %mul3A_92 : i32
        %dma_start3A = arith.constant 0 : i32
        %dma_start3A_94 = tpu.memref_slice %arg4[%add3A_93, %dma_start3A] : memref<3200x100xi32, #tpu.memory_space<hbm>> -> memref<40x100xi32, #tpu.memory_space<hbm>>
        %dma_start3A_95 = arith.constant 0 : i32
        %dma_start3A_96 = tpu.memref_slice %arg4[%add3A_93, %dma_start3A_95] : memref<3200x100xi32, #tpu.memory_space<hbm>> -> memref<40x100xi32, #tpu.memory_space<hbm>>
        tpu.enqueue_dma source(%dma_start3A_96 : memref<40x100xi32, #tpu.memory_space<hbm>>) target(%arg10 : memref<40x100xi32, #tpu.memory_space<vmem>>) target_semaphore(%arg15 : memref<!tpu.dma_semaphore, #tpu.memory_space<semaphore_mem>>)
        %dma_start3A_97 = arith.constant 0 : i32
        %dma_start3A_98 = tpu.memref_slice %arg5[%add3A_93, %dma_start3A_97] : memref<3200x100xi32, #tpu.memory_space<hbm>> -> memref<40x100xi32, #tpu.memory_space<hbm>>
        %dma_start3A_99 = arith.constant 0 : i32
        %dma_start3A_100 = tpu.memref_slice %arg5[%add3A_93, %dma_start3A_99] : memref<3200x100xi32, #tpu.memory_space<hbm>> -> memref<40x100xi32, #tpu.memory_space<hbm>>
        tpu.enqueue_dma source(%dma_start3A_100 : memref<40x100xi32, #tpu.memory_space<hbm>>) target(%arg11 : memref<40x100xi32, #tpu.memory_space<vmem>>) target_semaphore(%arg15 : memref<!tpu.dma_semaphore, #tpu.memory_space<semaphore_mem>>)
        %dma_wait3A = arith.constant 0 : i32
        %dma_wait3A_101 = tpu.memref_slice %arg4[%add3A_93, %dma_wait3A] : memref<3200x100xi32, #tpu.memory_space<hbm>> -> memref<40x100xi32, #tpu.memory_space<hbm>>
        %dma_wait3A_102 = arith.constant 0 : i32
        %dma_wait3A_103 = tpu.memref_slice %arg4[%add3A_93, %dma_wait3A_102] : memref<3200x100xi32, #tpu.memory_space<hbm>> -> memref<40x100xi32, #tpu.memory_space<hbm>>
        tpu.wait_dma2 semaphore(%arg15 : memref<!tpu.dma_semaphore, #tpu.memory_space<semaphore_mem>>) src(%dma_wait3A_103 : memref<40x100xi32, #tpu.memory_space<hbm>>) dst(%arg10 : memref<40x100xi32, #tpu.memory_space<vmem>>)
        %dma_wait3A_104 = arith.constant 0 : i32
        %dma_wait3A_105 = tpu.memref_slice %arg5[%add3A_93, %dma_wait3A_104] : memref<3200x100xi32, #tpu.memory_space<hbm>> -> memref<40x100xi32, #tpu.memory_space<hbm>>
        %dma_wait3A_106 = arith.constant 0 : i32
        %dma_wait3A_107 = tpu.memref_slice %arg5[%add3A_93, %dma_wait3A_106] : memref<3200x100xi32, #tpu.memory_space<hbm>> -> memref<40x100xi32, #tpu.memory_space<hbm>>
        tpu.wait_dma2 semaphore(%arg15 : memref<!tpu.dma_semaphore, #tpu.memory_space<semaphore_mem>>) src(%dma_wait3A_107 : memref<40x100xi32, #tpu.memory_space<hbm>>) dst(%arg11 : memref<40x100xi32, #tpu.memory_space<vmem>>)
        %dma_start3A_108 = arith.constant 0 : i32
        %dma_start3A_109 = arith.constant 0 : i32
        %dma_start3A_110 = tpu.memref_slice %arg10[%dma_start3A_108, %dma_start3A_109] : memref<40x100xi32, #tpu.memory_space<vmem>> -> memref<1x100xi32, #tpu.memory_space<vmem>>
        %dma_start3A_111 = tpu.memref_squeeze %dma_start3A_110 : memref<1x100xi32, #tpu.memory_space<vmem>> -> memref<100xi32, #tpu.memory_space<vmem>>
        %dma_start3A_112 = arith.constant 0 : i32
        %dma_start3A_113 = arith.constant 0 : i32
        %dma_start3A_114 = tpu.memref_slice %arg3[%dma_start3A_112, %dma_start3A_113] : memref<10000x128xf32, #tpu.memory_space<hbm>> -> memref<10000x128xf32, #tpu.memory_space<hbm>>
        tpu.enqueue_indirect_dma source(%dma_start3A_114 : memref<10000x128xf32, #tpu.memory_space<hbm>>) target(%arg12 : memref<100x128xf32, #tpu.memory_space<vmem>>) offsets(%dma_start3A_111 : memref<100xi32, #tpu.memory_space<vmem>>) semaphore(%arg15 : memref<!tpu.dma_semaphore, #tpu.memory_space<semaphore_mem>>)
        %scan3A = arith.constant 0 : i32
        %scan3A_115 = arith.constant 0 : i32
        %scan3A_116 = arith.constant 20 : i32
        %scan3A_117 = arith.addi %scan3A_115, %scan3A_116 : i32
        %scan3A_118 = arith.constant 1 : i32
        scf.for %scan3A_120 = %scan3A_115 to %scan3A_117 step %scan3A_118  : i32 {
          %mul3A_121 = arith.constant 2 : i32
          %mul3A_122 = arith.muli %mul3A_121, %scan3A_120 : i32
          %add3A_123 = arith.constant 0 : i32
          %add3A_124 = arith.addi %mul3A_122, %add3A_123 : i32
          %ge3A = arith.constant 1 : i32
          %ge3A_125 = arith.cmpi sge, %add3A_124, %ge3A : i32
          %convert_element_type3A_126 = arith.extui %ge3A_125 : i1 to i32
          %cond3A_127 = arith.constant 0 : i32
          %cond3A_128 = arith.cmpi ne, %convert_element_type3A_126, %cond3A_127 : i32
          scf.if %cond3A_128 {
            tpu.wait_dma2 semaphore(%arg18 : memref<!tpu.dma_semaphore, #tpu.memory_space<semaphore_mem>>) src(%arg7 : memref<100x128xf32, #tpu.memory_space<hbm>>) dst(%arg13 : memref<100x128xf32, #tpu.memory_space<vmem>>)
          } else {
          }
          %add3A_129 = arith.constant 1 : i32
          %add3A_130 = arith.addi %add3A_124, %add3A_129 : i32
          %lt3A_131 = arith.constant 40 : i32
          %lt3A_132 = arith.cmpi slt, %add3A_130, %lt3A_131 : i32
          %convert_element_type3A_133 = arith.extui %lt3A_132 : i1 to i32
          %cond3A_134 = arith.constant 0 : i32
          %cond3A_135 = arith.cmpi ne, %convert_element_type3A_133, %cond3A_134 : i32
          scf.if %cond3A_135 {
            %add3A_164 = arith.constant 1 : i32
            %add3A_165 = arith.addi %add3A_124, %add3A_164 : i32
            %dma_start3A_166 = arith.constant 0 : i32
            %dma_start3A_167 = tpu.memref_slice %arg10[%add3A_165, %dma_start3A_166] : memref<40x100xi32, #tpu.memory_space<vmem>> -> memref<1x100xi32, #tpu.memory_space<vmem>>
            %dma_start3A_168 = tpu.memref_squeeze %dma_start3A_167 : memref<1x100xi32, #tpu.memory_space<vmem>> -> memref<100xi32, #tpu.memory_space<vmem>>
            %dma_start3A_169 = arith.constant 0 : i32
            %dma_start3A_170 = arith.constant 0 : i32
            %dma_start3A_171 = tpu.memref_slice %arg3[%dma_start3A_169, %dma_start3A_170] : memref<10000x128xf32, #tpu.memory_space<hbm>> -> memref<10000x128xf32, #tpu.memory_space<hbm>>
            tpu.enqueue_indirect_dma source(%dma_start3A_171 : memref<10000x128xf32, #tpu.memory_space<hbm>>) target(%arg13 : memref<100x128xf32, #tpu.memory_space<vmem>>) offsets(%dma_start3A_168 : memref<100xi32, #tpu.memory_space<vmem>>) semaphore(%arg16 : memref<!tpu.dma_semaphore, #tpu.memory_space<semaphore_mem>>)
          } else {
          }
          tpu.wait_dma2 semaphore(%arg15 : memref<!tpu.dma_semaphore, #tpu.memory_space<semaphore_mem>>) src(%arg7 : memref<100x128xf32, #tpu.memory_space<hbm>>) dst(%arg12 : memref<100x128xf32, #tpu.memory_space<vmem>>)
          %dma_start3A_136 = arith.constant 0 : i32
          %dma_start3A_137 = tpu.memref_slice %arg11[%add3A_124, %dma_start3A_136] : memref<40x100xi32, #tpu.memory_space<vmem>> -> memref<1x100xi32, #tpu.memory_space<vmem>>
          %dma_start3A_138 = tpu.memref_squeeze %dma_start3A_137 : memref<1x100xi32, #tpu.memory_space<vmem>> -> memref<100xi32, #tpu.memory_space<vmem>>
          %dma_start3A_139 = arith.constant 0 : i32
          %dma_start3A_140 = arith.constant 0 : i32
          %dma_start3A_141 = tpu.memref_slice %arg14[%dma_start3A_139, %dma_start3A_140] : memref<10000x128xf32, #tpu.memory_space<vmem_shared>> -> memref<10000x128xf32, #tpu.memory_space<vmem_shared>>
          tpu.enqueue_indirect_dma source(%arg12 : memref<100x128xf32, #tpu.memory_space<vmem>>) target(%dma_start3A_141 : memref<10000x128xf32, #tpu.memory_space<vmem_shared>>) offsets(%dma_start3A_138 : memref<100xi32, #tpu.memory_space<vmem>>) semaphore(%arg17 : memref<!tpu.dma_semaphore, #tpu.memory_space<semaphore_mem>>) {add = true}
          %mul3A_142 = arith.constant 2 : i32
          %mul3A_143 = arith.muli %mul3A_142, %scan3A_120 : i32
          %add3A_144 = arith.constant 1 : i32
          %add3A_145 = arith.addi %mul3A_143, %add3A_144 : i32
          %ge3A_146 = arith.constant 1 : i32
          %ge3A_147 = arith.cmpi sge, %add3A_145, %ge3A_146 : i32
          %convert_element_type3A_148 = arith.extui %ge3A_147 : i1 to i32
          %cond3A_149 = arith.constant 0 : i32
          %cond3A_150 = arith.cmpi ne, %convert_element_type3A_148, %cond3A_149 : i32
          scf.if %cond3A_150 {
            tpu.wait_dma2 semaphore(%arg17 : memref<!tpu.dma_semaphore, #tpu.memory_space<semaphore_mem>>) src(%arg7 : memref<100x128xf32, #tpu.memory_space<hbm>>) dst(%arg12 : memref<100x128xf32, #tpu.memory_space<vmem>>)
          } else {
          }
          %add3A_151 = arith.constant 1 : i32
          %add3A_152 = arith.addi %add3A_145, %add3A_151 : i32
          %lt3A_153 = arith.constant 40 : i32
          %lt3A_154 = arith.cmpi slt, %add3A_152, %lt3A_153 : i32
          %convert_element_type3A_155 = arith.extui %lt3A_154 : i1 to i32
          %cond3A_156 = arith.constant 0 : i32
          %cond3A_157 = arith.cmpi ne, %convert_element_type3A_155, %cond3A_156 : i32
          scf.if %cond3A_157 {
            %add3A_164 = arith.constant 1 : i32
            %add3A_165 = arith.addi %add3A_145, %add3A_164 : i32
            %dma_start3A_166 = arith.constant 0 : i32
            %dma_start3A_167 = tpu.memref_slice %arg10[%add3A_165, %dma_start3A_166] : memref<40x100xi32, #tpu.memory_space<vmem>> -> memref<1x100xi32, #tpu.memory_space<vmem>>
            %dma_start3A_168 = tpu.memref_squeeze %dma_start3A_167 : memref<1x100xi32, #tpu.memory_space<vmem>> -> memref<100xi32, #tpu.memory_space<vmem>>
            %dma_start3A_169 = arith.constant 0 : i32
            %dma_start3A_170 = arith.constant 0 : i32
            %dma_start3A_171 = tpu.memref_slice %arg3[%dma_start3A_169, %dma_start3A_170] : memref<10000x128xf32, #tpu.memory_space<hbm>> -> memref<10000x128xf32, #tpu.memory_space<hbm>>
            tpu.enqueue_indirect_dma source(%dma_start3A_171 : memref<10000x128xf32, #tpu.memory_space<hbm>>) target(%arg12 : memref<100x128xf32, #tpu.memory_space<vmem>>) offsets(%dma_start3A_168 : memref<100xi32, #tpu.memory_space<vmem>>) semaphore(%arg15 : memref<!tpu.dma_semaphore, #tpu.memory_space<semaphore_mem>>)
          } else {
          }
          tpu.wait_dma2 semaphore(%arg16 : memref<!tpu.dma_semaphore, #tpu.memory_space<semaphore_mem>>) src(%arg7 : memref<100x128xf32, #tpu.memory_space<hbm>>) dst(%arg13 : memref<100x128xf32, #tpu.memory_space<vmem>>)
          %dma_start3A_158 = arith.constant 0 : i32
          %dma_start3A_159 = tpu.memref_slice %arg11[%add3A_145, %dma_start3A_158] : memref<40x100xi32, #tpu.memory_space<vmem>> -> memref<1x100xi32, #tpu.memory_space<vmem>>
          %dma_start3A_160 = tpu.memref_squeeze %dma_start3A_159 : memref<1x100xi32, #tpu.memory_space<vmem>> -> memref<100xi32, #tpu.memory_space<vmem>>
          %dma_start3A_161 = arith.constant 0 : i32
          %dma_start3A_162 = arith.constant 0 : i32
          %dma_start3A_163 = tpu.memref_slice %arg14[%dma_start3A_161, %dma_start3A_162] : memref<10000x128xf32, #tpu.memory_space<vmem_shared>> -> memref<10000x128xf32, #tpu.memory_space<vmem_shared>>
          tpu.enqueue_indirect_dma source(%arg13 : memref<100x128xf32, #tpu.memory_space<vmem>>) target(%dma_start3A_163 : memref<10000x128xf32, #tpu.memory_space<vmem_shared>>) offsets(%dma_start3A_160 : memref<100xi32, #tpu.memory_space<vmem>>) semaphore(%arg18 : memref<!tpu.dma_semaphore, #tpu.memory_space<semaphore_mem>>) {add = true}
        }
        %scan3A_119 = arith.constant 20 : i32
        tpu.wait_dma2 semaphore(%arg18 : memref<!tpu.dma_semaphore, #tpu.memory_space<semaphore_mem>>) src(%arg7 : memref<100x128xf32, #tpu.memory_space<hbm>>) dst(%arg13 : memref<100x128xf32, #tpu.memory_space<vmem>>)
      }
    } else {
    }
    %barrier3A_29 = arith.constant 0 : index
    tpu.barrier barrier_id(%barrier3A_29)
    %eq3A_30 = arith.constant 0 : i32
    %eq3A_31 = arith.cmpi eq, %arg0, %eq3A_30 : i32
    %lt3A_32 = arith.constant 15 : i32
    %lt3A_33 = arith.cmpi slt, %arg1, %lt3A_32 : i32
    %and3A = arith.andi %eq3A_31, %lt3A_33 : i1
    %eq3A_34 = arith.constant 0 : i32
    %eq3A_35 = arith.cmpi eq, %arg0, %eq3A_34 : i32
    %eq3A_36 = arith.constant 15 : i32
    %eq3A_37 = arith.cmpi eq, %arg1, %eq3A_36 : i32
    %and3A_38 = arith.andi %eq3A_35, %eq3A_37 : i1
    %convert_element_type3A_39 = arith.extui %and3A : i1 to i32
    %cond3A_40 = arith.constant 0 : i32
    %cond3A_41 = arith.cmpi ne, %convert_element_type3A_39, %cond3A_40 : i32
    scf.if %cond3A_41 {
      "tpu.region"() ({
        %run_scoped3A = tpu.sem_alloc : memref<!tpu.dma_semaphore, #tpu.memory_space<semaphore_mem>>
        %dma_start3A = arith.constant 0 : i32
        %dma_start3A_61 = tpu.memref_slice %arg8[%mul3A_0, %dma_start3A] : memref<10000x128xf32, #tpu.memory_space<hbm>> -> memref<632x128xf32, #tpu.memory_space<hbm>>
        %dma_start3A_62 = arith.constant 0 : i32
        %dma_start3A_63 = tpu.memref_slice %arg14[%mul3A_0, %dma_start3A_62] : memref<10000x128xf32, #tpu.memory_space<vmem_shared>> -> memref<632x128xf32, #tpu.memory_space<vmem_shared>>
        tpu.enqueue_dma source(%dma_start3A_63 : memref<632x128xf32, #tpu.memory_space<vmem_shared>>) target(%dma_start3A_61 : memref<632x128xf32, #tpu.memory_space<hbm>>) target_semaphore(%run_scoped3A : memref<!tpu.dma_semaphore, #tpu.memory_space<semaphore_mem>>)
        %dma_wait3A = arith.constant 0 : i32
        %dma_wait3A_64 = tpu.memref_slice %arg8[%mul3A_0, %dma_wait3A] : memref<10000x128xf32, #tpu.memory_space<hbm>> -> memref<632x128xf32, #tpu.memory_space<hbm>>
        %dma_wait3A_65 = arith.constant 0 : i32
        %dma_wait3A_66 = tpu.memref_slice %arg14[%mul3A_0, %dma_wait3A_65] : memref<10000x128xf32, #tpu.memory_space<vmem_shared>> -> memref<632x128xf32, #tpu.memory_space<vmem_shared>>
        tpu.wait_dma2 semaphore(%run_scoped3A : memref<!tpu.dma_semaphore, #tpu.memory_space<semaphore_mem>>) src(%dma_wait3A_66 : memref<632x128xf32, #tpu.memory_space<vmem_shared>>) dst(%dma_wait3A_64 : memref<632x128xf32, #tpu.memory_space<hbm>>)
        tpu.yield
      }) : () -> ()
    } else {
    }
    %convert_element_type3A_42 = arith.extui %and3A_38 : i1 to i32
    %cond3A_43 = arith.constant 0 : i32
    %cond3A_44 = arith.cmpi ne, %convert_element_type3A_42, %cond3A_43 : i32
    scf.if %cond3A_44 {
      "tpu.region"() ({
        %run_scoped3A = tpu.sem_alloc : memref<!tpu.dma_semaphore, #tpu.memory_space<semaphore_mem>>
        %dma_start3A = arith.constant 0 : i32
        %dma_start3A_61 = tpu.memref_slice %arg8[%mul3A_0, %dma_start3A] : memref<10000x128xf32, #tpu.memory_space<hbm>> -> memref<520x128xf32, #tpu.memory_space<hbm>>
        %dma_start3A_62 = arith.constant 0 : i32
        %dma_start3A_63 = tpu.memref_slice %arg14[%mul3A_0, %dma_start3A_62] : memref<10000x128xf32, #tpu.memory_space<vmem_shared>> -> memref<520x128xf32, #tpu.memory_space<vmem_shared>>
        tpu.enqueue_dma source(%dma_start3A_63 : memref<520x128xf32, #tpu.memory_space<vmem_shared>>) target(%dma_start3A_61 : memref<520x128xf32, #tpu.memory_space<hbm>>) target_semaphore(%run_scoped3A : memref<!tpu.dma_semaphore, #tpu.memory_space<semaphore_mem>>)
        %dma_wait3A = arith.constant 0 : i32
        %dma_wait3A_64 = tpu.memref_slice %arg8[%mul3A_0, %dma_wait3A] : memref<10000x128xf32, #tpu.memory_space<hbm>> -> memref<520x128xf32, #tpu.memory_space<hbm>>
        %dma_wait3A_65 = arith.constant 0 : i32
        %dma_wait3A_66 = tpu.memref_slice %arg14[%mul3A_0, %dma_wait3A_65] : memref<10000x128xf32, #tpu.memory_space<vmem_shared>> -> memref<520x128xf32, #tpu.memory_space<vmem_shared>>
        tpu.wait_dma2 semaphore(%run_scoped3A : memref<!tpu.dma_semaphore, #tpu.memory_space<semaphore_mem>>) src(%dma_wait3A_66 : memref<520x128xf32, #tpu.memory_space<vmem_shared>>) dst(%dma_wait3A_64 : memref<520x128xf32, #tpu.memory_space<hbm>>)
        tpu.yield
      }) : () -> ()
    } else {
    }
    %eq3A_45 = arith.constant 1 : i32
    %eq3A_46 = arith.cmpi eq, %arg0, %eq3A_45 : i32
    %lt3A_47 = arith.constant 15 : i32
    %lt3A_48 = arith.cmpi slt, %arg1, %lt3A_47 : i32
    %and3A_49 = arith.andi %eq3A_46, %lt3A_48 : i1
    %eq3A_50 = arith.constant 1 : i32
    %eq3A_51 = arith.cmpi eq, %arg0, %eq3A_50 : i32
    %eq3A_52 = arith.constant 15 : i32
    %eq3A_53 = arith.cmpi eq, %arg1, %eq3A_52 : i32
    %and3A_54 = arith.andi %eq3A_51, %eq3A_53 : i1
    %convert_element_type3A_55 = arith.extui %and3A_49 : i1 to i32
    %cond3A_56 = arith.constant 0 : i32
    %cond3A_57 = arith.cmpi ne, %convert_element_type3A_55, %cond3A_56 : i32
    scf.if %cond3A_57 {
      "tpu.region"() ({
        %run_scoped3A = tpu.sem_alloc : memref<!tpu.dma_semaphore, #tpu.memory_space<semaphore_mem>>
        %dma_start3A = arith.constant 0 : i32
        %dma_start3A_61 = tpu.memref_slice %arg9[%mul3A_0, %dma_start3A] : memref<10000x128xf32, #tpu.memory_space<hbm>> -> memref<632x128xf32, #tpu.memory_space<hbm>>
        %dma_start3A_62 = arith.constant 0 : i32
        %dma_start3A_63 = tpu.memref_slice %arg14[%mul3A_0, %dma_start3A_62] : memref<10000x128xf32, #tpu.memory_space<vmem_shared>> -> memref<632x128xf32, #tpu.memory_space<vmem_shared>>
        tpu.enqueue_dma source(%dma_start3A_63 : memref<632x128xf32, #tpu.memory_space<vmem_shared>>) target(%dma_start3A_61 : memref<632x128xf32, #tpu.memory_space<hbm>>) target_semaphore(%run_scoped3A : memref<!tpu.dma_semaphore, #tpu.memory_space<semaphore_mem>>)
        %dma_wait3A = arith.constant 0 : i32
        %dma_wait3A_64 = tpu.memref_slice %arg9[%mul3A_0, %dma_wait3A] : memref<10000x128xf32, #tpu.memory_space<hbm>> -> memref<632x128xf32, #tpu.memory_space<hbm>>
        %dma_wait3A_65 = arith.constant 0 : i32
        %dma_wait3A_66 = tpu.memref_slice %arg14[%mul3A_0, %dma_wait3A_65] : memref<10000x128xf32, #tpu.memory_space<vmem_shared>> -> memref<632x128xf32, #tpu.memory_space<vmem_shared>>
        tpu.wait_dma2 semaphore(%run_scoped3A : memref<!tpu.dma_semaphore, #tpu.memory_space<semaphore_mem>>) src(%dma_wait3A_66 : memref<632x128xf32, #tpu.memory_space<vmem_shared>>) dst(%dma_wait3A_64 : memref<632x128xf32, #tpu.memory_space<hbm>>)
        tpu.yield
      }) : () -> ()
    } else {
    }
    %convert_element_type3A_58 = arith.extui %and3A_54 : i1 to i32
    %cond3A_59 = arith.constant 0 : i32
    %cond3A_60 = arith.cmpi ne, %convert_element_type3A_58, %cond3A_59 : i32
    scf.if %cond3A_60 {
      "tpu.region"() ({
        %run_scoped3A = tpu.sem_alloc : memref<!tpu.dma_semaphore, #tpu.memory_space<semaphore_mem>>
        %dma_start3A = arith.constant 0 : i32
        %dma_start3A_61 = tpu.memref_slice %arg9[%mul3A_0, %dma_start3A] : memref<10000x128xf32, #tpu.memory_space<hbm>> -> memref<520x128xf32, #tpu.memory_space<hbm>>
        %dma_start3A_62 = arith.constant 0 : i32
        %dma_start3A_63 = tpu.memref_slice %arg14[%mul3A_0, %dma_start3A_62] : memref<10000x128xf32, #tpu.memory_space<vmem_shared>> -> memref<520x128xf32, #tpu.memory_space<vmem_shared>>
        tpu.enqueue_dma source(%dma_start3A_63 : memref<520x128xf32, #tpu.memory_space<vmem_shared>>) target(%dma_start3A_61 : memref<520x128xf32, #tpu.memory_space<hbm>>) target_semaphore(%run_scoped3A : memref<!tpu.dma_semaphore, #tpu.memory_space<semaphore_mem>>)
        %dma_wait3A = arith.constant 0 : i32
        %dma_wait3A_64 = tpu.memref_slice %arg9[%mul3A_0, %dma_wait3A] : memref<10000x128xf32, #tpu.memory_space<hbm>> -> memref<520x128xf32, #tpu.memory_space<hbm>>
        %dma_wait3A_65 = arith.constant 0 : i32
        %dma_wait3A_66 = tpu.memref_slice %arg14[%mul3A_0, %dma_wait3A_65] : memref<10000x128xf32, #tpu.memory_space<vmem_shared>> -> memref<520x128xf32, #tpu.memory_space<vmem_shared>>
        tpu.wait_dma2 semaphore(%run_scoped3A : memref<!tpu.dma_semaphore, #tpu.memory_space<semaphore_mem>>) src(%dma_wait3A_66 : memref<520x128xf32, #tpu.memory_space<vmem_shared>>) dst(%dma_wait3A_64 : memref<520x128xf32, #tpu.memory_space<hbm>>)
        tpu.yield
      }) : () -> ()
    } else {
    }
    return
  }
}

#map = affine_map<(d0, d1) -> (0, 0)>
module attributes {stable_mosaic.version = 14 : i64} {
  func.func @spmm_kernel(%arg0: i32, %arg1: i32, %arg2: memref<10000x128xf32, #tpu.memory_space<hbm>>, %arg3: memref<10000x128xf32, #tpu.memory_space<hbm>>, %arg4: memref<4000x80xi32, #tpu.memory_space<hbm>>, %arg5: memref<4000x80xi32, #tpu.memory_space<hbm>>, %arg6: memref<632x128xf32, #tpu.memory_space<hbm>>, %arg7: memref<80x128xf32, #tpu.memory_space<hbm>>, %arg8: memref<10000x128xf32, #tpu.memory_space<hbm>>, %arg9: memref<10000x128xf32, #tpu.memory_space<hbm>>, %arg10: memref<32x80xi32, #tpu.memory_space<vmem>>, %arg11: memref<32x80xi32, #tpu.memory_space<vmem>>, %arg12: memref<80x128xf32, #tpu.memory_space<vmem>>, %arg13: memref<80x128xf32, #tpu.memory_space<vmem>>, %arg14: memref<10000x128xf32, #tpu.memory_space<vmem_shared>>, %arg15: memref<!tpu.dma_semaphore, #tpu.memory_space<semaphore_mem>>, %arg16: memref<!tpu.dma_semaphore, #tpu.memory_space<semaphore_mem>>, %arg17: memref<!tpu.dma_semaphore, #tpu.memory_space<semaphore_mem>>, %arg18: memref<!tpu.dma_semaphore, #tpu.memory_space<semaphore_mem>>) attributes {dimension_semantics = [#tpu.dimension_semantics<core_parallel>, #tpu.dimension_semantics<subcore_parallel>], iteration_bounds = array<i64: 2, 16>, scalar_prefetch = 0 : i64, scratch_operands = 9 : i64, tpu.core_type = #tpu.core_type<sc_vector_subcore>, window_params = [{transform_indices = #map}, {transform_indices = #map}, {transform_indices = #map}, {transform_indices = #map}, {transform_indices = #map}, {transform_indices = #map}, {transform_indices = #map}, {transform_indices = #map}]} {
    %mul3A = arith.constant 2 : i32
    %mul3A_0 = arith.muli %arg1, %mul3A : i32
    %add3A = arith.addi %mul3A_0, %arg0 : i32
    %mul3A_1 = arith.constant 632 : i32
    %mul3A_2 = arith.muli %arg1, %mul3A_1 : i32
    %lt3A = arith.constant 15 : i32
    %lt3A_3 = arith.cmpi slt, %arg1, %lt3A : i32
    %convert_element_type3A = arith.extui %lt3A_3 : i1 to i32
    %cond3A = arith.constant 0 : i32
    %cond3A_4 = arith.cmpi ne, %convert_element_type3A, %cond3A : i32
    scf.if %cond3A_4 {
      "tpu.region"() ({
        %run_scoped3A = tpu.sem_alloc : memref<!tpu.dma_semaphore, #tpu.memory_space<semaphore_mem>>
        %dma_start3A = arith.constant 0 : i32
        %dma_start3A_64 = tpu.memref_slice %arg14[%mul3A_2, %dma_start3A] : memref<10000x128xf32, #tpu.memory_space<vmem_shared>> -> memref<632x128xf32, #tpu.memory_space<vmem_shared>>
        tpu.enqueue_dma source(%arg6 : memref<632x128xf32, #tpu.memory_space<hbm>>) target(%dma_start3A_64 : memref<632x128xf32, #tpu.memory_space<vmem_shared>>) target_semaphore(%run_scoped3A : memref<!tpu.dma_semaphore, #tpu.memory_space<semaphore_mem>>)
        %dma_wait3A = arith.constant 0 : i32
        %dma_wait3A_65 = tpu.memref_slice %arg14[%mul3A_2, %dma_wait3A] : memref<10000x128xf32, #tpu.memory_space<vmem_shared>> -> memref<632x128xf32, #tpu.memory_space<vmem_shared>>
        tpu.wait_dma2 semaphore(%run_scoped3A : memref<!tpu.dma_semaphore, #tpu.memory_space<semaphore_mem>>) src(%arg6 : memref<632x128xf32, #tpu.memory_space<hbm>>) dst(%dma_wait3A_65 : memref<632x128xf32, #tpu.memory_space<vmem_shared>>)
        tpu.yield
      }) : () -> ()
    } else {
    }
    %eq3A = arith.constant 15 : i32
    %eq3A_5 = arith.cmpi eq, %arg1, %eq3A : i32
    %convert_element_type3A_6 = arith.extui %eq3A_5 : i1 to i32
    %cond3A_7 = arith.constant 0 : i32
    %cond3A_8 = arith.cmpi ne, %convert_element_type3A_6, %cond3A_7 : i32
    scf.if %cond3A_8 {
      "tpu.region"() ({
        %run_scoped3A = tpu.sem_alloc : memref<!tpu.dma_semaphore, #tpu.memory_space<semaphore_mem>>
        %dma_start3A = arith.constant 0 : i32
        %dma_start3A_64 = tpu.memref_slice %arg14[%mul3A_2, %dma_start3A] : memref<10000x128xf32, #tpu.memory_space<vmem_shared>> -> memref<520x128xf32, #tpu.memory_space<vmem_shared>>
        %dma_start3A_65 = arith.constant 0 : i32
        %dma_start3A_66 = arith.constant 0 : i32
        %dma_start3A_67 = tpu.memref_slice %arg6[%dma_start3A_65, %dma_start3A_66] : memref<632x128xf32, #tpu.memory_space<hbm>> -> memref<520x128xf32, #tpu.memory_space<hbm>>
        tpu.enqueue_dma source(%dma_start3A_67 : memref<520x128xf32, #tpu.memory_space<hbm>>) target(%dma_start3A_64 : memref<520x128xf32, #tpu.memory_space<vmem_shared>>) target_semaphore(%run_scoped3A : memref<!tpu.dma_semaphore, #tpu.memory_space<semaphore_mem>>)
        %dma_wait3A = arith.constant 0 : i32
        %dma_wait3A_68 = tpu.memref_slice %arg14[%mul3A_2, %dma_wait3A] : memref<10000x128xf32, #tpu.memory_space<vmem_shared>> -> memref<520x128xf32, #tpu.memory_space<vmem_shared>>
        %dma_wait3A_69 = arith.constant 0 : i32
        %dma_wait3A_70 = arith.constant 0 : i32
        %dma_wait3A_71 = tpu.memref_slice %arg6[%dma_wait3A_69, %dma_wait3A_70] : memref<632x128xf32, #tpu.memory_space<hbm>> -> memref<520x128xf32, #tpu.memory_space<hbm>>
        tpu.wait_dma2 semaphore(%run_scoped3A : memref<!tpu.dma_semaphore, #tpu.memory_space<semaphore_mem>>) src(%dma_wait3A_71 : memref<520x128xf32, #tpu.memory_space<hbm>>) dst(%dma_wait3A_68 : memref<520x128xf32, #tpu.memory_space<vmem_shared>>)
        tpu.yield
      }) : () -> ()
    } else {
    }
    %barrier3A = arith.constant 0 : index
    tpu.barrier barrier_id(%barrier3A)
    %lt3A_9 = arith.constant 31 : i32
    %lt3A_10 = arith.cmpi slt, %add3A, %lt3A_9 : i32
    %jit3A = arith.constant 128 : i32
    %jit3A_11 = arith.constant 32 : i32
    %select_n3A = arith.select %lt3A_10, %jit3A, %jit3A_11 : i32
    %lt3A_12 = arith.constant 31 : i32
    %lt3A_13 = arith.cmpi slt, %add3A, %lt3A_12 : i32
    %mul3A_14 = arith.constant 128 : i32
    %mul3A_15 = arith.muli %add3A, %mul3A_14 : i32
    %sub3A = arith.constant 31 : i32
    %sub3A_16 = arith.subi %add3A, %sub3A : i32
    %mul3A_17 = arith.constant 32 : i32
    %mul3A_18 = arith.muli %sub3A_16, %mul3A_17 : i32
    %add3A_19 = arith.constant 3968 : i32
    %add3A_20 = arith.addi %add3A_19, %mul3A_18 : i32
    %select_n3A_21 = arith.select %lt3A_13, %mul3A_15, %add3A_20 : i32
    %eq3A_22 = arith.constant 0 : i32
    %eq3A_23 = arith.cmpi eq, %arg0, %eq3A_22 : i32
    %convert_element_type3A_24 = arith.extui %eq3A_23 : i1 to i32
    %cond3A_25 = arith.constant 0 : i32
    %cond3A_26 = arith.cmpi ne, %convert_element_type3A_24, %cond3A_25 : i32
    scf.if %cond3A_26 {
      %jit3A_64 = arith.constant 32 : i32
      %div3A = arith.divsi %select_n3A, %jit3A_64 : i32
      %sign3A = arith.constant 0 : i32
      %sign3A_65 = arith.cmpi sgt, %select_n3A, %sign3A : i32
      %sign3A_66 = arith.extui %sign3A_65 : i1 to i32
      %sign3A_67 = arith.constant 0 : i32
      %sign3A_68 = arith.cmpi slt, %select_n3A, %sign3A_67 : i32
      %sign3A_69 = arith.extui %sign3A_68 : i1 to i32
      %sign3A_70 = arith.subi %sign3A_66, %sign3A_69 : i32
      %sign3A_71 = arith.constant 0 : i32
      %sign3A_72 = arith.cmpi sgt, %jit3A_64, %sign3A_71 : i32
      %sign3A_73 = arith.extui %sign3A_72 : i1 to i32
      %sign3A_74 = arith.constant 0 : i32
      %sign3A_75 = arith.cmpi slt, %jit3A_64, %sign3A_74 : i32
      %sign3A_76 = arith.extui %sign3A_75 : i1 to i32
      %sign3A_77 = arith.subi %sign3A_73, %sign3A_76 : i32
      %ne3A = arith.cmpi ne, %sign3A_70, %sign3A_77 : i32
      %rem3A = arith.remsi %select_n3A, %jit3A_64 : i32
      %ne3A_78 = arith.constant 0 : i32
      %ne3A_79 = arith.cmpi ne, %rem3A, %ne3A_78 : i32
      %and3A_80 = arith.andi %ne3A, %ne3A_79 : i1
      %sub3A_81 = arith.constant 1 : i32
      %sub3A_82 = arith.subi %div3A, %sub3A_81 : i32
      %select_n3A_83 = arith.select %and3A_80, %sub3A_82, %div3A : i32
      %while3A = arith.constant 0 : i32
      %while3A_84 = arith.constant 0 : i32
      %while3A_85 = arith.subi %select_n3A_83, %while3A_84 : i32
      %while3A_86 = arith.addi %while3A_84, %while3A_85 : i32
      %while3A_87 = arith.constant 1 : i32
      %while3A_88 = arith.divsi %while3A_85, %while3A_87 : i32
      %while3A_89 = arith.muli %while3A_88, %while3A_87 : i32
      %while3A_90 = arith.addi %while3A_84, %while3A_89 : i32
      %while3A_91 = arith.constant 1 : i32
      scf.for %while3A_93 = %while3A_84 to %while3A_90 step %while3A_91  : i32 {
        %mul3A_94 = arith.constant 32 : i32
        %mul3A_95 = arith.muli %while3A_93, %mul3A_94 : i32
        %add3A_96 = arith.addi %select_n3A_21, %mul3A_95 : i32
        %dma_start3A = arith.constant 0 : i32
        %dma_start3A_97 = tpu.memref_slice %arg4[%add3A_96, %dma_start3A] : memref<4000x80xi32, #tpu.memory_space<hbm>> -> memref<32x80xi32, #tpu.memory_space<hbm>>
        %dma_start3A_98 = arith.constant 0 : i32
        %dma_start3A_99 = tpu.memref_slice %arg4[%add3A_96, %dma_start3A_98] : memref<4000x80xi32, #tpu.memory_space<hbm>> -> memref<32x80xi32, #tpu.memory_space<hbm>>
        tpu.enqueue_dma source(%dma_start3A_99 : memref<32x80xi32, #tpu.memory_space<hbm>>) target(%arg10 : memref<32x80xi32, #tpu.memory_space<vmem>>) target_semaphore(%arg15 : memref<!tpu.dma_semaphore, #tpu.memory_space<semaphore_mem>>)
        %dma_start3A_100 = arith.constant 0 : i32
        %dma_start3A_101 = tpu.memref_slice %arg5[%add3A_96, %dma_start3A_100] : memref<4000x80xi32, #tpu.memory_space<hbm>> -> memref<32x80xi32, #tpu.memory_space<hbm>>
        %dma_start3A_102 = arith.constant 0 : i32
        %dma_start3A_103 = tpu.memref_slice %arg5[%add3A_96, %dma_start3A_102] : memref<4000x80xi32, #tpu.memory_space<hbm>> -> memref<32x80xi32, #tpu.memory_space<hbm>>
        tpu.enqueue_dma source(%dma_start3A_103 : memref<32x80xi32, #tpu.memory_space<hbm>>) target(%arg11 : memref<32x80xi32, #tpu.memory_space<vmem>>) target_semaphore(%arg15 : memref<!tpu.dma_semaphore, #tpu.memory_space<semaphore_mem>>)
        %dma_wait3A = arith.constant 0 : i32
        %dma_wait3A_104 = tpu.memref_slice %arg4[%add3A_96, %dma_wait3A] : memref<4000x80xi32, #tpu.memory_space<hbm>> -> memref<32x80xi32, #tpu.memory_space<hbm>>
        %dma_wait3A_105 = arith.constant 0 : i32
        %dma_wait3A_106 = tpu.memref_slice %arg4[%add3A_96, %dma_wait3A_105] : memref<4000x80xi32, #tpu.memory_space<hbm>> -> memref<32x80xi32, #tpu.memory_space<hbm>>
        tpu.wait_dma2 semaphore(%arg15 : memref<!tpu.dma_semaphore, #tpu.memory_space<semaphore_mem>>) src(%dma_wait3A_106 : memref<32x80xi32, #tpu.memory_space<hbm>>) dst(%arg10 : memref<32x80xi32, #tpu.memory_space<vmem>>)
        %dma_wait3A_107 = arith.constant 0 : i32
        %dma_wait3A_108 = tpu.memref_slice %arg5[%add3A_96, %dma_wait3A_107] : memref<4000x80xi32, #tpu.memory_space<hbm>> -> memref<32x80xi32, #tpu.memory_space<hbm>>
        %dma_wait3A_109 = arith.constant 0 : i32
        %dma_wait3A_110 = tpu.memref_slice %arg5[%add3A_96, %dma_wait3A_109] : memref<4000x80xi32, #tpu.memory_space<hbm>> -> memref<32x80xi32, #tpu.memory_space<hbm>>
        tpu.wait_dma2 semaphore(%arg15 : memref<!tpu.dma_semaphore, #tpu.memory_space<semaphore_mem>>) src(%dma_wait3A_110 : memref<32x80xi32, #tpu.memory_space<hbm>>) dst(%arg11 : memref<32x80xi32, #tpu.memory_space<vmem>>)
        %dma_start3A_111 = arith.constant 0 : i32
        %dma_start3A_112 = arith.constant 0 : i32
        %dma_start3A_113 = tpu.memref_slice %arg10[%dma_start3A_111, %dma_start3A_112] : memref<32x80xi32, #tpu.memory_space<vmem>> -> memref<1x80xi32, #tpu.memory_space<vmem>>
        %dma_start3A_114 = tpu.memref_squeeze %dma_start3A_113 : memref<1x80xi32, #tpu.memory_space<vmem>> -> memref<80xi32, #tpu.memory_space<vmem>>
        %dma_start3A_115 = arith.constant 0 : i32
        %dma_start3A_116 = arith.constant 0 : i32
        %dma_start3A_117 = tpu.memref_slice %arg2[%dma_start3A_115, %dma_start3A_116] : memref<10000x128xf32, #tpu.memory_space<hbm>> -> memref<10000x128xf32, #tpu.memory_space<hbm>>
        tpu.enqueue_indirect_dma source(%dma_start3A_117 : memref<10000x128xf32, #tpu.memory_space<hbm>>) target(%arg12 : memref<80x128xf32, #tpu.memory_space<vmem>>) offsets(%dma_start3A_114 : memref<80xi32, #tpu.memory_space<vmem>>) semaphore(%arg15 : memref<!tpu.dma_semaphore, #tpu.memory_space<semaphore_mem>>)
        %scan3A = arith.constant 0 : i32
        %scan3A_118 = arith.constant 0 : i32
        %scan3A_119 = arith.constant 16 : i32
        %scan3A_120 = arith.addi %scan3A_118, %scan3A_119 : i32
        %scan3A_121 = arith.constant 1 : i32
        scf.for %scan3A_123 = %scan3A_118 to %scan3A_120 step %scan3A_121  : i32 {
          %mul3A_124 = arith.constant 2 : i32
          %mul3A_125 = arith.muli %mul3A_124, %scan3A_123 : i32
          %add3A_126 = arith.constant 0 : i32
          %add3A_127 = arith.addi %mul3A_125, %add3A_126 : i32
          %ge3A = arith.constant 1 : i32
          %ge3A_128 = arith.cmpi sge, %add3A_127, %ge3A : i32
          %convert_element_type3A_129 = arith.extui %ge3A_128 : i1 to i32
          %cond3A_130 = arith.constant 0 : i32
          %cond3A_131 = arith.cmpi ne, %convert_element_type3A_129, %cond3A_130 : i32
          scf.if %cond3A_131 {
            tpu.wait_dma2 semaphore(%arg18 : memref<!tpu.dma_semaphore, #tpu.memory_space<semaphore_mem>>) src(%arg7 : memref<80x128xf32, #tpu.memory_space<hbm>>) dst(%arg13 : memref<80x128xf32, #tpu.memory_space<vmem>>)
          } else {
          }
          %add3A_132 = arith.constant 1 : i32
          %add3A_133 = arith.addi %add3A_127, %add3A_132 : i32
          %lt3A_134 = arith.constant 32 : i32
          %lt3A_135 = arith.cmpi slt, %add3A_133, %lt3A_134 : i32
          %convert_element_type3A_136 = arith.extui %lt3A_135 : i1 to i32
          %cond3A_137 = arith.constant 0 : i32
          %cond3A_138 = arith.cmpi ne, %convert_element_type3A_136, %cond3A_137 : i32
          scf.if %cond3A_138 {
            %add3A_167 = arith.constant 1 : i32
            %add3A_168 = arith.addi %add3A_127, %add3A_167 : i32
            %dma_start3A_169 = arith.constant 0 : i32
            %dma_start3A_170 = tpu.memref_slice %arg10[%add3A_168, %dma_start3A_169] : memref<32x80xi32, #tpu.memory_space<vmem>> -> memref<1x80xi32, #tpu.memory_space<vmem>>
            %dma_start3A_171 = tpu.memref_squeeze %dma_start3A_170 : memref<1x80xi32, #tpu.memory_space<vmem>> -> memref<80xi32, #tpu.memory_space<vmem>>
            %dma_start3A_172 = arith.constant 0 : i32
            %dma_start3A_173 = arith.constant 0 : i32
            %dma_start3A_174 = tpu.memref_slice %arg2[%dma_start3A_172, %dma_start3A_173] : memref<10000x128xf32, #tpu.memory_space<hbm>> -> memref<10000x128xf32, #tpu.memory_space<hbm>>
            tpu.enqueue_indirect_dma source(%dma_start3A_174 : memref<10000x128xf32, #tpu.memory_space<hbm>>) target(%arg13 : memref<80x128xf32, #tpu.memory_space<vmem>>) offsets(%dma_start3A_171 : memref<80xi32, #tpu.memory_space<vmem>>) semaphore(%arg16 : memref<!tpu.dma_semaphore, #tpu.memory_space<semaphore_mem>>)
          } else {
          }
          tpu.wait_dma2 semaphore(%arg15 : memref<!tpu.dma_semaphore, #tpu.memory_space<semaphore_mem>>) src(%arg7 : memref<80x128xf32, #tpu.memory_space<hbm>>) dst(%arg12 : memref<80x128xf32, #tpu.memory_space<vmem>>)
          %dma_start3A_139 = arith.constant 0 : i32
          %dma_start3A_140 = tpu.memref_slice %arg11[%add3A_127, %dma_start3A_139] : memref<32x80xi32, #tpu.memory_space<vmem>> -> memref<1x80xi32, #tpu.memory_space<vmem>>
          %dma_start3A_141 = tpu.memref_squeeze %dma_start3A_140 : memref<1x80xi32, #tpu.memory_space<vmem>> -> memref<80xi32, #tpu.memory_space<vmem>>
          %dma_start3A_142 = arith.constant 0 : i32
          %dma_start3A_143 = arith.constant 0 : i32
          %dma_start3A_144 = tpu.memref_slice %arg14[%dma_start3A_142, %dma_start3A_143] : memref<10000x128xf32, #tpu.memory_space<vmem_shared>> -> memref<10000x128xf32, #tpu.memory_space<vmem_shared>>
          tpu.enqueue_indirect_dma source(%arg12 : memref<80x128xf32, #tpu.memory_space<vmem>>) target(%dma_start3A_144 : memref<10000x128xf32, #tpu.memory_space<vmem_shared>>) offsets(%dma_start3A_141 : memref<80xi32, #tpu.memory_space<vmem>>) semaphore(%arg17 : memref<!tpu.dma_semaphore, #tpu.memory_space<semaphore_mem>>) {add = true}
          %mul3A_145 = arith.constant 2 : i32
          %mul3A_146 = arith.muli %mul3A_145, %scan3A_123 : i32
          %add3A_147 = arith.constant 1 : i32
          %add3A_148 = arith.addi %mul3A_146, %add3A_147 : i32
          %ge3A_149 = arith.constant 1 : i32
          %ge3A_150 = arith.cmpi sge, %add3A_148, %ge3A_149 : i32
          %convert_element_type3A_151 = arith.extui %ge3A_150 : i1 to i32
          %cond3A_152 = arith.constant 0 : i32
          %cond3A_153 = arith.cmpi ne, %convert_element_type3A_151, %cond3A_152 : i32
          scf.if %cond3A_153 {
            tpu.wait_dma2 semaphore(%arg17 : memref<!tpu.dma_semaphore, #tpu.memory_space<semaphore_mem>>) src(%arg7 : memref<80x128xf32, #tpu.memory_space<hbm>>) dst(%arg12 : memref<80x128xf32, #tpu.memory_space<vmem>>)
          } else {
          }
          %add3A_154 = arith.constant 1 : i32
          %add3A_155 = arith.addi %add3A_148, %add3A_154 : i32
          %lt3A_156 = arith.constant 32 : i32
          %lt3A_157 = arith.cmpi slt, %add3A_155, %lt3A_156 : i32
          %convert_element_type3A_158 = arith.extui %lt3A_157 : i1 to i32
          %cond3A_159 = arith.constant 0 : i32
          %cond3A_160 = arith.cmpi ne, %convert_element_type3A_158, %cond3A_159 : i32
          scf.if %cond3A_160 {
            %add3A_167 = arith.constant 1 : i32
            %add3A_168 = arith.addi %add3A_148, %add3A_167 : i32
            %dma_start3A_169 = arith.constant 0 : i32
            %dma_start3A_170 = tpu.memref_slice %arg10[%add3A_168, %dma_start3A_169] : memref<32x80xi32, #tpu.memory_space<vmem>> -> memref<1x80xi32, #tpu.memory_space<vmem>>
            %dma_start3A_171 = tpu.memref_squeeze %dma_start3A_170 : memref<1x80xi32, #tpu.memory_space<vmem>> -> memref<80xi32, #tpu.memory_space<vmem>>
            %dma_start3A_172 = arith.constant 0 : i32
            %dma_start3A_173 = arith.constant 0 : i32
            %dma_start3A_174 = tpu.memref_slice %arg2[%dma_start3A_172, %dma_start3A_173] : memref<10000x128xf32, #tpu.memory_space<hbm>> -> memref<10000x128xf32, #tpu.memory_space<hbm>>
            tpu.enqueue_indirect_dma source(%dma_start3A_174 : memref<10000x128xf32, #tpu.memory_space<hbm>>) target(%arg12 : memref<80x128xf32, #tpu.memory_space<vmem>>) offsets(%dma_start3A_171 : memref<80xi32, #tpu.memory_space<vmem>>) semaphore(%arg15 : memref<!tpu.dma_semaphore, #tpu.memory_space<semaphore_mem>>)
          } else {
          }
          tpu.wait_dma2 semaphore(%arg16 : memref<!tpu.dma_semaphore, #tpu.memory_space<semaphore_mem>>) src(%arg7 : memref<80x128xf32, #tpu.memory_space<hbm>>) dst(%arg13 : memref<80x128xf32, #tpu.memory_space<vmem>>)
          %dma_start3A_161 = arith.constant 0 : i32
          %dma_start3A_162 = tpu.memref_slice %arg11[%add3A_148, %dma_start3A_161] : memref<32x80xi32, #tpu.memory_space<vmem>> -> memref<1x80xi32, #tpu.memory_space<vmem>>
          %dma_start3A_163 = tpu.memref_squeeze %dma_start3A_162 : memref<1x80xi32, #tpu.memory_space<vmem>> -> memref<80xi32, #tpu.memory_space<vmem>>
          %dma_start3A_164 = arith.constant 0 : i32
          %dma_start3A_165 = arith.constant 0 : i32
          %dma_start3A_166 = tpu.memref_slice %arg14[%dma_start3A_164, %dma_start3A_165] : memref<10000x128xf32, #tpu.memory_space<vmem_shared>> -> memref<10000x128xf32, #tpu.memory_space<vmem_shared>>
          tpu.enqueue_indirect_dma source(%arg13 : memref<80x128xf32, #tpu.memory_space<vmem>>) target(%dma_start3A_166 : memref<10000x128xf32, #tpu.memory_space<vmem_shared>>) offsets(%dma_start3A_163 : memref<80xi32, #tpu.memory_space<vmem>>) semaphore(%arg18 : memref<!tpu.dma_semaphore, #tpu.memory_space<semaphore_mem>>) {add = true}
        }
        %scan3A_122 = arith.constant 16 : i32
        tpu.wait_dma2 semaphore(%arg18 : memref<!tpu.dma_semaphore, #tpu.memory_space<semaphore_mem>>) src(%arg7 : memref<80x128xf32, #tpu.memory_space<hbm>>) dst(%arg13 : memref<80x128xf32, #tpu.memory_space<vmem>>)
      }
      %while3A_92 = arith.constant 1 : i32
      scf.for %while3A_93 = %while3A_90 to %while3A_86 step %while3A_92  : i32 {
        %mul3A_94 = arith.constant 32 : i32
        %mul3A_95 = arith.muli %while3A_93, %mul3A_94 : i32
        %add3A_96 = arith.addi %select_n3A_21, %mul3A_95 : i32
        %dma_start3A = arith.constant 0 : i32
        %dma_start3A_97 = tpu.memref_slice %arg4[%add3A_96, %dma_start3A] : memref<4000x80xi32, #tpu.memory_space<hbm>> -> memref<32x80xi32, #tpu.memory_space<hbm>>
        %dma_start3A_98 = arith.constant 0 : i32
        %dma_start3A_99 = tpu.memref_slice %arg4[%add3A_96, %dma_start3A_98] : memref<4000x80xi32, #tpu.memory_space<hbm>> -> memref<32x80xi32, #tpu.memory_space<hbm>>
        tpu.enqueue_dma source(%dma_start3A_99 : memref<32x80xi32, #tpu.memory_space<hbm>>) target(%arg10 : memref<32x80xi32, #tpu.memory_space<vmem>>) target_semaphore(%arg15 : memref<!tpu.dma_semaphore, #tpu.memory_space<semaphore_mem>>)
        %dma_start3A_100 = arith.constant 0 : i32
        %dma_start3A_101 = tpu.memref_slice %arg5[%add3A_96, %dma_start3A_100] : memref<4000x80xi32, #tpu.memory_space<hbm>> -> memref<32x80xi32, #tpu.memory_space<hbm>>
        %dma_start3A_102 = arith.constant 0 : i32
        %dma_start3A_103 = tpu.memref_slice %arg5[%add3A_96, %dma_start3A_102] : memref<4000x80xi32, #tpu.memory_space<hbm>> -> memref<32x80xi32, #tpu.memory_space<hbm>>
        tpu.enqueue_dma source(%dma_start3A_103 : memref<32x80xi32, #tpu.memory_space<hbm>>) target(%arg11 : memref<32x80xi32, #tpu.memory_space<vmem>>) target_semaphore(%arg15 : memref<!tpu.dma_semaphore, #tpu.memory_space<semaphore_mem>>)
        %dma_wait3A = arith.constant 0 : i32
        %dma_wait3A_104 = tpu.memref_slice %arg4[%add3A_96, %dma_wait3A] : memref<4000x80xi32, #tpu.memory_space<hbm>> -> memref<32x80xi32, #tpu.memory_space<hbm>>
        %dma_wait3A_105 = arith.constant 0 : i32
        %dma_wait3A_106 = tpu.memref_slice %arg4[%add3A_96, %dma_wait3A_105] : memref<4000x80xi32, #tpu.memory_space<hbm>> -> memref<32x80xi32, #tpu.memory_space<hbm>>
        tpu.wait_dma2 semaphore(%arg15 : memref<!tpu.dma_semaphore, #tpu.memory_space<semaphore_mem>>) src(%dma_wait3A_106 : memref<32x80xi32, #tpu.memory_space<hbm>>) dst(%arg10 : memref<32x80xi32, #tpu.memory_space<vmem>>)
        %dma_wait3A_107 = arith.constant 0 : i32
        %dma_wait3A_108 = tpu.memref_slice %arg5[%add3A_96, %dma_wait3A_107] : memref<4000x80xi32, #tpu.memory_space<hbm>> -> memref<32x80xi32, #tpu.memory_space<hbm>>
        %dma_wait3A_109 = arith.constant 0 : i32
        %dma_wait3A_110 = tpu.memref_slice %arg5[%add3A_96, %dma_wait3A_109] : memref<4000x80xi32, #tpu.memory_space<hbm>> -> memref<32x80xi32, #tpu.memory_space<hbm>>
        tpu.wait_dma2 semaphore(%arg15 : memref<!tpu.dma_semaphore, #tpu.memory_space<semaphore_mem>>) src(%dma_wait3A_110 : memref<32x80xi32, #tpu.memory_space<hbm>>) dst(%arg11 : memref<32x80xi32, #tpu.memory_space<vmem>>)
        %dma_start3A_111 = arith.constant 0 : i32
        %dma_start3A_112 = arith.constant 0 : i32
        %dma_start3A_113 = tpu.memref_slice %arg10[%dma_start3A_111, %dma_start3A_112] : memref<32x80xi32, #tpu.memory_space<vmem>> -> memref<1x80xi32, #tpu.memory_space<vmem>>
        %dma_start3A_114 = tpu.memref_squeeze %dma_start3A_113 : memref<1x80xi32, #tpu.memory_space<vmem>> -> memref<80xi32, #tpu.memory_space<vmem>>
        %dma_start3A_115 = arith.constant 0 : i32
        %dma_start3A_116 = arith.constant 0 : i32
        %dma_start3A_117 = tpu.memref_slice %arg2[%dma_start3A_115, %dma_start3A_116] : memref<10000x128xf32, #tpu.memory_space<hbm>> -> memref<10000x128xf32, #tpu.memory_space<hbm>>
        tpu.enqueue_indirect_dma source(%dma_start3A_117 : memref<10000x128xf32, #tpu.memory_space<hbm>>) target(%arg12 : memref<80x128xf32, #tpu.memory_space<vmem>>) offsets(%dma_start3A_114 : memref<80xi32, #tpu.memory_space<vmem>>) semaphore(%arg15 : memref<!tpu.dma_semaphore, #tpu.memory_space<semaphore_mem>>)
        %scan3A = arith.constant 0 : i32
        %scan3A_118 = arith.constant 0 : i32
        %scan3A_119 = arith.constant 16 : i32
        %scan3A_120 = arith.addi %scan3A_118, %scan3A_119 : i32
        %scan3A_121 = arith.constant 1 : i32
        scf.for %scan3A_123 = %scan3A_118 to %scan3A_120 step %scan3A_121  : i32 {
          %mul3A_124 = arith.constant 2 : i32
          %mul3A_125 = arith.muli %mul3A_124, %scan3A_123 : i32
          %add3A_126 = arith.constant 0 : i32
          %add3A_127 = arith.addi %mul3A_125, %add3A_126 : i32
          %ge3A = arith.constant 1 : i32
          %ge3A_128 = arith.cmpi sge, %add3A_127, %ge3A : i32
          %convert_element_type3A_129 = arith.extui %ge3A_128 : i1 to i32
          %cond3A_130 = arith.constant 0 : i32
          %cond3A_131 = arith.cmpi ne, %convert_element_type3A_129, %cond3A_130 : i32
          scf.if %cond3A_131 {
            tpu.wait_dma2 semaphore(%arg18 : memref<!tpu.dma_semaphore, #tpu.memory_space<semaphore_mem>>) src(%arg7 : memref<80x128xf32, #tpu.memory_space<hbm>>) dst(%arg13 : memref<80x128xf32, #tpu.memory_space<vmem>>)
          } else {
          }
          %add3A_132 = arith.constant 1 : i32
          %add3A_133 = arith.addi %add3A_127, %add3A_132 : i32
          %lt3A_134 = arith.constant 32 : i32
          %lt3A_135 = arith.cmpi slt, %add3A_133, %lt3A_134 : i32
          %convert_element_type3A_136 = arith.extui %lt3A_135 : i1 to i32
          %cond3A_137 = arith.constant 0 : i32
          %cond3A_138 = arith.cmpi ne, %convert_element_type3A_136, %cond3A_137 : i32
          scf.if %cond3A_138 {
            %add3A_167 = arith.constant 1 : i32
            %add3A_168 = arith.addi %add3A_127, %add3A_167 : i32
            %dma_start3A_169 = arith.constant 0 : i32
            %dma_start3A_170 = tpu.memref_slice %arg10[%add3A_168, %dma_start3A_169] : memref<32x80xi32, #tpu.memory_space<vmem>> -> memref<1x80xi32, #tpu.memory_space<vmem>>
            %dma_start3A_171 = tpu.memref_squeeze %dma_start3A_170 : memref<1x80xi32, #tpu.memory_space<vmem>> -> memref<80xi32, #tpu.memory_space<vmem>>
            %dma_start3A_172 = arith.constant 0 : i32
            %dma_start3A_173 = arith.constant 0 : i32
            %dma_start3A_174 = tpu.memref_slice %arg2[%dma_start3A_172, %dma_start3A_173] : memref<10000x128xf32, #tpu.memory_space<hbm>> -> memref<10000x128xf32, #tpu.memory_space<hbm>>
            tpu.enqueue_indirect_dma source(%dma_start3A_174 : memref<10000x128xf32, #tpu.memory_space<hbm>>) target(%arg13 : memref<80x128xf32, #tpu.memory_space<vmem>>) offsets(%dma_start3A_171 : memref<80xi32, #tpu.memory_space<vmem>>) semaphore(%arg16 : memref<!tpu.dma_semaphore, #tpu.memory_space<semaphore_mem>>)
          } else {
          }
          tpu.wait_dma2 semaphore(%arg15 : memref<!tpu.dma_semaphore, #tpu.memory_space<semaphore_mem>>) src(%arg7 : memref<80x128xf32, #tpu.memory_space<hbm>>) dst(%arg12 : memref<80x128xf32, #tpu.memory_space<vmem>>)
          %dma_start3A_139 = arith.constant 0 : i32
          %dma_start3A_140 = tpu.memref_slice %arg11[%add3A_127, %dma_start3A_139] : memref<32x80xi32, #tpu.memory_space<vmem>> -> memref<1x80xi32, #tpu.memory_space<vmem>>
          %dma_start3A_141 = tpu.memref_squeeze %dma_start3A_140 : memref<1x80xi32, #tpu.memory_space<vmem>> -> memref<80xi32, #tpu.memory_space<vmem>>
          %dma_start3A_142 = arith.constant 0 : i32
          %dma_start3A_143 = arith.constant 0 : i32
          %dma_start3A_144 = tpu.memref_slice %arg14[%dma_start3A_142, %dma_start3A_143] : memref<10000x128xf32, #tpu.memory_space<vmem_shared>> -> memref<10000x128xf32, #tpu.memory_space<vmem_shared>>
          tpu.enqueue_indirect_dma source(%arg12 : memref<80x128xf32, #tpu.memory_space<vmem>>) target(%dma_start3A_144 : memref<10000x128xf32, #tpu.memory_space<vmem_shared>>) offsets(%dma_start3A_141 : memref<80xi32, #tpu.memory_space<vmem>>) semaphore(%arg17 : memref<!tpu.dma_semaphore, #tpu.memory_space<semaphore_mem>>) {add = true}
          %mul3A_145 = arith.constant 2 : i32
          %mul3A_146 = arith.muli %mul3A_145, %scan3A_123 : i32
          %add3A_147 = arith.constant 1 : i32
          %add3A_148 = arith.addi %mul3A_146, %add3A_147 : i32
          %ge3A_149 = arith.constant 1 : i32
          %ge3A_150 = arith.cmpi sge, %add3A_148, %ge3A_149 : i32
          %convert_element_type3A_151 = arith.extui %ge3A_150 : i1 to i32
          %cond3A_152 = arith.constant 0 : i32
          %cond3A_153 = arith.cmpi ne, %convert_element_type3A_151, %cond3A_152 : i32
          scf.if %cond3A_153 {
            tpu.wait_dma2 semaphore(%arg17 : memref<!tpu.dma_semaphore, #tpu.memory_space<semaphore_mem>>) src(%arg7 : memref<80x128xf32, #tpu.memory_space<hbm>>) dst(%arg12 : memref<80x128xf32, #tpu.memory_space<vmem>>)
          } else {
          }
          %add3A_154 = arith.constant 1 : i32
          %add3A_155 = arith.addi %add3A_148, %add3A_154 : i32
          %lt3A_156 = arith.constant 32 : i32
          %lt3A_157 = arith.cmpi slt, %add3A_155, %lt3A_156 : i32
          %convert_element_type3A_158 = arith.extui %lt3A_157 : i1 to i32
          %cond3A_159 = arith.constant 0 : i32
          %cond3A_160 = arith.cmpi ne, %convert_element_type3A_158, %cond3A_159 : i32
          scf.if %cond3A_160 {
            %add3A_167 = arith.constant 1 : i32
            %add3A_168 = arith.addi %add3A_148, %add3A_167 : i32
            %dma_start3A_169 = arith.constant 0 : i32
            %dma_start3A_170 = tpu.memref_slice %arg10[%add3A_168, %dma_start3A_169] : memref<32x80xi32, #tpu.memory_space<vmem>> -> memref<1x80xi32, #tpu.memory_space<vmem>>
            %dma_start3A_171 = tpu.memref_squeeze %dma_start3A_170 : memref<1x80xi32, #tpu.memory_space<vmem>> -> memref<80xi32, #tpu.memory_space<vmem>>
            %dma_start3A_172 = arith.constant 0 : i32
            %dma_start3A_173 = arith.constant 0 : i32
            %dma_start3A_174 = tpu.memref_slice %arg2[%dma_start3A_172, %dma_start3A_173] : memref<10000x128xf32, #tpu.memory_space<hbm>> -> memref<10000x128xf32, #tpu.memory_space<hbm>>
            tpu.enqueue_indirect_dma source(%dma_start3A_174 : memref<10000x128xf32, #tpu.memory_space<hbm>>) target(%arg12 : memref<80x128xf32, #tpu.memory_space<vmem>>) offsets(%dma_start3A_171 : memref<80xi32, #tpu.memory_space<vmem>>) semaphore(%arg15 : memref<!tpu.dma_semaphore, #tpu.memory_space<semaphore_mem>>)
          } else {
          }
          tpu.wait_dma2 semaphore(%arg16 : memref<!tpu.dma_semaphore, #tpu.memory_space<semaphore_mem>>) src(%arg7 : memref<80x128xf32, #tpu.memory_space<hbm>>) dst(%arg13 : memref<80x128xf32, #tpu.memory_space<vmem>>)
          %dma_start3A_161 = arith.constant 0 : i32
          %dma_start3A_162 = tpu.memref_slice %arg11[%add3A_148, %dma_start3A_161] : memref<32x80xi32, #tpu.memory_space<vmem>> -> memref<1x80xi32, #tpu.memory_space<vmem>>
          %dma_start3A_163 = tpu.memref_squeeze %dma_start3A_162 : memref<1x80xi32, #tpu.memory_space<vmem>> -> memref<80xi32, #tpu.memory_space<vmem>>
          %dma_start3A_164 = arith.constant 0 : i32
          %dma_start3A_165 = arith.constant 0 : i32
          %dma_start3A_166 = tpu.memref_slice %arg14[%dma_start3A_164, %dma_start3A_165] : memref<10000x128xf32, #tpu.memory_space<vmem_shared>> -> memref<10000x128xf32, #tpu.memory_space<vmem_shared>>
          tpu.enqueue_indirect_dma source(%arg13 : memref<80x128xf32, #tpu.memory_space<vmem>>) target(%dma_start3A_166 : memref<10000x128xf32, #tpu.memory_space<vmem_shared>>) offsets(%dma_start3A_163 : memref<80xi32, #tpu.memory_space<vmem>>) semaphore(%arg18 : memref<!tpu.dma_semaphore, #tpu.memory_space<semaphore_mem>>) {add = true}
        }
        %scan3A_122 = arith.constant 16 : i32
        tpu.wait_dma2 semaphore(%arg18 : memref<!tpu.dma_semaphore, #tpu.memory_space<semaphore_mem>>) src(%arg7 : memref<80x128xf32, #tpu.memory_space<hbm>>) dst(%arg13 : memref<80x128xf32, #tpu.memory_space<vmem>>)
      }
    } else {
    }
    %eq3A_27 = arith.constant 1 : i32
    %eq3A_28 = arith.cmpi eq, %arg0, %eq3A_27 : i32
    %convert_element_type3A_29 = arith.extui %eq3A_28 : i1 to i32
    %cond3A_30 = arith.constant 0 : i32
    %cond3A_31 = arith.cmpi ne, %convert_element_type3A_29, %cond3A_30 : i32
    scf.if %cond3A_31 {
      %jit3A_64 = arith.constant 32 : i32
      %div3A = arith.divsi %select_n3A, %jit3A_64 : i32
      %sign3A = arith.constant 0 : i32
      %sign3A_65 = arith.cmpi sgt, %select_n3A, %sign3A : i32
      %sign3A_66 = arith.extui %sign3A_65 : i1 to i32
      %sign3A_67 = arith.constant 0 : i32
      %sign3A_68 = arith.cmpi slt, %select_n3A, %sign3A_67 : i32
      %sign3A_69 = arith.extui %sign3A_68 : i1 to i32
      %sign3A_70 = arith.subi %sign3A_66, %sign3A_69 : i32
      %sign3A_71 = arith.constant 0 : i32
      %sign3A_72 = arith.cmpi sgt, %jit3A_64, %sign3A_71 : i32
      %sign3A_73 = arith.extui %sign3A_72 : i1 to i32
      %sign3A_74 = arith.constant 0 : i32
      %sign3A_75 = arith.cmpi slt, %jit3A_64, %sign3A_74 : i32
      %sign3A_76 = arith.extui %sign3A_75 : i1 to i32
      %sign3A_77 = arith.subi %sign3A_73, %sign3A_76 : i32
      %ne3A = arith.cmpi ne, %sign3A_70, %sign3A_77 : i32
      %rem3A = arith.remsi %select_n3A, %jit3A_64 : i32
      %ne3A_78 = arith.constant 0 : i32
      %ne3A_79 = arith.cmpi ne, %rem3A, %ne3A_78 : i32
      %and3A_80 = arith.andi %ne3A, %ne3A_79 : i1
      %sub3A_81 = arith.constant 1 : i32
      %sub3A_82 = arith.subi %div3A, %sub3A_81 : i32
      %select_n3A_83 = arith.select %and3A_80, %sub3A_82, %div3A : i32
      %while3A = arith.constant 0 : i32
      %while3A_84 = arith.constant 0 : i32
      %while3A_85 = arith.subi %select_n3A_83, %while3A_84 : i32
      %while3A_86 = arith.addi %while3A_84, %while3A_85 : i32
      %while3A_87 = arith.constant 1 : i32
      %while3A_88 = arith.divsi %while3A_85, %while3A_87 : i32
      %while3A_89 = arith.muli %while3A_88, %while3A_87 : i32
      %while3A_90 = arith.addi %while3A_84, %while3A_89 : i32
      %while3A_91 = arith.constant 1 : i32
      scf.for %while3A_93 = %while3A_84 to %while3A_90 step %while3A_91  : i32 {
        %mul3A_94 = arith.constant 32 : i32
        %mul3A_95 = arith.muli %while3A_93, %mul3A_94 : i32
        %add3A_96 = arith.addi %select_n3A_21, %mul3A_95 : i32
        %dma_start3A = arith.constant 0 : i32
        %dma_start3A_97 = tpu.memref_slice %arg4[%add3A_96, %dma_start3A] : memref<4000x80xi32, #tpu.memory_space<hbm>> -> memref<32x80xi32, #tpu.memory_space<hbm>>
        %dma_start3A_98 = arith.constant 0 : i32
        %dma_start3A_99 = tpu.memref_slice %arg4[%add3A_96, %dma_start3A_98] : memref<4000x80xi32, #tpu.memory_space<hbm>> -> memref<32x80xi32, #tpu.memory_space<hbm>>
        tpu.enqueue_dma source(%dma_start3A_99 : memref<32x80xi32, #tpu.memory_space<hbm>>) target(%arg10 : memref<32x80xi32, #tpu.memory_space<vmem>>) target_semaphore(%arg15 : memref<!tpu.dma_semaphore, #tpu.memory_space<semaphore_mem>>)
        %dma_start3A_100 = arith.constant 0 : i32
        %dma_start3A_101 = tpu.memref_slice %arg5[%add3A_96, %dma_start3A_100] : memref<4000x80xi32, #tpu.memory_space<hbm>> -> memref<32x80xi32, #tpu.memory_space<hbm>>
        %dma_start3A_102 = arith.constant 0 : i32
        %dma_start3A_103 = tpu.memref_slice %arg5[%add3A_96, %dma_start3A_102] : memref<4000x80xi32, #tpu.memory_space<hbm>> -> memref<32x80xi32, #tpu.memory_space<hbm>>
        tpu.enqueue_dma source(%dma_start3A_103 : memref<32x80xi32, #tpu.memory_space<hbm>>) target(%arg11 : memref<32x80xi32, #tpu.memory_space<vmem>>) target_semaphore(%arg15 : memref<!tpu.dma_semaphore, #tpu.memory_space<semaphore_mem>>)
        %dma_wait3A = arith.constant 0 : i32
        %dma_wait3A_104 = tpu.memref_slice %arg4[%add3A_96, %dma_wait3A] : memref<4000x80xi32, #tpu.memory_space<hbm>> -> memref<32x80xi32, #tpu.memory_space<hbm>>
        %dma_wait3A_105 = arith.constant 0 : i32
        %dma_wait3A_106 = tpu.memref_slice %arg4[%add3A_96, %dma_wait3A_105] : memref<4000x80xi32, #tpu.memory_space<hbm>> -> memref<32x80xi32, #tpu.memory_space<hbm>>
        tpu.wait_dma2 semaphore(%arg15 : memref<!tpu.dma_semaphore, #tpu.memory_space<semaphore_mem>>) src(%dma_wait3A_106 : memref<32x80xi32, #tpu.memory_space<hbm>>) dst(%arg10 : memref<32x80xi32, #tpu.memory_space<vmem>>)
        %dma_wait3A_107 = arith.constant 0 : i32
        %dma_wait3A_108 = tpu.memref_slice %arg5[%add3A_96, %dma_wait3A_107] : memref<4000x80xi32, #tpu.memory_space<hbm>> -> memref<32x80xi32, #tpu.memory_space<hbm>>
        %dma_wait3A_109 = arith.constant 0 : i32
        %dma_wait3A_110 = tpu.memref_slice %arg5[%add3A_96, %dma_wait3A_109] : memref<4000x80xi32, #tpu.memory_space<hbm>> -> memref<32x80xi32, #tpu.memory_space<hbm>>
        tpu.wait_dma2 semaphore(%arg15 : memref<!tpu.dma_semaphore, #tpu.memory_space<semaphore_mem>>) src(%dma_wait3A_110 : memref<32x80xi32, #tpu.memory_space<hbm>>) dst(%arg11 : memref<32x80xi32, #tpu.memory_space<vmem>>)
        %dma_start3A_111 = arith.constant 0 : i32
        %dma_start3A_112 = arith.constant 0 : i32
        %dma_start3A_113 = tpu.memref_slice %arg10[%dma_start3A_111, %dma_start3A_112] : memref<32x80xi32, #tpu.memory_space<vmem>> -> memref<1x80xi32, #tpu.memory_space<vmem>>
        %dma_start3A_114 = tpu.memref_squeeze %dma_start3A_113 : memref<1x80xi32, #tpu.memory_space<vmem>> -> memref<80xi32, #tpu.memory_space<vmem>>
        %dma_start3A_115 = arith.constant 0 : i32
        %dma_start3A_116 = arith.constant 0 : i32
        %dma_start3A_117 = tpu.memref_slice %arg3[%dma_start3A_115, %dma_start3A_116] : memref<10000x128xf32, #tpu.memory_space<hbm>> -> memref<10000x128xf32, #tpu.memory_space<hbm>>
        tpu.enqueue_indirect_dma source(%dma_start3A_117 : memref<10000x128xf32, #tpu.memory_space<hbm>>) target(%arg12 : memref<80x128xf32, #tpu.memory_space<vmem>>) offsets(%dma_start3A_114 : memref<80xi32, #tpu.memory_space<vmem>>) semaphore(%arg15 : memref<!tpu.dma_semaphore, #tpu.memory_space<semaphore_mem>>)
        %scan3A = arith.constant 0 : i32
        %scan3A_118 = arith.constant 0 : i32
        %scan3A_119 = arith.constant 16 : i32
        %scan3A_120 = arith.addi %scan3A_118, %scan3A_119 : i32
        %scan3A_121 = arith.constant 1 : i32
        scf.for %scan3A_123 = %scan3A_118 to %scan3A_120 step %scan3A_121  : i32 {
          %mul3A_124 = arith.constant 2 : i32
          %mul3A_125 = arith.muli %mul3A_124, %scan3A_123 : i32
          %add3A_126 = arith.constant 0 : i32
          %add3A_127 = arith.addi %mul3A_125, %add3A_126 : i32
          %ge3A = arith.constant 1 : i32
          %ge3A_128 = arith.cmpi sge, %add3A_127, %ge3A : i32
          %convert_element_type3A_129 = arith.extui %ge3A_128 : i1 to i32
          %cond3A_130 = arith.constant 0 : i32
          %cond3A_131 = arith.cmpi ne, %convert_element_type3A_129, %cond3A_130 : i32
          scf.if %cond3A_131 {
            tpu.wait_dma2 semaphore(%arg18 : memref<!tpu.dma_semaphore, #tpu.memory_space<semaphore_mem>>) src(%arg7 : memref<80x128xf32, #tpu.memory_space<hbm>>) dst(%arg13 : memref<80x128xf32, #tpu.memory_space<vmem>>)
          } else {
          }
          %add3A_132 = arith.constant 1 : i32
          %add3A_133 = arith.addi %add3A_127, %add3A_132 : i32
          %lt3A_134 = arith.constant 32 : i32
          %lt3A_135 = arith.cmpi slt, %add3A_133, %lt3A_134 : i32
          %convert_element_type3A_136 = arith.extui %lt3A_135 : i1 to i32
          %cond3A_137 = arith.constant 0 : i32
          %cond3A_138 = arith.cmpi ne, %convert_element_type3A_136, %cond3A_137 : i32
          scf.if %cond3A_138 {
            %add3A_167 = arith.constant 1 : i32
            %add3A_168 = arith.addi %add3A_127, %add3A_167 : i32
            %dma_start3A_169 = arith.constant 0 : i32
            %dma_start3A_170 = tpu.memref_slice %arg10[%add3A_168, %dma_start3A_169] : memref<32x80xi32, #tpu.memory_space<vmem>> -> memref<1x80xi32, #tpu.memory_space<vmem>>
            %dma_start3A_171 = tpu.memref_squeeze %dma_start3A_170 : memref<1x80xi32, #tpu.memory_space<vmem>> -> memref<80xi32, #tpu.memory_space<vmem>>
            %dma_start3A_172 = arith.constant 0 : i32
            %dma_start3A_173 = arith.constant 0 : i32
            %dma_start3A_174 = tpu.memref_slice %arg3[%dma_start3A_172, %dma_start3A_173] : memref<10000x128xf32, #tpu.memory_space<hbm>> -> memref<10000x128xf32, #tpu.memory_space<hbm>>
            tpu.enqueue_indirect_dma source(%dma_start3A_174 : memref<10000x128xf32, #tpu.memory_space<hbm>>) target(%arg13 : memref<80x128xf32, #tpu.memory_space<vmem>>) offsets(%dma_start3A_171 : memref<80xi32, #tpu.memory_space<vmem>>) semaphore(%arg16 : memref<!tpu.dma_semaphore, #tpu.memory_space<semaphore_mem>>)
          } else {
          }
          tpu.wait_dma2 semaphore(%arg15 : memref<!tpu.dma_semaphore, #tpu.memory_space<semaphore_mem>>) src(%arg7 : memref<80x128xf32, #tpu.memory_space<hbm>>) dst(%arg12 : memref<80x128xf32, #tpu.memory_space<vmem>>)
          %dma_start3A_139 = arith.constant 0 : i32
          %dma_start3A_140 = tpu.memref_slice %arg11[%add3A_127, %dma_start3A_139] : memref<32x80xi32, #tpu.memory_space<vmem>> -> memref<1x80xi32, #tpu.memory_space<vmem>>
          %dma_start3A_141 = tpu.memref_squeeze %dma_start3A_140 : memref<1x80xi32, #tpu.memory_space<vmem>> -> memref<80xi32, #tpu.memory_space<vmem>>
          %dma_start3A_142 = arith.constant 0 : i32
          %dma_start3A_143 = arith.constant 0 : i32
          %dma_start3A_144 = tpu.memref_slice %arg14[%dma_start3A_142, %dma_start3A_143] : memref<10000x128xf32, #tpu.memory_space<vmem_shared>> -> memref<10000x128xf32, #tpu.memory_space<vmem_shared>>
          tpu.enqueue_indirect_dma source(%arg12 : memref<80x128xf32, #tpu.memory_space<vmem>>) target(%dma_start3A_144 : memref<10000x128xf32, #tpu.memory_space<vmem_shared>>) offsets(%dma_start3A_141 : memref<80xi32, #tpu.memory_space<vmem>>) semaphore(%arg17 : memref<!tpu.dma_semaphore, #tpu.memory_space<semaphore_mem>>) {add = true}
          %mul3A_145 = arith.constant 2 : i32
          %mul3A_146 = arith.muli %mul3A_145, %scan3A_123 : i32
          %add3A_147 = arith.constant 1 : i32
          %add3A_148 = arith.addi %mul3A_146, %add3A_147 : i32
          %ge3A_149 = arith.constant 1 : i32
          %ge3A_150 = arith.cmpi sge, %add3A_148, %ge3A_149 : i32
          %convert_element_type3A_151 = arith.extui %ge3A_150 : i1 to i32
          %cond3A_152 = arith.constant 0 : i32
          %cond3A_153 = arith.cmpi ne, %convert_element_type3A_151, %cond3A_152 : i32
          scf.if %cond3A_153 {
            tpu.wait_dma2 semaphore(%arg17 : memref<!tpu.dma_semaphore, #tpu.memory_space<semaphore_mem>>) src(%arg7 : memref<80x128xf32, #tpu.memory_space<hbm>>) dst(%arg12 : memref<80x128xf32, #tpu.memory_space<vmem>>)
          } else {
          }
          %add3A_154 = arith.constant 1 : i32
          %add3A_155 = arith.addi %add3A_148, %add3A_154 : i32
          %lt3A_156 = arith.constant 32 : i32
          %lt3A_157 = arith.cmpi slt, %add3A_155, %lt3A_156 : i32
          %convert_element_type3A_158 = arith.extui %lt3A_157 : i1 to i32
          %cond3A_159 = arith.constant 0 : i32
          %cond3A_160 = arith.cmpi ne, %convert_element_type3A_158, %cond3A_159 : i32
          scf.if %cond3A_160 {
            %add3A_167 = arith.constant 1 : i32
            %add3A_168 = arith.addi %add3A_148, %add3A_167 : i32
            %dma_start3A_169 = arith.constant 0 : i32
            %dma_start3A_170 = tpu.memref_slice %arg10[%add3A_168, %dma_start3A_169] : memref<32x80xi32, #tpu.memory_space<vmem>> -> memref<1x80xi32, #tpu.memory_space<vmem>>
            %dma_start3A_171 = tpu.memref_squeeze %dma_start3A_170 : memref<1x80xi32, #tpu.memory_space<vmem>> -> memref<80xi32, #tpu.memory_space<vmem>>
            %dma_start3A_172 = arith.constant 0 : i32
            %dma_start3A_173 = arith.constant 0 : i32
            %dma_start3A_174 = tpu.memref_slice %arg3[%dma_start3A_172, %dma_start3A_173] : memref<10000x128xf32, #tpu.memory_space<hbm>> -> memref<10000x128xf32, #tpu.memory_space<hbm>>
            tpu.enqueue_indirect_dma source(%dma_start3A_174 : memref<10000x128xf32, #tpu.memory_space<hbm>>) target(%arg12 : memref<80x128xf32, #tpu.memory_space<vmem>>) offsets(%dma_start3A_171 : memref<80xi32, #tpu.memory_space<vmem>>) semaphore(%arg15 : memref<!tpu.dma_semaphore, #tpu.memory_space<semaphore_mem>>)
          } else {
          }
          tpu.wait_dma2 semaphore(%arg16 : memref<!tpu.dma_semaphore, #tpu.memory_space<semaphore_mem>>) src(%arg7 : memref<80x128xf32, #tpu.memory_space<hbm>>) dst(%arg13 : memref<80x128xf32, #tpu.memory_space<vmem>>)
          %dma_start3A_161 = arith.constant 0 : i32
          %dma_start3A_162 = tpu.memref_slice %arg11[%add3A_148, %dma_start3A_161] : memref<32x80xi32, #tpu.memory_space<vmem>> -> memref<1x80xi32, #tpu.memory_space<vmem>>
          %dma_start3A_163 = tpu.memref_squeeze %dma_start3A_162 : memref<1x80xi32, #tpu.memory_space<vmem>> -> memref<80xi32, #tpu.memory_space<vmem>>
          %dma_start3A_164 = arith.constant 0 : i32
          %dma_start3A_165 = arith.constant 0 : i32
          %dma_start3A_166 = tpu.memref_slice %arg14[%dma_start3A_164, %dma_start3A_165] : memref<10000x128xf32, #tpu.memory_space<vmem_shared>> -> memref<10000x128xf32, #tpu.memory_space<vmem_shared>>
          tpu.enqueue_indirect_dma source(%arg13 : memref<80x128xf32, #tpu.memory_space<vmem>>) target(%dma_start3A_166 : memref<10000x128xf32, #tpu.memory_space<vmem_shared>>) offsets(%dma_start3A_163 : memref<80xi32, #tpu.memory_space<vmem>>) semaphore(%arg18 : memref<!tpu.dma_semaphore, #tpu.memory_space<semaphore_mem>>) {add = true}
        }
        %scan3A_122 = arith.constant 16 : i32
        tpu.wait_dma2 semaphore(%arg18 : memref<!tpu.dma_semaphore, #tpu.memory_space<semaphore_mem>>) src(%arg7 : memref<80x128xf32, #tpu.memory_space<hbm>>) dst(%arg13 : memref<80x128xf32, #tpu.memory_space<vmem>>)
      }
      %while3A_92 = arith.constant 1 : i32
      scf.for %while3A_93 = %while3A_90 to %while3A_86 step %while3A_92  : i32 {
        %mul3A_94 = arith.constant 32 : i32
        %mul3A_95 = arith.muli %while3A_93, %mul3A_94 : i32
        %add3A_96 = arith.addi %select_n3A_21, %mul3A_95 : i32
        %dma_start3A = arith.constant 0 : i32
        %dma_start3A_97 = tpu.memref_slice %arg4[%add3A_96, %dma_start3A] : memref<4000x80xi32, #tpu.memory_space<hbm>> -> memref<32x80xi32, #tpu.memory_space<hbm>>
        %dma_start3A_98 = arith.constant 0 : i32
        %dma_start3A_99 = tpu.memref_slice %arg4[%add3A_96, %dma_start3A_98] : memref<4000x80xi32, #tpu.memory_space<hbm>> -> memref<32x80xi32, #tpu.memory_space<hbm>>
        tpu.enqueue_dma source(%dma_start3A_99 : memref<32x80xi32, #tpu.memory_space<hbm>>) target(%arg10 : memref<32x80xi32, #tpu.memory_space<vmem>>) target_semaphore(%arg15 : memref<!tpu.dma_semaphore, #tpu.memory_space<semaphore_mem>>)
        %dma_start3A_100 = arith.constant 0 : i32
        %dma_start3A_101 = tpu.memref_slice %arg5[%add3A_96, %dma_start3A_100] : memref<4000x80xi32, #tpu.memory_space<hbm>> -> memref<32x80xi32, #tpu.memory_space<hbm>>
        %dma_start3A_102 = arith.constant 0 : i32
        %dma_start3A_103 = tpu.memref_slice %arg5[%add3A_96, %dma_start3A_102] : memref<4000x80xi32, #tpu.memory_space<hbm>> -> memref<32x80xi32, #tpu.memory_space<hbm>>
        tpu.enqueue_dma source(%dma_start3A_103 : memref<32x80xi32, #tpu.memory_space<hbm>>) target(%arg11 : memref<32x80xi32, #tpu.memory_space<vmem>>) target_semaphore(%arg15 : memref<!tpu.dma_semaphore, #tpu.memory_space<semaphore_mem>>)
        %dma_wait3A = arith.constant 0 : i32
        %dma_wait3A_104 = tpu.memref_slice %arg4[%add3A_96, %dma_wait3A] : memref<4000x80xi32, #tpu.memory_space<hbm>> -> memref<32x80xi32, #tpu.memory_space<hbm>>
        %dma_wait3A_105 = arith.constant 0 : i32
        %dma_wait3A_106 = tpu.memref_slice %arg4[%add3A_96, %dma_wait3A_105] : memref<4000x80xi32, #tpu.memory_space<hbm>> -> memref<32x80xi32, #tpu.memory_space<hbm>>
        tpu.wait_dma2 semaphore(%arg15 : memref<!tpu.dma_semaphore, #tpu.memory_space<semaphore_mem>>) src(%dma_wait3A_106 : memref<32x80xi32, #tpu.memory_space<hbm>>) dst(%arg10 : memref<32x80xi32, #tpu.memory_space<vmem>>)
        %dma_wait3A_107 = arith.constant 0 : i32
        %dma_wait3A_108 = tpu.memref_slice %arg5[%add3A_96, %dma_wait3A_107] : memref<4000x80xi32, #tpu.memory_space<hbm>> -> memref<32x80xi32, #tpu.memory_space<hbm>>
        %dma_wait3A_109 = arith.constant 0 : i32
        %dma_wait3A_110 = tpu.memref_slice %arg5[%add3A_96, %dma_wait3A_109] : memref<4000x80xi32, #tpu.memory_space<hbm>> -> memref<32x80xi32, #tpu.memory_space<hbm>>
        tpu.wait_dma2 semaphore(%arg15 : memref<!tpu.dma_semaphore, #tpu.memory_space<semaphore_mem>>) src(%dma_wait3A_110 : memref<32x80xi32, #tpu.memory_space<hbm>>) dst(%arg11 : memref<32x80xi32, #tpu.memory_space<vmem>>)
        %dma_start3A_111 = arith.constant 0 : i32
        %dma_start3A_112 = arith.constant 0 : i32
        %dma_start3A_113 = tpu.memref_slice %arg10[%dma_start3A_111, %dma_start3A_112] : memref<32x80xi32, #tpu.memory_space<vmem>> -> memref<1x80xi32, #tpu.memory_space<vmem>>
        %dma_start3A_114 = tpu.memref_squeeze %dma_start3A_113 : memref<1x80xi32, #tpu.memory_space<vmem>> -> memref<80xi32, #tpu.memory_space<vmem>>
        %dma_start3A_115 = arith.constant 0 : i32
        %dma_start3A_116 = arith.constant 0 : i32
        %dma_start3A_117 = tpu.memref_slice %arg3[%dma_start3A_115, %dma_start3A_116] : memref<10000x128xf32, #tpu.memory_space<hbm>> -> memref<10000x128xf32, #tpu.memory_space<hbm>>
        tpu.enqueue_indirect_dma source(%dma_start3A_117 : memref<10000x128xf32, #tpu.memory_space<hbm>>) target(%arg12 : memref<80x128xf32, #tpu.memory_space<vmem>>) offsets(%dma_start3A_114 : memref<80xi32, #tpu.memory_space<vmem>>) semaphore(%arg15 : memref<!tpu.dma_semaphore, #tpu.memory_space<semaphore_mem>>)
        %scan3A = arith.constant 0 : i32
        %scan3A_118 = arith.constant 0 : i32
        %scan3A_119 = arith.constant 16 : i32
        %scan3A_120 = arith.addi %scan3A_118, %scan3A_119 : i32
        %scan3A_121 = arith.constant 1 : i32
        scf.for %scan3A_123 = %scan3A_118 to %scan3A_120 step %scan3A_121  : i32 {
          %mul3A_124 = arith.constant 2 : i32
          %mul3A_125 = arith.muli %mul3A_124, %scan3A_123 : i32
          %add3A_126 = arith.constant 0 : i32
          %add3A_127 = arith.addi %mul3A_125, %add3A_126 : i32
          %ge3A = arith.constant 1 : i32
          %ge3A_128 = arith.cmpi sge, %add3A_127, %ge3A : i32
          %convert_element_type3A_129 = arith.extui %ge3A_128 : i1 to i32
          %cond3A_130 = arith.constant 0 : i32
          %cond3A_131 = arith.cmpi ne, %convert_element_type3A_129, %cond3A_130 : i32
          scf.if %cond3A_131 {
            tpu.wait_dma2 semaphore(%arg18 : memref<!tpu.dma_semaphore, #tpu.memory_space<semaphore_mem>>) src(%arg7 : memref<80x128xf32, #tpu.memory_space<hbm>>) dst(%arg13 : memref<80x128xf32, #tpu.memory_space<vmem>>)
          } else {
          }
          %add3A_132 = arith.constant 1 : i32
          %add3A_133 = arith.addi %add3A_127, %add3A_132 : i32
          %lt3A_134 = arith.constant 32 : i32
          %lt3A_135 = arith.cmpi slt, %add3A_133, %lt3A_134 : i32
          %convert_element_type3A_136 = arith.extui %lt3A_135 : i1 to i32
          %cond3A_137 = arith.constant 0 : i32
          %cond3A_138 = arith.cmpi ne, %convert_element_type3A_136, %cond3A_137 : i32
          scf.if %cond3A_138 {
            %add3A_167 = arith.constant 1 : i32
            %add3A_168 = arith.addi %add3A_127, %add3A_167 : i32
            %dma_start3A_169 = arith.constant 0 : i32
            %dma_start3A_170 = tpu.memref_slice %arg10[%add3A_168, %dma_start3A_169] : memref<32x80xi32, #tpu.memory_space<vmem>> -> memref<1x80xi32, #tpu.memory_space<vmem>>
            %dma_start3A_171 = tpu.memref_squeeze %dma_start3A_170 : memref<1x80xi32, #tpu.memory_space<vmem>> -> memref<80xi32, #tpu.memory_space<vmem>>
            %dma_start3A_172 = arith.constant 0 : i32
            %dma_start3A_173 = arith.constant 0 : i32
            %dma_start3A_174 = tpu.memref_slice %arg3[%dma_start3A_172, %dma_start3A_173] : memref<10000x128xf32, #tpu.memory_space<hbm>> -> memref<10000x128xf32, #tpu.memory_space<hbm>>
            tpu.enqueue_indirect_dma source(%dma_start3A_174 : memref<10000x128xf32, #tpu.memory_space<hbm>>) target(%arg13 : memref<80x128xf32, #tpu.memory_space<vmem>>) offsets(%dma_start3A_171 : memref<80xi32, #tpu.memory_space<vmem>>) semaphore(%arg16 : memref<!tpu.dma_semaphore, #tpu.memory_space<semaphore_mem>>)
          } else {
          }
          tpu.wait_dma2 semaphore(%arg15 : memref<!tpu.dma_semaphore, #tpu.memory_space<semaphore_mem>>) src(%arg7 : memref<80x128xf32, #tpu.memory_space<hbm>>) dst(%arg12 : memref<80x128xf32, #tpu.memory_space<vmem>>)
          %dma_start3A_139 = arith.constant 0 : i32
          %dma_start3A_140 = tpu.memref_slice %arg11[%add3A_127, %dma_start3A_139] : memref<32x80xi32, #tpu.memory_space<vmem>> -> memref<1x80xi32, #tpu.memory_space<vmem>>
          %dma_start3A_141 = tpu.memref_squeeze %dma_start3A_140 : memref<1x80xi32, #tpu.memory_space<vmem>> -> memref<80xi32, #tpu.memory_space<vmem>>
          %dma_start3A_142 = arith.constant 0 : i32
          %dma_start3A_143 = arith.constant 0 : i32
          %dma_start3A_144 = tpu.memref_slice %arg14[%dma_start3A_142, %dma_start3A_143] : memref<10000x128xf32, #tpu.memory_space<vmem_shared>> -> memref<10000x128xf32, #tpu.memory_space<vmem_shared>>
          tpu.enqueue_indirect_dma source(%arg12 : memref<80x128xf32, #tpu.memory_space<vmem>>) target(%dma_start3A_144 : memref<10000x128xf32, #tpu.memory_space<vmem_shared>>) offsets(%dma_start3A_141 : memref<80xi32, #tpu.memory_space<vmem>>) semaphore(%arg17 : memref<!tpu.dma_semaphore, #tpu.memory_space<semaphore_mem>>) {add = true}
          %mul3A_145 = arith.constant 2 : i32
          %mul3A_146 = arith.muli %mul3A_145, %scan3A_123 : i32
          %add3A_147 = arith.constant 1 : i32
          %add3A_148 = arith.addi %mul3A_146, %add3A_147 : i32
          %ge3A_149 = arith.constant 1 : i32
          %ge3A_150 = arith.cmpi sge, %add3A_148, %ge3A_149 : i32
          %convert_element_type3A_151 = arith.extui %ge3A_150 : i1 to i32
          %cond3A_152 = arith.constant 0 : i32
          %cond3A_153 = arith.cmpi ne, %convert_element_type3A_151, %cond3A_152 : i32
          scf.if %cond3A_153 {
            tpu.wait_dma2 semaphore(%arg17 : memref<!tpu.dma_semaphore, #tpu.memory_space<semaphore_mem>>) src(%arg7 : memref<80x128xf32, #tpu.memory_space<hbm>>) dst(%arg12 : memref<80x128xf32, #tpu.memory_space<vmem>>)
          } else {
          }
          %add3A_154 = arith.constant 1 : i32
          %add3A_155 = arith.addi %add3A_148, %add3A_154 : i32
          %lt3A_156 = arith.constant 32 : i32
          %lt3A_157 = arith.cmpi slt, %add3A_155, %lt3A_156 : i32
          %convert_element_type3A_158 = arith.extui %lt3A_157 : i1 to i32
          %cond3A_159 = arith.constant 0 : i32
          %cond3A_160 = arith.cmpi ne, %convert_element_type3A_158, %cond3A_159 : i32
          scf.if %cond3A_160 {
            %add3A_167 = arith.constant 1 : i32
            %add3A_168 = arith.addi %add3A_148, %add3A_167 : i32
            %dma_start3A_169 = arith.constant 0 : i32
            %dma_start3A_170 = tpu.memref_slice %arg10[%add3A_168, %dma_start3A_169] : memref<32x80xi32, #tpu.memory_space<vmem>> -> memref<1x80xi32, #tpu.memory_space<vmem>>
            %dma_start3A_171 = tpu.memref_squeeze %dma_start3A_170 : memref<1x80xi32, #tpu.memory_space<vmem>> -> memref<80xi32, #tpu.memory_space<vmem>>
            %dma_start3A_172 = arith.constant 0 : i32
            %dma_start3A_173 = arith.constant 0 : i32
            %dma_start3A_174 = tpu.memref_slice %arg3[%dma_start3A_172, %dma_start3A_173] : memref<10000x128xf32, #tpu.memory_space<hbm>> -> memref<10000x128xf32, #tpu.memory_space<hbm>>
            tpu.enqueue_indirect_dma source(%dma_start3A_174 : memref<10000x128xf32, #tpu.memory_space<hbm>>) target(%arg12 : memref<80x128xf32, #tpu.memory_space<vmem>>) offsets(%dma_start3A_171 : memref<80xi32, #tpu.memory_space<vmem>>) semaphore(%arg15 : memref<!tpu.dma_semaphore, #tpu.memory_space<semaphore_mem>>)
          } else {
          }
          tpu.wait_dma2 semaphore(%arg16 : memref<!tpu.dma_semaphore, #tpu.memory_space<semaphore_mem>>) src(%arg7 : memref<80x128xf32, #tpu.memory_space<hbm>>) dst(%arg13 : memref<80x128xf32, #tpu.memory_space<vmem>>)
          %dma_start3A_161 = arith.constant 0 : i32
          %dma_start3A_162 = tpu.memref_slice %arg11[%add3A_148, %dma_start3A_161] : memref<32x80xi32, #tpu.memory_space<vmem>> -> memref<1x80xi32, #tpu.memory_space<vmem>>
          %dma_start3A_163 = tpu.memref_squeeze %dma_start3A_162 : memref<1x80xi32, #tpu.memory_space<vmem>> -> memref<80xi32, #tpu.memory_space<vmem>>
          %dma_start3A_164 = arith.constant 0 : i32
          %dma_start3A_165 = arith.constant 0 : i32
          %dma_start3A_166 = tpu.memref_slice %arg14[%dma_start3A_164, %dma_start3A_165] : memref<10000x128xf32, #tpu.memory_space<vmem_shared>> -> memref<10000x128xf32, #tpu.memory_space<vmem_shared>>
          tpu.enqueue_indirect_dma source(%arg13 : memref<80x128xf32, #tpu.memory_space<vmem>>) target(%dma_start3A_166 : memref<10000x128xf32, #tpu.memory_space<vmem_shared>>) offsets(%dma_start3A_163 : memref<80xi32, #tpu.memory_space<vmem>>) semaphore(%arg18 : memref<!tpu.dma_semaphore, #tpu.memory_space<semaphore_mem>>) {add = true}
        }
        %scan3A_122 = arith.constant 16 : i32
        tpu.wait_dma2 semaphore(%arg18 : memref<!tpu.dma_semaphore, #tpu.memory_space<semaphore_mem>>) src(%arg7 : memref<80x128xf32, #tpu.memory_space<hbm>>) dst(%arg13 : memref<80x128xf32, #tpu.memory_space<vmem>>)
      }
    } else {
    }
    %barrier3A_32 = arith.constant 0 : index
    tpu.barrier barrier_id(%barrier3A_32)
    %eq3A_33 = arith.constant 0 : i32
    %eq3A_34 = arith.cmpi eq, %arg0, %eq3A_33 : i32
    %lt3A_35 = arith.constant 15 : i32
    %lt3A_36 = arith.cmpi slt, %arg1, %lt3A_35 : i32
    %and3A = arith.andi %eq3A_34, %lt3A_36 : i1
    %eq3A_37 = arith.constant 0 : i32
    %eq3A_38 = arith.cmpi eq, %arg0, %eq3A_37 : i32
    %eq3A_39 = arith.constant 15 : i32
    %eq3A_40 = arith.cmpi eq, %arg1, %eq3A_39 : i32
    %and3A_41 = arith.andi %eq3A_38, %eq3A_40 : i1
    %convert_element_type3A_42 = arith.extui %and3A : i1 to i32
    %cond3A_43 = arith.constant 0 : i32
    %cond3A_44 = arith.cmpi ne, %convert_element_type3A_42, %cond3A_43 : i32
    scf.if %cond3A_44 {
      "tpu.region"() ({
        %run_scoped3A = tpu.sem_alloc : memref<!tpu.dma_semaphore, #tpu.memory_space<semaphore_mem>>
        %dma_start3A = arith.constant 0 : i32
        %dma_start3A_64 = tpu.memref_slice %arg8[%mul3A_2, %dma_start3A] : memref<10000x128xf32, #tpu.memory_space<hbm>> -> memref<632x128xf32, #tpu.memory_space<hbm>>
        %dma_start3A_65 = arith.constant 0 : i32
        %dma_start3A_66 = tpu.memref_slice %arg14[%mul3A_2, %dma_start3A_65] : memref<10000x128xf32, #tpu.memory_space<vmem_shared>> -> memref<632x128xf32, #tpu.memory_space<vmem_shared>>
        tpu.enqueue_dma source(%dma_start3A_66 : memref<632x128xf32, #tpu.memory_space<vmem_shared>>) target(%dma_start3A_64 : memref<632x128xf32, #tpu.memory_space<hbm>>) target_semaphore(%run_scoped3A : memref<!tpu.dma_semaphore, #tpu.memory_space<semaphore_mem>>)
        %dma_wait3A = arith.constant 0 : i32
        %dma_wait3A_67 = tpu.memref_slice %arg8[%mul3A_2, %dma_wait3A] : memref<10000x128xf32, #tpu.memory_space<hbm>> -> memref<632x128xf32, #tpu.memory_space<hbm>>
        %dma_wait3A_68 = arith.constant 0 : i32
        %dma_wait3A_69 = tpu.memref_slice %arg14[%mul3A_2, %dma_wait3A_68] : memref<10000x128xf32, #tpu.memory_space<vmem_shared>> -> memref<632x128xf32, #tpu.memory_space<vmem_shared>>
        tpu.wait_dma2 semaphore(%run_scoped3A : memref<!tpu.dma_semaphore, #tpu.memory_space<semaphore_mem>>) src(%dma_wait3A_69 : memref<632x128xf32, #tpu.memory_space<vmem_shared>>) dst(%dma_wait3A_67 : memref<632x128xf32, #tpu.memory_space<hbm>>)
        tpu.yield
      }) : () -> ()
    } else {
    }
    %convert_element_type3A_45 = arith.extui %and3A_41 : i1 to i32
    %cond3A_46 = arith.constant 0 : i32
    %cond3A_47 = arith.cmpi ne, %convert_element_type3A_45, %cond3A_46 : i32
    scf.if %cond3A_47 {
      "tpu.region"() ({
        %run_scoped3A = tpu.sem_alloc : memref<!tpu.dma_semaphore, #tpu.memory_space<semaphore_mem>>
        %dma_start3A = arith.constant 0 : i32
        %dma_start3A_64 = tpu.memref_slice %arg8[%mul3A_2, %dma_start3A] : memref<10000x128xf32, #tpu.memory_space<hbm>> -> memref<520x128xf32, #tpu.memory_space<hbm>>
        %dma_start3A_65 = arith.constant 0 : i32
        %dma_start3A_66 = tpu.memref_slice %arg14[%mul3A_2, %dma_start3A_65] : memref<10000x128xf32, #tpu.memory_space<vmem_shared>> -> memref<520x128xf32, #tpu.memory_space<vmem_shared>>
        tpu.enqueue_dma source(%dma_start3A_66 : memref<520x128xf32, #tpu.memory_space<vmem_shared>>) target(%dma_start3A_64 : memref<520x128xf32, #tpu.memory_space<hbm>>) target_semaphore(%run_scoped3A : memref<!tpu.dma_semaphore, #tpu.memory_space<semaphore_mem>>)
        %dma_wait3A = arith.constant 0 : i32
        %dma_wait3A_67 = tpu.memref_slice %arg8[%mul3A_2, %dma_wait3A] : memref<10000x128xf32, #tpu.memory_space<hbm>> -> memref<520x128xf32, #tpu.memory_space<hbm>>
        %dma_wait3A_68 = arith.constant 0 : i32
        %dma_wait3A_69 = tpu.memref_slice %arg14[%mul3A_2, %dma_wait3A_68] : memref<10000x128xf32, #tpu.memory_space<vmem_shared>> -> memref<520x128xf32, #tpu.memory_space<vmem_shared>>
        tpu.wait_dma2 semaphore(%run_scoped3A : memref<!tpu.dma_semaphore, #tpu.memory_space<semaphore_mem>>) src(%dma_wait3A_69 : memref<520x128xf32, #tpu.memory_space<vmem_shared>>) dst(%dma_wait3A_67 : memref<520x128xf32, #tpu.memory_space<hbm>>)
        tpu.yield
      }) : () -> ()
    } else {
    }
    %eq3A_48 = arith.constant 1 : i32
    %eq3A_49 = arith.cmpi eq, %arg0, %eq3A_48 : i32
    %lt3A_50 = arith.constant 15 : i32
    %lt3A_51 = arith.cmpi slt, %arg1, %lt3A_50 : i32
    %and3A_52 = arith.andi %eq3A_49, %lt3A_51 : i1
    %eq3A_53 = arith.constant 1 : i32
    %eq3A_54 = arith.cmpi eq, %arg0, %eq3A_53 : i32
    %eq3A_55 = arith.constant 15 : i32
    %eq3A_56 = arith.cmpi eq, %arg1, %eq3A_55 : i32
    %and3A_57 = arith.andi %eq3A_54, %eq3A_56 : i1
    %convert_element_type3A_58 = arith.extui %and3A_52 : i1 to i32
    %cond3A_59 = arith.constant 0 : i32
    %cond3A_60 = arith.cmpi ne, %convert_element_type3A_58, %cond3A_59 : i32
    scf.if %cond3A_60 {
      "tpu.region"() ({
        %run_scoped3A = tpu.sem_alloc : memref<!tpu.dma_semaphore, #tpu.memory_space<semaphore_mem>>
        %dma_start3A = arith.constant 0 : i32
        %dma_start3A_64 = tpu.memref_slice %arg9[%mul3A_2, %dma_start3A] : memref<10000x128xf32, #tpu.memory_space<hbm>> -> memref<632x128xf32, #tpu.memory_space<hbm>>
        %dma_start3A_65 = arith.constant 0 : i32
        %dma_start3A_66 = tpu.memref_slice %arg14[%mul3A_2, %dma_start3A_65] : memref<10000x128xf32, #tpu.memory_space<vmem_shared>> -> memref<632x128xf32, #tpu.memory_space<vmem_shared>>
        tpu.enqueue_dma source(%dma_start3A_66 : memref<632x128xf32, #tpu.memory_space<vmem_shared>>) target(%dma_start3A_64 : memref<632x128xf32, #tpu.memory_space<hbm>>) target_semaphore(%run_scoped3A : memref<!tpu.dma_semaphore, #tpu.memory_space<semaphore_mem>>)
        %dma_wait3A = arith.constant 0 : i32
        %dma_wait3A_67 = tpu.memref_slice %arg9[%mul3A_2, %dma_wait3A] : memref<10000x128xf32, #tpu.memory_space<hbm>> -> memref<632x128xf32, #tpu.memory_space<hbm>>
        %dma_wait3A_68 = arith.constant 0 : i32
        %dma_wait3A_69 = tpu.memref_slice %arg14[%mul3A_2, %dma_wait3A_68] : memref<10000x128xf32, #tpu.memory_space<vmem_shared>> -> memref<632x128xf32, #tpu.memory_space<vmem_shared>>
        tpu.wait_dma2 semaphore(%run_scoped3A : memref<!tpu.dma_semaphore, #tpu.memory_space<semaphore_mem>>) src(%dma_wait3A_69 : memref<632x128xf32, #tpu.memory_space<vmem_shared>>) dst(%dma_wait3A_67 : memref<632x128xf32, #tpu.memory_space<hbm>>)
        tpu.yield
      }) : () -> ()
    } else {
    }
    %convert_element_type3A_61 = arith.extui %and3A_57 : i1 to i32
    %cond3A_62 = arith.constant 0 : i32
    %cond3A_63 = arith.cmpi ne, %convert_element_type3A_61, %cond3A_62 : i32
    scf.if %cond3A_63 {
      "tpu.region"() ({
        %run_scoped3A = tpu.sem_alloc : memref<!tpu.dma_semaphore, #tpu.memory_space<semaphore_mem>>
        %dma_start3A = arith.constant 0 : i32
        %dma_start3A_64 = tpu.memref_slice %arg9[%mul3A_2, %dma_start3A] : memref<10000x128xf32, #tpu.memory_space<hbm>> -> memref<520x128xf32, #tpu.memory_space<hbm>>
        %dma_start3A_65 = arith.constant 0 : i32
        %dma_start3A_66 = tpu.memref_slice %arg14[%mul3A_2, %dma_start3A_65] : memref<10000x128xf32, #tpu.memory_space<vmem_shared>> -> memref<520x128xf32, #tpu.memory_space<vmem_shared>>
        tpu.enqueue_dma source(%dma_start3A_66 : memref<520x128xf32, #tpu.memory_space<vmem_shared>>) target(%dma_start3A_64 : memref<520x128xf32, #tpu.memory_space<hbm>>) target_semaphore(%run_scoped3A : memref<!tpu.dma_semaphore, #tpu.memory_space<semaphore_mem>>)
        %dma_wait3A = arith.constant 0 : i32
        %dma_wait3A_67 = tpu.memref_slice %arg9[%mul3A_2, %dma_wait3A] : memref<10000x128xf32, #tpu.memory_space<hbm>> -> memref<520x128xf32, #tpu.memory_space<hbm>>
        %dma_wait3A_68 = arith.constant 0 : i32
        %dma_wait3A_69 = tpu.memref_slice %arg14[%mul3A_2, %dma_wait3A_68] : memref<10000x128xf32, #tpu.memory_space<vmem_shared>> -> memref<520x128xf32, #tpu.memory_space<vmem_shared>>
        tpu.wait_dma2 semaphore(%run_scoped3A : memref<!tpu.dma_semaphore, #tpu.memory_space<semaphore_mem>>) src(%dma_wait3A_69 : memref<520x128xf32, #tpu.memory_space<vmem_shared>>) dst(%dma_wait3A_67 : memref<520x128xf32, #tpu.memory_space<hbm>>)
        tpu.yield
      }) : () -> ()
    } else {
    }
    return
  }
}

module attributes {stable_mosaic.version = 14 : i64} {
  func.func @_scale0_body(%arg0: i32, %arg1: memref<2000x128xf32, #tpu.memory_space<vmem>>, %arg2: memref<2000x128xf32, #tpu.memory_space<vmem>>, %arg3: memref<2000x128xf32, #tpu.memory_space<vmem>>, %arg4: memref<2000x128xf32, #tpu.memory_space<vmem>>, %arg5: memref<2000x1xf32, #tpu.memory_space<vmem>>) attributes {dimension_semantics = [#tpu.dimension_semantics<arbitrary>], iteration_bounds = array<i64: 5>, scalar_prefetch = 0 : i64, scratch_operands = 0 : i64, tpu.core_type = #tpu.core_type<tc>, window_params = [{transform_indices = @transform_0, window_bounds = array<i64: 2000, 128>}, {transform_indices = @transform_1, window_bounds = array<i64: 2000, 128>}, {transform_indices = @transform_2, window_bounds = array<i64: 2000, 128>}, {transform_indices = @transform_3, window_bounds = array<i64: 2000, 128>}, {transform_indices = @transform_4, window_bounds = array<i64: 2000, 1>}]} {
    %get3A = arith.constant 0 : index
    %get3A_0 = arith.constant 0 : index
    %get3A_1 = vector.load %arg1[%get3A, %get3A_0] : memref<2000x128xf32, #tpu.memory_space<vmem>>, vector<2000x1xf32>
    %get3A_2 = arith.constant 0 : index
    %get3A_3 = arith.constant 0 : index
    %get3A_4 = vector.load %arg2[%get3A_2, %get3A_3] : memref<2000x128xf32, #tpu.memory_space<vmem>>, vector<2000x1xf32>
    %add3A = arith.addf %get3A_1, %get3A_4 : vector<2000x1xf32>
    %add3A_5 = arith.constant 1.000000e+00 : f32
    %add3A_6 = vector.broadcast %add3A_5 : f32 to vector<2000x1xf32>
    %add3A_7 = arith.addf %add3A, %add3A_6 : vector<2000x1xf32>
    %rsqrt3A = math.rsqrt %add3A_7 : vector<2000x1xf32>
    %swap3A = arith.constant 0 : index
    %swap3A_8 = arith.constant 0 : index
    %swap3A_9 = vector.load %arg5[%swap3A, %swap3A_8] : memref<2000x1xf32, #tpu.memory_space<vmem>>, vector<2000x1xf32>
    tpu.vector_store %arg5[%swap3A, %swap3A_8], %rsqrt3A {strides = array<i32>} : memref<2000x1xf32, #tpu.memory_space<vmem>>, vector<2000x1xf32>,
    %get3A_10 = arith.constant 0 : index
    %get3A_11 = arith.constant 0 : index
    %get3A_12 = vector.load %arg3[%get3A_10, %get3A_11] : memref<2000x128xf32, #tpu.memory_space<vmem>>, vector<2000x128xf32>
    %mul3A = vector.broadcast %rsqrt3A : vector<2000x1xf32> to vector<2000x128xf32>
    %mul3A_13 = arith.mulf %get3A_12, %mul3A : vector<2000x128xf32>
    %swap3A_14 = arith.constant 0 : index
    %swap3A_15 = arith.constant 0 : index
    %swap3A_16 = vector.load %arg4[%swap3A_14, %swap3A_15] : memref<2000x128xf32, #tpu.memory_space<vmem>>, vector<2000x128xf32>
    tpu.vector_store %arg4[%swap3A_14, %swap3A_15], %mul3A_13 {strides = array<i32>} : memref<2000x128xf32, #tpu.memory_space<vmem>>, vector<2000x128xf32>,
    return
  }
  func.func @transform_0(%arg0: i32) -> (i32, i32) {
    %c0_i32 = arith.constant 0 : i32
    %c0_i32_0 = arith.constant 0 : i32
    return %arg0, %c0_i32 : i32, i32
  }
  func.func @transform_1(%arg0: i32) -> (i32, i32) {
    %c0_i32 = arith.constant 0 : i32
    %c0_i32_0 = arith.constant 0 : i32
    return %arg0, %c0_i32 : i32, i32
  }
  func.func @transform_2(%arg0: i32) -> (i32, i32) {
    %c0_i32 = arith.constant 0 : i32
    %c0_i32_0 = arith.constant 0 : i32
    return %arg0, %c0_i32 : i32, i32
  }
  func.func @transform_3(%arg0: i32) -> (i32, i32) {
    %c0_i32 = arith.constant 0 : i32
    %c0_i32_0 = arith.constant 0 : i32
    return %arg0, %c0_i32 : i32, i32
  }
  func.func @transform_4(%arg0: i32) -> (i32, i32) {
    %c0_i32 = arith.constant 0 : i32
    %c0_i32_0 = arith.constant 0 : i32
    return %arg0, %c0_i32 : i32, i32
  }
}

module attributes {stable_mosaic.version = 14 : i64} {
  func.func @_l1_body(%arg0: i32, %arg1: memref<2000x128xf32, #tpu.memory_space<vmem>>, %arg2: memref<2000x128xf32, #tpu.memory_space<vmem>>, %arg3: memref<2000x128xf32, #tpu.memory_space<vmem>>, %arg4: memref<2000x1xf32, #tpu.memory_space<vmem>>, %arg5: memref<128x256xf32, #tpu.memory_space<vmem>>, %arg6: memref<1x256xf32, #tpu.memory_space<vmem>>, %arg7: memref<256x256xf32, #tpu.memory_space<vmem>>, %arg8: memref<2000x256xf32, #tpu.memory_space<vmem>>, %arg9: memref<2000x128xf32, #tpu.memory_space<vmem>>, %arg10: memref<2000x128xf32, #tpu.memory_space<vmem>>) attributes {dimension_semantics = [#tpu.dimension_semantics<arbitrary>], iteration_bounds = array<i64: 5>, scalar_prefetch = 0 : i64, scratch_operands = 0 : i64, tpu.core_type = #tpu.core_type<tc>, window_params = [{transform_indices = @transform_0, window_bounds = array<i64: 2000, 128>}, {transform_indices = @transform_1, window_bounds = array<i64: 2000, 128>}, {transform_indices = @transform_2, window_bounds = array<i64: 2000, 128>}, {transform_indices = @transform_3, window_bounds = array<i64: 2000, 1>}, {pipeline_mode = #tpu.pipeline_mode<synchronous>, transform_indices = @transform_4, window_bounds = array<i64: 128, 256>}, {pipeline_mode = #tpu.pipeline_mode<synchronous>, transform_indices = @transform_5, window_bounds = array<i64: 1, 256>}, {pipeline_mode = #tpu.pipeline_mode<synchronous>, transform_indices = @transform_6, window_bounds = array<i64: 256, 256>}, {transform_indices = @transform_7, window_bounds = array<i64: 2000, 256>}, {transform_indices = @transform_8, window_bounds = array<i64: 2000, 128>}, {transform_indices = @transform_9, window_bounds = array<i64: 2000, 128>}]} {
    %get3A = arith.constant 0 : index
    %get3A_0 = arith.constant 0 : index
    %get3A_1 = vector.load %arg4[%get3A, %get3A_0] : memref<2000x1xf32, #tpu.memory_space<vmem>>, vector<2000x1xf32>
    %get3A_2 = arith.constant 0 : index
    %get3A_3 = arith.constant 0 : index
    %get3A_4 = vector.load %arg1[%get3A_2, %get3A_3] : memref<2000x128xf32, #tpu.memory_space<vmem>>, vector<2000x128xf32>
    %get3A_5 = arith.constant 0 : index
    %get3A_6 = arith.constant 0 : index
    %get3A_7 = vector.load %arg2[%get3A_5, %get3A_6] : memref<2000x128xf32, #tpu.memory_space<vmem>>, vector<2000x128xf32>
    %add3A = arith.addf %get3A_4, %get3A_7 : vector<2000x128xf32>
    %mul3A = vector.broadcast %get3A_1 : vector<2000x1xf32> to vector<2000x128xf32>
    %mul3A_8 = arith.mulf %mul3A, %add3A : vector<2000x128xf32>
    %mul3A_9 = arith.mulf %get3A_1, %get3A_1 : vector<2000x1xf32>
    %get3A_10 = arith.constant 0 : index
    %get3A_11 = arith.constant 0 : index
    %get3A_12 = vector.load %arg3[%get3A_10, %get3A_11] : memref<2000x128xf32, #tpu.memory_space<vmem>>, vector<2000x128xf32>
    %mul3A_13 = vector.broadcast %mul3A_9 : vector<2000x1xf32> to vector<2000x128xf32>
    %mul3A_14 = arith.mulf %mul3A_13, %get3A_12 : vector<2000x128xf32>
    %add3A_15 = arith.addf %mul3A_8, %mul3A_14 : vector<2000x128xf32>
    %get3A_16 = arith.constant 0 : index
    %get3A_17 = arith.constant 0 : index
    %get3A_18 = vector.load %arg5[%get3A_16, %get3A_17] : memref<128x256xf32, #tpu.memory_space<vmem>>, vector<128x256xf32>
    %convert_element_type3A = arith.truncf %add3A_15 : vector<2000x128xf32> to vector<2000x128xbf16>
    %convert_element_type3A_19 = arith.truncf %get3A_18 : vector<128x256xf32> to vector<128x256xbf16>
    %dot_general3A = arith.constant dense<0.000000e+00> : vector<2000x256xf32>
    %dot_general3A_20 = tpu.matmul %convert_element_type3A, %convert_element_type3A_19, %dot_general3A {dimension_numbers = #tpu.dot_dimension_numbers<[1], [0], [0], [1], [0, 0, 1, 1], [], []>, transpose_lhs_hint = false} : vector<2000x128xbf16>, vector<128x256xbf16>, vector<2000x256xf32> -> vector<2000x256xf32>
    %get3A_21 = arith.constant 0 : index
    %get3A_22 = arith.constant 0 : index
    %get3A_23 = vector.load %arg6[%get3A_21, %get3A_22] : memref<1x256xf32, #tpu.memory_space<vmem>>, vector<1x256xf32>
    %add3A_24 = vector.broadcast %get3A_23 : vector<1x256xf32> to vector<2000x256xf32>
    %add3A_25 = arith.addf %dot_general3A_20, %add3A_24 : vector<2000x256xf32>
    %max3A = arith.constant 0.000000e+00 : f32
    %max3A_26 = vector.broadcast %max3A : f32 to vector<2000x256xf32>
    %max3A_27 = arith.maximumf %add3A_25, %max3A_26 : vector<2000x256xf32>
    %get3A_28 = arith.constant 0 : index
    %get3A_29 = arith.constant 0 : index
    %get3A_30 = vector.load %arg7[%get3A_28, %get3A_29] : memref<256x256xf32, #tpu.memory_space<vmem>>, vector<256x256xf32>
    %convert_element_type3A_31 = arith.truncf %max3A_27 : vector<2000x256xf32> to vector<2000x256xbf16>
    %convert_element_type3A_32 = arith.truncf %get3A_30 : vector<256x256xf32> to vector<256x256xbf16>
    %dot_general3A_33 = arith.constant dense<0.000000e+00> : vector<2000x256xf32>
    %dot_general3A_34 = tpu.matmul %convert_element_type3A_31, %convert_element_type3A_32, %dot_general3A_33 {dimension_numbers = #tpu.dot_dimension_numbers<[1], [0], [0], [1], [0, 0, 1, 1], [], []>, transpose_lhs_hint = false} : vector<2000x256xbf16>, vector<256x256xbf16>, vector<2000x256xf32> -> vector<2000x256xf32>
    %swap3A = arith.constant 0 : index
    %swap3A_35 = arith.constant 0 : index
    %swap3A_36 = vector.load %arg8[%swap3A, %swap3A_35] : memref<2000x256xf32, #tpu.memory_space<vmem>>, vector<2000x256xf32>
    tpu.vector_store %arg8[%swap3A, %swap3A_35], %dot_general3A_34 {strides = array<i32>} : memref<2000x256xf32, #tpu.memory_space<vmem>>, vector<2000x256xf32>,
    %mul3A_37 = vector.broadcast %get3A_1 : vector<2000x1xf32> to vector<2000x256xf32>
    %mul3A_38 = arith.mulf %mul3A_37, %dot_general3A_34 : vector<2000x256xf32>
    %slice3A = vector.extract_strided_slice %mul3A_38 {offsets = [0, 0], sizes = [2000, 128], strides = [1, 1]} : vector<2000x256xf32> to vector<2000x128xf32>
    %swap3A_39 = arith.constant 0 : index
    %swap3A_40 = arith.constant 0 : index
    %swap3A_41 = vector.load %arg9[%swap3A_39, %swap3A_40] : memref<2000x128xf32, #tpu.memory_space<vmem>>, vector<2000x128xf32>
    tpu.vector_store %arg9[%swap3A_39, %swap3A_40], %slice3A {strides = array<i32>} : memref<2000x128xf32, #tpu.memory_space<vmem>>, vector<2000x128xf32>,
    %slice3A_42 = vector.extract_strided_slice %mul3A_38 {offsets = [0, 128], sizes = [2000, 128], strides = [1, 1]} : vector<2000x256xf32> to vector<2000x128xf32>
    %swap3A_43 = arith.constant 0 : index
    %swap3A_44 = arith.constant 0 : index
    %swap3A_45 = vector.load %arg10[%swap3A_43, %swap3A_44] : memref<2000x128xf32, #tpu.memory_space<vmem>>, vector<2000x128xf32>
    tpu.vector_store %arg10[%swap3A_43, %swap3A_44], %slice3A_42 {strides = array<i32>} : memref<2000x128xf32, #tpu.memory_space<vmem>>, vector<2000x128xf32>,
    return
  }
  func.func @transform_0(%arg0: i32) -> (i32, i32) {
    %c0_i32 = arith.constant 0 : i32
    %c0_i32_0 = arith.constant 0 : i32
    return %arg0, %c0_i32 : i32, i32
  }
  func.func @transform_1(%arg0: i32) -> (i32, i32) {
    %c0_i32 = arith.constant 0 : i32
    %c0_i32_0 = arith.constant 0 : i32
    return %arg0, %c0_i32 : i32, i32
  }
  func.func @transform_2(%arg0: i32) -> (i32, i32) {
    %c0_i32 = arith.constant 0 : i32
    %c0_i32_0 = arith.constant 0 : i32
    return %arg0, %c0_i32 : i32, i32
  }
  func.func @transform_3(%arg0: i32) -> (i32, i32) {
    %c0_i32 = arith.constant 0 : i32
    %c0_i32_0 = arith.constant 0 : i32
    return %arg0, %c0_i32 : i32, i32
  }
  func.func @transform_4(%arg0: i32) -> (i32, i32) {
    %c0_i32 = arith.constant 0 : i32
    %c0_i32_0 = arith.constant 0 : i32
    %c0_i32_1 = arith.constant 0 : i32
    return %c0_i32, %c0_i32_0 : i32, i32
  }
  func.func @transform_5(%arg0: i32) -> (i32, i32) {
    %c0_i32 = arith.constant 0 : i32
    %c0_i32_0 = arith.constant 0 : i32
    %c0_i32_1 = arith.constant 0 : i32
    return %c0_i32, %c0_i32_0 : i32, i32
  }
  func.func @transform_6(%arg0: i32) -> (i32, i32) {
    %c0_i32 = arith.constant 0 : i32
    %c0_i32_0 = arith.constant 0 : i32
    %c0_i32_1 = arith.constant 0 : i32
    return %c0_i32, %c0_i32_0 : i32, i32
  }
  func.func @transform_7(%arg0: i32) -> (i32, i32) {
    %c0_i32 = arith.constant 0 : i32
    %c0_i32_0 = arith.constant 0 : i32
    return %arg0, %c0_i32 : i32, i32
  }
  func.func @transform_8(%arg0: i32) -> (i32, i32) {
    %c0_i32 = arith.constant 0 : i32
    %c0_i32_0 = arith.constant 0 : i32
    return %arg0, %c0_i32 : i32, i32
  }
  func.func @transform_9(%arg0: i32) -> (i32, i32) {
    %c0_i32 = arith.constant 0 : i32
    %c0_i32_0 = arith.constant 0 : i32
    return %arg0, %c0_i32 : i32, i32
  }
}

module attributes {stable_mosaic.version = 14 : i64} {
  func.func @_mid_body(%arg0: i32, %arg1: memref<2000x128xf32, #tpu.memory_space<vmem>>, %arg2: memref<2000x128xf32, #tpu.memory_space<vmem>>, %arg3: memref<2000x256xf32, #tpu.memory_space<vmem>>, %arg4: memref<2000x1xf32, #tpu.memory_space<vmem>>, %arg5: memref<1x256xf32, #tpu.memory_space<vmem>>, %arg6: memref<256x256xf32, #tpu.memory_space<vmem>>, %arg7: memref<2000x256xf32, #tpu.memory_space<vmem>>, %arg8: memref<2000x128xf32, #tpu.memory_space<vmem>>, %arg9: memref<2000x128xf32, #tpu.memory_space<vmem>>) attributes {dimension_semantics = [#tpu.dimension_semantics<arbitrary>], iteration_bounds = array<i64: 5>, scalar_prefetch = 0 : i64, scratch_operands = 0 : i64, tpu.core_type = #tpu.core_type<tc>, window_params = [{transform_indices = @transform_0, window_bounds = array<i64: 2000, 128>}, {transform_indices = @transform_1, window_bounds = array<i64: 2000, 128>}, {transform_indices = @transform_2, window_bounds = array<i64: 2000, 256>}, {transform_indices = @transform_3, window_bounds = array<i64: 2000, 1>}, {pipeline_mode = #tpu.pipeline_mode<synchronous>, transform_indices = @transform_4, window_bounds = array<i64: 1, 256>}, {pipeline_mode = #tpu.pipeline_mode<synchronous>, transform_indices = @transform_5, window_bounds = array<i64: 256, 256>}, {transform_indices = @transform_6, window_bounds = array<i64: 2000, 256>}, {transform_indices = @transform_7, window_bounds = array<i64: 2000, 128>}, {transform_indices = @transform_8, window_bounds = array<i64: 2000, 128>}]} {
    %get3A = arith.constant 0 : index
    %get3A_0 = arith.constant 0 : index
    %get3A_1 = vector.load %arg4[%get3A, %get3A_0] : memref<2000x1xf32, #tpu.memory_space<vmem>>, vector<2000x1xf32>
    %get3A_2 = arith.constant 0 : index
    %get3A_3 = arith.constant 0 : index
    %get3A_4 = vector.load %arg1[%get3A_2, %get3A_3] : memref<2000x128xf32, #tpu.memory_space<vmem>>, vector<2000x128xf32>
    %get3A_5 = arith.constant 0 : index
    %get3A_6 = arith.constant 0 : index
    %get3A_7 = vector.load %arg2[%get3A_5, %get3A_6] : memref<2000x128xf32, #tpu.memory_space<vmem>>, vector<2000x128xf32>
    %concatenate3A = tpu.concatenate %get3A_4, %get3A_7 in 1 : vector<2000x128xf32>, vector<2000x128xf32> -> vector<2000x256xf32>
    %mul3A = vector.broadcast %get3A_1 : vector<2000x1xf32> to vector<2000x256xf32>
    %mul3A_8 = arith.mulf %mul3A, %concatenate3A : vector<2000x256xf32>
    %mul3A_9 = arith.mulf %get3A_1, %get3A_1 : vector<2000x1xf32>
    %get3A_10 = arith.constant 0 : index
    %get3A_11 = arith.constant 0 : index
    %get3A_12 = vector.load %arg3[%get3A_10, %get3A_11] : memref<2000x256xf32, #tpu.memory_space<vmem>>, vector<2000x256xf32>
    %mul3A_13 = vector.broadcast %mul3A_9 : vector<2000x1xf32> to vector<2000x256xf32>
    %mul3A_14 = arith.mulf %mul3A_13, %get3A_12 : vector<2000x256xf32>
    %add3A = arith.addf %mul3A_8, %mul3A_14 : vector<2000x256xf32>
    %get3A_15 = arith.constant 0 : index
    %get3A_16 = arith.constant 0 : index
    %get3A_17 = vector.load %arg5[%get3A_15, %get3A_16] : memref<1x256xf32, #tpu.memory_space<vmem>>, vector<1x256xf32>
    %add3A_18 = vector.broadcast %get3A_17 : vector<1x256xf32> to vector<2000x256xf32>
    %add3A_19 = arith.addf %add3A, %add3A_18 : vector<2000x256xf32>
    %max3A = arith.constant 0.000000e+00 : f32
    %max3A_20 = vector.broadcast %max3A : f32 to vector<2000x256xf32>
    %max3A_21 = arith.maximumf %add3A_19, %max3A_20 : vector<2000x256xf32>
    %get3A_22 = arith.constant 0 : index
    %get3A_23 = arith.constant 0 : index
    %get3A_24 = vector.load %arg6[%get3A_22, %get3A_23] : memref<256x256xf32, #tpu.memory_space<vmem>>, vector<256x256xf32>
    %convert_element_type3A = arith.truncf %max3A_21 : vector<2000x256xf32> to vector<2000x256xbf16>
    %convert_element_type3A_25 = arith.truncf %get3A_24 : vector<256x256xf32> to vector<256x256xbf16>
    %dot_general3A = arith.constant dense<0.000000e+00> : vector<2000x256xf32>
    %dot_general3A_26 = tpu.matmul %convert_element_type3A, %convert_element_type3A_25, %dot_general3A {dimension_numbers = #tpu.dot_dimension_numbers<[1], [0], [0], [1], [0, 0, 1, 1], [], []>, transpose_lhs_hint = false} : vector<2000x256xbf16>, vector<256x256xbf16>, vector<2000x256xf32> -> vector<2000x256xf32>
    %swap3A = arith.constant 0 : index
    %swap3A_27 = arith.constant 0 : index
    %swap3A_28 = vector.load %arg7[%swap3A, %swap3A_27] : memref<2000x256xf32, #tpu.memory_space<vmem>>, vector<2000x256xf32>
    tpu.vector_store %arg7[%swap3A, %swap3A_27], %dot_general3A_26 {strides = array<i32>} : memref<2000x256xf32, #tpu.memory_space<vmem>>, vector<2000x256xf32>,
    %mul3A_29 = vector.broadcast %get3A_1 : vector<2000x1xf32> to vector<2000x256xf32>
    %mul3A_30 = arith.mulf %mul3A_29, %dot_general3A_26 : vector<2000x256xf32>
    %slice3A = vector.extract_strided_slice %mul3A_30 {offsets = [0, 0], sizes = [2000, 128], strides = [1, 1]} : vector<2000x256xf32> to vector<2000x128xf32>
    %swap3A_31 = arith.constant 0 : index
    %swap3A_32 = arith.constant 0 : index
    %swap3A_33 = vector.load %arg8[%swap3A_31, %swap3A_32] : memref<2000x128xf32, #tpu.memory_space<vmem>>, vector<2000x128xf32>
    tpu.vector_store %arg8[%swap3A_31, %swap3A_32], %slice3A {strides = array<i32>} : memref<2000x128xf32, #tpu.memory_space<vmem>>, vector<2000x128xf32>,
    %slice3A_34 = vector.extract_strided_slice %mul3A_30 {offsets = [0, 128], sizes = [2000, 128], strides = [1, 1]} : vector<2000x256xf32> to vector<2000x128xf32>
    %swap3A_35 = arith.constant 0 : index
    %swap3A_36 = arith.constant 0 : index
    %swap3A_37 = vector.load %arg9[%swap3A_35, %swap3A_36] : memref<2000x128xf32, #tpu.memory_space<vmem>>, vector<2000x128xf32>
    tpu.vector_store %arg9[%swap3A_35, %swap3A_36], %slice3A_34 {strides = array<i32>} : memref<2000x128xf32, #tpu.memory_space<vmem>>, vector<2000x128xf32>,
    return
  }
  func.func @transform_0(%arg0: i32) -> (i32, i32) {
    %c0_i32 = arith.constant 0 : i32
    %c0_i32_0 = arith.constant 0 : i32
    return %arg0, %c0_i32 : i32, i32
  }
  func.func @transform_1(%arg0: i32) -> (i32, i32) {
    %c0_i32 = arith.constant 0 : i32
    %c0_i32_0 = arith.constant 0 : i32
    return %arg0, %c0_i32 : i32, i32
  }
  func.func @transform_2(%arg0: i32) -> (i32, i32) {
    %c0_i32 = arith.constant 0 : i32
    %c0_i32_0 = arith.constant 0 : i32
    return %arg0, %c0_i32 : i32, i32
  }
  func.func @transform_3(%arg0: i32) -> (i32, i32) {
    %c0_i32 = arith.constant 0 : i32
    %c0_i32_0 = arith.constant 0 : i32
    return %arg0, %c0_i32 : i32, i32
  }
  func.func @transform_4(%arg0: i32) -> (i32, i32) {
    %c0_i32 = arith.constant 0 : i32
    %c0_i32_0 = arith.constant 0 : i32
    %c0_i32_1 = arith.constant 0 : i32
    return %c0_i32, %c0_i32_0 : i32, i32
  }
  func.func @transform_5(%arg0: i32) -> (i32, i32) {
    %c0_i32 = arith.constant 0 : i32
    %c0_i32_0 = arith.constant 0 : i32
    %c0_i32_1 = arith.constant 0 : i32
    return %c0_i32, %c0_i32_0 : i32, i32
  }
  func.func @transform_6(%arg0: i32) -> (i32, i32) {
    %c0_i32 = arith.constant 0 : i32
    %c0_i32_0 = arith.constant 0 : i32
    return %arg0, %c0_i32 : i32, i32
  }
  func.func @transform_7(%arg0: i32) -> (i32, i32) {
    %c0_i32 = arith.constant 0 : i32
    %c0_i32_0 = arith.constant 0 : i32
    return %arg0, %c0_i32 : i32, i32
  }
  func.func @transform_8(%arg0: i32) -> (i32, i32) {
    %c0_i32 = arith.constant 0 : i32
    %c0_i32_0 = arith.constant 0 : i32
    return %arg0, %c0_i32 : i32, i32
  }
}

module attributes {stable_mosaic.version = 14 : i64} {
  func.func @_final_body(%arg0: i32, %arg1: memref<2000x128xf32, #tpu.memory_space<vmem>>, %arg2: memref<2000x128xf32, #tpu.memory_space<vmem>>, %arg3: memref<2000x256xf32, #tpu.memory_space<vmem>>, %arg4: memref<2000x1xf32, #tpu.memory_space<vmem>>, %arg5: memref<1x256xf32, #tpu.memory_space<vmem>>, %arg6: memref<2000x1xi32, #tpu.memory_space<vmem>>, %arg7: memref<256x256xf32, #tpu.memory_space<vmem>>, %arg8: memref<1x256xf32, #tpu.memory_space<vmem>>, %arg9: memref<256x128xf32, #tpu.memory_space<vmem>>, %arg10: memref<1x128xf32, #tpu.memory_space<vmem>>, %arg11: memref<128x10xf32, #tpu.memory_space<vmem>>, %arg12: memref<1x10xf32, #tpu.memory_space<vmem>>, %arg13: memref<16x10xf32, #tpu.memory_space<vmem>>, %arg14: memref<16x256xf32, #tpu.memory_space<vmem>>) attributes {dimension_semantics = [#tpu.dimension_semantics<arbitrary>], iteration_bounds = array<i64: 5>, scalar_prefetch = 0 : i64, scratch_operands = 1 : i64, tpu.core_type = #tpu.core_type<tc>, window_params = [{transform_indices = @transform_0, window_bounds = array<i64: 2000, 128>}, {transform_indices = @transform_1, window_bounds = array<i64: 2000, 128>}, {transform_indices = @transform_2, window_bounds = array<i64: 2000, 256>}, {transform_indices = @transform_3, window_bounds = array<i64: 2000, 1>}, {pipeline_mode = #tpu.pipeline_mode<synchronous>, transform_indices = @transform_4, window_bounds = array<i64: 1, 256>}, {transform_indices = @transform_5, window_bounds = array<i64: 2000, 1>}, {pipeline_mode = #tpu.pipeline_mode<synchronous>, transform_indices = @transform_6, window_bounds = array<i64: 256, 256>}, {pipeline_mode = #tpu.pipeline_mode<synchronous>, transform_indices = @transform_7, window_bounds = array<i64: 1, 256>}, {pipeline_mode = #tpu.pipeline_mode<synchronous>, transform_indices = @transform_8, window_bounds = array<i64: 256, 128>}, {pipeline_mode = #tpu.pipeline_mode<synchronous>, transform_indices = @transform_9, window_bounds = array<i64: 1, 128>}, {pipeline_mode = #tpu.pipeline_mode<synchronous>, transform_indices = @transform_10, window_bounds = array<i64: 128, 10>}, {pipeline_mode = #tpu.pipeline_mode<synchronous>, transform_indices = @transform_11, window_bounds = array<i64: 1, 10>}, {pipeline_mode = #tpu.pipeline_mode<synchronous>, transform_indices = @transform_12, window_bounds = array<i64: 16, 10>}]} {
    %get3A = arith.constant 0 : index
    %get3A_0 = arith.constant 0 : index
    %get3A_1 = vector.load %arg4[%get3A, %get3A_0] : memref<2000x1xf32, #tpu.memory_space<vmem>>, vector<2000x1xf32>
    %get3A_2 = arith.constant 0 : index
    %get3A_3 = arith.constant 0 : index
    %get3A_4 = vector.load %arg1[%get3A_2, %get3A_3] : memref<2000x128xf32, #tpu.memory_space<vmem>>, vector<2000x128xf32>
    %get3A_5 = arith.constant 0 : index
    %get3A_6 = arith.constant 0 : index
    %get3A_7 = vector.load %arg2[%get3A_5, %get3A_6] : memref<2000x128xf32, #tpu.memory_space<vmem>>, vector<2000x128xf32>
    %concatenate3A = tpu.concatenate %get3A_4, %get3A_7 in 1 : vector<2000x128xf32>, vector<2000x128xf32> -> vector<2000x256xf32>
    %mul3A = vector.broadcast %get3A_1 : vector<2000x1xf32> to vector<2000x256xf32>
    %mul3A_8 = arith.mulf %mul3A, %concatenate3A : vector<2000x256xf32>
    %mul3A_9 = arith.mulf %get3A_1, %get3A_1 : vector<2000x1xf32>
    %get3A_10 = arith.constant 0 : index
    %get3A_11 = arith.constant 0 : index
    %get3A_12 = vector.load %arg3[%get3A_10, %get3A_11] : memref<2000x256xf32, #tpu.memory_space<vmem>>, vector<2000x256xf32>
    %mul3A_13 = vector.broadcast %mul3A_9 : vector<2000x1xf32> to vector<2000x256xf32>
    %mul3A_14 = arith.mulf %mul3A_13, %get3A_12 : vector<2000x256xf32>
    %add3A = arith.addf %mul3A_8, %mul3A_14 : vector<2000x256xf32>
    %get3A_15 = arith.constant 0 : index
    %get3A_16 = arith.constant 0 : index
    %get3A_17 = vector.load %arg5[%get3A_15, %get3A_16] : memref<1x256xf32, #tpu.memory_space<vmem>>, vector<1x256xf32>
    %add3A_18 = vector.broadcast %get3A_17 : vector<1x256xf32> to vector<2000x256xf32>
    %add3A_19 = arith.addf %add3A, %add3A_18 : vector<2000x256xf32>
    %max3A = arith.constant 0.000000e+00 : f32
    %max3A_20 = vector.broadcast %max3A : f32 to vector<2000x256xf32>
    %max3A_21 = arith.maximumf %add3A_19, %max3A_20 : vector<2000x256xf32>
    %iota3A = tpu.iota {dimensions = array<i32: 1>} : vector<2000x16xi32>
    %get3A_22 = arith.constant 0 : index
    %get3A_23 = arith.constant 0 : index
    %get3A_24 = vector.load %arg6[%get3A_22, %get3A_23] : memref<2000x1xi32, #tpu.memory_space<vmem>>, vector<2000x1xi32>
    %eq3A = vector.broadcast %get3A_24 : vector<2000x1xi32> to vector<2000x16xi32>
    %eq3A_25 = arith.cmpi eq, %eq3A, %iota3A : vector<2000x16xi32>
    %convert_element_type3A = arith.extui %eq3A_25 : vector<2000x16xi1> to vector<2000x16xi32>
    %convert_element_type3A_26 = arith.sitofp %convert_element_type3A : vector<2000x16xi32> to vector<2000x16xf32>
    %convert_element_type3A_27 = arith.truncf %convert_element_type3A_26 : vector<2000x16xf32> to vector<2000x16xbf16>
    %convert_element_type3A_28 = arith.truncf %max3A_21 : vector<2000x256xf32> to vector<2000x256xbf16>
    %dot_general3A = arith.constant dense<0.000000e+00> : vector<16x256xf32>
    %dot_general3A_29 = tpu.matmul %convert_element_type3A_27, %convert_element_type3A_28, %dot_general3A {dimension_numbers = #tpu.dot_dimension_numbers<[0], [0], [1], [1], [0, 1, 1, 1], [], []>, transpose_lhs_hint = false} : vector<2000x16xbf16>, vector<2000x256xbf16>, vector<16x256xf32> -> vector<16x256xf32>
    %eq3A_30 = arith.constant 0 : i32
    %eq3A_31 = arith.cmpi eq, %arg0, %eq3A_30 : i32
    %convert_element_type3A_32 = arith.extui %eq3A_31 : i1 to i32
    %cond3A = arith.constant 0 : i32
    %cond3A_33 = arith.cmpi ne, %convert_element_type3A_32, %cond3A : i32
    scf.if %cond3A_33 {
      %broadcast_in_dim3A = arith.constant 0.000000e+00 : f32
      %broadcast_in_dim3A_45 = vector.broadcast %broadcast_in_dim3A : f32 to vector<16x256xf32>
      %swap3A_46 = arith.constant 0 : index
      %swap3A_47 = arith.constant 0 : index
      %swap3A_48 = vector.load %arg14[%swap3A_46, %swap3A_47] : memref<16x256xf32, #tpu.memory_space<vmem>>, vector<16x256xf32>
      tpu.vector_store %arg14[%swap3A_46, %swap3A_47], %broadcast_in_dim3A_45 {strides = array<i32>} : memref<16x256xf32, #tpu.memory_space<vmem>>, vector<16x256xf32>,
    } else {
    }
    %get3A_34 = arith.constant 0 : index
    %get3A_35 = arith.constant 0 : index
    %get3A_36 = vector.load %arg14[%get3A_34, %get3A_35] : memref<16x256xf32, #tpu.memory_space<vmem>>, vector<16x256xf32>
    %add3A_37 = arith.addf %get3A_36, %dot_general3A_29 : vector<16x256xf32>
    %swap3A = arith.constant 0 : index
    %swap3A_38 = arith.constant 0 : index
    %swap3A_39 = vector.load %arg14[%swap3A, %swap3A_38] : memref<16x256xf32, #tpu.memory_space<vmem>>, vector<16x256xf32>
    tpu.vector_store %arg14[%swap3A, %swap3A_38], %add3A_37 {strides = array<i32>} : memref<16x256xf32, #tpu.memory_space<vmem>>, vector<16x256xf32>,
    %eq3A_40 = arith.constant 4 : i32
    %eq3A_41 = arith.cmpi eq, %arg0, %eq3A_40 : i32
    %convert_element_type3A_42 = arith.extui %eq3A_41 : i1 to i32
    %cond3A_43 = arith.constant 0 : i32
    %cond3A_44 = arith.cmpi ne, %convert_element_type3A_42, %cond3A_43 : i32
    scf.if %cond3A_44 {
      %get3A_45 = arith.constant 0 : index
      %get3A_46 = arith.constant 0 : index
      %get3A_47 = vector.load %arg14[%get3A_45, %get3A_46] : memref<16x256xf32, #tpu.memory_space<vmem>>, vector<16x256xf32>
      %get3A_48 = arith.constant 0 : index
      %get3A_49 = arith.constant 0 : index
      %get3A_50 = vector.load %arg7[%get3A_48, %get3A_49] : memref<256x256xf32, #tpu.memory_space<vmem>>, vector<256x256xf32>
      %convert_element_type3A_51 = arith.truncf %get3A_47 : vector<16x256xf32> to vector<16x256xbf16>
      %convert_element_type3A_52 = arith.truncf %get3A_50 : vector<256x256xf32> to vector<256x256xbf16>
      %dot_general3A_53 = arith.constant dense<0.000000e+00> : vector<16x256xf32>
      %dot_general3A_54 = tpu.matmul %convert_element_type3A_51, %convert_element_type3A_52, %dot_general3A_53 {dimension_numbers = #tpu.dot_dimension_numbers<[1], [0], [0], [1], [0, 0, 1, 1], [], []>, transpose_lhs_hint = false} : vector<16x256xbf16>, vector<256x256xbf16>, vector<16x256xf32> -> vector<16x256xf32>
      %get3A_55 = arith.constant 0 : index
      %get3A_56 = arith.constant 0 : index
      %get3A_57 = vector.load %arg8[%get3A_55, %get3A_56] : memref<1x256xf32, #tpu.memory_space<vmem>>, vector<1x256xf32>
      %add3A_58 = vector.broadcast %get3A_57 : vector<1x256xf32> to vector<16x256xf32>
      %add3A_59 = arith.addf %dot_general3A_54, %add3A_58 : vector<16x256xf32>
      %max3A_60 = arith.constant 0.000000e+00 : f32
      %max3A_61 = vector.broadcast %max3A_60 : f32 to vector<16x256xf32>
      %max3A_62 = arith.maximumf %add3A_59, %max3A_61 : vector<16x256xf32>
      %get3A_63 = arith.constant 0 : index
      %get3A_64 = arith.constant 0 : index
      %get3A_65 = vector.load %arg9[%get3A_63, %get3A_64] : memref<256x128xf32, #tpu.memory_space<vmem>>, vector<256x128xf32>
      %convert_element_type3A_66 = arith.truncf %max3A_62 : vector<16x256xf32> to vector<16x256xbf16>
      %convert_element_type3A_67 = arith.truncf %get3A_65 : vector<256x128xf32> to vector<256x128xbf16>
      %dot_general3A_68 = arith.constant dense<0.000000e+00> : vector<16x128xf32>
      %dot_general3A_69 = tpu.matmul %convert_element_type3A_66, %convert_element_type3A_67, %dot_general3A_68 {dimension_numbers = #tpu.dot_dimension_numbers<[1], [0], [0], [1], [0, 0, 1, 1], [], []>, transpose_lhs_hint = false} : vector<16x256xbf16>, vector<256x128xbf16>, vector<16x128xf32> -> vector<16x128xf32>
      %get3A_70 = arith.constant 0 : index
      %get3A_71 = arith.constant 0 : index
      %get3A_72 = vector.load %arg10[%get3A_70, %get3A_71] : memref<1x128xf32, #tpu.memory_space<vmem>>, vector<1x128xf32>
      %add3A_73 = vector.broadcast %get3A_72 : vector<1x128xf32> to vector<16x128xf32>
      %add3A_74 = arith.addf %dot_general3A_69, %add3A_73 : vector<16x128xf32>
      %max3A_75 = arith.constant 0.000000e+00 : f32
      %max3A_76 = vector.broadcast %max3A_75 : f32 to vector<16x128xf32>
      %max3A_77 = arith.maximumf %add3A_74, %max3A_76 : vector<16x128xf32>
      %get3A_78 = arith.constant 0 : index
      %get3A_79 = arith.constant 0 : index
      %get3A_80 = vector.load %arg11[%get3A_78, %get3A_79] : memref<128x10xf32, #tpu.memory_space<vmem>>, vector<128x10xf32>
      %convert_element_type3A_81 = arith.truncf %max3A_77 : vector<16x128xf32> to vector<16x128xbf16>
      %convert_element_type3A_82 = arith.truncf %get3A_80 : vector<128x10xf32> to vector<128x10xbf16>
      %dot_general3A_83 = arith.constant dense<0.000000e+00> : vector<16x10xf32>
      %dot_general3A_84 = tpu.matmul %convert_element_type3A_81, %convert_element_type3A_82, %dot_general3A_83 {dimension_numbers = #tpu.dot_dimension_numbers<[1], [0], [0], [1], [0, 0, 1, 1], [], []>, transpose_lhs_hint = false} : vector<16x128xbf16>, vector<128x10xbf16>, vector<16x10xf32> -> vector<16x10xf32>
      %get3A_85 = arith.constant 0 : index
      %get3A_86 = arith.constant 0 : index
      %get3A_87 = vector.load %arg12[%get3A_85, %get3A_86] : memref<1x10xf32, #tpu.memory_space<vmem>>, vector<1x10xf32>
      %add3A_88 = vector.broadcast %get3A_87 : vector<1x10xf32> to vector<16x10xf32>
      %add3A_89 = arith.addf %dot_general3A_84, %add3A_88 : vector<16x10xf32>
      %reduce_max3A = arith.constant dense<0xFF800000> : vector<16xf32>
      %reduce_max3A_90 = vector.multi_reduction <maximumf>, %add3A_89, %reduce_max3A [1] : vector<16x10xf32> to vector<16xf32>
      %broadcast_in_dim3A = vector.shape_cast %reduce_max3A_90 : vector<16xf32> to vector<16x1xf32>
      %sub3A = vector.broadcast %broadcast_in_dim3A : vector<16x1xf32> to vector<16x10xf32>
      %sub3A_91 = arith.subf %add3A_89, %sub3A : vector<16x10xf32>
      %exp3A = math.exp %sub3A_91 : vector<16x10xf32>
      %reduce_sum3A = arith.constant dense<0.000000e+00> : vector<16xf32>
      %reduce_sum3A_92 = vector.multi_reduction <add>, %exp3A, %reduce_sum3A [1] : vector<16x10xf32> to vector<16xf32>
      %broadcast_in_dim3A_93 = vector.shape_cast %reduce_sum3A_92 : vector<16xf32> to vector<16x1xf32>
      %log3A = math.log %broadcast_in_dim3A_93 : vector<16x1xf32>
      %add3A_94 = arith.addf %log3A, %broadcast_in_dim3A : vector<16x1xf32>
      %sub3A_95 = vector.broadcast %add3A_94 : vector<16x1xf32> to vector<16x10xf32>
      %sub3A_96 = arith.subf %add3A_89, %sub3A_95 : vector<16x10xf32>
      %swap3A_97 = arith.constant 0 : index
      %swap3A_98 = arith.constant 0 : index
      %swap3A_99 = vector.load %arg13[%swap3A_97, %swap3A_98] : memref<16x10xf32, #tpu.memory_space<vmem>>, vector<16x10xf32>
      tpu.vector_store %arg13[%swap3A_97, %swap3A_98], %sub3A_96 {strides = array<i32>} : memref<16x10xf32, #tpu.memory_space<vmem>>, vector<16x10xf32>,
    } else {
    }
    return
  }
  func.func @transform_0(%arg0: i32) -> (i32, i32) {
    %c0_i32 = arith.constant 0 : i32
    %c0_i32_0 = arith.constant 0 : i32
    return %arg0, %c0_i32 : i32, i32
  }
  func.func @transform_1(%arg0: i32) -> (i32, i32) {
    %c0_i32 = arith.constant 0 : i32
    %c0_i32_0 = arith.constant 0 : i32
    return %arg0, %c0_i32 : i32, i32
  }
  func.func @transform_2(%arg0: i32) -> (i32, i32) {
    %c0_i32 = arith.constant 0 : i32
    %c0_i32_0 = arith.constant 0 : i32
    return %arg0, %c0_i32 : i32, i32
  }
  func.func @transform_3(%arg0: i32) -> (i32, i32) {
    %c0_i32 = arith.constant 0 : i32
    %c0_i32_0 = arith.constant 0 : i32
    return %arg0, %c0_i32 : i32, i32
  }
  func.func @transform_4(%arg0: i32) -> (i32, i32) {
    %c0_i32 = arith.constant 0 : i32
    %c0_i32_0 = arith.constant 0 : i32
    %c0_i32_1 = arith.constant 0 : i32
    return %c0_i32, %c0_i32_0 : i32, i32
  }
  func.func @transform_5(%arg0: i32) -> (i32, i32) {
    %c0_i32 = arith.constant 0 : i32
    %c0_i32_0 = arith.constant 0 : i32
    return %arg0, %c0_i32 : i32, i32
  }
  func.func @transform_6(%arg0: i32) -> (i32, i32) {
    %c0_i32 = arith.constant 0 : i32
    %c0_i32_0 = arith.constant 0 : i32
    %c0_i32_1 = arith.constant 0 : i32
    return %c0_i32, %c0_i32_0 : i32, i32
  }
  func.func @transform_7(%arg0: i32) -> (i32, i32) {
    %c0_i32 = arith.constant 0 : i32
    %c0_i32_0 = arith.constant 0 : i32
    %c0_i32_1 = arith.constant 0 : i32
    return %c0_i32, %c0_i32_0 : i32, i32
  }
  func.func @transform_8(%arg0: i32) -> (i32, i32) {
    %c0_i32 = arith.constant 0 : i32
    %c0_i32_0 = arith.constant 0 : i32
    %c0_i32_1 = arith.constant 0 : i32
    return %c0_i32, %c0_i32_0 : i32, i32
  }
  func.func @transform_9(%arg0: i32) -> (i32, i32) {
    %c0_i32 = arith.constant 0 : i32
    %c0_i32_0 = arith.constant 0 : i32
    %c0_i32_1 = arith.constant 0 : i32
    return %c0_i32, %c0_i32_0 : i32, i32
  }
  func.func @transform_10(%arg0: i32) -> (i32, i32) {
    %c0_i32 = arith.constant 0 : i32
    %c0_i32_0 = arith.constant 0 : i32
    %c0_i32_1 = arith.constant 0 : i32
    return %c0_i32, %c0_i32_0 : i32, i32
  }
  func.func @transform_11(%arg0: i32) -> (i32, i32) {
    %c0_i32 = arith.constant 0 : i32
    %c0_i32_0 = arith.constant 0 : i32
    %c0_i32_1 = arith.constant 0 : i32
    return %c0_i32, %c0_i32_0 : i32, i32
  }
  func.func @transform_12(%arg0: i32) -> (i32, i32) {
    %c0_i32 = arith.constant 0 : i32
    %c0_i32_0 = arith.constant 0 : i32
    %c0_i32_1 = arith.constant 0 : i32
    return %c0_i32, %c0_i32_0 : i32, i32
  }
}

</mosaic_0001>

<sc_bundles>
// kernel: kernel.10.cloned.1.call-start
scs
__scs_entry_jumppad:
0x0: {  	(pc) =	sbr.rel $0x88, $3  }
0x1: {  	(tag) =	ssettag $0x0;
	lr =	simm.s32 $0x1  }
0x2: {  	[smem:$0x3F92] =	sst lr;
	_ =	strace $0xD0000000  }
0x3: {  	_ = 	snop  }
0x4: {  	_ = 	snop  }
0x5: {  	_ = 	snop  }
0x6: {  	_ = 	snop  }
0x7: {  	_ = 	snop  }
__scs_overlays_trampoline_lowered:
0x8: {  	[smem:$0x3FA1] =	sst s0  }
0x9: {  	[smem:$0x3FA2] =	sst s1  }
0xa: {  	[smem:$0x3FA3] =	sst s2  }
0xb: {  	[smem:$0x3FA4] =	sst s3  }
0xc: {  	[smem:$0x3FA5] =	sst s4  }
0xd: {  	[smem:$0x3FA6] =	sst s5  }
0xe: {  	[smem:$0x3FA7] =	sst s6  }
0xf: {  	[smem:$0x3FA8] =	sst s7  }
0x10: {  	[smem:$0x3FA9] =	sst s8  }
0x11: {  	[smem:$0x3FAA] =	sst s9;
	s0 =	simm.s32 @!p0 $0x0  }
0x12: {  	s1 =	sld [smem:$0x3F90];
	s0 =	simm.s32 @p0 $0x1  }
0x13: {  	[smem:$0x3FAB] =	sst s0;
	s0 =	simm.s32 @!p1 $0x0  }
0x14: {  	s2 =	sld [smem:$0x3F8F];
	s0 =	simm.s32 @p1 $0x1  }
0x15: {  	[smem:$0x3FAC] =	sst s0;
	s0 =	simm.s32 @!p2 $0x0  }
0x16: {  	s3 =	sld [smem:$0x3FDB];
	s0 =	simm.s32 @p2 $0x1  }
0x17: {  	s4 =	simm.s32 $0x1BF5;
	[smem:$0x3FAE] =	sst s0  }
0x18: {  	s0 =	sld [smem:$0x3F91];
	_ =	swait.ge [sflag:s4], $0x0  }
0x19: {  	s7 =	sld [smem:$0x3F92]  }
0x1a: {  	s8 =	sadd.s32 $0xFFFFE003, lr  }
0x1b: {  	s9 =	sadd.s32 $0xFFFFFEF7, lr;
	s5 =	simm.s32 $0xFFFFFFFF;
	p2 =	slt.u32 s8, $0xFFFFF086  }
0x1c: {  	p1 =	slt.u32 s9, $0xF7A;
	s5 =	simm.s32 @!p2 $0x0  }
0x1d: {  	s5 =	simm.s32 @p1 $0x1;
	p0 =	seq.s32 s7, s2  }
0x1e: {  	s7 =	smul.u32 @!p0 $0xF7A, s2;
	p2 =	seq.s32 @!p0 s5, $0x0  }
0x1f: {  	s9 =	smul.u32 $0xF7A, s1;
	s8 =	simm.s32 @!p0 $0x1BF5;
	p2 =	por !p2, p0  }
0x20: {  	[sflag:s8] =	ssyncset.s32 @!p0 $0xFFFFF086;
	s6 =	sadd.s32 @!p0 s3, s7;
	s7 =	simm.s32 @!p0 $0x108  }
0x21: {  	s3 =	sadd.s32 s3, s9;
	s6 =	sadd.s32 @!p0 $0x88, s6;
	s7 =	simm.s32 @p2 $0x1082  }
0x22: {  	[simem:s7], [sflag:s8] =	dma.local @!p0 [hbm:s6], $0xF7A  }
0x23: {  	s9 =	sor.u32 $0xD0000000, s2;
	s6 =	simm.s32 $0x108;
	_ =	swait.ge @!p0 [sflag:s8], $0x0  }
0x24: {  	s3 =	sadd.s32 $0x88, s3;
	s6 =	simm.s32 @!p1 $0x1082;
	[sflag:s4] =	ssyncset.s32 $0xFFFFF086  }
0x25: {  	[simem:s6], [sflag:s4] =	dma.local [hbm:s3], $0xF7A  }
0x26: {  	[smem:$0x3F92] =	sst s1;
	(tag) =	ssettag s2;
	_ =	strace s9  }
0x27: {  	s1 =	sld [smem:$0x3FA2]  }
0x28: {  	s2 =	sld [smem:$0x3FA3]  }
0x29: {  	s4 =	sld [smem:$0x3FA5]  }
0x2a: {  	p0 =	seq.s32 s5, $0x0;
	s5 =	sld [smem:$0x3FA6]  }
0x2b: {  	s6 =	sld [smem:$0x3FA7]  }
0x2c: {  	s7 =	sld [smem:$0x3FA8]  }
0x2d: {  	s3 =	simm.s32 $0x108;
	s8 =	sld [smem:$0x3FA9]  }
0x2e: {  	s3 =	simm.s32 @!p0 $0x1082;
	s9 =	sld [smem:$0x3FAA]  }
0x2f: {  	lr =	sadd.s32 s0, s3;
	s0 =	sld [smem:$0x3FA1]  }
0x30: {  	s3 =	sld [smem:$0x3FA4]  }
0x31: {  	[smem:$0x3FAD] =	sst s10  }
0x32: {  	s10 =	sld [smem:$0x3FAB];
	_ =	sdelay $0x3  }
0x33: {  	p0 =	seq.s32 s10, $0x1;
	s10 =	sld [smem:$0x3FAD];
	_ =	sdelay $0x3  }
0x34: {  	[smem:$0x3FAD] =	sst s10  }
0x35: {  	s10 =	sld [smem:$0x3FAC];
	_ =	sdelay $0x3  }
0x36: {  	p1 =	seq.s32 s10, $0x1;
	s10 =	sld [smem:$0x3FAD];
	_ =	sdelay $0x3  }
0x37: {  	[smem:$0x3FAD] =	sst s10  }
0x38: {  	s10 =	sld [smem:$0x3FAE]  }
0x39: {  	_ = 	snop;
	(pc) =	sbr.ind lr, $3  }
0x3a: {  	_ = 	snop  }
0x3b: {  	_ = 	snop  }
0x3c: {  	p2 =	seq.s32 s10, $0x1;
	s10 =	sld [smem:$0x3FAD]  }
0x3d: {  	_ =	shalt  }
0x3e: {  	_ =	shalt  }
0x3f: {  	_ =	shalt  }
0x40: {  	_ =	shalt  }
0x41: {  	_ =	shalt  }
0x42: {  	_ =	shalt  }
0x43: {  	_ =	shalt  }
0x44: {  	_ =	shalt  }
0x45: {  	_ =	shalt  }
0x46: {  	_ =	shalt  }
0x47: {  	_ =	shalt  }
0x48: {  	_ =	shalt  }
0x49: {  	_ =	shalt  }
0x4a: {  	_ =	shalt  }
0x4b: {  	_ =	shalt  }
0x4c: {  	_ =	shalt  }
0x4d: {  	_ =	shalt  }
0x4e: {  	_ =	shalt  }
0x4f: {  	_ =	shalt  }
0x50: {  	_ =	shalt  }
0x51: {  	_ =	shalt  }
0x52: {  	_ =	shalt  }
0x53: {  	_ =	shalt  }
0x54: {  	_ =	shalt  }
0x55: {  	_ =	shalt  }
0x56: {  	_ =	shalt  }
0x57: {  	_ =	shalt  }
0x58: {  	_ =	shalt  }
0x59: {  	_ =	shalt  }
0x5a: {  	_ =	shalt  }
0x5b: {  	_ =	shalt  }
0x5c: {  	_ =	shalt  }
0x5d: {  	_ =	shalt  }
0x5e: {  	_ =	shalt  }
0x5f: {  	_ =	shalt  }
0x60: {  	_ =	shalt  }
0x61: {  	_ =	shalt  }
0x62: {  	_ =	shalt  }
0x63: {  	_ =	shalt  }
0x64: {  	_ =	shalt  }
0x65: {  	_ =	shalt  }
0x66: {  	_ =	shalt  }
0x67: {  	_ =	shalt  }
0x68: {  	_ =	shalt  }
0x69: {  	_ =	shalt  }
0x6a: {  	_ =	shalt  }
0x6b: {  	_ =	shalt  }
0x6c: {  	_ =	shalt  }
0x6d: {  	_ =	shalt  }
0x6e: {  	_ =	shalt  }
0x6f: {  	_ =	shalt  }
0x70: {  	_ =	shalt  }
0x71: {  	_ =	shalt  }
0x72: {  	_ =	shalt  }
0x73: {  	_ =	shalt  }
0x74: {  	_ =	shalt  }
0x75: {  	_ =	shalt  }
0x76: {  	_ =	shalt  }
0x77: {  	_ =	shalt  }
0x78: {  	_ =	shalt  }
0x79: {  	_ =	shalt  }
0x7a: {  	_ =	shalt  }
0x7b: {  	_ =	shalt  }
0x7c: {  	_ =	shalt  }
0x7d: {  	_ =	shalt  }
0x7e: {  	_ =	shalt  }
0x7f: {  	_ =	shalt  }
0x80: {  	_ =	shalt  }
0x81: {  	_ =	shalt  }
0x82: {  	_ =	shalt  }
0x83: {  	_ =	shalt  }
0x84: {  	_ =	shalt  }
0x85: {  	_ =	shalt  }
0x86: {  	_ =	shalt  }
0x87: {  	_ =	shalt  }
.Lfunc_end0:
.L_simem_size_0:
called_computation_lowered:
.L_overlay_start_0:
0x88: {  	s2 =	sld [smem:$0x3FD9]  }
0x89: {  	s3 =	sld [smem:$0x3FFE];
	_ =	sdelay $0x1  }
0x8a: {  	s1 =	srdreg.scid  }
0x8b: {  	s0 =	sand.u32 $0x1, s1  }
0x8c: {  	s16 =	sshll.u32 s0, $0xA;
	s2 =	sadd.s32 s3, s2  }
0x8d: {  	s2 =	sadd.s32 s2, s16  }
0x8e: {  	[smem:$0x3FB9] =	sst s2  }
0x8f: {  	_ = 	snop  }
0x90: {  	(tm) =	ssettm $0x1  }
0x91: {  	s17 =	sld [smem:$0x3FFB];
	_ =	sdelay $0x3  }
0x92: {  	_ =	strace s17  }
0x93: {  	s2 =	sld [smem:$0x3FFC];
	_ =	sdelay $0x3  }
0x94: {  	_ =	strace s2  }
0x95: {  	s2 =	sld [smem:$0x3FFD];
	_ =	sdelay $0x3  }
0x96: {  	_ =	strace s2  }
0x97: {  	_ =	strace $0x8FFFFFFF  }
0x98: {  	s18 =	sld [smem:$0x3FDB];
	_ =	sdelay $0x1  }
0x99: {  	s19 =	simm.s32 $_scs_section_size  }
0x9a: {  	s4 =	simm.s32 $_size__tile_overlayer_lowered;
	s5 =	simm.s32 $_tile_overlayer_lowered  }
0x9b: {  	s22 =	simm.s32 $0x1BFF;
	s21 =	sshll.u32 s5, $0x1;
	s2 =	sadd.s32 s19, s18  }
0x9c: {  	s6 =	simm.s32 $0x0;
	s20 =	sshll.u32 s4, $0x1;
	s4 =	sadd.s32 s21, s2  }
0x9d: {  	[timem:s6], [sflag:s22] =	dma.local [hbm:s4], s20  }
0x9e: {  	_ =	swait.ge [sflag:s22], s20  }
0x9f: {  	s3 =	ssub.s32 $0x0, s20;
	[sflag:s22] =	ssyncset.done $0x0  }
0xa0: {  	[sflag:s22] =	ssyncadd.s32 s3;
	_ =	sdelay $0x1  }
0xa1: {  	s23 =	simm.s32 $0x1B8B  }
0xa2: {  	_ =	swait.ge [sflag:s23], $0x1  }
0xa3: {  	[sflag:s23] =	ssyncset.done $0x0  }
0xa4: {  	s25 =	simm.s32 $0x1B8E;
	s24 =	sld [smem:$0x3FFE];
	[sflag:s23] =	ssyncadd.s32 $0xFFFFFFFF  }
0xa5: {  	s26 =	simm.s32 $execute0_lowered;
	[smem:$0x3FD2] =	sst s25  }
0xa6: {  	s4 =	sshll.u32 s26, $0x1;
	_ =	strace $0x80000046;
	[dreg:$0x1] =	wrdreg $0xFFFFFFFF  }
0xa7: {  	s28 =	simm.s32 $_size_execute0_lowered;
	s2 =	sadd.s32 s2, s4;
	[dreg:$0x0] =	wrdreg $0x0  }
0xa8: {  	s4 =	sshll.u32 s28, $0x1;
	[dreg:$0x2] =	wrdreg s2  }
0xa9: {  	[dreg:$0x3] =	wrdreg s4  }
0xaa: {  	[dreg:$0x4] =	wrdreg $0xC0  }
0xab: {  	_ =	task [dreg:s6], $0x5FFFF  }
0xac: {  	[dreg:$0x1] =	wrdreg $0xFFFFFFFF  }
0xad: {  	[dreg:$0x0] =	wrdreg $0x60  }
0xae: {  	[dreg:$0x2] =	wrdreg s24  }
0xaf: {  	[dreg:$0x3] =	wrdreg $0x68000  }
0xb0: {  	[dreg:$0x4] =	wrdreg $0x9  }
0xb1: {  	_ =	task.clear_ibuf [dreg:s6], $0x5FFFF;
	_ =	strace $0x90000046  }
0xb2: {  	s29 =	simm.s32 $0x9;
	_ =	strace $0x80000048  }
0xb3: {  	_ =	swait.ge [sflag:s29], $0x1  }
0xb4: {  	[sflag:s29] =	ssyncadd.s32 $0xFFFFFFFF  }
0xb5: {  	_ =	strace $0x90000048  }
0xb6: {  	_ =	sfence  }
0xb7: {  	s30 =	sld [smem:$0x0];
	_ =	sdelay $0x2  }
0xb8: {  	s31 =	sshll.u32 s1, $0xD;
	s1 =	sshrl.u32 s1, $0x2  }
0xb9: {  	s3 =	sand.u32 $0x4000, s31;
	s1 =	sadd.s32 s1, s30  }
0xba: {  	s0 =	sor.u32 s3, s0;
	s1 =	sshll.u32 s1, $0x11  }
0xbb: {  	s0 =	sor.u32 s1, s0  }
0xbc: {  	s0 =	sadd.s32 $0x8F2B, s0  }
0xbd: {  	[sflag:s0] =	ssyncadd.remote.s32 $0x1  }
0xbe: {  	_ =	sfence.sel $0xFFFF  }
0xbf: {  	[dreg:$0x0] =	wrdreg $0xFFFFFFFF;
	(pc) =	sbr.abs _section_cstart, $3  }
0xc0: {  	[dreg:$0x1] =	wrdreg $0xFFFFFFFF  }
0xc1: {  	_ =	task.clear_ibuf [dreg:s6], $0x2FFFF;
	_ =	strace $0x9FFFFFFF  }
0xc2: {  	(tm) =	ssettm $0x7FFFFFFF  }
0xc3: {  	_ =	shalt  }
tec
execute0_lowered:
.L_overlay_start_1:
0x0: {  	(tag) =	ssettag $0x1  }
0x1: {  	s13 =	rddreg [dreg:$0x0]  }
0x2: {  	s1 =	rddreg [dreg:$0x1]  }
0x3: {  	s0 =	rddreg [dreg:$0x2]  }
0x4: {  	s2 =	simm.s32 $0x0;
	s6 =	srdreg.scid;
	s3 =	stileid.u32  }
0x5: {  	s18 =	simm.s32 $0x3400;
	s19 =	simm.s32 $0x3;
	s20 =	simm.s32 $0x64  }
0x6: {  	s21 =	simm.s32 $0x80;
	s22 =	simm.s32 $0x1;
	s23 =	simm.s32 $0x2  }
0x7: {  	s24 =	simm.s32 $0x0;
	[smem:$0x7FF] =	sst s2;
	s9 =	sadd.s32 $0x5C00, s13  }
0x8: {  	s4 =	sadd.s32 $0x12400, s13;
	s5 =	sadd.s32 $0x14C00, s13;
	s26 =	smul.u32 $0x2780, s3  }
0x9: {  	s10 =	sand.u32 $0x1, s6;
	s8 =	sshll.u32 s3, $0x1;
	s12 =	smul.u32 $0x4F000, s3  }
0xa: {  	p0 =	seq.s32 s3, $0xF;
	p3 =	sne.s32 s3, $0xF;
	s6 =	sadd.s32 $0x128400, s1  }
0xb: {  	_ =	strace $0x80000047;
	s7 =	ssub.s32 $0x2, s10;
	s8 =	sor.u32 s10, s8  }
0xc: {  	p2 =	seq.s32 s10, $0x0;
	p4 =	seq.s32 s10, $0x1;
	s11 =	sshrl.u32 s7, $0x1  }
0xd: {  	s14 =	sadd.s32 s26, s13;
	s28 =	smul.u32 $0x1400, s8;
	s29 =	sshrl.u32 s12, $0x2  }
0xe: {  	s16 =	smul.u32 $0x680, s8;
	p1 =	por !p2, !p3;
	p2 =	por !p2, !p0  }
0xf: {  	p3 =	por !p3, !p4;
	p5 =	por !p4, !p0;
	s15 =	ssub.s32 s7, s11  }
0x10: {  	s7 =	sadd.s32 s29, s1;
	p1 =	por !p1, !p1;
	p2 =	por !p2, !p2  }
0x11: {  	s10 =	sadd.s32 $0x15400, s14;
	p4 =	por !p3, !p3;
	p3 =	por !p5, !p5  }
0x12: {  	s11 =	sadd.s32 $0x61680, s13;
	s12 =	sadd.s32 $0x3C600, s14;
	s13 =	sadd.s32 $0x3A480, s13  }
0x13: {  	s30 =	sshrl.u32 s28, $0x3;
	s14 =	smax.u32 s15, $0x1;
	s15 =	sshrl.u32 @p0 s6, $0x3  }
0x14: {  	s17 =	sshrl.u32 @!p0 s7, $0x3;
	p3 =	por @!p2 !p3, p4;
	p4 =	por !p4, p2  }
0x15: {  	s31 =	sadd.s32 s9, s30;
	s9 =	sadd.s32 s9, s16;
	s16 =	sshll.u32 @!p0 s3, $0x6  }
0x16: {  	p3 =	por p3, p2;
	s8 =	sadd.s32 $0x7800, s31;
	s16 =	sor.u32 @!p0 $0x1C03, s16  }
.LBB2_1:
0x17: {  	s25 =	simm.s32 @p0 $0x1FC3  }
0x18: {  	[spmem:s15], [sflag:s25] =	dma.local @p0 [hbm:s4], $0x2080  }
0x19: {  	s25 =	simm.s32 @p0 $0x3  }
0x1a: {  	_ =	swait.ge @p0 [sflag:s25], $0x2080  }
0x1b: {  	[sflag:s25] =	ssyncset.done @p0 $0x0  }
0x1c: {  	s26 =	simm.s32 @!p0 $0x3;
	[sflag:s25] =	ssyncadd.s32 @p0 $0xFFFFDF80  }
0x1d: {  	[spmem:s17], [sflag:s16] =	dma.local @!p0 [hbm:s4], $0x2780  }
0x1e: {  	_ =	swait.ge @!p0 [sflag:s26], $0x2780  }
0x1f: {  	[sflag:s26] =	ssyncset.done @!p0 $0x0  }
0x20: {  	[sflag:s26] =	ssyncadd.s32 @!p0 $0xFFFFD880  }
0x21: {  	[tilespmem:s18], [sflag:$0x3] =	stream.linear.gather [hbm4b:s5+s2], $0x3200, $0x38;
	[tilespmem:$0x1A080] =	vst v63  }
0x22: {  	_ =	swait.ge [sflag:s19], $0x3200  }
0x23: {  	[sflag:s19] =	ssyncset.done $0x0  }
0x24: {  	s28 =	simm.s32 @p0 $0x0;
	[sflag:s19] =	ssyncadd.s32 $0xFFFFCE00  }
0x25: {  	[tilespmem:s28], [sflag:$0x3] =	stream.linear.gather @p0 [hbm4b:s8+s28], $0x1400, $0x38;
	[tilespmem:$0x1A080] =	vst v63  }
0x26: {  	_ =	swait.ge @p0 [sflag:s25], $0x1400  }
0x27: {  	[sflag:s25] =	ssyncset.done @p0 $0x0  }
0x28: {  	[sflag:s25] =	ssyncadd.s32 @p0 $0xFFFFEC00;
	s25 =	simm.s32 @!p0 $0x0  }
0x29: {  	[tilespmem:s25], [sflag:$0x3] =	stream.linear.gather @!p0 [hbm4b:s9+s25], $0x3400, $0x38;
	[tilespmem:$0x1A080] =	vst v63  }
0x2a: {  	_ =	swait.ge @!p0 [sflag:s26], $0x3400  }
0x2b: {  	[sflag:s26] =	ssyncset.done @!p0 $0x0  }
0x2c: {  	[sflag:s26] =	ssyncadd.s32 @!p0 $0xFFFFCC00  }
0x2d: {  	s25 =	simm.s32 @!p0 $0x34;
	[bflag:$0x0] =	sbarrier.arrive $0xFFFF  }
0x2e: {  	[spmem:s1] =	stream.indirect.scatter.add.f32 [tilespmem:s18], [sflag:$0x1], $0x80, s2, s20, $0xb8;
	[tilespmem:$0x1A080] =	vst v63  }
0x2f: {  	s25 =	simm.s32 @p0 $0x14  }
0x30: {  	[spmem:s1] =	stream.indirect.scatter.add.f32 [tilespmem:s18], [sflag:$0x2], $0x80, s21, s20, $0xb8;
	[tilespmem:$0x1A080] =	vst v63  }
0x31: {  	s25 =	sadd.s32 $0xFFFFFFFF, s25;
	_ =	swait.ge [sflag:s22], $0x3200  }
0x32: {  	p5 =	sne.s32 s25, $0x1;
	[sflag:s22] =	ssyncset.done $0x0  }
.Ltmp0:
0x33: {  	s31 =	simm.s32 $0x100;
	[sflag:s22] =	ssyncadd.s32 $0xFFFFCE00;
	(pc) =	sbr.rel @!p5 .LBB2_3-.Ltmp0, $4  }
0x34: {  	[spmem:s1] =	stream.indirect.scatter.add.f32 [tilespmem:s18], [sflag:$0x1], $0x80, s31, s20, $0xb8;
	[tilespmem:$0x1A080] =	vst v63  }
0x35: {  	_ =	swait.ge [sflag:s23], $0x3200  }
0x36: {  	s28 =	simm.s32 $0x180;
	[sflag:s23] =	ssyncset.done $0x0  }
0x37: {  	s25 =	sadd.s32 $0xFFFFFFFF, s25;
	s26 =	simm.s32 $0x280;
	[sflag:s23] =	ssyncadd.s32 $0xFFFFCE00  }
.LBB2_2:
0x38: {  	[spmem:s1] =	stream.indirect.scatter.add.f32 [tilespmem:s18], [sflag:$0x2], $0x80, s28, s20, $0xb8;
	[tilespmem:$0x1A080] =	vst v63  }
0x39: {  	p5 =	sne.s32 s25, $0x1;
	s25 =	sadd.s32 $0xFFFFFFFF, s25;
	_ =	swait.ge [sflag:s22], $0x3200  }
0x3a: {  	s28 =	smov.u32 s26;
	[sflag:s22] =	ssyncset.done $0x0  }
.Ltmp1:
0x3b: {  	s29 =	sadd.s32 $0xFFFFFF80, s26;
	[sflag:s22] =	ssyncadd.s32 $0xFFFFCE00;
	(pc) =	sbr.rel @p5 .LBB2_2-.Ltmp1, $4  }
0x3c: {  	[spmem:s1] =	stream.indirect.scatter.add.f32 [tilespmem:s18], [sflag:$0x1], $0x80, s29, s20, $0xb8;
	[tilespmem:$0x1A080] =	vst v63  }
0x3d: {  	_ =	swait.ge [sflag:s23], $0x3200  }
0x3e: {  	[sflag:s23] =	ssyncset.done $0x0  }
0x3f: {  	s26 =	sadd.s32 $0x100, s26;
	[sflag:s23] =	ssyncadd.s32 $0xFFFFCE00  }
.LBB2_3:
0x40: {  	[spmem:s1] =	stream.indirect.scatter.add.f32 [tilespmem:s18], [sflag:$0x2], $0x80, s28, s20, $0xb8;
	[tilespmem:$0x1A080] =	vst v63  }
0x41: {  	_ =	swait.ge [sflag:s22], $0x3200  }
0x42: {  	[sflag:s22] =	ssyncset.done $0x0  }
0x43: {  	[sflag:s22] =	ssyncadd.s32 $0xFFFFCE00  }
0x44: {  	_ =	swait.ge [sflag:s23], $0x3200  }
0x45: {  	[sflag:s23] =	ssyncset.done $0x0  }
0x46: {  	s25 =	sshll.u32 @p1 s3, $0x6;
	[sflag:s23] =	ssyncadd.s32 $0xFFFFCE00  }
0x47: {  	s26 =	sshrl.u32 @p1 s7, $0x3;
	s25 =	sor.u32 @p1 $0x1C03, s25;
	[bflag:$0x0] =	sbarrier.arrive $0xFFFF  }
0x48: {  	[hbm:s10], [sflag:s25] =	dma.local @p1 [spmem:s26], $0x2780  }
0x49: {  	s25 =	simm.s32 @p1 $0x3  }
0x4a: {  	_ =	swait.ge @p1 [sflag:s25], $0x2780  }
0x4b: {  	[sflag:s25] =	ssyncset.done @p1 $0x0  }
0x4c: {  	s26 =	simm.s32 @!p3 $0x1FC3;
	[sflag:s25] =	ssyncadd.s32 @p1 $0xFFFFD880;
	s25 =	sshrl.u32 @!p3 s6, $0x3  }
0x4d: {  	[hbm:s11], [sflag:s26] =	dma.local @!p3 [spmem:s25], $0x2080  }
0x4e: {  	s25 =	simm.s32 @!p3 $0x3  }
0x4f: {  	_ =	swait.ge @!p3 [sflag:s25], $0x2080  }
0x50: {  	s26 =	sshll.u32 @!p4 s3, $0x6;
	[sflag:s25] =	ssyncset.done @!p3 $0x0  }
0x51: {  	[sflag:s25] =	ssyncadd.s32 @!p3 $0xFFFFDF80;
	s25 =	sor.u32 @!p4 $0x1C03, s26;
	s26 =	sshrl.u32 @!p4 s7, $0x3  }
0x52: {  	[hbm:s12], [sflag:s25] =	dma.local @!p4 [spmem:s26], $0x2780  }
0x53: {  	s25 =	simm.s32 @!p4 $0x3  }
0x54: {  	s24 =	sadd.s32 $0x1, s24;
	_ =	swait.ge @!p4 [sflag:s25], $0x2780  }
0x55: {  	p5 =	sne.s32 s24, s14;
	[sflag:s25] =	ssyncset.done @!p4 $0x0  }
0x56: {  	s26 =	simm.s32 @p2 $0x1FC3;
	[sflag:s25] =	ssyncadd.s32 @!p4 $0xFFFFD880;
	s25 =	sshrl.u32 @p2 s6, $0x3  }
0x57: {  	[hbm:s13], [sflag:s26] =	dma.local @p2 [spmem:s25], $0x2080  }
.Ltmp2:
0x58: {  	_ = 	snop;
	(pc) =	sbr.rel @p5 .LBB2_1-.Ltmp2, $4  }
0x59: {  	s25 =	simm.s32 @p2 $0x3  }
0x5a: {  	_ =	swait.ge @p2 [sflag:s25], $0x2080  }
0x5b: {  	[sflag:s25] =	ssyncset.done @p2 $0x0  }
0x5c: {  	[sflag:s25] =	ssyncadd.s32 @p2 $0xFFFFDF80  }
0x5d: {  	_ =	sfence.sel $0x180000  }
0x5e: {  	[bflag:$0x0] =	sbarrier.arrive $0xFFFF  }
0x5f: {  	p0 =	sne.s32 s3, $0x0;
	_ =	strace $0x90000047  }
0x60: {  	s0 =	sadd.s32 @!p0 $0x100000, s0;
	[bflag:$0x2] =	sbarrier.arrive $0xFFFF  }
0x61: {  	[sflag:s0] =	ssyncadd.tile.s32 @!p0 $0x1;
	_ =	shalt  }
.Lfunc_end2:
_tile_overlayer_lowered:
.L_overlay_start_2:
0x62: {  	(tag) =	ssettag $0x2  }
0x63: {  	s0 =	rddreg [dreg:$0x0];
	s2 =	stileid.u32  }
0x64: {  	s1 =	rddreg [dreg:$0x1];
	p0 =	sne.s32 s2, $0x0  }
0x65: {  	s3 =	rddreg [dreg:$0x2];
	[bflag:$0x3] =	sbarrier.arrive $0xFFFF;
	s2 =	simm.s32 @!p0 $0x1C03  }
0x66: {  	[timem:s3], [sflag:s2] =	dma.local @!p0 [hbm:s0], s1  }
0x67: {  	s0 =	simm.s32 @!p0 $0x3  }
0x68: {  	_ =	swait.ge @!p0 [sflag:s0], s1  }
0x69: {  	s1 =	ssub.s32 @!p0 $0x0, s1;
	[sflag:s0] =	ssyncset.done @!p0 $0x0  }
0x6a: {  	[sflag:s0] =	ssyncadd.s32 @!p0 s1  }
0x6b: {  	[bflag:$0x3] =	sbarrier.arrive $0xFFFF  }
0x6c: {  	_ =	shalt  }

// kernel: kernel.13.cloned.1.call-start
scs
__scs_entry_jumppad:
0x0: {  	(pc) =	sbr.rel $0x88, $3  }
0x1: {  	(tag) =	ssettag $0x0;
	lr =	simm.s32 $0x1  }
0x2: {  	[smem:$0x3F92] =	sst lr;
	_ =	strace $0xD0000000  }
0x3: {  	_ = 	snop  }
0x4: {  	_ = 	snop  }
0x5: {  	_ = 	snop  }
0x6: {  	_ = 	snop  }
0x7: {  	_ = 	snop  }
__scs_overlays_trampoline_lowered:
0x8: {  	[smem:$0x3FA1] =	sst s0  }
0x9: {  	[smem:$0x3FA2] =	sst s1  }
0xa: {  	[smem:$0x3FA3] =	sst s2  }
0xb: {  	[smem:$0x3FA4] =	sst s3  }
0xc: {  	[smem:$0x3FA5] =	sst s4  }
0xd: {  	[smem:$0x3FA6] =	sst s5  }
0xe: {  	[smem:$0x3FA7] =	sst s6  }
0xf: {  	[smem:$0x3FA8] =	sst s7  }
0x10: {  	[smem:$0x3FA9] =	sst s8  }
0x11: {  	[smem:$0x3FAA] =	sst s9;
	s0 =	simm.s32 @!p0 $0x0  }
0x12: {  	s1 =	sld [smem:$0x3F90];
	s0 =	simm.s32 @p0 $0x1  }
0x13: {  	[smem:$0x3FAB] =	sst s0;
	s0 =	simm.s32 @!p1 $0x0  }
0x14: {  	s2 =	sld [smem:$0x3F8F];
	s0 =	simm.s32 @p1 $0x1  }
0x15: {  	[smem:$0x3FAC] =	sst s0;
	s0 =	simm.s32 @!p2 $0x0  }
0x16: {  	s3 =	sld [smem:$0x3FDB];
	s0 =	simm.s32 @p2 $0x1  }
0x17: {  	s4 =	simm.s32 $0x1BF5;
	[smem:$0x3FAE] =	sst s0  }
0x18: {  	s0 =	sld [smem:$0x3F91];
	_ =	swait.ge [sflag:s4], $0x0  }
0x19: {  	s7 =	sld [smem:$0x3F92]  }
0x1a: {  	s8 =	sadd.s32 $0xFFFFE003, lr  }
0x1b: {  	s9 =	sadd.s32 $0xFFFFFEF7, lr;
	s5 =	simm.s32 $0xFFFFFFFF;
	p2 =	slt.u32 s8, $0xFFFFF086  }
0x1c: {  	p1 =	slt.u32 s9, $0xF7A;
	s5 =	simm.s32 @!p2 $0x0  }
0x1d: {  	s5 =	simm.s32 @p1 $0x1;
	p0 =	seq.s32 s7, s2  }
0x1e: {  	s7 =	smul.u32 @!p0 $0xF7A, s2;
	p2 =	seq.s32 @!p0 s5, $0x0  }
0x1f: {  	s9 =	smul.u32 $0xF7A, s1;
	s8 =	simm.s32 @!p0 $0x1BF5;
	p2 =	por !p2, p0  }
0x20: {  	[sflag:s8] =	ssyncset.s32 @!p0 $0xFFFFF086;
	s6 =	sadd.s32 @!p0 s3, s7;
	s7 =	simm.s32 @!p0 $0x108  }
0x21: {  	s3 =	sadd.s32 s3, s9;
	s6 =	sadd.s32 @!p0 $0x88, s6;
	s7 =	simm.s32 @p2 $0x1082  }
0x22: {  	[simem:s7], [sflag:s8] =	dma.local @!p0 [hbm:s6], $0xF7A  }
0x23: {  	s9 =	sor.u32 $0xD0000000, s2;
	s6 =	simm.s32 $0x108;
	_ =	swait.ge @!p0 [sflag:s8], $0x0  }
0x24: {  	s3 =	sadd.s32 $0x88, s3;
	s6 =	simm.s32 @!p1 $0x1082;
	[sflag:s4] =	ssyncset.s32 $0xFFFFF086  }
0x25: {  	[simem:s6], [sflag:s4] =	dma.local [hbm:s3], $0xF7A  }
0x26: {  	[smem:$0x3F92] =	sst s1;
	(tag) =	ssettag s2;
	_ =	strace s9  }
0x27: {  	s1 =	sld [smem:$0x3FA2]  }
0x28: {  	s2 =	sld [smem:$0x3FA3]  }
0x29: {  	s4 =	sld [smem:$0x3FA5]  }
0x2a: {  	p0 =	seq.s32 s5, $0x0;
	s5 =	sld [smem:$0x3FA6]  }
0x2b: {  	s6 =	sld [smem:$0x3FA7]  }
0x2c: {  	s7 =	sld [smem:$0x3FA8]  }
0x2d: {  	s3 =	simm.s32 $0x108;
	s8 =	sld [smem:$0x3FA9]  }
0x2e: {  	s3 =	simm.s32 @!p0 $0x1082;
	s9 =	sld [smem:$0x3FAA]  }
0x2f: {  	lr =	sadd.s32 s0, s3;
	s0 =	sld [smem:$0x3FA1]  }
0x30: {  	s3 =	sld [smem:$0x3FA4]  }
0x31: {  	[smem:$0x3FAD] =	sst s10  }
0x32: {  	s10 =	sld [smem:$0x3FAB];
	_ =	sdelay $0x3  }
0x33: {  	p0 =	seq.s32 s10, $0x1;
	s10 =	sld [smem:$0x3FAD];
	_ =	sdelay $0x3  }
0x34: {  	[smem:$0x3FAD] =	sst s10  }
0x35: {  	s10 =	sld [smem:$0x3FAC];
	_ =	sdelay $0x3  }
0x36: {  	p1 =	seq.s32 s10, $0x1;
	s10 =	sld [smem:$0x3FAD];
	_ =	sdelay $0x3  }
0x37: {  	[smem:$0x3FAD] =	sst s10  }
0x38: {  	s10 =	sld [smem:$0x3FAE]  }
0x39: {  	_ = 	snop;
	(pc) =	sbr.ind lr, $3  }
0x3a: {  	_ = 	snop  }
0x3b: {  	_ = 	snop  }
0x3c: {  	p2 =	seq.s32 s10, $0x1;
	s10 =	sld [smem:$0x3FAD]  }
0x3d: {  	_ =	shalt  }
0x3e: {  	_ =	shalt  }
0x3f: {  	_ =	shalt  }
0x40: {  	_ =	shalt  }
0x41: {  	_ =	shalt  }
0x42: {  	_ =	shalt  }
0x43: {  	_ =	shalt  }
0x44: {  	_ =	shalt  }
0x45: {  	_ =	shalt  }
0x46: {  	_ =	shalt  }
0x47: {  	_ =	shalt  }
0x48: {  	_ =	shalt  }
0x49: {  	_ =	shalt  }
0x4a: {  	_ =	shalt  }
0x4b: {  	_ =	shalt  }
0x4c: {  	_ =	shalt  }
0x4d: {  	_ =	shalt  }
0x4e: {  	_ =	shalt  }
0x4f: {  	_ =	shalt  }
0x50: {  	_ =	shalt  }
0x51: {  	_ =	shalt  }
0x52: {  	_ =	shalt  }
0x53: {  	_ =	shalt  }
0x54: {  	_ =	shalt  }
0x55: {  	_ =	shalt  }
0x56: {  	_ =	shalt  }
0x57: {  	_ =	shalt  }
0x58: {  	_ =	shalt  }
0x59: {  	_ =	shalt  }
0x5a: {  	_ =	shalt  }
0x5b: {  	_ =	shalt  }
0x5c: {  	_ =	shalt  }
0x5d: {  	_ =	shalt  }
0x5e: {  	_ =	shalt  }
0x5f: {  	_ =	shalt  }
0x60: {  	_ =	shalt  }
0x61: {  	_ =	shalt  }
0x62: {  	_ =	shalt  }
0x63: {  	_ =	shalt  }
0x64: {  	_ =	shalt  }
0x65: {  	_ =	shalt  }
0x66: {  	_ =	shalt  }
0x67: {  	_ =	shalt  }
0x68: {  	_ =	shalt  }
0x69: {  	_ =	shalt  }
0x6a: {  	_ =	shalt  }
0x6b: {  	_ =	shalt  }
0x6c: {  	_ =	shalt  }
0x6d: {  	_ =	shalt  }
0x6e: {  	_ =	shalt  }
0x6f: {  	_ =	shalt  }
0x70: {  	_ =	shalt  }
0x71: {  	_ =	shalt  }
0x72: {  	_ =	shalt  }
0x73: {  	_ =	shalt  }
0x74: {  	_ =	shalt  }
0x75: {  	_ =	shalt  }
0x76: {  	_ =	shalt  }
0x77: {  	_ =	shalt  }
0x78: {  	_ =	shalt  }
0x79: {  	_ =	shalt  }
0x7a: {  	_ =	shalt  }
0x7b: {  	_ =	shalt  }
0x7c: {  	_ =	shalt  }
0x7d: {  	_ =	shalt  }
0x7e: {  	_ =	shalt  }
0x7f: {  	_ =	shalt  }
0x80: {  	_ =	shalt  }
0x81: {  	_ =	shalt  }
0x82: {  	_ =	shalt  }
0x83: {  	_ =	shalt  }
0x84: {  	_ =	shalt  }
0x85: {  	_ =	shalt  }
0x86: {  	_ =	shalt  }
0x87: {  	_ =	shalt  }
.Lfunc_end0:
.L_simem_size_0:
called_computation.1_lowered:
.L_overlay_start_0:
0x88: {  	s2 =	sld [smem:$0x3FD9]  }
0x89: {  	s3 =	sld [smem:$0x3FFE];
	_ =	sdelay $0x1  }
0x8a: {  	s1 =	srdreg.scid  }
0x8b: {  	s0 =	sand.u32 $0x1, s1  }
0x8c: {  	s16 =	sshll.u32 s0, $0xA;
	s2 =	sadd.s32 s3, s2  }
0x8d: {  	s2 =	sadd.s32 s2, s16  }
0x8e: {  	[smem:$0x3FB9] =	sst s2  }
0x8f: {  	_ = 	snop  }
0x90: {  	(tm) =	ssettm $0x1  }
0x91: {  	s17 =	sld [smem:$0x3FFB];
	_ =	sdelay $0x3  }
0x92: {  	_ =	strace s17  }
0x93: {  	s2 =	sld [smem:$0x3FFC];
	_ =	sdelay $0x3  }
0x94: {  	_ =	strace s2  }
0x95: {  	s2 =	sld [smem:$0x3FFD];
	_ =	sdelay $0x3  }
0x96: {  	_ =	strace s2  }
0x97: {  	_ =	strace $0x8FFFFFFF  }
0x98: {  	s18 =	sld [smem:$0x3FDB];
	_ =	sdelay $0x1  }
0x99: {  	s19 =	simm.s32 $_scs_section_size  }
0x9a: {  	s4 =	simm.s32 $_size__tile_overlayer_lowered;
	s5 =	simm.s32 $_tile_overlayer_lowered  }
0x9b: {  	s22 =	simm.s32 $0x1BFF;
	s21 =	sshll.u32 s5, $0x1;
	s2 =	sadd.s32 s19, s18  }
0x9c: {  	s6 =	simm.s32 $0x0;
	s20 =	sshll.u32 s4, $0x1;
	s4 =	sadd.s32 s21, s2  }
0x9d: {  	[timem:s6], [sflag:s22] =	dma.local [hbm:s4], s20  }
0x9e: {  	_ =	swait.ge [sflag:s22], s20  }
0x9f: {  	s3 =	ssub.s32 $0x0, s20;
	[sflag:s22] =	ssyncset.done $0x0  }
0xa0: {  	[sflag:s22] =	ssyncadd.s32 s3;
	_ =	sdelay $0x1  }
0xa1: {  	s23 =	simm.s32 $0x1B8B  }
0xa2: {  	_ =	swait.ge [sflag:s23], $0x1  }
0xa3: {  	[sflag:s23] =	ssyncset.done $0x0  }
0xa4: {  	s25 =	simm.s32 $0x1B8E;
	s24 =	sld [smem:$0x3FFE];
	[sflag:s23] =	ssyncadd.s32 $0xFFFFFFFF  }
0xa5: {  	s26 =	simm.s32 $execute0_lowered;
	[smem:$0x3FD2] =	sst s25  }
0xa6: {  	s4 =	sshll.u32 s26, $0x1;
	_ =	strace $0x80000049;
	[dreg:$0x1] =	wrdreg $0xFFFFFFFF  }
0xa7: {  	s28 =	simm.s32 $_size_execute0_lowered;
	s2 =	sadd.s32 s2, s4;
	[dreg:$0x0] =	wrdreg $0x0  }
0xa8: {  	s4 =	sshll.u32 s28, $0x1;
	[dreg:$0x2] =	wrdreg s2  }
0xa9: {  	[dreg:$0x3] =	wrdreg s4  }
0xaa: {  	[dreg:$0x4] =	wrdreg $0xC0  }
0xab: {  	_ =	task [dreg:s6], $0x5FFFF  }
0xac: {  	[dreg:$0x1] =	wrdreg $0xFFFFFFFF  }
0xad: {  	[dreg:$0x0] =	wrdreg $0x60  }
0xae: {  	[dreg:$0x2] =	wrdreg s24  }
0xaf: {  	[dreg:$0x3] =	wrdreg $0x70000  }
0xb0: {  	[dreg:$0x4] =	wrdreg $0x9  }
0xb1: {  	_ =	task.clear_ibuf [dreg:s6], $0x5FFFF;
	_ =	strace $0x90000049  }
0xb2: {  	s29 =	simm.s32 $0x9;
	_ =	strace $0x8000004B  }
0xb3: {  	_ =	swait.ge [sflag:s29], $0x1  }
0xb4: {  	[sflag:s29] =	ssyncadd.s32 $0xFFFFFFFF  }
0xb5: {  	_ =	strace $0x9000004B  }
0xb6: {  	_ =	sfence  }
0xb7: {  	s30 =	sld [smem:$0x0];
	_ =	sdelay $0x2  }
0xb8: {  	s31 =	sshll.u32 s1, $0xD;
	s1 =	sshrl.u32 s1, $0x2  }
0xb9: {  	s3 =	sand.u32 $0x4000, s31;
	s1 =	sadd.s32 s1, s30  }
0xba: {  	s0 =	sor.u32 s3, s0;
	s1 =	sshll.u32 s1, $0x11  }
0xbb: {  	s0 =	sor.u32 s1, s0  }
0xbc: {  	s0 =	sadd.s32 $0x8F2B, s0  }
0xbd: {  	[sflag:s0] =	ssyncadd.remote.s32 $0x1  }
0xbe: {  	_ =	sfence.sel $0xFFFF  }
0xbf: {  	[dreg:$0x0] =	wrdreg $0xFFFFFFFF;
	(pc) =	sbr.abs _section_cstart, $3  }
0xc0: {  	[dreg:$0x1] =	wrdreg $0xFFFFFFFF  }
0xc1: {  	_ =	task.clear_ibuf [dreg:s6], $0x2FFFF;
	_ =	strace $0x9FFFFFFF  }
0xc2: {  	(tm) =	ssettm $0x7FFFFFFF  }
0xc3: {  	_ =	shalt  }
tec
execute0_lowered:
.L_overlay_start_1:
0x0: {  	(tag) =	ssettag $0x1  }
0x1: {  	s0 =	rddreg [dreg:$0x0]  }
0x2: {  	s1 =	rddreg [dreg:$0x1]  }
0x3: {  	s2 =	simm.s32 $0x0;
	s3 =	srdreg.scid;
	s15 =	stileid.u32  }
0x4: {  	s21 =	simm.s32 $0x1000;
	s22 =	simm.s32 $0x50;
	s28 =	simm.s32 $0x100  }
0x5: {  	s29 =	simm.s32 $0x2;
	s30 =	simm.s32 $0x1080;
	s31 =	simm.s32 $0x4  }
0x6: {  	[smem:$0x7FF] =	sst s2;
	s4 =	sadd.s32 $0x14C00, s0;
	s5 =	sadd.s32 $0x73200, s0  }
0x7: {  	s3 =	sand.u32 $0x1, s3;
	s6 =	sadd.s32 $0x63800, s0;
	s8 =	smul.u32 $0x2780, s15  }
0x8: {  	s7 =	sadd.s32 $0x12400, s0;
	s11 =	smul.u32 $0x4F000, s15;
	s23 =	sshll.u32 s15, $0x1  }
0x9: {  	p0 =	seq.s32 s15, $0xF;
	p4 =	sne.s32 s15, $0xF;
	s25 =	sadd.s32 $0xCEE80, s0  }
0xa: {  	_ =	strace $0x8000004A;
	s9 =	ssub.s32 $0x2, s3;
	s12 =	sor.u32 s3, s23  }
0xb: {  	p2 =	seq.s32 s3, $0x0;
	[dreg:$0x4] =	wrdreg s25;
	s23 =	simm.s32 $0x2000  }
0xc: {  	s25 =	simm.s32 $0x4800;
	s10 =	sshrl.u32 s9, $0x1;
	s13 =	sadd.s32 s8, s0  }
0xd: {  	s24 =	sshrl.u32 s11, $0x2;
	s8 =	sadd.s32 $0x128400, s1;
	p1 =	seq.s32 s12, $0x1F  }
0xe: {  	s11 =	simm.s32 $0x1;
	s12 =	sshll.u32 s12, $0xE;
	p3 =	por !p2, !p4  }
0xf: {  	p5 =	por !p2, !p0;
	s0 =	sadd.s32 $0xA7C80, s0;
	s14 =	ssub.s32 s9, s10  }
0x10: {  	s9 =	sadd.s32 s24, s1;
	s10 =	simm.s32 $0x1;
	s11 =	simm.s32 @!p1 $0x4  }
0x11: {  	p1 =	seq.s32 s3, $0x1;
	p2 =	por !p3, !p3;
	p3 =	por !p5, !p5  }
0x12: {  	s16 =	sadd.s32 $0x82C00, s13;
	s13 =	sadd.s32 $0xA9E00, s13;
	[dreg:$0x6] =	wrdreg s0  }
0x13: {  	s0 =	sshll.u32 @!p0 s15, $0x6;
	s24 =	simm.s32 $0x80;
	[dreg:$0x3] =	wrdreg s16  }
0x14: {  	p4 =	por !p4, !p1;
	p6 =	por !p1, !p0;
	[dreg:$0x5] =	wrdreg s13  }
0x15: {  	s26 =	smax.u32 s14, $0x1;
	s13 =	sshrl.u32 @p0 s8, $0x3;
	s19 =	sor.u32 @!p0 $0x1C05, s0  }
0x16: {  	s20 =	sshrl.u32 @!p0 s9, $0x3;
	s14 =	simm.s32 $0x0;
	p4 =	por !p4, !p4  }
.Ltmp0:
0x17: {  	p5 =	por !p6, !p6;
	[dreg:$0x7] =	wrdreg s26;
	(pc) =	sbr.rel .LBB2_1-.Ltmp0, $4  }
0x18: {  	[dreg:$0x8] =	wrdreg s13;
	p6 =	sne.s32 s3, $0x0;
	s26 =	simm.s32 $0x3  }
0x19: {  	s3 =	simm.s32 $0x1F00;
	s0 =	simm.s32 @!p6 $0x0;
	p5 =	por @!p3 !p5, p4  }
0x1a: {  	s13 =	simm.s32 $0x1F80;
	s0 =	simm.s32 @p6 $0x1;
	p5 =	por p5, p3  }
0x1b: {  	p6 =	por !p4, p3;
	[smem:$0x7FD] =	sst s0;
	s0 =	simm.s32 $0xF80  }
.LBB2_9:
0x1c: {  	s18 =	stileid.u32  }
0x1d: {  	[bflag:$0x0] =	sbarrier.arrive $0xFFFF;
	s15 =	sshll.u32 @p2 s18, $0x6  }
0x1e: {  	s16 =	sshrl.u32 @p2 s9, $0x3;
	s17 =	rddreg [dreg:$0x3];
	s15 =	sor.u32 @p2 $0x1C05, s15  }
0x1f: {  	[hbm:s17], [sflag:s15] =	dma.local @p2 [spmem:s16], $0x2780  }
0x20: {  	s15 =	simm.s32 @p2 $0x5  }
0x21: {  	_ =	swait.ge @p2 [sflag:s15], $0x2780  }
0x22: {  	s16 =	simm.s32 @!p5 $0x1FC5;
	[sflag:s15] =	ssyncset.done @p2 $0x0  }
0x23: {  	s17 =	rddreg [dreg:$0x4];
	[sflag:s15] =	ssyncadd.s32 @p2 $0xFFFFD880;
	s15 =	sshrl.u32 @!p5 s8, $0x3  }
0x24: {  	[hbm:s17], [sflag:s16] =	dma.local @!p5 [spmem:s15], $0x2080  }
0x25: {  	s15 =	simm.s32 @!p5 $0x5  }
0x26: {  	_ =	swait.ge @!p5 [sflag:s15], $0x2080  }
0x27: {  	s16 =	sshll.u32 @!p6 s18, $0x6;
	[sflag:s15] =	ssyncset.done @!p5 $0x0;
	s18 =	rddreg [dreg:$0x5]  }
0x28: {  	[sflag:s15] =	ssyncadd.s32 @!p5 $0xFFFFDF80;
	s15 =	sor.u32 @!p6 $0x1C05, s16;
	s16 =	sshrl.u32 @!p6 s9, $0x3  }
0x29: {  	[hbm:s18], [sflag:s15] =	dma.local @!p6 [spmem:s16], $0x2780  }
0x2a: {  	s15 =	simm.s32 @!p6 $0x5  }
0x2b: {  	_ =	swait.ge @!p6 [sflag:s15], $0x2780  }
0x2c: {  	s16 =	simm.s32 @p3 $0x1FC5;
	[sflag:s15] =	ssyncset.done @!p6 $0x0  }
0x2d: {  	s18 =	rddreg [dreg:$0x6];
	[sflag:s15] =	ssyncadd.s32 @!p6 $0xFFFFD880;
	s15 =	sshrl.u32 @p3 s8, $0x3  }
0x2e: {  	[hbm:s18], [sflag:s16] =	dma.local @p3 [spmem:s15], $0x2080  }
0x2f: {  	s15 =	simm.s32 @p3 $0x5  }
0x30: {  	_ =	swait.ge @p3 [sflag:s15], $0x2080  }
0x31: {  	s14 =	sadd.s32 $0x1, s14;
	s18 =	rddreg [dreg:$0x7]  }
0x32: {  	p4 =	sne.s32 s14, s18  }
.Ltmp1:
0x33: {  	_ = 	snop;
	(pc) =	sbr.rel @!p4 .LBB2_10-.Ltmp1, $3  }
0x34: {  	_ =	sdelay $0x1  }
0x35: {  	[sflag:s15] =	ssyncset.done @p3 $0x0  }
0x36: {  	s17 =	stileid.u32;
	[sflag:s15] =	ssyncadd.s32 @p3 $0xFFFFDF80  }
.LBB2_1:
0x37: {  	s15 =	simm.s32 @p0 $0x1FC5;
	s16 =	rddreg [dreg:$0x8]  }
0x38: {  	[spmem:s16], [sflag:s15] =	dma.local @p0 [hbm:s7], $0x2080  }
0x39: {  	s15 =	simm.s32 @p0 $0x5  }
0x3a: {  	_ =	swait.ge @p0 [sflag:s15], $0x2080  }
0x3b: {  	[sflag:s15] =	ssyncset.done @p0 $0x0  }
0x3c: {  	[sflag:s15] =	ssyncadd.s32 @p0 $0xFFFFDF80;
	s15 =	simm.s32 @!p0 $0x5  }
0x3d: {  	[spmem:s20], [sflag:s19] =	dma.local @!p0 [hbm:s7], $0x2780  }
0x3e: {  	_ =	swait.ge @!p0 [sflag:s15], $0x2780  }
0x3f: {  	[sflag:s15] =	ssyncset.done @!p0 $0x0  }
0x40: {  	[sflag:s15] =	ssyncadd.s32 @!p0 $0xFFFFD880  }
0x41: {  	[bflag:$0x0] =	sbarrier.arrive $0xFFFF  }
0x42: {  	s18 =	sld [smem:$0x7FD];
	_ =	sdelay $0x2  }
0x43: {  	p4 =	seq.s32 s18, $0x1  }
.Ltmp2:
0x44: {  	_ = 	snop;
	(pc) =	sbr.rel @p4 .LBB2_5-.Ltmp2, $2  }
0x45: {  	_ =	sdelay $0x2  }
0x46: {  	s15 =	simm.s32 $0x0  }
.LBB2_2:
0x47: {  	s16 =	sshll.u32 s15, $0xC  }
0x48: {  	s16 =	sadd.s32 s12, s16  }
0x49: {  	s16 =	sshrl.u32 s16, $0x3  }
0x4a: {  	s17 =	sadd.s32 s5, s16  }
0x4b: {  	[tilespmem:s2], [sflag:$0x1] =	stream.linear.gather [hbm4b:s17+s2], $0x1000, $0x38;
	[tilespmem:$0x1A880] =	vst v63  }
0x4c: {  	s16 =	sadd.s32 s6, s16  }
0x4d: {  	[tilespmem:s21], [sflag:$0x1] =	stream.linear.gather [hbm4b:s16+s2], $0x1000, $0x38;
	[tilespmem:$0x1A880] =	vst v63  }
0x4e: {  	_ =	swait.ge [sflag:s10], $0x1000  }
0x4f: {  	[sflag:s10] =	ssyncset.done $0x0  }
0x50: {  	[sflag:s10] =	ssyncadd.s32 $0xFFFFF000  }
0x51: {  	_ =	swait.ge [sflag:s10], $0x1000  }
0x52: {  	[sflag:s10] =	ssyncset.done $0x0  }
0x53: {  	[sflag:s10] =	ssyncadd.s32 $0xFFFFF000  }
0x54: {  	[tilespmem:s23], [sflag:$0x1] =	stream.indirect.gather [hbm4b:s4+s22], $0x80, s2, s22, $0xb8;
	[tilespmem:$0x1A880] =	vst v63  }
0x55: {  	_ = 	snop  }
0x56: {  	[tilespmem:s25], [sflag:$0x2] =	stream.indirect.gather [hbm4b:s4+s22], $0x80, s24, s22, $0xb8;
	[tilespmem:$0x1A880] =	vst v63  }
0x57: {  	_ =	swait.ge [sflag:s10], $0x2800  }
0x58: {  	[sflag:s10] =	ssyncset.done $0x0  }
0x59: {  	[sflag:s10] =	ssyncadd.s32 $0xFFFFD800  }
0x5a: {  	[spmem:s1] =	stream.indirect.scatter.add.f32 [tilespmem:s23], [sflag:$0x3], $0x80, s21, s22, $0xb8;
	[tilespmem:$0x1A880] =	vst v63  }
0x5b: {  	_ =	swait.ge [sflag:s26], $0x2800  }
0x5c: {  	[sflag:s26] =	ssyncset.done $0x0  }
0x5d: {  	[sflag:s26] =	ssyncadd.s32 $0xFFFFD800  }
0x5e: {  	[tilespmem:s23], [sflag:$0x1] =	stream.indirect.gather [hbm4b:s4+s22], $0x80, s28, s22, $0xb8;
	[tilespmem:$0x1A880] =	vst v63  }
0x5f: {  	_ =	swait.ge [sflag:s29], $0x2800  }
0x60: {  	[sflag:s29] =	ssyncset.done $0x0  }
0x61: {  	[sflag:s29] =	ssyncadd.s32 $0xFFFFD800  }
0x62: {  	[spmem:s1] =	stream.indirect.scatter.add.f32 [tilespmem:s25], [sflag:$0x4], $0x80, s30, s22, $0xb8;
	[tilespmem:$0x1A880] =	vst v63  }
0x63: {  	_ =	swait.ge [sflag:s31], $0x2800  }
0x64: {  	[sflag:s31] =	ssyncset.done $0x0  }
0x65: {  	s18 =	simm.s32 $0x180;
	[sflag:s31] =	ssyncadd.s32 $0xFFFFD800  }
0x66: {  	[tilespmem:s25], [sflag:$0x2] =	stream.indirect.gather [hbm4b:s4+s22], $0x80, s18, s22, $0xb8;
	[tilespmem:$0x1A880] =	vst v63  }
0x67: {  	_ =	swait.ge [sflag:s10], $0x2800  }
0x68: {  	[sflag:s10] =	ssyncset.done $0x0  }
0x69: {  	s17 =	simm.s32 $0x1100;
	[sflag:s10] =	ssyncadd.s32 $0xFFFFD800  }
0x6a: {  	[spmem:s1] =	stream.indirect.scatter.add.f32 [tilespmem:s23], [sflag:$0x3], $0x80, s17, s22, $0xb8;
	[tilespmem:$0x1A880] =	vst v63  }
0x6b: {  	_ =	swait.ge [sflag:s26], $0x2800  }
0x6c: {  	[sflag:s26] =	ssyncset.done $0x0  }
0x6d: {  	s18 =	simm.s32 $0x200;
	[sflag:s26] =	ssyncadd.s32 $0xFFFFD800  }
0x6e: {  	[tilespmem:s23], [sflag:$0x1] =	stream.indirect.gather [hbm4b:s4+s22], $0x80, s18, s22, $0xb8;
	[tilespmem:$0x1A880] =	vst v63  }
0x6f: {  	_ =	swait.ge [sflag:s29], $0x2800  }
0x70: {  	[sflag:s29] =	ssyncset.done $0x0  }
0x71: {  	s16 =	simm.s32 $0xFFFFCC00;
	s17 =	simm.s32 $0x1180;
	[sflag:s29] =	ssyncadd.s32 $0xFFFFD800  }
.LBB2_3:
0x72: {  	[spmem:s1] =	stream.indirect.scatter.add.f32 [tilespmem:s25], [sflag:$0x4], $0x80, s17, s22, $0xb8;
	[tilespmem:$0x1A880] =	vst v63  }
0x73: {  	s17 =	smov.u32 s16  }
0x74: {  	p4 =	sne.s32 s16, $0xFFFFFC00;
	s16 =	sadd.s32 $0x400, s16;
	_ =	swait.ge [sflag:s31], $0x2800  }
0x75: {  	s17 =	sshra.s32 s17, $0x2;
	[sflag:s31] =	ssyncset.done $0x0  }
0x76: {  	s18 =	sadd.s32 $0xF80, s17;
	[sflag:s31] =	ssyncadd.s32 $0xFFFFD800  }
0x77: {  	[tilespmem:s25], [sflag:$0x2] =	stream.indirect.gather [hbm4b:s4+s22], $0x80, s18, s22, $0xb8;
	[tilespmem:$0x1A880] =	vst v63  }
0x78: {  	_ =	swait.ge [sflag:s10], $0x2800  }
0x79: {  	[sflag:s10] =	ssyncset.done $0x0  }
0x7a: {  	s18 =	sadd.s32 $0x1F00, s17;
	[sflag:s10] =	ssyncadd.s32 $0xFFFFD800  }
0x7b: {  	[spmem:s1] =	stream.indirect.scatter.add.f32 [tilespmem:s23], [sflag:$0x3], $0x80, s18, s22, $0xb8;
	[tilespmem:$0x1A880] =	vst v63  }
0x7c: {  	_ =	swait.ge [sflag:s26], $0x2800  }
0x7d: {  	[sflag:s26] =	ssyncset.done $0x0  }
.Ltmp3:
0x7e: {  	s18 =	sadd.s32 $0x1000, s17;
	[sflag:s26] =	ssyncadd.s32 $0xFFFFD800;
	(pc) =	sbr.rel @p4 .LBB2_3-.Ltmp3, $4  }
0x7f: {  	[tilespmem:s23], [sflag:$0x1] =	stream.indirect.gather [hbm4b:s4+s22], $0x80, s18, s22, $0xb8;
	[tilespmem:$0x1A880] =	vst v63  }
0x80: {  	_ =	swait.ge [sflag:s29], $0x2800  }
0x81: {  	[sflag:s29] =	ssyncset.done $0x0  }
0x82: {  	s17 =	sadd.s32 $0x1F80, s17;
	[sflag:s29] =	ssyncadd.s32 $0xFFFFD800  }
0x83: {  	[spmem:s1] =	stream.indirect.scatter.add.f32 [tilespmem:s25], [sflag:$0x4], $0x80, s17, s22, $0xb8;
	[tilespmem:$0x1A880] =	vst v63  }
0x84: {  	_ =	swait.ge [sflag:s31], $0x2800  }
0x85: {  	[sflag:s31] =	ssyncset.done $0x0  }
0x86: {  	[sflag:s31] =	ssyncadd.s32 $0xFFFFD800  }
0x87: {  	[tilespmem:s25], [sflag:$0x2] =	stream.indirect.gather [hbm4b:s4+s22], $0x80, s0, s22, $0xb8;
	[tilespmem:$0x1A880] =	vst v63  }
0x88: {  	_ =	swait.ge [sflag:s10], $0x2800  }
0x89: {  	[sflag:s10] =	ssyncset.done $0x0  }
0x8a: {  	[sflag:s10] =	ssyncadd.s32 $0xFFFFD800  }
0x8b: {  	[spmem:s1] =	stream.indirect.scatter.add.f32 [tilespmem:s23], [sflag:$0x3], $0x80, s3, s22, $0xb8;
	[tilespmem:$0x1A880] =	vst v63  }
0x8c: {  	_ =	swait.ge [sflag:s26], $0x2800  }
0x8d: {  	[sflag:s26] =	ssyncset.done $0x0  }
0x8e: {  	[sflag:s26] =	ssyncadd.s32 $0xFFFFD800  }
0x8f: {  	s15 =	sadd.s32 $0x1, s15;
	_ =	swait.ge [sflag:s29], $0x2800  }
0x90: {  	p4 =	sne.s32 s15, s11;
	[sflag:s29] =	ssyncset.done $0x0  }
.Ltmp4:
0x91: {  	[sflag:s29] =	ssyncadd.s32 $0xFFFFD800;
	(pc) =	sbr.rel @p4 .LBB2_2-.Ltmp4, $4  }
0x92: {  	[spmem:s1] =	stream.indirect.scatter.add.f32 [tilespmem:s25], [sflag:$0x4], $0x80, s13, s22, $0xb8;
	[tilespmem:$0x1A880] =	vst v63  }
0x93: {  	_ =	swait.ge [sflag:s31], $0x2800  }
0x94: {  	[sflag:s31] =	ssyncset.done $0x0  }
0x95: {  	[sflag:s31] =	ssyncadd.s32 $0xFFFFD800  }
.LBB2_5:
.Ltmp5:
0x96: {  	(pc) =	sbr.rel @!p1 .LBB2_9-.Ltmp5, $2  }
0x97: {  	_ =	sdelay $0x2  }
0x98: {  	s15 =	simm.s32 $0x0  }
.LBB2_6:
0x99: {  	s16 =	sshll.u32 s15, $0xC  }
0x9a: {  	s16 =	sadd.s32 s12, s16  }
0x9b: {  	s16 =	sshrl.u32 s16, $0x3  }
0x9c: {  	s17 =	sadd.s32 s5, s16  }
0x9d: {  	[tilespmem:s2], [sflag:$0x1] =	stream.linear.gather [hbm4b:s17+s2], $0x1000, $0x38;
	[tilespmem:$0x1A880] =	vst v63  }
0x9e: {  	s16 =	sadd.s32 s6, s16  }
0x9f: {  	[tilespmem:s21], [sflag:$0x1] =	stream.linear.gather [hbm4b:s16+s2], $0x1000, $0x38;
	[tilespmem:$0x1A880] =	vst v63  }
0xa0: {  	_ =	swait.ge [sflag:s10], $0x1000  }
0xa1: {  	[sflag:s10] =	ssyncset.done $0x0  }
0xa2: {  	[sflag:s10] =	ssyncadd.s32 $0xFFFFF000  }
0xa3: {  	_ =	swait.ge [sflag:s10], $0x1000  }
0xa4: {  	[sflag:s10] =	ssyncset.done $0x0  }
0xa5: {  	[sflag:s10] =	ssyncadd.s32 $0xFFFFF000  }
0xa6: {  	[tilespmem:s23], [sflag:$0x1] =	stream.indirect.gather [hbm4b:s4+s22], $0x80, s2, s22, $0xb8;
	[tilespmem:$0x1A880] =	vst v63  }
0xa7: {  	_ = 	snop  }
0xa8: {  	[tilespmem:s25], [sflag:$0x2] =	stream.indirect.gather [hbm4b:s4+s22], $0x80, s24, s22, $0xb8;
	[tilespmem:$0x1A880] =	vst v63  }
0xa9: {  	_ =	swait.ge [sflag:s10], $0x2800  }
0xaa: {  	[sflag:s10] =	ssyncset.done $0x0  }
0xab: {  	[sflag:s10] =	ssyncadd.s32 $0xFFFFD800  }
0xac: {  	[spmem:s1] =	stream.indirect.scatter.add.f32 [tilespmem:s23], [sflag:$0x3], $0x80, s21, s22, $0xb8;
	[tilespmem:$0x1A880] =	vst v63  }
0xad: {  	_ =	swait.ge [sflag:s26], $0x2800  }
0xae: {  	[sflag:s26] =	ssyncset.done $0x0  }
0xaf: {  	[sflag:s26] =	ssyncadd.s32 $0xFFFFD800  }
0xb0: {  	[tilespmem:s23], [sflag:$0x1] =	stream.indirect.gather [hbm4b:s4+s22], $0x80, s28, s22, $0xb8;
	[tilespmem:$0x1A880] =	vst v63  }
0xb1: {  	_ =	swait.ge [sflag:s29], $0x2800  }
0xb2: {  	[sflag:s29] =	ssyncset.done $0x0  }
0xb3: {  	[sflag:s29] =	ssyncadd.s32 $0xFFFFD800  }
0xb4: {  	[spmem:s1] =	stream.indirect.scatter.add.f32 [tilespmem:s25], [sflag:$0x4], $0x80, s30, s22, $0xb8;
	[tilespmem:$0x1A880] =	vst v63  }
0xb5: {  	_ =	swait.ge [sflag:s31], $0x2800  }
0xb6: {  	[sflag:s31] =	ssyncset.done $0x0  }
0xb7: {  	s18 =	simm.s32 $0x180;
	[sflag:s31] =	ssyncadd.s32 $0xFFFFD800  }
0xb8: {  	[tilespmem:s25], [sflag:$0x2] =	stream.indirect.gather [hbm4b:s4+s22], $0x80, s18, s22, $0xb8;
	[tilespmem:$0x1A880] =	vst v63  }
0xb9: {  	_ =	swait.ge [sflag:s10], $0x2800  }
0xba: {  	[sflag:s10] =	ssyncset.done $0x0  }
0xbb: {  	s17 =	simm.s32 $0x1100;
	[sflag:s10] =	ssyncadd.s32 $0xFFFFD800  }
0xbc: {  	[spmem:s1] =	stream.indirect.scatter.add.f32 [tilespmem:s23], [sflag:$0x3], $0x80, s17, s22, $0xb8;
	[tilespmem:$0x1A880] =	vst v63  }
0xbd: {  	_ =	swait.ge [sflag:s26], $0x2800  }
0xbe: {  	[sflag:s26] =	ssyncset.done $0x0  }
0xbf: {  	s18 =	simm.s32 $0x200;
	[sflag:s26] =	ssyncadd.s32 $0xFFFFD800  }
0xc0: {  	[tilespmem:s23], [sflag:$0x1] =	stream.indirect.gather [hbm4b:s4+s22], $0x80, s18, s22, $0xb8;
	[tilespmem:$0x1A880] =	vst v63  }
0xc1: {  	_ =	swait.ge [sflag:s29], $0x2800  }
0xc2: {  	[sflag:s29] =	ssyncset.done $0x0  }
0xc3: {  	s16 =	simm.s32 $0xFFFFCC00;
	s17 =	simm.s32 $0x1180;
	[sflag:s29] =	ssyncadd.s32 $0xFFFFD800  }
.LBB2_7:
0xc4: {  	[spmem:s1] =	stream.indirect.scatter.add.f32 [tilespmem:s25], [sflag:$0x4], $0x80, s17, s22, $0xb8;
	[tilespmem:$0x1A880] =	vst v63  }
0xc5: {  	s17 =	smov.u32 s16  }
0xc6: {  	p4 =	sne.s32 s16, $0xFFFFFC00;
	s16 =	sadd.s32 $0x400, s16;
	_ =	swait.ge [sflag:s31], $0x2800  }
0xc7: {  	s17 =	sshra.s32 s17, $0x2;
	[sflag:s31] =	ssyncset.done $0x0  }
0xc8: {  	s18 =	sadd.s32 $0xF80, s17;
	[sflag:s31] =	ssyncadd.s32 $0xFFFFD800  }
0xc9: {  	[tilespmem:s25], [sflag:$0x2] =	stream.indirect.gather [hbm4b:s4+s22], $0x80, s18, s22, $0xb8;
	[tilespmem:$0x1A880] =	vst v63  }
0xca: {  	_ =	swait.ge [sflag:s10], $0x2800  }
0xcb: {  	[sflag:s10] =	ssyncset.done $0x0  }
0xcc: {  	s18 =	sadd.s32 $0x1F00, s17;
	[sflag:s10] =	ssyncadd.s32 $0xFFFFD800  }
0xcd: {  	[spmem:s1] =	stream.indirect.scatter.add.f32 [tilespmem:s23], [sflag:$0x3], $0x80, s18, s22, $0xb8;
	[tilespmem:$0x1A880] =	vst v63  }
0xce: {  	_ =	swait.ge [sflag:s26], $0x2800  }
0xcf: {  	[sflag:s26] =	ssyncset.done $0x0  }
.Ltmp6:
0xd0: {  	s18 =	sadd.s32 $0x1000, s17;
	[sflag:s26] =	ssyncadd.s32 $0xFFFFD800;
	(pc) =	sbr.rel @p4 .LBB2_7-.Ltmp6, $4  }
0xd1: {  	[tilespmem:s23], [sflag:$0x1] =	stream.indirect.gather [hbm4b:s4+s22], $0x80, s18, s22, $0xb8;
	[tilespmem:$0x1A880] =	vst v63  }
0xd2: {  	_ =	swait.ge [sflag:s29], $0x2800  }
0xd3: {  	[sflag:s29] =	ssyncset.done $0x0  }
0xd4: {  	s17 =	sadd.s32 $0x1F80, s17;
	[sflag:s29] =	ssyncadd.s32 $0xFFFFD800  }
0xd5: {  	[spmem:s1] =	stream.indirect.scatter.add.f32 [tilespmem:s25], [sflag:$0x4], $0x80, s17, s22, $0xb8;
	[tilespmem:$0x1A880] =	vst v63  }
0xd6: {  	_ =	swait.ge [sflag:s31], $0x2800  }
0xd7: {  	[sflag:s31] =	ssyncset.done $0x0  }
0xd8: {  	[sflag:s31] =	ssyncadd.s32 $0xFFFFD800  }
0xd9: {  	[tilespmem:s25], [sflag:$0x2] =	stream.indirect.gather [hbm4b:s4+s22], $0x80, s0, s22, $0xb8;
	[tilespmem:$0x1A880] =	vst v63  }
0xda: {  	_ =	swait.ge [sflag:s10], $0x2800  }
0xdb: {  	[sflag:s10] =	ssyncset.done $0x0  }
0xdc: {  	[sflag:s10] =	ssyncadd.s32 $0xFFFFD800  }
0xdd: {  	[spmem:s1] =	stream.indirect.scatter.add.f32 [tilespmem:s23], [sflag:$0x3], $0x80, s3, s22, $0xb8;
	[tilespmem:$0x1A880] =	vst v63  }
0xde: {  	_ =	swait.ge [sflag:s26], $0x2800  }
0xdf: {  	[sflag:s26] =	ssyncset.done $0x0  }
0xe0: {  	[sflag:s26] =	ssyncadd.s32 $0xFFFFD800  }
0xe1: {  	_ =	swait.ge [sflag:s29], $0x2800  }
0xe2: {  	s15 =	sadd.s32 $0x1, s15;
	[sflag:s29] =	ssyncset.done $0x0  }
0xe3: {  	p4 =	sne.s32 s15, s11;
	[sflag:s29] =	ssyncadd.s32 $0xFFFFD800  }
0xe4: {  	[spmem:s1] =	stream.indirect.scatter.add.f32 [tilespmem:s25], [sflag:$0x4], $0x80, s13, s22, $0xb8;
	[tilespmem:$0x1A880] =	vst v63  }
.Ltmp7:
0xe5: {  	_ = 	snop;
	(pc) =	sbr.rel @p4 .LBB2_6-.Ltmp7, $4  }
.Ltmp8:
0xe6: {  	_ = 	snop;
	(pc) =	sbr.rel @!p4 .LBB2_9-.Ltmp8, $4  }
0xe7: {  	_ =	swait.ge [sflag:s31], $0x2800  }
0xe8: {  	[sflag:s31] =	ssyncset.done $0x0  }
0xe9: {  	[sflag:s31] =	ssyncadd.s32 $0xFFFFD800  }
0xea: {  	_ = 	snop  }
.LBB2_10:
0xeb: {  	_ =	sfence.sel $0x180000  }
0xec: {  	[bflag:$0x0] =	sbarrier.arrive $0xFFFF  }
0xed: {  	_ =	strace $0x9000004A  }
0xee: {  	[bflag:$0x2] =	sbarrier.arrive $0xFFFF  }
0xef: {  	p0 =	sne.s32 s17, $0x0;
	s0 =	rddreg [dreg:$0x2]  }
0xf0: {  	s0 =	sadd.s32 @!p0 $0x100000, s0  }
0xf1: {  	[sflag:s0] =	ssyncadd.tile.s32 @!p0 $0x1;
	_ =	shalt  }
.Lfunc_end2:
_tile_overlayer_lowered:
.L_overlay_start_2:
0xf2: {  	(tag) =	ssettag $0x2  }
0xf3: {  	s0 =	rddreg [dreg:$0x0];
	s2 =	stileid.u32  }
0xf4: {  	s1 =	rddreg [dreg:$0x1];
	p0 =	sne.s32 s2, $0x0  }
0xf5: {  	s3 =	rddreg [dreg:$0x2];
	[bflag:$0x3] =	sbarrier.arrive $0xFFFF;
	s2 =	simm.s32 @!p0 $0x1C05  }
0xf6: {  	[timem:s3], [sflag:s2] =	dma.local @!p0 [hbm:s0], s1  }
0xf7: {  	s0 =	simm.s32 @!p0 $0x5  }
0xf8: {  	_ =	swait.ge @!p0 [sflag:s0], s1  }
0xf9: {  	s1 =	ssub.s32 @!p0 $0x0, s1;
	[sflag:s0] =	ssyncset.done @!p0 $0x0  }
0xfa: {  	[sflag:s0] =	ssyncadd.s32 @!p0 s1  }
0xfb: {  	[bflag:$0x3] =	sbarrier.arrive $0xFFFF  }
0xfc: {  	_ =	shalt  }

// kernel: kernel.16.cloned.1.call-start
scs
__scs_entry_jumppad:
0x0: {  	(pc) =	sbr.rel $0x88, $3  }
0x1: {  	(tag) =	ssettag $0x0;
	lr =	simm.s32 $0x1  }
0x2: {  	[smem:$0x3F92] =	sst lr;
	_ =	strace $0xD0000000  }
0x3: {  	_ = 	snop  }
0x4: {  	_ = 	snop  }
0x5: {  	_ = 	snop  }
0x6: {  	_ = 	snop  }
0x7: {  	_ = 	snop  }
__scs_overlays_trampoline_lowered:
0x8: {  	[smem:$0x3FA1] =	sst s0  }
0x9: {  	[smem:$0x3FA2] =	sst s1  }
0xa: {  	[smem:$0x3FA3] =	sst s2  }
0xb: {  	[smem:$0x3FA4] =	sst s3  }
0xc: {  	[smem:$0x3FA5] =	sst s4  }
0xd: {  	[smem:$0x3FA6] =	sst s5  }
0xe: {  	[smem:$0x3FA7] =	sst s6  }
0xf: {  	[smem:$0x3FA8] =	sst s7  }
0x10: {  	[smem:$0x3FA9] =	sst s8  }
0x11: {  	[smem:$0x3FAA] =	sst s9;
	s0 =	simm.s32 @!p0 $0x0  }
0x12: {  	s1 =	sld [smem:$0x3F90];
	s0 =	simm.s32 @p0 $0x1  }
0x13: {  	[smem:$0x3FAB] =	sst s0;
	s0 =	simm.s32 @!p1 $0x0  }
0x14: {  	s2 =	sld [smem:$0x3F8F];
	s0 =	simm.s32 @p1 $0x1  }
0x15: {  	[smem:$0x3FAC] =	sst s0;
	s0 =	simm.s32 @!p2 $0x0  }
0x16: {  	s3 =	sld [smem:$0x3FDB];
	s0 =	simm.s32 @p2 $0x1  }
0x17: {  	s4 =	simm.s32 $0x1BF5;
	[smem:$0x3FAE] =	sst s0  }
0x18: {  	s0 =	sld [smem:$0x3F91];
	_ =	swait.ge [sflag:s4], $0x0  }
0x19: {  	s7 =	sld [smem:$0x3F92]  }
0x1a: {  	s8 =	sadd.s32 $0xFFFFE003, lr  }
0x1b: {  	s9 =	sadd.s32 $0xFFFFFEF7, lr;
	s5 =	simm.s32 $0xFFFFFFFF;
	p2 =	slt.u32 s8, $0xFFFFF086  }
0x1c: {  	p1 =	slt.u32 s9, $0xF7A;
	s5 =	simm.s32 @!p2 $0x0  }
0x1d: {  	s5 =	simm.s32 @p1 $0x1;
	p0 =	seq.s32 s7, s2  }
0x1e: {  	s7 =	smul.u32 @!p0 $0xF7A, s2;
	p2 =	seq.s32 @!p0 s5, $0x0  }
0x1f: {  	s9 =	smul.u32 $0xF7A, s1;
	s8 =	simm.s32 @!p0 $0x1BF5;
	p2 =	por !p2, p0  }
0x20: {  	[sflag:s8] =	ssyncset.s32 @!p0 $0xFFFFF086;
	s6 =	sadd.s32 @!p0 s3, s7;
	s7 =	simm.s32 @!p0 $0x108  }
0x21: {  	s3 =	sadd.s32 s3, s9;
	s6 =	sadd.s32 @!p0 $0x88, s6;
	s7 =	simm.s32 @p2 $0x1082  }
0x22: {  	[simem:s7], [sflag:s8] =	dma.local @!p0 [hbm:s6], $0xF7A  }
0x23: {  	s9 =	sor.u32 $0xD0000000, s2;
	s6 =	simm.s32 $0x108;
	_ =	swait.ge @!p0 [sflag:s8], $0x0  }
0x24: {  	s3 =	sadd.s32 $0x88, s3;
	s6 =	simm.s32 @!p1 $0x1082;
	[sflag:s4] =	ssyncset.s32 $0xFFFFF086  }
0x25: {  	[simem:s6], [sflag:s4] =	dma.local [hbm:s3], $0xF7A  }
0x26: {  	[smem:$0x3F92] =	sst s1;
	(tag) =	ssettag s2;
	_ =	strace s9  }
0x27: {  	s1 =	sld [smem:$0x3FA2]  }
0x28: {  	s2 =	sld [smem:$0x3FA3]  }
0x29: {  	s4 =	sld [smem:$0x3FA5]  }
0x2a: {  	p0 =	seq.s32 s5, $0x0;
	s5 =	sld [smem:$0x3FA6]  }
0x2b: {  	s6 =	sld [smem:$0x3FA7]  }
0x2c: {  	s7 =	sld [smem:$0x3FA8]  }
0x2d: {  	s3 =	simm.s32 $0x108;
	s8 =	sld [smem:$0x3FA9]  }
0x2e: {  	s3 =	simm.s32 @!p0 $0x1082;
	s9 =	sld [smem:$0x3FAA]  }
0x2f: {  	lr =	sadd.s32 s0, s3;
	s0 =	sld [smem:$0x3FA1]  }
0x30: {  	s3 =	sld [smem:$0x3FA4]  }
0x31: {  	[smem:$0x3FAD] =	sst s10  }
0x32: {  	s10 =	sld [smem:$0x3FAB];
	_ =	sdelay $0x3  }
0x33: {  	p0 =	seq.s32 s10, $0x1;
	s10 =	sld [smem:$0x3FAD];
	_ =	sdelay $0x3  }
0x34: {  	[smem:$0x3FAD] =	sst s10  }
0x35: {  	s10 =	sld [smem:$0x3FAC];
	_ =	sdelay $0x3  }
0x36: {  	p1 =	seq.s32 s10, $0x1;
	s10 =	sld [smem:$0x3FAD];
	_ =	sdelay $0x3  }
0x37: {  	[smem:$0x3FAD] =	sst s10  }
0x38: {  	s10 =	sld [smem:$0x3FAE]  }
0x39: {  	_ = 	snop;
	(pc) =	sbr.ind lr, $3  }
0x3a: {  	_ = 	snop  }
0x3b: {  	_ = 	snop  }
0x3c: {  	p2 =	seq.s32 s10, $0x1;
	s10 =	sld [smem:$0x3FAD]  }
0x3d: {  	_ =	shalt  }
0x3e: {  	_ =	shalt  }
0x3f: {  	_ =	shalt  }
0x40: {  	_ =	shalt  }
0x41: {  	_ =	shalt  }
0x42: {  	_ =	shalt  }
0x43: {  	_ =	shalt  }
0x44: {  	_ =	shalt  }
0x45: {  	_ =	shalt  }
0x46: {  	_ =	shalt  }
0x47: {  	_ =	shalt  }
0x48: {  	_ =	shalt  }
0x49: {  	_ =	shalt  }
0x4a: {  	_ =	shalt  }
0x4b: {  	_ =	shalt  }
0x4c: {  	_ =	shalt  }
0x4d: {  	_ =	shalt  }
0x4e: {  	_ =	shalt  }
0x4f: {  	_ =	shalt  }
0x50: {  	_ =	shalt  }
0x51: {  	_ =	shalt  }
0x52: {  	_ =	shalt  }
0x53: {  	_ =	shalt  }
0x54: {  	_ =	shalt  }
0x55: {  	_ =	shalt  }
0x56: {  	_ =	shalt  }
0x57: {  	_ =	shalt  }
0x58: {  	_ =	shalt  }
0x59: {  	_ =	shalt  }
0x5a: {  	_ =	shalt  }
0x5b: {  	_ =	shalt  }
0x5c: {  	_ =	shalt  }
0x5d: {  	_ =	shalt  }
0x5e: {  	_ =	shalt  }
0x5f: {  	_ =	shalt  }
0x60: {  	_ =	shalt  }
0x61: {  	_ =	shalt  }
0x62: {  	_ =	shalt  }
0x63: {  	_ =	shalt  }
0x64: {  	_ =	shalt  }
0x65: {  	_ =	shalt  }
0x66: {  	_ =	shalt  }
0x67: {  	_ =	shalt  }
0x68: {  	_ =	shalt  }
0x69: {  	_ =	shalt  }
0x6a: {  	_ =	shalt  }
0x6b: {  	_ =	shalt  }
0x6c: {  	_ =	shalt  }
0x6d: {  	_ =	shalt  }
0x6e: {  	_ =	shalt  }
0x6f: {  	_ =	shalt  }
0x70: {  	_ =	shalt  }
0x71: {  	_ =	shalt  }
0x72: {  	_ =	shalt  }
0x73: {  	_ =	shalt  }
0x74: {  	_ =	shalt  }
0x75: {  	_ =	shalt  }
0x76: {  	_ =	shalt  }
0x77: {  	_ =	shalt  }
0x78: {  	_ =	shalt  }
0x79: {  	_ =	shalt  }
0x7a: {  	_ =	shalt  }
0x7b: {  	_ =	shalt  }
0x7c: {  	_ =	shalt  }
0x7d: {  	_ =	shalt  }
0x7e: {  	_ =	shalt  }
0x7f: {  	_ =	shalt  }
0x80: {  	_ =	shalt  }
0x81: {  	_ =	shalt  }
0x82: {  	_ =	shalt  }
0x83: {  	_ =	shalt  }
0x84: {  	_ =	shalt  }
0x85: {  	_ =	shalt  }
0x86: {  	_ =	shalt  }
0x87: {  	_ =	shalt  }
.Lfunc_end0:
.L_simem_size_0:
called_computation.2_lowered:
.L_overlay_start_0:
0x88: {  	s2 =	sld [smem:$0x3FD9]  }
0x89: {  	s3 =	sld [smem:$0x3FFE];
	_ =	sdelay $0x1  }
0x8a: {  	s1 =	srdreg.scid  }
0x8b: {  	s0 =	sand.u32 $0x1, s1  }
0x8c: {  	s16 =	sshll.u32 s0, $0xA;
	s2 =	sadd.s32 s3, s2  }
0x8d: {  	s2 =	sadd.s32 s2, s16  }
0x8e: {  	[smem:$0x3FB9] =	sst s2  }
0x8f: {  	_ = 	snop  }
0x90: {  	(tm) =	ssettm $0x1  }
0x91: {  	s17 =	sld [smem:$0x3FFB];
	_ =	sdelay $0x3  }
0x92: {  	_ =	strace s17  }
0x93: {  	s2 =	sld [smem:$0x3FFC];
	_ =	sdelay $0x3  }
0x94: {  	_ =	strace s2  }
0x95: {  	s2 =	sld [smem:$0x3FFD];
	_ =	sdelay $0x3  }
0x96: {  	_ =	strace s2  }
0x97: {  	_ =	strace $0x8FFFFFFF  }
0x98: {  	s18 =	sld [smem:$0x3FDB];
	_ =	sdelay $0x1  }
0x99: {  	s19 =	simm.s32 $_scs_section_size  }
0x9a: {  	s4 =	simm.s32 $_size__tile_overlayer_lowered;
	s5 =	simm.s32 $_tile_overlayer_lowered  }
0x9b: {  	s22 =	simm.s32 $0x1BFF;
	s21 =	sshll.u32 s5, $0x1;
	s2 =	sadd.s32 s19, s18  }
0x9c: {  	s6 =	simm.s32 $0x0;
	s20 =	sshll.u32 s4, $0x1;
	s4 =	sadd.s32 s21, s2  }
0x9d: {  	[timem:s6], [sflag:s22] =	dma.local [hbm:s4], s20  }
0x9e: {  	_ =	swait.ge [sflag:s22], s20  }
0x9f: {  	s3 =	ssub.s32 $0x0, s20;
	[sflag:s22] =	ssyncset.done $0x0  }
0xa0: {  	[sflag:s22] =	ssyncadd.s32 s3;
	_ =	sdelay $0x1  }
0xa1: {  	s23 =	simm.s32 $0x1B8B  }
0xa2: {  	_ =	swait.ge [sflag:s23], $0x1  }
0xa3: {  	[sflag:s23] =	ssyncset.done $0x0  }
0xa4: {  	s25 =	simm.s32 $0x1B8E;
	s24 =	sld [smem:$0x3FFE];
	[sflag:s23] =	ssyncadd.s32 $0xFFFFFFFF  }
0xa5: {  	s26 =	simm.s32 $execute0_lowered;
	[smem:$0x3FD2] =	sst s25  }
0xa6: {  	s4 =	sshll.u32 s26, $0x1;
	_ =	strace $0x8000004C;
	[dreg:$0x1] =	wrdreg $0xFFFFFFFF  }
0xa7: {  	s28 =	simm.s32 $_size_execute0_lowered;
	s2 =	sadd.s32 s2, s4;
	[dreg:$0x0] =	wrdreg $0x0  }
0xa8: {  	s4 =	sshll.u32 s28, $0x1;
	[dreg:$0x2] =	wrdreg s2  }
0xa9: {  	[dreg:$0x3] =	wrdreg s4  }
0xaa: {  	[dreg:$0x4] =	wrdreg $0xC0  }
0xab: {  	_ =	task [dreg:s6], $0x5FFFF  }
0xac: {  	[dreg:$0x1] =	wrdreg $0xFFFFFFFF  }
0xad: {  	[dreg:$0x0] =	wrdreg $0x60  }
0xae: {  	[dreg:$0x2] =	wrdreg s24  }
0xaf: {  	[dreg:$0x3] =	wrdreg $0x90000  }
0xb0: {  	[dreg:$0x4] =	wrdreg $0x9  }
0xb1: {  	_ =	task.clear_ibuf [dreg:s6], $0x5FFFF;
	_ =	strace $0x9000004C  }
0xb2: {  	s29 =	simm.s32 $0x9;
	_ =	strace $0x8000004E  }
0xb3: {  	_ =	swait.ge [sflag:s29], $0x1  }
0xb4: {  	[sflag:s29] =	ssyncadd.s32 $0xFFFFFFFF  }
0xb5: {  	_ =	strace $0x9000004E  }
0xb6: {  	_ =	sfence  }
0xb7: {  	s30 =	sld [smem:$0x0];
	_ =	sdelay $0x2  }
0xb8: {  	s31 =	sshll.u32 s1, $0xD;
	s1 =	sshrl.u32 s1, $0x2  }
0xb9: {  	s3 =	sand.u32 $0x4000, s31;
	s1 =	sadd.s32 s1, s30  }
0xba: {  	s0 =	sor.u32 s3, s0;
	s1 =	sshll.u32 s1, $0x11  }
0xbb: {  	s0 =	sor.u32 s1, s0  }
0xbc: {  	s0 =	sadd.s32 $0x8F2B, s0  }
0xbd: {  	[sflag:s0] =	ssyncadd.remote.s32 $0x1  }
0xbe: {  	_ =	sfence.sel $0xFFFF  }
0xbf: {  	[dreg:$0x0] =	wrdreg $0xFFFFFFFF;
	(pc) =	sbr.abs _section_cstart, $3  }
0xc0: {  	[dreg:$0x1] =	wrdreg $0xFFFFFFFF  }
0xc1: {  	_ =	task.clear_ibuf [dreg:s6], $0x2FFFF;
	_ =	strace $0x9FFFFFFF  }
0xc2: {  	(tm) =	ssettm $0x7FFFFFFF  }
0xc3: {  	_ =	shalt  }
tec
execute0_lowered:
.L_overlay_start_1:
0x0: {  	(tag) =	ssettag $0x1  }
0x1: {  	s0 =	rddreg [dreg:$0x0]  }
0x2: {  	s1 =	rddreg [dreg:$0x1];
	s2 =	simm.s32 $0x0;
	s14 =	stileid.u32  }
0x3: {  	s3 =	srdreg.scid;
	s20 =	simm.s32 $0x1400;
	s21 =	simm.s32 $0x1  }
0x4: {  	s22 =	simm.s32 $0x64;
	s28 =	simm.s32 $0x100;
	s29 =	simm.s32 $0x2  }
0x5: {  	s30 =	simm.s32 $0x1480;
	s31 =	simm.s32 $0x4;
	[smem:$0x7FF] =	sst s2  }
0x6: {  	s4 =	sadd.s32 $0x14C00, s0;
	s5 =	sadd.s32 $0xDD800, s0;
	s6 =	sadd.s32 $0xD1000, s0  }
0x7: {  	s9 =	smul.u32 $0x2780, s14;
	s7 =	sadd.s32 $0x5C00, s0;
	s8 =	sadd.s32 $0x12400, s0  }
0x8: {  	s11 =	smul.u32 $0x4F000, s14;
	p0 =	seq.s32 s14, $0xF;
	p4 =	sne.s32 s14, $0xF  }
0x9: {  	s3 =	sand.u32 $0x1, s3;
	s25 =	sadd.s32 $0x150C80, s0;
	_ =	strace $0x8000004D  }
0xa: {  	s10 =	ssub.s32 $0x2, s3;
	p3 =	seq.s32 s3, $0x0;
	p1 =	seq.s32 s3, $0x1  }
0xb: {  	[dreg:$0x4] =	wrdreg s25;
	p6 =	sne.s32 s3, $0x0;
	s25 =	simm.s32 $0x5C00  }
0xc: {  	s3 =	simm.s32 $0x2780;
	s12 =	sadd.s32 s9, s0;
	s23 =	sshrl.u32 s10, $0x1  }
0xd: {  	s9 =	sadd.s32 $0x128400, s1;
	s24 =	sshrl.u32 s11, $0x2;
	s11 =	smul.u32 $0xC8, s14  }
0xe: {  	p2 =	por !p3, !p4;
	p3 =	por !p3, !p0;
	p4 =	por !p4, !p1  }
0xf: {  	p5 =	por !p1, !p0;
	s0 =	sadd.s32 $0x129A80, s0;
	s13 =	ssub.s32 s10, s23  }
0x10: {  	s10 =	sadd.s32 s24, s1;
	p2 =	por !p2, !p2;
	p3 =	por !p3, !p3  }
0x11: {  	s15 =	sadd.s32 $0x104A00, s12;
	p4 =	por !p4, !p4;
	[dreg:$0x6] =	wrdreg s0  }
0x12: {  	p5 =	por !p5, !p5;
	s12 =	sadd.s32 $0x12BC00, s12;
	[dreg:$0x3] =	wrdreg s15  }
0x13: {  	s0 =	sshrl.u32 @p0 s9, $0x3;
	s23 =	simm.s32 $0x2800;
	[dreg:$0x5] =	wrdreg s12  }
0x14: {  	s24 =	simm.s32 $0x80;
	s26 =	smax.u32 s13, $0x1;
	[dreg:$0x8] =	wrdreg s0  }
.Ltmp0:
0x15: {  	s0 =	sshll.u32 @!p0 s14, $0x6;
	s19 =	sshrl.u32 @!p0 s10, $0x3;
	(pc) =	sbr.rel .LBB2_1-.Ltmp0, $4  }
0x16: {  	p5 =	por @!p3 !p5, p4;
	s12 =	simm.s32 $0x2700;
	s13 =	simm.s32 $0x0  }
0x17: {  	[dreg:$0x7] =	wrdreg s26;
	s18 =	sor.u32 @!p0 $0x1C05, s0;
	s0 =	simm.s32 @!p6 $0x0  }
0x18: {  	p5 =	por p5, p3;
	s26 =	simm.s32 $0x3;
	s0 =	simm.s32 @p6 $0x1  }
0x19: {  	p6 =	por !p4, p3;
	[smem:$0x7FD] =	sst s0;
	s0 =	simm.s32 $0x1380  }
.LBB2_9:
0x1a: {  	s17 =	stileid.u32  }
0x1b: {  	[bflag:$0x0] =	sbarrier.arrive $0xFFFF;
	s14 =	sshll.u32 @p2 s17, $0x6  }
0x1c: {  	s15 =	sshrl.u32 @p2 s10, $0x3;
	s16 =	rddreg [dreg:$0x3];
	s14 =	sor.u32 @p2 $0x1C05, s14  }
0x1d: {  	[hbm:s16], [sflag:s14] =	dma.local @p2 [spmem:s15], $0x2780  }
0x1e: {  	s14 =	simm.s32 @p2 $0x5  }
0x1f: {  	_ =	swait.ge @p2 [sflag:s14], $0x2780  }
0x20: {  	s15 =	simm.s32 @!p5 $0x1FC5;
	[sflag:s14] =	ssyncset.done @p2 $0x0  }
0x21: {  	s16 =	rddreg [dreg:$0x4];
	[sflag:s14] =	ssyncadd.s32 @p2 $0xFFFFD880;
	s14 =	sshrl.u32 @!p5 s9, $0x3  }
0x22: {  	[hbm:s16], [sflag:s15] =	dma.local @!p5 [spmem:s14], $0x2080  }
0x23: {  	s14 =	simm.s32 @!p5 $0x5  }
0x24: {  	_ =	swait.ge @!p5 [sflag:s14], $0x2080  }
0x25: {  	s15 =	sshll.u32 @!p6 s17, $0x6;
	[sflag:s14] =	ssyncset.done @!p5 $0x0;
	s17 =	rddreg [dreg:$0x5]  }
0x26: {  	[sflag:s14] =	ssyncadd.s32 @!p5 $0xFFFFDF80;
	s14 =	sor.u32 @!p6 $0x1C05, s15;
	s15 =	sshrl.u32 @!p6 s10, $0x3  }
0x27: {  	[hbm:s17], [sflag:s14] =	dma.local @!p6 [spmem:s15], $0x2780  }
0x28: {  	s14 =	simm.s32 @!p6 $0x5  }
0x29: {  	_ =	swait.ge @!p6 [sflag:s14], $0x2780  }
0x2a: {  	s15 =	simm.s32 @p3 $0x1FC5;
	[sflag:s14] =	ssyncset.done @!p6 $0x0  }
0x2b: {  	s17 =	rddreg [dreg:$0x6];
	[sflag:s14] =	ssyncadd.s32 @!p6 $0xFFFFD880;
	s14 =	sshrl.u32 @p3 s9, $0x3  }
0x2c: {  	[hbm:s17], [sflag:s15] =	dma.local @p3 [spmem:s14], $0x2080  }
0x2d: {  	s14 =	simm.s32 @p3 $0x5  }
0x2e: {  	_ =	swait.ge @p3 [sflag:s14], $0x2080  }
0x2f: {  	s13 =	sadd.s32 $0x1, s13;
	s17 =	rddreg [dreg:$0x7]  }
0x30: {  	p4 =	sne.s32 s13, s17  }
.Ltmp1:
0x31: {  	_ = 	snop;
	(pc) =	sbr.rel @!p4 .LBB2_10-.Ltmp1, $3  }
0x32: {  	_ =	sdelay $0x1  }
0x33: {  	[sflag:s14] =	ssyncset.done @p3 $0x0  }
0x34: {  	s16 =	stileid.u32;
	[sflag:s14] =	ssyncadd.s32 @p3 $0xFFFFDF80  }
.LBB2_1:
0x35: {  	s14 =	simm.s32 @p0 $0x1FC5;
	s15 =	rddreg [dreg:$0x8]  }
0x36: {  	[spmem:s15], [sflag:s14] =	dma.local @p0 [hbm:s8], $0x2080  }
0x37: {  	s14 =	simm.s32 @p0 $0x5  }
0x38: {  	_ =	swait.ge @p0 [sflag:s14], $0x2080  }
0x39: {  	[sflag:s14] =	ssyncset.done @p0 $0x0  }
0x3a: {  	[sflag:s14] =	ssyncadd.s32 @p0 $0xFFFFDF80;
	s14 =	simm.s32 @!p0 $0x5  }
0x3b: {  	[spmem:s19], [sflag:s18] =	dma.local @!p0 [hbm:s8], $0x2780  }
0x3c: {  	_ =	swait.ge @!p0 [sflag:s14], $0x2780  }
0x3d: {  	[sflag:s14] =	ssyncset.done @!p0 $0x0  }
0x3e: {  	[sflag:s14] =	ssyncadd.s32 @!p0 $0xFFFFD880  }
0x3f: {  	[bflag:$0x0] =	sbarrier.arrive $0xFFFF  }
0x40: {  	s17 =	sld [smem:$0x7FD];
	_ =	sdelay $0x2  }
0x41: {  	p4 =	seq.s32 s17, $0x1  }
.Ltmp2:
0x42: {  	_ = 	snop;
	(pc) =	sbr.rel @p4 .LBB2_5-.Ltmp2, $2  }
0x43: {  	_ =	sdelay $0x2  }
0x44: {  	s14 =	simm.s32 $0x0  }
.LBB2_2:
0x45: {  	s15 =	smul.u32 $0x28, s14;
	_ =	sdelay $0x1  }
0x46: {  	s15 =	sadd.s32 s11, s15  }
0x47: {  	s15 =	sshll.u32 s15, $0x4  }
0x48: {  	s16 =	sadd.s32 s6, s15  }
0x49: {  	[tilespmem:s2], [sflag:$0x1] =	stream.linear.gather [hbm4b:s16+s2], $0x1400, $0x38;
	[tilespmem:$0x1C880] =	vst v63  }
0x4a: {  	s15 =	sadd.s32 s7, s15  }
0x4b: {  	[tilespmem:s20], [sflag:$0x1] =	stream.linear.gather [hbm4b:s15+s2], $0x1400, $0x38;
	[tilespmem:$0x1C880] =	vst v63  }
0x4c: {  	_ =	swait.ge [sflag:s21], $0x1400  }
0x4d: {  	[sflag:s21] =	ssyncset.done $0x0  }
0x4e: {  	[sflag:s21] =	ssyncadd.s32 $0xFFFFEC00  }
0x4f: {  	_ =	swait.ge [sflag:s21], $0x1400  }
0x50: {  	[sflag:s21] =	ssyncset.done $0x0  }
0x51: {  	[sflag:s21] =	ssyncadd.s32 $0xFFFFEC00  }
0x52: {  	[tilespmem:s23], [sflag:$0x1] =	stream.indirect.gather [hbm4b:s4+s22], $0x80, s2, s22, $0xb8;
	[tilespmem:$0x1C880] =	vst v63  }
0x53: {  	_ = 	snop  }
0x54: {  	[tilespmem:s25], [sflag:$0x2] =	stream.indirect.gather [hbm4b:s4+s22], $0x80, s24, s22, $0xb8;
	[tilespmem:$0x1C880] =	vst v63  }
0x55: {  	_ =	swait.ge [sflag:s21], $0x3200  }
0x56: {  	[sflag:s21] =	ssyncset.done $0x0  }
0x57: {  	[sflag:s21] =	ssyncadd.s32 $0xFFFFCE00  }
0x58: {  	[spmem:s1] =	stream.indirect.scatter.add.f32 [tilespmem:s23], [sflag:$0x3], $0x80, s20, s22, $0xb8;
	[tilespmem:$0x1C880] =	vst v63  }
0x59: {  	_ =	swait.ge [sflag:s26], $0x3200  }
0x5a: {  	[sflag:s26] =	ssyncset.done $0x0  }
0x5b: {  	[sflag:s26] =	ssyncadd.s32 $0xFFFFCE00  }
0x5c: {  	[tilespmem:s23], [sflag:$0x1] =	stream.indirect.gather [hbm4b:s4+s22], $0x80, s28, s22, $0xb8;
	[tilespmem:$0x1C880] =	vst v63  }
0x5d: {  	_ =	swait.ge [sflag:s29], $0x3200  }
0x5e: {  	[sflag:s29] =	ssyncset.done $0x0  }
0x5f: {  	[sflag:s29] =	ssyncadd.s32 $0xFFFFCE00  }
0x60: {  	[spmem:s1] =	stream.indirect.scatter.add.f32 [tilespmem:s25], [sflag:$0x4], $0x80, s30, s22, $0xb8;
	[tilespmem:$0x1C880] =	vst v63  }
0x61: {  	_ =	swait.ge [sflag:s31], $0x3200  }
0x62: {  	[sflag:s31] =	ssyncset.done $0x0  }
0x63: {  	s17 =	simm.s32 $0x180;
	[sflag:s31] =	ssyncadd.s32 $0xFFFFCE00  }
0x64: {  	[tilespmem:s25], [sflag:$0x2] =	stream.indirect.gather [hbm4b:s4+s22], $0x80, s17, s22, $0xb8;
	[tilespmem:$0x1C880] =	vst v63  }
0x65: {  	_ =	swait.ge [sflag:s21], $0x3200  }
0x66: {  	[sflag:s21] =	ssyncset.done $0x0  }
0x67: {  	s16 =	simm.s32 $0x1500;
	[sflag:s21] =	ssyncadd.s32 $0xFFFFCE00  }
0x68: {  	[spmem:s1] =	stream.indirect.scatter.add.f32 [tilespmem:s23], [sflag:$0x3], $0x80, s16, s22, $0xb8;
	[tilespmem:$0x1C880] =	vst v63  }
0x69: {  	_ =	swait.ge [sflag:s26], $0x3200  }
0x6a: {  	[sflag:s26] =	ssyncset.done $0x0  }
0x6b: {  	s17 =	simm.s32 $0x200;
	[sflag:s26] =	ssyncadd.s32 $0xFFFFCE00  }
0x6c: {  	[tilespmem:s23], [sflag:$0x1] =	stream.indirect.gather [hbm4b:s4+s22], $0x80, s17, s22, $0xb8;
	[tilespmem:$0x1C880] =	vst v63  }
0x6d: {  	_ =	swait.ge [sflag:s29], $0x3200  }
0x6e: {  	[sflag:s29] =	ssyncset.done $0x0  }
0x6f: {  	s15 =	simm.s32 $0xFFFFBC00;
	s16 =	simm.s32 $0x1580;
	[sflag:s29] =	ssyncadd.s32 $0xFFFFCE00  }
.LBB2_3:
0x70: {  	[spmem:s1] =	stream.indirect.scatter.add.f32 [tilespmem:s25], [sflag:$0x4], $0x80, s16, s22, $0xb8;
	[tilespmem:$0x1C880] =	vst v63  }
0x71: {  	s16 =	smov.u32 s15  }
0x72: {  	p4 =	sne.s32 s15, $0xFFFFFC00;
	s15 =	sadd.s32 $0x400, s15;
	_ =	swait.ge [sflag:s31], $0x3200  }
0x73: {  	s16 =	sshra.s32 s16, $0x2;
	[sflag:s31] =	ssyncset.done $0x0  }
0x74: {  	s17 =	sadd.s32 $0x1380, s16;
	[sflag:s31] =	ssyncadd.s32 $0xFFFFCE00  }
0x75: {  	[tilespmem:s25], [sflag:$0x2] =	stream.indirect.gather [hbm4b:s4+s22], $0x80, s17, s22, $0xb8;
	[tilespmem:$0x1C880] =	vst v63  }
0x76: {  	_ =	swait.ge [sflag:s21], $0x3200  }
0x77: {  	[sflag:s21] =	ssyncset.done $0x0  }
0x78: {  	s17 =	sadd.s32 $0x2700, s16;
	[sflag:s21] =	ssyncadd.s32 $0xFFFFCE00  }
0x79: {  	[spmem:s1] =	stream.indirect.scatter.add.f32 [tilespmem:s23], [sflag:$0x3], $0x80, s17, s22, $0xb8;
	[tilespmem:$0x1C880] =	vst v63  }
0x7a: {  	_ =	swait.ge [sflag:s26], $0x3200  }
0x7b: {  	[sflag:s26] =	ssyncset.done $0x0  }
.Ltmp3:
0x7c: {  	s17 =	sadd.s32 $0x1400, s16;
	[sflag:s26] =	ssyncadd.s32 $0xFFFFCE00;
	(pc) =	sbr.rel @p4 .LBB2_3-.Ltmp3, $4  }
0x7d: {  	[tilespmem:s23], [sflag:$0x1] =	stream.indirect.gather [hbm4b:s4+s22], $0x80, s17, s22, $0xb8;
	[tilespmem:$0x1C880] =	vst v63  }
0x7e: {  	_ =	swait.ge [sflag:s29], $0x3200  }
0x7f: {  	[sflag:s29] =	ssyncset.done $0x0  }
0x80: {  	s16 =	sadd.s32 $0x2780, s16;
	[sflag:s29] =	ssyncadd.s32 $0xFFFFCE00  }
0x81: {  	[spmem:s1] =	stream.indirect.scatter.add.f32 [tilespmem:s25], [sflag:$0x4], $0x80, s16, s22, $0xb8;
	[tilespmem:$0x1C880] =	vst v63  }
0x82: {  	_ =	swait.ge [sflag:s31], $0x3200  }
0x83: {  	[sflag:s31] =	ssyncset.done $0x0  }
0x84: {  	[sflag:s31] =	ssyncadd.s32 $0xFFFFCE00  }
0x85: {  	[tilespmem:s25], [sflag:$0x2] =	stream.indirect.gather [hbm4b:s4+s22], $0x80, s0, s22, $0xb8;
	[tilespmem:$0x1C880] =	vst v63  }
0x86: {  	_ =	swait.ge [sflag:s21], $0x3200  }
0x87: {  	[sflag:s21] =	ssyncset.done $0x0  }
0x88: {  	[sflag:s21] =	ssyncadd.s32 $0xFFFFCE00  }
0x89: {  	[spmem:s1] =	stream.indirect.scatter.add.f32 [tilespmem:s23], [sflag:$0x3], $0x80, s12, s22, $0xb8;
	[tilespmem:$0x1C880] =	vst v63  }
0x8a: {  	_ =	swait.ge [sflag:s26], $0x3200  }
0x8b: {  	[sflag:s26] =	ssyncset.done $0x0  }
0x8c: {  	[sflag:s26] =	ssyncadd.s32 $0xFFFFCE00  }
0x8d: {  	s14 =	sadd.s32 $0x1, s14;
	_ =	swait.ge [sflag:s29], $0x3200  }
0x8e: {  	p4 =	sne.s32 s14, $0x5;
	[sflag:s29] =	ssyncset.done $0x0  }
.Ltmp4:
0x8f: {  	[sflag:s29] =	ssyncadd.s32 $0xFFFFCE00;
	(pc) =	sbr.rel @p4 .LBB2_2-.Ltmp4, $4  }
0x90: {  	[spmem:s1] =	stream.indirect.scatter.add.f32 [tilespmem:s25], [sflag:$0x4], $0x80, s3, s22, $0xb8;
	[tilespmem:$0x1C880] =	vst v63  }
0x91: {  	_ =	swait.ge [sflag:s31], $0x3200  }
0x92: {  	[sflag:s31] =	ssyncset.done $0x0  }
0x93: {  	[sflag:s31] =	ssyncadd.s32 $0xFFFFCE00  }
.LBB2_5:
.Ltmp5:
0x94: {  	(pc) =	sbr.rel @!p1 .LBB2_9-.Ltmp5, $2  }
0x95: {  	_ =	sdelay $0x2  }
0x96: {  	s14 =	simm.s32 $0x0  }
.LBB2_6:
0x97: {  	s15 =	smul.u32 $0x28, s14;
	_ =	sdelay $0x1  }
0x98: {  	s15 =	sadd.s32 s11, s15  }
0x99: {  	s15 =	sshll.u32 s15, $0x4  }
0x9a: {  	s16 =	sadd.s32 s6, s15  }
0x9b: {  	[tilespmem:s2], [sflag:$0x1] =	stream.linear.gather [hbm4b:s16+s2], $0x1400, $0x38;
	[tilespmem:$0x1C880] =	vst v63  }
0x9c: {  	s15 =	sadd.s32 s7, s15  }
0x9d: {  	[tilespmem:s20], [sflag:$0x1] =	stream.linear.gather [hbm4b:s15+s2], $0x1400, $0x38;
	[tilespmem:$0x1C880] =	vst v63  }
0x9e: {  	_ =	swait.ge [sflag:s21], $0x1400  }
0x9f: {  	[sflag:s21] =	ssyncset.done $0x0  }
0xa0: {  	[sflag:s21] =	ssyncadd.s32 $0xFFFFEC00  }
0xa1: {  	_ =	swait.ge [sflag:s21], $0x1400  }
0xa2: {  	[sflag:s21] =	ssyncset.done $0x0  }
0xa3: {  	[sflag:s21] =	ssyncadd.s32 $0xFFFFEC00  }
0xa4: {  	[tilespmem:s23], [sflag:$0x1] =	stream.indirect.gather [hbm4b:s5+s22], $0x80, s2, s22, $0xb8;
	[tilespmem:$0x1C880] =	vst v63  }
0xa5: {  	_ = 	snop  }
0xa6: {  	[tilespmem:s25], [sflag:$0x2] =	stream.indirect.gather [hbm4b:s5+s22], $0x80, s24, s22, $0xb8;
	[tilespmem:$0x1C880] =	vst v63  }
0xa7: {  	_ =	swait.ge [sflag:s21], $0x3200  }
0xa8: {  	[sflag:s21] =	ssyncset.done $0x0  }
0xa9: {  	[sflag:s21] =	ssyncadd.s32 $0xFFFFCE00  }
0xaa: {  	[spmem:s1] =	stream.indirect.scatter.add.f32 [tilespmem:s23], [sflag:$0x3], $0x80, s20, s22, $0xb8;
	[tilespmem:$0x1C880] =	vst v63  }
0xab: {  	_ =	swait.ge [sflag:s26], $0x3200  }
0xac: {  	[sflag:s26] =	ssyncset.done $0x0  }
0xad: {  	[sflag:s26] =	ssyncadd.s32 $0xFFFFCE00  }
0xae: {  	[tilespmem:s23], [sflag:$0x1] =	stream.indirect.gather [hbm4b:s5+s22], $0x80, s28, s22, $0xb8;
	[tilespmem:$0x1C880] =	vst v63  }
0xaf: {  	_ =	swait.ge [sflag:s29], $0x3200  }
0xb0: {  	[sflag:s29] =	ssyncset.done $0x0  }
0xb1: {  	[sflag:s29] =	ssyncadd.s32 $0xFFFFCE00  }
0xb2: {  	[spmem:s1] =	stream.indirect.scatter.add.f32 [tilespmem:s25], [sflag:$0x4], $0x80, s30, s22, $0xb8;
	[tilespmem:$0x1C880] =	vst v63  }
0xb3: {  	_ =	swait.ge [sflag:s31], $0x3200  }
0xb4: {  	[sflag:s31] =	ssyncset.done $0x0  }
0xb5: {  	s17 =	simm.s32 $0x180;
	[sflag:s31] =	ssyncadd.s32 $0xFFFFCE00  }
0xb6: {  	[tilespmem:s25], [sflag:$0x2] =	stream.indirect.gather [hbm4b:s5+s22], $0x80, s17, s22, $0xb8;
	[tilespmem:$0x1C880] =	vst v63  }
0xb7: {  	_ =	swait.ge [sflag:s21], $0x3200  }
0xb8: {  	[sflag:s21] =	ssyncset.done $0x0  }
0xb9: {  	s16 =	simm.s32 $0x1500;
	[sflag:s21] =	ssyncadd.s32 $0xFFFFCE00  }
0xba: {  	[spmem:s1] =	stream.indirect.scatter.add.f32 [tilespmem:s23], [sflag:$0x3], $0x80, s16, s22, $0xb8;
	[tilespmem:$0x1C880] =	vst v63  }
0xbb: {  	_ =	swait.ge [sflag:s26], $0x3200  }
0xbc: {  	[sflag:s26] =	ssyncset.done $0x0  }
0xbd: {  	s17 =	simm.s32 $0x200;
	[sflag:s26] =	ssyncadd.s32 $0xFFFFCE00  }
0xbe: {  	[tilespmem:s23], [sflag:$0x1] =	stream.indirect.gather [hbm4b:s5+s22], $0x80, s17, s22, $0xb8;
	[tilespmem:$0x1C880] =	vst v63  }
0xbf: {  	_ =	swait.ge [sflag:s29], $0x3200  }
0xc0: {  	[sflag:s29] =	ssyncset.done $0x0  }
0xc1: {  	s15 =	simm.s32 $0xFFFFBC00;
	s16 =	simm.s32 $0x1580;
	[sflag:s29] =	ssyncadd.s32 $0xFFFFCE00  }
.LBB2_7:
0xc2: {  	[spmem:s1] =	stream.indirect.scatter.add.f32 [tilespmem:s25], [sflag:$0x4], $0x80, s16, s22, $0xb8;
	[tilespmem:$0x1C880] =	vst v63  }
0xc3: {  	s16 =	smov.u32 s15  }
0xc4: {  	p4 =	sne.s32 s15, $0xFFFFFC00;
	s15 =	sadd.s32 $0x400, s15;
	_ =	swait.ge [sflag:s31], $0x3200  }
0xc5: {  	s16 =	sshra.s32 s16, $0x2;
	[sflag:s31] =	ssyncset.done $0x0  }
0xc6: {  	s17 =	sadd.s32 $0x1380, s16;
	[sflag:s31] =	ssyncadd.s32 $0xFFFFCE00  }
0xc7: {  	[tilespmem:s25], [sflag:$0x2] =	stream.indirect.gather [hbm4b:s5+s22], $0x80, s17, s22, $0xb8;
	[tilespmem:$0x1C880] =	vst v63  }
0xc8: {  	_ =	swait.ge [sflag:s21], $0x3200  }
0xc9: {  	[sflag:s21] =	ssyncset.done $0x0  }
0xca: {  	s17 =	sadd.s32 $0x2700, s16;
	[sflag:s21] =	ssyncadd.s32 $0xFFFFCE00  }
0xcb: {  	[spmem:s1] =	stream.indirect.scatter.add.f32 [tilespmem:s23], [sflag:$0x3], $0x80, s17, s22, $0xb8;
	[tilespmem:$0x1C880] =	vst v63  }
0xcc: {  	_ =	swait.ge [sflag:s26], $0x3200  }
0xcd: {  	[sflag:s26] =	ssyncset.done $0x0  }
.Ltmp6:
0xce: {  	s17 =	sadd.s32 $0x1400, s16;
	[sflag:s26] =	ssyncadd.s32 $0xFFFFCE00;
	(pc) =	sbr.rel @p4 .LBB2_7-.Ltmp6, $4  }
0xcf: {  	[tilespmem:s23], [sflag:$0x1] =	stream.indirect.gather [hbm4b:s5+s22], $0x80, s17, s22, $0xb8;
	[tilespmem:$0x1C880] =	vst v63  }
0xd0: {  	_ =	swait.ge [sflag:s29], $0x3200  }
0xd1: {  	[sflag:s29] =	ssyncset.done $0x0  }
0xd2: {  	s16 =	sadd.s32 $0x2780, s16;
	[sflag:s29] =	ssyncadd.s32 $0xFFFFCE00  }
0xd3: {  	[spmem:s1] =	stream.indirect.scatter.add.f32 [tilespmem:s25], [sflag:$0x4], $0x80, s16, s22, $0xb8;
	[tilespmem:$0x1C880] =	vst v63  }
0xd4: {  	_ =	swait.ge [sflag:s31], $0x3200  }
0xd5: {  	[sflag:s31] =	ssyncset.done $0x0  }
0xd6: {  	[sflag:s31] =	ssyncadd.s32 $0xFFFFCE00  }
0xd7: {  	[tilespmem:s25], [sflag:$0x2] =	stream.indirect.gather [hbm4b:s5+s22], $0x80, s0, s22, $0xb8;
	[tilespmem:$0x1C880] =	vst v63  }
0xd8: {  	_ =	swait.ge [sflag:s21], $0x3200  }
0xd9: {  	[sflag:s21] =	ssyncset.done $0x0  }
0xda: {  	[sflag:s21] =	ssyncadd.s32 $0xFFFFCE00  }
0xdb: {  	[spmem:s1] =	stream.indirect.scatter.add.f32 [tilespmem:s23], [sflag:$0x3], $0x80, s12, s22, $0xb8;
	[tilespmem:$0x1C880] =	vst v63  }
0xdc: {  	_ =	swait.ge [sflag:s26], $0x3200  }
0xdd: {  	[sflag:s26] =	ssyncset.done $0x0  }
0xde: {  	[sflag:s26] =	ssyncadd.s32 $0xFFFFCE00  }
0xdf: {  	_ =	swait.ge [sflag:s29], $0x3200  }
0xe0: {  	s14 =	sadd.s32 $0x1, s14;
	[sflag:s29] =	ssyncset.done $0x0  }
0xe1: {  	p4 =	sne.s32 s14, $0x5;
	[sflag:s29] =	ssyncadd.s32 $0xFFFFCE00  }
0xe2: {  	[spmem:s1] =	stream.indirect.scatter.add.f32 [tilespmem:s25], [sflag:$0x4], $0x80, s3, s22, $0xb8;
	[tilespmem:$0x1C880] =	vst v63  }
.Ltmp7:
0xe3: {  	_ = 	snop;
	(pc) =	sbr.rel @p4 .LBB2_6-.Ltmp7, $4  }
.Ltmp8:
0xe4: {  	_ = 	snop;
	(pc) =	sbr.rel @!p4 .LBB2_9-.Ltmp8, $4  }
0xe5: {  	_ =	swait.ge [sflag:s31], $0x3200  }
0xe6: {  	[sflag:s31] =	ssyncset.done $0x0  }
0xe7: {  	[sflag:s31] =	ssyncadd.s32 $0xFFFFCE00  }
0xe8: {  	_ = 	snop  }
.LBB2_10:
0xe9: {  	_ =	sfence.sel $0x180000  }
0xea: {  	[bflag:$0x0] =	sbarrier.arrive $0xFFFF  }
0xeb: {  	_ =	strace $0x9000004D  }
0xec: {  	[bflag:$0x2] =	sbarrier.arrive $0xFFFF  }
0xed: {  	p0 =	sne.s32 s16, $0x0;
	s0 =	rddreg [dreg:$0x2]  }
0xee: {  	s0 =	sadd.s32 @!p0 $0x100000, s0  }
0xef: {  	[sflag:s0] =	ssyncadd.tile.s32 @!p0 $0x1;
	_ =	shalt  }
.Lfunc_end2:
_tile_overlayer_lowered:
.L_overlay_start_2:
0xf0: {  	(tag) =	ssettag $0x2  }
0xf1: {  	s0 =	rddreg [dreg:$0x0];
	s2 =	stileid.u32  }
0xf2: {  	s1 =	rddreg [dreg:$0x1];
	p0 =	sne.s32 s2, $0x0  }
0xf3: {  	s3 =	rddreg [dreg:$0x2];
	[bflag:$0x3] =	sbarrier.arrive $0xFFFF;
	s2 =	simm.s32 @!p0 $0x1C05  }
0xf4: {  	[timem:s3], [sflag:s2] =	dma.local @!p0 [hbm:s0], s1  }
0xf5: {  	s0 =	simm.s32 @!p0 $0x5  }
0xf6: {  	_ =	swait.ge @!p0 [sflag:s0], s1  }
0xf7: {  	s1 =	ssub.s32 @!p0 $0x0, s1;
	[sflag:s0] =	ssyncset.done @!p0 $0x0  }
0xf8: {  	[sflag:s0] =	ssyncadd.s32 @!p0 s1  }
0xf9: {  	[bflag:$0x3] =	sbarrier.arrive $0xFFFF  }
0xfa: {  	_ =	shalt  }

// kernel: kernel.19.cloned.1.call-start
scs
__scs_entry_jumppad:
0x0: {  	(pc) =	sbr.rel $0x88, $3  }
0x1: {  	(tag) =	ssettag $0x0;
	lr =	simm.s32 $0x1  }
0x2: {  	[smem:$0x3F92] =	sst lr;
	_ =	strace $0xD0000000  }
0x3: {  	_ = 	snop  }
0x4: {  	_ = 	snop  }
0x5: {  	_ = 	snop  }
0x6: {  	_ = 	snop  }
0x7: {  	_ = 	snop  }
__scs_overlays_trampoline_lowered:
0x8: {  	[smem:$0x3FA1] =	sst s0  }
0x9: {  	[smem:$0x3FA2] =	sst s1  }
0xa: {  	[smem:$0x3FA3] =	sst s2  }
0xb: {  	[smem:$0x3FA4] =	sst s3  }
0xc: {  	[smem:$0x3FA5] =	sst s4  }
0xd: {  	[smem:$0x3FA6] =	sst s5  }
0xe: {  	[smem:$0x3FA7] =	sst s6  }
0xf: {  	[smem:$0x3FA8] =	sst s7  }
0x10: {  	[smem:$0x3FA9] =	sst s8  }
0x11: {  	[smem:$0x3FAA] =	sst s9;
	s0 =	simm.s32 @!p0 $0x0  }
0x12: {  	s1 =	sld [smem:$0x3F90];
	s0 =	simm.s32 @p0 $0x1  }
0x13: {  	[smem:$0x3FAB] =	sst s0;
	s0 =	simm.s32 @!p1 $0x0  }
0x14: {  	s2 =	sld [smem:$0x3F8F];
	s0 =	simm.s32 @p1 $0x1  }
0x15: {  	[smem:$0x3FAC] =	sst s0;
	s0 =	simm.s32 @!p2 $0x0  }
0x16: {  	s3 =	sld [smem:$0x3FDB];
	s0 =	simm.s32 @p2 $0x1  }
0x17: {  	s4 =	simm.s32 $0x1BF5;
	[smem:$0x3FAE] =	sst s0  }
0x18: {  	s0 =	sld [smem:$0x3F91];
	_ =	swait.ge [sflag:s4], $0x0  }
0x19: {  	s7 =	sld [smem:$0x3F92]  }
0x1a: {  	s8 =	sadd.s32 $0xFFFFE003, lr  }
0x1b: {  	s9 =	sadd.s32 $0xFFFFFEF7, lr;
	s5 =	simm.s32 $0xFFFFFFFF;
	p2 =	slt.u32 s8, $0xFFFFF086  }
0x1c: {  	p1 =	slt.u32 s9, $0xF7A;
	s5 =	simm.s32 @!p2 $0x0  }
0x1d: {  	s5 =	simm.s32 @p1 $0x1;
	p0 =	seq.s32 s7, s2  }
0x1e: {  	s7 =	smul.u32 @!p0 $0xF7A, s2;
	p2 =	seq.s32 @!p0 s5, $0x0  }
0x1f: {  	s9 =	smul.u32 $0xF7A, s1;
	s8 =	simm.s32 @!p0 $0x1BF5;
	p2 =	por !p2, p0  }
0x20: {  	[sflag:s8] =	ssyncset.s32 @!p0 $0xFFFFF086;
	s6 =	sadd.s32 @!p0 s3, s7;
	s7 =	simm.s32 @!p0 $0x108  }
0x21: {  	s3 =	sadd.s32 s3, s9;
	s6 =	sadd.s32 @!p0 $0x88, s6;
	s7 =	simm.s32 @p2 $0x1082  }
0x22: {  	[simem:s7], [sflag:s8] =	dma.local @!p0 [hbm:s6], $0xF7A  }
0x23: {  	s9 =	sor.u32 $0xD0000000, s2;
	s6 =	simm.s32 $0x108;
	_ =	swait.ge @!p0 [sflag:s8], $0x0  }
0x24: {  	s3 =	sadd.s32 $0x88, s3;
	s6 =	simm.s32 @!p1 $0x1082;
	[sflag:s4] =	ssyncset.s32 $0xFFFFF086  }
0x25: {  	[simem:s6], [sflag:s4] =	dma.local [hbm:s3], $0xF7A  }
0x26: {  	[smem:$0x3F92] =	sst s1;
	(tag) =	ssettag s2;
	_ =	strace s9  }
0x27: {  	s1 =	sld [smem:$0x3FA2]  }
0x28: {  	s2 =	sld [smem:$0x3FA3]  }
0x29: {  	s4 =	sld [smem:$0x3FA5]  }
0x2a: {  	p0 =	seq.s32 s5, $0x0;
	s5 =	sld [smem:$0x3FA6]  }
0x2b: {  	s6 =	sld [smem:$0x3FA7]  }
0x2c: {  	s7 =	sld [smem:$0x3FA8]  }
0x2d: {  	s3 =	simm.s32 $0x108;
	s8 =	sld [smem:$0x3FA9]  }
0x2e: {  	s3 =	simm.s32 @!p0 $0x1082;
	s9 =	sld [smem:$0x3FAA]  }
0x2f: {  	lr =	sadd.s32 s0, s3;
	s0 =	sld [smem:$0x3FA1]  }
0x30: {  	s3 =	sld [smem:$0x3FA4]  }
0x31: {  	[smem:$0x3FAD] =	sst s10  }
0x32: {  	s10 =	sld [smem:$0x3FAB];
	_ =	sdelay $0x3  }
0x33: {  	p0 =	seq.s32 s10, $0x1;
	s10 =	sld [smem:$0x3FAD];
	_ =	sdelay $0x3  }
0x34: {  	[smem:$0x3FAD] =	sst s10  }
0x35: {  	s10 =	sld [smem:$0x3FAC];
	_ =	sdelay $0x3  }
0x36: {  	p1 =	seq.s32 s10, $0x1;
	s10 =	sld [smem:$0x3FAD];
	_ =	sdelay $0x3  }
0x37: {  	[smem:$0x3FAD] =	sst s10  }
0x38: {  	s10 =	sld [smem:$0x3FAE]  }
0x39: {  	_ = 	snop;
	(pc) =	sbr.ind lr, $3  }
0x3a: {  	_ = 	snop  }
0x3b: {  	_ = 	snop  }
0x3c: {  	p2 =	seq.s32 s10, $0x1;
	s10 =	sld [smem:$0x3FAD]  }
0x3d: {  	_ =	shalt  }
0x3e: {  	_ =	shalt  }
0x3f: {  	_ =	shalt  }
0x40: {  	_ =	shalt  }
0x41: {  	_ =	shalt  }
0x42: {  	_ =	shalt  }
0x43: {  	_ =	shalt  }
0x44: {  	_ =	shalt  }
0x45: {  	_ =	shalt  }
0x46: {  	_ =	shalt  }
0x47: {  	_ =	shalt  }
0x48: {  	_ =	shalt  }
0x49: {  	_ =	shalt  }
0x4a: {  	_ =	shalt  }
0x4b: {  	_ =	shalt  }
0x4c: {  	_ =	shalt  }
0x4d: {  	_ =	shalt  }
0x4e: {  	_ =	shalt  }
0x4f: {  	_ =	shalt  }
0x50: {  	_ =	shalt  }
0x51: {  	_ =	shalt  }
0x52: {  	_ =	shalt  }
0x53: {  	_ =	shalt  }
0x54: {  	_ =	shalt  }
0x55: {  	_ =	shalt  }
0x56: {  	_ =	shalt  }
0x57: {  	_ =	shalt  }
0x58: {  	_ =	shalt  }
0x59: {  	_ =	shalt  }
0x5a: {  	_ =	shalt  }
0x5b: {  	_ =	shalt  }
0x5c: {  	_ =	shalt  }
0x5d: {  	_ =	shalt  }
0x5e: {  	_ =	shalt  }
0x5f: {  	_ =	shalt  }
0x60: {  	_ =	shalt  }
0x61: {  	_ =	shalt  }
0x62: {  	_ =	shalt  }
0x63: {  	_ =	shalt  }
0x64: {  	_ =	shalt  }
0x65: {  	_ =	shalt  }
0x66: {  	_ =	shalt  }
0x67: {  	_ =	shalt  }
0x68: {  	_ =	shalt  }
0x69: {  	_ =	shalt  }
0x6a: {  	_ =	shalt  }
0x6b: {  	_ =	shalt  }
0x6c: {  	_ =	shalt  }
0x6d: {  	_ =	shalt  }
0x6e: {  	_ =	shalt  }
0x6f: {  	_ =	shalt  }
0x70: {  	_ =	shalt  }
0x71: {  	_ =	shalt  }
0x72: {  	_ =	shalt  }
0x73: {  	_ =	shalt  }
0x74: {  	_ =	shalt  }
0x75: {  	_ =	shalt  }
0x76: {  	_ =	shalt  }
0x77: {  	_ =	shalt  }
0x78: {  	_ =	shalt  }
0x79: {  	_ =	shalt  }
0x7a: {  	_ =	shalt  }
0x7b: {  	_ =	shalt  }
0x7c: {  	_ =	shalt  }
0x7d: {  	_ =	shalt  }
0x7e: {  	_ =	shalt  }
0x7f: {  	_ =	shalt  }
0x80: {  	_ =	shalt  }
0x81: {  	_ =	shalt  }
0x82: {  	_ =	shalt  }
0x83: {  	_ =	shalt  }
0x84: {  	_ =	shalt  }
0x85: {  	_ =	shalt  }
0x86: {  	_ =	shalt  }
0x87: {  	_ =	shalt  }
.Lfunc_end0:
.L_simem_size_0:
called_computation.3_lowered:
.L_overlay_start_0:
0x88: {  	s2 =	sld [smem:$0x3FD9]  }
0x89: {  	s3 =	sld [smem:$0x3FFE];
	_ =	sdelay $0x1  }
0x8a: {  	s1 =	srdreg.scid  }
0x8b: {  	s0 =	sand.u32 $0x1, s1  }
0x8c: {  	s16 =	sshll.u32 s0, $0xA;
	s2 =	sadd.s32 s3, s2  }
0x8d: {  	s2 =	sadd.s32 s2, s16  }
0x8e: {  	[smem:$0x3FB9] =	sst s2  }
0x8f: {  	_ = 	snop  }
0x90: {  	(tm) =	ssettm $0x1  }
0x91: {  	s17 =	sld [smem:$0x3FFB];
	_ =	sdelay $0x3  }
0x92: {  	_ =	strace s17  }
0x93: {  	s2 =	sld [smem:$0x3FFC];
	_ =	sdelay $0x3  }
0x94: {  	_ =	strace s2  }
0x95: {  	s2 =	sld [smem:$0x3FFD];
	_ =	sdelay $0x3  }
0x96: {  	_ =	strace s2  }
0x97: {  	_ =	strace $0x8FFFFFFF  }
0x98: {  	s18 =	sld [smem:$0x3FDB];
	_ =	sdelay $0x1  }
0x99: {  	s19 =	simm.s32 $_scs_section_size  }
0x9a: {  	s4 =	simm.s32 $_size__tile_overlayer_lowered;
	s5 =	simm.s32 $_tile_overlayer_lowered  }
0x9b: {  	s22 =	simm.s32 $0x1BFF;
	s21 =	sshll.u32 s5, $0x1;
	s2 =	sadd.s32 s19, s18  }
0x9c: {  	s6 =	simm.s32 $0x0;
	s20 =	sshll.u32 s4, $0x1;
	s4 =	sadd.s32 s21, s2  }
0x9d: {  	[timem:s6], [sflag:s22] =	dma.local [hbm:s4], s20  }
0x9e: {  	_ =	swait.ge [sflag:s22], s20  }
0x9f: {  	s3 =	ssub.s32 $0x0, s20;
	[sflag:s22] =	ssyncset.done $0x0  }
0xa0: {  	[sflag:s22] =	ssyncadd.s32 s3;
	_ =	sdelay $0x1  }
0xa1: {  	s23 =	simm.s32 $0x1B8B  }
0xa2: {  	_ =	swait.ge [sflag:s23], $0x1  }
0xa3: {  	[sflag:s23] =	ssyncset.done $0x0  }
0xa4: {  	s25 =	simm.s32 $0x1B8E;
	s24 =	sld [smem:$0x3FFE];
	[sflag:s23] =	ssyncadd.s32 $0xFFFFFFFF  }
0xa5: {  	s26 =	simm.s32 $execute0_lowered;
	[smem:$0x3FD2] =	sst s25  }
0xa6: {  	s4 =	sshll.u32 s26, $0x1;
	_ =	strace $0x8000004F;
	[dreg:$0x1] =	wrdreg $0xFFFFFFFF  }
0xa7: {  	s28 =	simm.s32 $_size_execute0_lowered;
	s2 =	sadd.s32 s2, s4;
	[dreg:$0x0] =	wrdreg $0x0  }
0xa8: {  	s4 =	sshll.u32 s28, $0x1;
	[dreg:$0x2] =	wrdreg s2  }
0xa9: {  	[dreg:$0x3] =	wrdreg s4  }
0xaa: {  	[dreg:$0x4] =	wrdreg $0xC0  }
0xab: {  	_ =	task [dreg:s6], $0x5FFFF  }
0xac: {  	[dreg:$0x1] =	wrdreg $0xFFFFFFFF  }
0xad: {  	[dreg:$0x0] =	wrdreg $0x60  }
0xae: {  	[dreg:$0x2] =	wrdreg s24  }
0xaf: {  	[dreg:$0x3] =	wrdreg $0x90000  }
0xb0: {  	[dreg:$0x4] =	wrdreg $0x9  }
0xb1: {  	_ =	task.clear_ibuf [dreg:s6], $0x5FFFF;
	_ =	strace $0x9000004F  }
0xb2: {  	s29 =	simm.s32 $0x9;
	_ =	strace $0x80000051  }
0xb3: {  	_ =	swait.ge [sflag:s29], $0x1  }
0xb4: {  	[sflag:s29] =	ssyncadd.s32 $0xFFFFFFFF  }
0xb5: {  	_ =	strace $0x90000051  }
0xb6: {  	_ =	sfence  }
0xb7: {  	s30 =	sld [smem:$0x0];
	_ =	sdelay $0x2  }
0xb8: {  	s31 =	sshll.u32 s1, $0xD;
	s1 =	sshrl.u32 s1, $0x2  }
0xb9: {  	s3 =	sand.u32 $0x4000, s31;
	s1 =	sadd.s32 s1, s30  }
0xba: {  	s0 =	sor.u32 s3, s0;
	s1 =	sshll.u32 s1, $0x11  }
0xbb: {  	s0 =	sor.u32 s1, s0  }
0xbc: {  	s0 =	sadd.s32 $0x8F2B, s0  }
0xbd: {  	[sflag:s0] =	ssyncadd.remote.s32 $0x1  }
0xbe: {  	_ =	sfence.sel $0xFFFF  }
0xbf: {  	[dreg:$0x0] =	wrdreg $0xFFFFFFFF;
	(pc) =	sbr.abs _section_cstart, $3  }
0xc0: {  	[dreg:$0x1] =	wrdreg $0xFFFFFFFF  }
0xc1: {  	_ =	task.clear_ibuf [dreg:s6], $0x2FFFF;
	_ =	strace $0x9FFFFFFF  }
0xc2: {  	(tm) =	ssettm $0x7FFFFFFF  }
0xc3: {  	_ =	shalt  }
tec
execute0_lowered:
.L_overlay_start_1:
0x0: {  	(tag) =	ssettag $0x1  }
0x1: {  	s0 =	rddreg [dreg:$0x0]  }
0x2: {  	s1 =	rddreg [dreg:$0x1];
	s2 =	simm.s32 $0x0;
	s14 =	stileid.u32  }
0x3: {  	s3 =	srdreg.scid;
	s20 =	simm.s32 $0x1400;
	s21 =	simm.s32 $0x1  }
0x4: {  	s22 =	simm.s32 $0x64;
	s28 =	simm.s32 $0x100;
	s29 =	simm.s32 $0x2  }
0x5: {  	s30 =	simm.s32 $0x1480;
	s31 =	simm.s32 $0x4;
	[smem:$0x7FF] =	sst s2  }
0x6: {  	s4 =	sadd.s32 $0x14C00, s0;
	s5 =	sadd.s32 $0x63000, s0;
	s6 =	sadd.s32 $0xD1000, s0  }
0x7: {  	s9 =	smul.u32 $0x2780, s14;
	s7 =	sadd.s32 $0x5C00, s0;
	s8 =	sadd.s32 $0x12400, s0  }
0x8: {  	s11 =	smul.u32 $0x4F000, s14;
	p0 =	seq.s32 s14, $0xF;
	p4 =	sne.s32 s14, $0xF  }
0x9: {  	s3 =	sand.u32 $0x1, s3;
	s25 =	sadd.s32 $0x177C80, s0;
	_ =	strace $0x80000050  }
0xa: {  	s10 =	ssub.s32 $0x2, s3;
	p3 =	seq.s32 s3, $0x0;
	p1 =	seq.s32 s3, $0x1  }
0xb: {  	[dreg:$0x4] =	wrdreg s25;
	p6 =	sne.s32 s3, $0x0;
	s25 =	simm.s32 $0x5C00  }
0xc: {  	s3 =	simm.s32 $0x2780;
	s12 =	sadd.s32 s9, s0;
	s23 =	sshrl.u32 s10, $0x1  }
0xd: {  	s9 =	sadd.s32 $0x128400, s1;
	s24 =	sshrl.u32 s11, $0x2;
	s11 =	smul.u32 $0xC8, s14  }
0xe: {  	p2 =	por !p3, !p4;
	p3 =	por !p3, !p0;
	p4 =	por !p4, !p1  }
0xf: {  	p5 =	por !p1, !p0;
	s0 =	sadd.s32 $0x150A80, s0;
	s13 =	ssub.s32 s10, s23  }
0x10: {  	s10 =	sadd.s32 s24, s1;
	p2 =	por !p2, !p2;
	p3 =	por !p3, !p3  }
0x11: {  	s15 =	sadd.s32 $0x12BA00, s12;
	p4 =	por !p4, !p4;
	[dreg:$0x6] =	wrdreg s0  }
0x12: {  	p5 =	por !p5, !p5;
	s12 =	sadd.s32 $0x152C00, s12;
	[dreg:$0x3] =	wrdreg s15  }
0x13: {  	s0 =	sshrl.u32 @p0 s9, $0x3;
	s23 =	simm.s32 $0x2800;
	[dreg:$0x5] =	wrdreg s12  }
0x14: {  	s24 =	simm.s32 $0x80;
	s26 =	smax.u32 s13, $0x1;
	[dreg:$0x8] =	wrdreg s0  }
.Ltmp0:
0x15: {  	s0 =	sshll.u32 @!p0 s14, $0x6;
	s19 =	sshrl.u32 @!p0 s10, $0x3;
	(pc) =	sbr.rel .LBB2_1-.Ltmp0, $4  }
0x16: {  	p5 =	por @!p3 !p5, p4;
	s12 =	simm.s32 $0x2700;
	s13 =	simm.s32 $0x0  }
0x17: {  	[dreg:$0x7] =	wrdreg s26;
	s18 =	sor.u32 @!p0 $0x1C05, s0;
	s0 =	simm.s32 @!p6 $0x0  }
0x18: {  	p5 =	por p5, p3;
	s26 =	simm.s32 $0x3;
	s0 =	simm.s32 @p6 $0x1  }
0x19: {  	p6 =	por !p4, p3;
	[smem:$0x7FD] =	sst s0;
	s0 =	simm.s32 $0x1380  }
.LBB2_9:
0x1a: {  	s17 =	stileid.u32  }
0x1b: {  	[bflag:$0x0] =	sbarrier.arrive $0xFFFF;
	s14 =	sshll.u32 @p2 s17, $0x6  }
0x1c: {  	s15 =	sshrl.u32 @p2 s10, $0x3;
	s16 =	rddreg [dreg:$0x3];
	s14 =	sor.u32 @p2 $0x1C05, s14  }
0x1d: {  	[hbm:s16], [sflag:s14] =	dma.local @p2 [spmem:s15], $0x2780  }
0x1e: {  	s14 =	simm.s32 @p2 $0x5  }
0x1f: {  	_ =	swait.ge @p2 [sflag:s14], $0x2780  }
0x20: {  	s15 =	simm.s32 @!p5 $0x1FC5;
	[sflag:s14] =	ssyncset.done @p2 $0x0  }
0x21: {  	s16 =	rddreg [dreg:$0x4];
	[sflag:s14] =	ssyncadd.s32 @p2 $0xFFFFD880;
	s14 =	sshrl.u32 @!p5 s9, $0x3  }
0x22: {  	[hbm:s16], [sflag:s15] =	dma.local @!p5 [spmem:s14], $0x2080  }
0x23: {  	s14 =	simm.s32 @!p5 $0x5  }
0x24: {  	_ =	swait.ge @!p5 [sflag:s14], $0x2080  }
0x25: {  	s15 =	sshll.u32 @!p6 s17, $0x6;
	[sflag:s14] =	ssyncset.done @!p5 $0x0;
	s17 =	rddreg [dreg:$0x5]  }
0x26: {  	[sflag:s14] =	ssyncadd.s32 @!p5 $0xFFFFDF80;
	s14 =	sor.u32 @!p6 $0x1C05, s15;
	s15 =	sshrl.u32 @!p6 s10, $0x3  }
0x27: {  	[hbm:s17], [sflag:s14] =	dma.local @!p6 [spmem:s15], $0x2780  }
0x28: {  	s14 =	simm.s32 @!p6 $0x5  }
0x29: {  	_ =	swait.ge @!p6 [sflag:s14], $0x2780  }
0x2a: {  	s15 =	simm.s32 @p3 $0x1FC5;
	[sflag:s14] =	ssyncset.done @!p6 $0x0  }
0x2b: {  	s17 =	rddreg [dreg:$0x6];
	[sflag:s14] =	ssyncadd.s32 @!p6 $0xFFFFD880;
	s14 =	sshrl.u32 @p3 s9, $0x3  }
0x2c: {  	[hbm:s17], [sflag:s15] =	dma.local @p3 [spmem:s14], $0x2080  }
0x2d: {  	s14 =	simm.s32 @p3 $0x5  }
0x2e: {  	_ =	swait.ge @p3 [sflag:s14], $0x2080  }
0x2f: {  	s13 =	sadd.s32 $0x1, s13;
	s17 =	rddreg [dreg:$0x7]  }
0x30: {  	p4 =	sne.s32 s13, s17  }
.Ltmp1:
0x31: {  	_ = 	snop;
	(pc) =	sbr.rel @!p4 .LBB2_10-.Ltmp1, $3  }
0x32: {  	_ =	sdelay $0x1  }
0x33: {  	[sflag:s14] =	ssyncset.done @p3 $0x0  }
0x34: {  	s16 =	stileid.u32;
	[sflag:s14] =	ssyncadd.s32 @p3 $0xFFFFDF80  }
.LBB2_1:
0x35: {  	s14 =	simm.s32 @p0 $0x1FC5;
	s15 =	rddreg [dreg:$0x8]  }
0x36: {  	[spmem:s15], [sflag:s14] =	dma.local @p0 [hbm:s8], $0x2080  }
0x37: {  	s14 =	simm.s32 @p0 $0x5  }
0x38: {  	_ =	swait.ge @p0 [sflag:s14], $0x2080  }
0x39: {  	[sflag:s14] =	ssyncset.done @p0 $0x0  }
0x3a: {  	[sflag:s14] =	ssyncadd.s32 @p0 $0xFFFFDF80;
	s14 =	simm.s32 @!p0 $0x5  }
0x3b: {  	[spmem:s19], [sflag:s18] =	dma.local @!p0 [hbm:s8], $0x2780  }
0x3c: {  	_ =	swait.ge @!p0 [sflag:s14], $0x2780  }
0x3d: {  	[sflag:s14] =	ssyncset.done @!p0 $0x0  }
0x3e: {  	[sflag:s14] =	ssyncadd.s32 @!p0 $0xFFFFD880  }
0x3f: {  	[bflag:$0x0] =	sbarrier.arrive $0xFFFF  }
0x40: {  	s17 =	sld [smem:$0x7FD];
	_ =	sdelay $0x2  }
0x41: {  	p4 =	seq.s32 s17, $0x1  }
.Ltmp2:
0x42: {  	_ = 	snop;
	(pc) =	sbr.rel @p4 .LBB2_5-.Ltmp2, $2  }
0x43: {  	_ =	sdelay $0x2  }
0x44: {  	s14 =	simm.s32 $0x0  }
.LBB2_2:
0x45: {  	s15 =	smul.u32 $0x28, s14;
	_ =	sdelay $0x1  }
0x46: {  	s15 =	sadd.s32 s11, s15  }
0x47: {  	s15 =	sshll.u32 s15, $0x4  }
0x48: {  	s16 =	sadd.s32 s6, s15  }
0x49: {  	[tilespmem:s2], [sflag:$0x1] =	stream.linear.gather [hbm4b:s16+s2], $0x1400, $0x38;
	[tilespmem:$0x1C880] =	vst v63  }
0x4a: {  	s15 =	sadd.s32 s7, s15  }
0x4b: {  	[tilespmem:s20], [sflag:$0x1] =	stream.linear.gather [hbm4b:s15+s2], $0x1400, $0x38;
	[tilespmem:$0x1C880] =	vst v63  }
0x4c: {  	_ =	swait.ge [sflag:s21], $0x1400  }
0x4d: {  	[sflag:s21] =	ssyncset.done $0x0  }
0x4e: {  	[sflag:s21] =	ssyncadd.s32 $0xFFFFEC00  }
0x4f: {  	_ =	swait.ge [sflag:s21], $0x1400  }
0x50: {  	[sflag:s21] =	ssyncset.done $0x0  }
0x51: {  	[sflag:s21] =	ssyncadd.s32 $0xFFFFEC00  }
0x52: {  	[tilespmem:s23], [sflag:$0x1] =	stream.indirect.gather [hbm4b:s4+s22], $0x80, s2, s22, $0xb8;
	[tilespmem:$0x1C880] =	vst v63  }
0x53: {  	_ = 	snop  }
0x54: {  	[tilespmem:s25], [sflag:$0x2] =	stream.indirect.gather [hbm4b:s4+s22], $0x80, s24, s22, $0xb8;
	[tilespmem:$0x1C880] =	vst v63  }
0x55: {  	_ =	swait.ge [sflag:s21], $0x3200  }
0x56: {  	[sflag:s21] =	ssyncset.done $0x0  }
0x57: {  	[sflag:s21] =	ssyncadd.s32 $0xFFFFCE00  }
0x58: {  	[spmem:s1] =	stream.indirect.scatter.add.f32 [tilespmem:s23], [sflag:$0x3], $0x80, s20, s22, $0xb8;
	[tilespmem:$0x1C880] =	vst v63  }
0x59: {  	_ =	swait.ge [sflag:s26], $0x3200  }
0x5a: {  	[sflag:s26] =	ssyncset.done $0x0  }
0x5b: {  	[sflag:s26] =	ssyncadd.s32 $0xFFFFCE00  }
0x5c: {  	[tilespmem:s23], [sflag:$0x1] =	stream.indirect.gather [hbm4b:s4+s22], $0x80, s28, s22, $0xb8;
	[tilespmem:$0x1C880] =	vst v63  }
0x5d: {  	_ =	swait.ge [sflag:s29], $0x3200  }
0x5e: {  	[sflag:s29] =	ssyncset.done $0x0  }
0x5f: {  	[sflag:s29] =	ssyncadd.s32 $0xFFFFCE00  }
0x60: {  	[spmem:s1] =	stream.indirect.scatter.add.f32 [tilespmem:s25], [sflag:$0x4], $0x80, s30, s22, $0xb8;
	[tilespmem:$0x1C880] =	vst v63  }
0x61: {  	_ =	swait.ge [sflag:s31], $0x3200  }
0x62: {  	[sflag:s31] =	ssyncset.done $0x0  }
0x63: {  	s17 =	simm.s32 $0x180;
	[sflag:s31] =	ssyncadd.s32 $0xFFFFCE00  }
0x64: {  	[tilespmem:s25], [sflag:$0x2] =	stream.indirect.gather [hbm4b:s4+s22], $0x80, s17, s22, $0xb8;
	[tilespmem:$0x1C880] =	vst v63  }
0x65: {  	_ =	swait.ge [sflag:s21], $0x3200  }
0x66: {  	[sflag:s21] =	ssyncset.done $0x0  }
0x67: {  	s16 =	simm.s32 $0x1500;
	[sflag:s21] =	ssyncadd.s32 $0xFFFFCE00  }
0x68: {  	[spmem:s1] =	stream.indirect.scatter.add.f32 [tilespmem:s23], [sflag:$0x3], $0x80, s16, s22, $0xb8;
	[tilespmem:$0x1C880] =	vst v63  }
0x69: {  	_ =	swait.ge [sflag:s26], $0x3200  }
0x6a: {  	[sflag:s26] =	ssyncset.done $0x0  }
0x6b: {  	s17 =	simm.s32 $0x200;
	[sflag:s26] =	ssyncadd.s32 $0xFFFFCE00  }
0x6c: {  	[tilespmem:s23], [sflag:$0x1] =	stream.indirect.gather [hbm4b:s4+s22], $0x80, s17, s22, $0xb8;
	[tilespmem:$0x1C880] =	vst v63  }
0x6d: {  	_ =	swait.ge [sflag:s29], $0x3200  }
0x6e: {  	[sflag:s29] =	ssyncset.done $0x0  }
0x6f: {  	s15 =	simm.s32 $0xFFFFBC00;
	s16 =	simm.s32 $0x1580;
	[sflag:s29] =	ssyncadd.s32 $0xFFFFCE00  }
.LBB2_3:
0x70: {  	[spmem:s1] =	stream.indirect.scatter.add.f32 [tilespmem:s25], [sflag:$0x4], $0x80, s16, s22, $0xb8;
	[tilespmem:$0x1C880] =	vst v63  }
0x71: {  	s16 =	smov.u32 s15  }
0x72: {  	p4 =	sne.s32 s15, $0xFFFFFC00;
	s15 =	sadd.s32 $0x400, s15;
	_ =	swait.ge [sflag:s31], $0x3200  }
0x73: {  	s16 =	sshra.s32 s16, $0x2;
	[sflag:s31] =	ssyncset.done $0x0  }
0x74: {  	s17 =	sadd.s32 $0x1380, s16;
	[sflag:s31] =	ssyncadd.s32 $0xFFFFCE00  }
0x75: {  	[tilespmem:s25], [sflag:$0x2] =	stream.indirect.gather [hbm4b:s4+s22], $0x80, s17, s22, $0xb8;
	[tilespmem:$0x1C880] =	vst v63  }
0x76: {  	_ =	swait.ge [sflag:s21], $0x3200  }
0x77: {  	[sflag:s21] =	ssyncset.done $0x0  }
0x78: {  	s17 =	sadd.s32 $0x2700, s16;
	[sflag:s21] =	ssyncadd.s32 $0xFFFFCE00  }
0x79: {  	[spmem:s1] =	stream.indirect.scatter.add.f32 [tilespmem:s23], [sflag:$0x3], $0x80, s17, s22, $0xb8;
	[tilespmem:$0x1C880] =	vst v63  }
0x7a: {  	_ =	swait.ge [sflag:s26], $0x3200  }
0x7b: {  	[sflag:s26] =	ssyncset.done $0x0  }
.Ltmp3:
0x7c: {  	s17 =	sadd.s32 $0x1400, s16;
	[sflag:s26] =	ssyncadd.s32 $0xFFFFCE00;
	(pc) =	sbr.rel @p4 .LBB2_3-.Ltmp3, $4  }
0x7d: {  	[tilespmem:s23], [sflag:$0x1] =	stream.indirect.gather [hbm4b:s4+s22], $0x80, s17, s22, $0xb8;
	[tilespmem:$0x1C880] =	vst v63  }
0x7e: {  	_ =	swait.ge [sflag:s29], $0x3200  }
0x7f: {  	[sflag:s29] =	ssyncset.done $0x0  }
0x80: {  	s16 =	sadd.s32 $0x2780, s16;
	[sflag:s29] =	ssyncadd.s32 $0xFFFFCE00  }
0x81: {  	[spmem:s1] =	stream.indirect.scatter.add.f32 [tilespmem:s25], [sflag:$0x4], $0x80, s16, s22, $0xb8;
	[tilespmem:$0x1C880] =	vst v63  }
0x82: {  	_ =	swait.ge [sflag:s31], $0x3200  }
0x83: {  	[sflag:s31] =	ssyncset.done $0x0  }
0x84: {  	[sflag:s31] =	ssyncadd.s32 $0xFFFFCE00  }
0x85: {  	[tilespmem:s25], [sflag:$0x2] =	stream.indirect.gather [hbm4b:s4+s22], $0x80, s0, s22, $0xb8;
	[tilespmem:$0x1C880] =	vst v63  }
0x86: {  	_ =	swait.ge [sflag:s21], $0x3200  }
0x87: {  	[sflag:s21] =	ssyncset.done $0x0  }
0x88: {  	[sflag:s21] =	ssyncadd.s32 $0xFFFFCE00  }
0x89: {  	[spmem:s1] =	stream.indirect.scatter.add.f32 [tilespmem:s23], [sflag:$0x3], $0x80, s12, s22, $0xb8;
	[tilespmem:$0x1C880] =	vst v63  }
0x8a: {  	_ =	swait.ge [sflag:s26], $0x3200  }
0x8b: {  	[sflag:s26] =	ssyncset.done $0x0  }
0x8c: {  	[sflag:s26] =	ssyncadd.s32 $0xFFFFCE00  }
0x8d: {  	s14 =	sadd.s32 $0x1, s14;
	_ =	swait.ge [sflag:s29], $0x3200  }
0x8e: {  	p4 =	sne.s32 s14, $0x5;
	[sflag:s29] =	ssyncset.done $0x0  }
.Ltmp4:
0x8f: {  	[sflag:s29] =	ssyncadd.s32 $0xFFFFCE00;
	(pc) =	sbr.rel @p4 .LBB2_2-.Ltmp4, $4  }
0x90: {  	[spmem:s1] =	stream.indirect.scatter.add.f32 [tilespmem:s25], [sflag:$0x4], $0x80, s3, s22, $0xb8;
	[tilespmem:$0x1C880] =	vst v63  }
0x91: {  	_ =	swait.ge [sflag:s31], $0x3200  }
0x92: {  	[sflag:s31] =	ssyncset.done $0x0  }
0x93: {  	[sflag:s31] =	ssyncadd.s32 $0xFFFFCE00  }
.LBB2_5:
.Ltmp5:
0x94: {  	(pc) =	sbr.rel @!p1 .LBB2_9-.Ltmp5, $2  }
0x95: {  	_ =	sdelay $0x2  }
0x96: {  	s14 =	simm.s32 $0x0  }
.LBB2_6:
0x97: {  	s15 =	smul.u32 $0x28, s14;
	_ =	sdelay $0x1  }
0x98: {  	s15 =	sadd.s32 s11, s15  }
0x99: {  	s15 =	sshll.u32 s15, $0x4  }
0x9a: {  	s16 =	sadd.s32 s6, s15  }
0x9b: {  	[tilespmem:s2], [sflag:$0x1] =	stream.linear.gather [hbm4b:s16+s2], $0x1400, $0x38;
	[tilespmem:$0x1C880] =	vst v63  }
0x9c: {  	s15 =	sadd.s32 s7, s15  }
0x9d: {  	[tilespmem:s20], [sflag:$0x1] =	stream.linear.gather [hbm4b:s15+s2], $0x1400, $0x38;
	[tilespmem:$0x1C880] =	vst v63  }
0x9e: {  	_ =	swait.ge [sflag:s21], $0x1400  }
0x9f: {  	[sflag:s21] =	ssyncset.done $0x0  }
0xa0: {  	[sflag:s21] =	ssyncadd.s32 $0xFFFFEC00  }
0xa1: {  	_ =	swait.ge [sflag:s21], $0x1400  }
0xa2: {  	[sflag:s21] =	ssyncset.done $0x0  }
0xa3: {  	[sflag:s21] =	ssyncadd.s32 $0xFFFFEC00  }
0xa4: {  	[tilespmem:s23], [sflag:$0x1] =	stream.indirect.gather [hbm4b:s5+s22], $0x80, s2, s22, $0xb8;
	[tilespmem:$0x1C880] =	vst v63  }
0xa5: {  	_ = 	snop  }
0xa6: {  	[tilespmem:s25], [sflag:$0x2] =	stream.indirect.gather [hbm4b:s5+s22], $0x80, s24, s22, $0xb8;
	[tilespmem:$0x1C880] =	vst v63  }
0xa7: {  	_ =	swait.ge [sflag:s21], $0x3200  }
0xa8: {  	[sflag:s21] =	ssyncset.done $0x0  }
0xa9: {  	[sflag:s21] =	ssyncadd.s32 $0xFFFFCE00  }
0xaa: {  	[spmem:s1] =	stream.indirect.scatter.add.f32 [tilespmem:s23], [sflag:$0x3], $0x80, s20, s22, $0xb8;
	[tilespmem:$0x1C880] =	vst v63  }
0xab: {  	_ =	swait.ge [sflag:s26], $0x3200  }
0xac: {  	[sflag:s26] =	ssyncset.done $0x0  }
0xad: {  	[sflag:s26] =	ssyncadd.s32 $0xFFFFCE00  }
0xae: {  	[tilespmem:s23], [sflag:$0x1] =	stream.indirect.gather [hbm4b:s5+s22], $0x80, s28, s22, $0xb8;
	[tilespmem:$0x1C880] =	vst v63  }
0xaf: {  	_ =	swait.ge [sflag:s29], $0x3200  }
0xb0: {  	[sflag:s29] =	ssyncset.done $0x0  }
0xb1: {  	[sflag:s29] =	ssyncadd.s32 $0xFFFFCE00  }
0xb2: {  	[spmem:s1] =	stream.indirect.scatter.add.f32 [tilespmem:s25], [sflag:$0x4], $0x80, s30, s22, $0xb8;
	[tilespmem:$0x1C880] =	vst v63  }
0xb3: {  	_ =	swait.ge [sflag:s31], $0x3200  }
0xb4: {  	[sflag:s31] =	ssyncset.done $0x0  }
0xb5: {  	s17 =	simm.s32 $0x180;
	[sflag:s31] =	ssyncadd.s32 $0xFFFFCE00  }
0xb6: {  	[tilespmem:s25], [sflag:$0x2] =	stream.indirect.gather [hbm4b:s5+s22], $0x80, s17, s22, $0xb8;
	[tilespmem:$0x1C880] =	vst v63  }
0xb7: {  	_ =	swait.ge [sflag:s21], $0x3200  }
0xb8: {  	[sflag:s21] =	ssyncset.done $0x0  }
0xb9: {  	s16 =	simm.s32 $0x1500;
	[sflag:s21] =	ssyncadd.s32 $0xFFFFCE00  }
0xba: {  	[spmem:s1] =	stream.indirect.scatter.add.f32 [tilespmem:s23], [sflag:$0x3], $0x80, s16, s22, $0xb8;
	[tilespmem:$0x1C880] =	vst v63  }
0xbb: {  	_ =	swait.ge [sflag:s26], $0x3200  }
0xbc: {  	[sflag:s26] =	ssyncset.done $0x0  }
0xbd: {  	s17 =	simm.s32 $0x200;
	[sflag:s26] =	ssyncadd.s32 $0xFFFFCE00  }
0xbe: {  	[tilespmem:s23], [sflag:$0x1] =	stream.indirect.gather [hbm4b:s5+s22], $0x80, s17, s22, $0xb8;
	[tilespmem:$0x1C880] =	vst v63  }
0xbf: {  	_ =	swait.ge [sflag:s29], $0x3200  }
0xc0: {  	[sflag:s29] =	ssyncset.done $0x0  }
0xc1: {  	s15 =	simm.s32 $0xFFFFBC00;
	s16 =	simm.s32 $0x1580;
	[sflag:s29] =	ssyncadd.s32 $0xFFFFCE00  }
.LBB2_7:
0xc2: {  	[spmem:s1] =	stream.indirect.scatter.add.f32 [tilespmem:s25], [sflag:$0x4], $0x80, s16, s22, $0xb8;
	[tilespmem:$0x1C880] =	vst v63  }
0xc3: {  	s16 =	smov.u32 s15  }
0xc4: {  	p4 =	sne.s32 s15, $0xFFFFFC00;
	s15 =	sadd.s32 $0x400, s15;
	_ =	swait.ge [sflag:s31], $0x3200  }
0xc5: {  	s16 =	sshra.s32 s16, $0x2;
	[sflag:s31] =	ssyncset.done $0x0  }
0xc6: {  	s17 =	sadd.s32 $0x1380, s16;
	[sflag:s31] =	ssyncadd.s32 $0xFFFFCE00  }
0xc7: {  	[tilespmem:s25], [sflag:$0x2] =	stream.indirect.gather [hbm4b:s5+s22], $0x80, s17, s22, $0xb8;
	[tilespmem:$0x1C880] =	vst v63  }
0xc8: {  	_ =	swait.ge [sflag:s21], $0x3200  }
0xc9: {  	[sflag:s21] =	ssyncset.done $0x0  }
0xca: {  	s17 =	sadd.s32 $0x2700, s16;
	[sflag:s21] =	ssyncadd.s32 $0xFFFFCE00  }
0xcb: {  	[spmem:s1] =	stream.indirect.scatter.add.f32 [tilespmem:s23], [sflag:$0x3], $0x80, s17, s22, $0xb8;
	[tilespmem:$0x1C880] =	vst v63  }
0xcc: {  	_ =	swait.ge [sflag:s26], $0x3200  }
0xcd: {  	[sflag:s26] =	ssyncset.done $0x0  }
.Ltmp6:
0xce: {  	s17 =	sadd.s32 $0x1400, s16;
	[sflag:s26] =	ssyncadd.s32 $0xFFFFCE00;
	(pc) =	sbr.rel @p4 .LBB2_7-.Ltmp6, $4  }
0xcf: {  	[tilespmem:s23], [sflag:$0x1] =	stream.indirect.gather [hbm4b:s5+s22], $0x80, s17, s22, $0xb8;
	[tilespmem:$0x1C880] =	vst v63  }
0xd0: {  	_ =	swait.ge [sflag:s29], $0x3200  }
0xd1: {  	[sflag:s29] =	ssyncset.done $0x0  }
0xd2: {  	s16 =	sadd.s32 $0x2780, s16;
	[sflag:s29] =	ssyncadd.s32 $0xFFFFCE00  }
0xd3: {  	[spmem:s1] =	stream.indirect.scatter.add.f32 [tilespmem:s25], [sflag:$0x4], $0x80, s16, s22, $0xb8;
	[tilespmem:$0x1C880] =	vst v63  }
0xd4: {  	_ =	swait.ge [sflag:s31], $0x3200  }
0xd5: {  	[sflag:s31] =	ssyncset.done $0x0  }
0xd6: {  	[sflag:s31] =	ssyncadd.s32 $0xFFFFCE00  }
0xd7: {  	[tilespmem:s25], [sflag:$0x2] =	stream.indirect.gather [hbm4b:s5+s22], $0x80, s0, s22, $0xb8;
	[tilespmem:$0x1C880] =	vst v63  }
0xd8: {  	_ =	swait.ge [sflag:s21], $0x3200  }
0xd9: {  	[sflag:s21] =	ssyncset.done $0x0  }
0xda: {  	[sflag:s21] =	ssyncadd.s32 $0xFFFFCE00  }
0xdb: {  	[spmem:s1] =	stream.indirect.scatter.add.f32 [tilespmem:s23], [sflag:$0x3], $0x80, s12, s22, $0xb8;
	[tilespmem:$0x1C880] =	vst v63  }
0xdc: {  	_ =	swait.ge [sflag:s26], $0x3200  }
0xdd: {  	[sflag:s26] =	ssyncset.done $0x0  }
0xde: {  	[sflag:s26] =	ssyncadd.s32 $0xFFFFCE00  }
0xdf: {  	_ =	swait.ge [sflag:s29], $0x3200  }
0xe0: {  	s14 =	sadd.s32 $0x1, s14;
	[sflag:s29] =	ssyncset.done $0x0  }
0xe1: {  	p4 =	sne.s32 s14, $0x5;
	[sflag:s29] =	ssyncadd.s32 $0xFFFFCE00  }
0xe2: {  	[spmem:s1] =	stream.indirect.scatter.add.f32 [tilespmem:s25], [sflag:$0x4], $0x80, s3, s22, $0xb8;
	[tilespmem:$0x1C880] =	vst v63  }
.Ltmp7:
0xe3: {  	_ = 	snop;
	(pc) =	sbr.rel @p4 .LBB2_6-.Ltmp7, $4  }
.Ltmp8:
0xe4: {  	_ = 	snop;
	(pc) =	sbr.rel @!p4 .LBB2_9-.Ltmp8, $4  }
0xe5: {  	_ =	swait.ge [sflag:s31], $0x3200  }
0xe6: {  	[sflag:s31] =	ssyncset.done $0x0  }
0xe7: {  	[sflag:s31] =	ssyncadd.s32 $0xFFFFCE00  }
0xe8: {  	_ = 	snop  }
.LBB2_10:
0xe9: {  	_ =	sfence.sel $0x180000  }
0xea: {  	[bflag:$0x0] =	sbarrier.arrive $0xFFFF  }
0xeb: {  	_ =	strace $0x90000050  }
0xec: {  	[bflag:$0x2] =	sbarrier.arrive $0xFFFF  }
0xed: {  	p0 =	sne.s32 s16, $0x0;
	s0 =	rddreg [dreg:$0x2]  }
0xee: {  	s0 =	sadd.s32 @!p0 $0x100000, s0  }
0xef: {  	[sflag:s0] =	ssyncadd.tile.s32 @!p0 $0x1;
	_ =	shalt  }
.Lfunc_end2:
_tile_overlayer_lowered:
.L_overlay_start_2:
0xf0: {  	(tag) =	ssettag $0x2  }
0xf1: {  	s0 =	rddreg [dreg:$0x0];
	s2 =	stileid.u32  }
0xf2: {  	s1 =	rddreg [dreg:$0x1];
	p0 =	sne.s32 s2, $0x0  }
0xf3: {  	s3 =	rddreg [dreg:$0x2];
	[bflag:$0x3] =	sbarrier.arrive $0xFFFF;
	s2 =	simm.s32 @!p0 $0x1C05  }
0xf4: {  	[timem:s3], [sflag:s2] =	dma.local @!p0 [hbm:s0], s1  }
0xf5: {  	s0 =	simm.s32 @!p0 $0x5  }
0xf6: {  	_ =	swait.ge @!p0 [sflag:s0], s1  }
0xf7: {  	s1 =	ssub.s32 @!p0 $0x0, s1;
	[sflag:s0] =	ssyncset.done @!p0 $0x0  }
0xf8: {  	[sflag:s0] =	ssyncadd.s32 @!p0 s1  }
0xf9: {  	[bflag:$0x3] =	sbarrier.arrive $0xFFFF  }
0xfa: {  	_ =	shalt  }

</sc_bundles>
